<compile_context>
chip_gen: v7x
topology: tpu7x:2x2x1
jax: 0.10.2.dev20260603
libtpu: 0.0.44.dev20260713+nightly
codegen_flags: <defaults>
</compile_context>

<pallas_src>
import functools

import jax
import jax.numpy as jnp
from jax import lax
from jax.experimental import pallas as pl
from jax.experimental.pallas import tpu as pltpu
from jax.experimental.pallas import tpu_sc as plsc

N = 100000
R = 5
C = 16
NCH = 128
B = 40
NW = 32
NBLOCKS = N // B
L = 16
NV = NCH // L

_mesh = plsc.VectorSubcoreMesh(core_axis_name="c", subcore_axis_name="s")
_params = pltpu.CompilerParams(needs_layout_passes=False, use_tc_tiling_on_sc=False)


def _worker_id():
    return lax.axis_index("s") * 2 + lax.axis_index("c")


def _nblk(wid):
    return NBLOCKS // NW + jnp.where(wid < NBLOCKS % NW, 1, 0).astype(jnp.int32)


def _zero_rows(ref, nrows):
    zeros = jnp.zeros((L,), jnp.float32)

    def body(t, _):
        for k in range(NV):
            ref[t, pl.ds(k * L, L)] = zeros
        return 0

    lax.fori_loop(0, nrows, body, 0)


@functools.partial(
    pl.kernel,
    out_type=[
        jax.ShapeDtypeStruct((N * R, NCH), jnp.float32),
        jax.ShapeDtypeStruct((N, NCH), jnp.float32),
        jax.ShapeDtypeStruct((NW, NCH), jnp.float32),
    ],
    mesh=_mesh,
    compiler_params=_params,
    scratch_types=[
        [pltpu.VMEM((B, NCH), jnp.float32)] * 2,
        [pltpu.VMEM((B, NCH), jnp.int32)] * 2,
        [pltpu.VMEM((1, NCH), jnp.float32)] * 2,
        [pltpu.VMEM((B * R, NCH), jnp.float32)] * 2,
        [pltpu.VMEM((B, NCH), jnp.float32)] * 2,
        pltpu.VMEM((1, NCH), jnp.float32),
        pltpu.VMEM((2, NCH), jnp.float32),
        [pltpu.VMEM((B, NCH), jnp.int32)] * 2,
        [pltpu.SemaphoreType.DMA] * 2,
        [pltpu.SemaphoreType.DMA] * 2,
    ],
)
def _phase1(feat_hbm, ch_hbm, w_hbm, of_hbm, ow_hbm, cp_hbm,
            feat_v, ch_v, w_v, of_v, ow_v, cp_v, acc_v, rch_v, sems, insems):
    wid = _worker_id()
    nblk = _nblk(wid)
    zeros = jnp.zeros((L,), jnp.float32)
    nch = jnp.full((L,), NCH, jnp.int32)
    zidx = jnp.zeros((L,), jnp.int32)
    lane = lax.iota(jnp.int32, L)
    last_lane = lane == (L - 1)

    for p in range(2):
        _zero_rows(of_v[p], B * R)
        _zero_rows(ow_v[p], B)
    _zero_rows(acc_v, 2)

    def out_dmas(p, base):
        return (pltpu.make_async_copy(
                    of_v[p], of_hbm.at[pl.ds(base * R, B * R)], sems[p]),
                pltpu.make_async_copy(
                    ow_v[p], ow_hbm.at[pl.ds(base, B)], sems[p]))

    def in_dmas(p, bi):
        base = (wid + bi * NW) * B
        return [pltpu.make_async_copy(feat_hbm.at[pl.ds(base, B)],
                                      feat_v[p].at[:, pl.ds(0, R * C)],
                                      insems[p]),
                pltpu.make_async_copy(ch_hbm.at[pl.ds(base, B)],
                                      ch_v[p].at[:, pl.ds(0, C)], insems[p]),
                pltpu.make_async_copy(w_hbm.at[pl.ds(base, B)],
                                      w_v[p].at[0, pl.ds(0, B)], insems[p])]

    def process(p, bi, accs):
        blk = wid + bi * NW
        base = blk * B

        @pl.when(bi + 1 < nblk)
        def _():
            for d in in_dmas(1 - p, bi + 1):
                d.start()

        @pl.when(bi >= 2)
        def _():
            prev_base = (wid + (bi - 2) * NW) * B
            d0, d1 = out_dmas(p, prev_base)
            d0.wait()
            d1.wait()

            @plsc.parallel_loop(0, B, unroll=2)
            def reset_row(t):
                ch = rch_v[p][t, pl.ds(0, L)]
                m = ch != nch
                tsp = jnp.full((L,), t, jnp.int32)
                for j in range(R):
                    rsp = tsp * R + j
                    plsc.store_scatter(of_v[p], [rsp, ch], zeros, mask=m)
                plsc.store_scatter(ow_v[p], [tsp, ch], zeros, mask=m)

        for d in in_dmas(p, bi):
            d.wait()

        @plsc.parallel_loop(0, B, unroll=2)
        def row(t):
            ch = ch_v[p][t, pl.ds(0, L)]
            m = ch != nch
            key = ch * L + lane
            sk, sl = plsc.sort_key_val(key, lane)
            sch = lax.shift_right_logical(sk, 4)
            snxt = sch.at[(lane + 1) % L].get(mode="promise_in_bounds")
            win = jnp.logical_and(
                jnp.logical_or(sch != snxt, last_lane), sch != nch)
            tsp = jnp.full((L,), t, jnp.int32)
            wsp = plsc.load_gather(w_v[p], [zidx, tsp])
            for j in range(R):
                vals = feat_v[p][t, pl.ds(j * C, L)]
                pv = vals.at[sl].get(mode="promise_in_bounds")
                rsp = tsp * R + j
                plsc.store_scatter(of_v[p], [rsp, sch], pv, mask=win)
            plsc.store_scatter(ow_v[p], [tsp, ch], wsp, mask=m)
            rch_v[p][t, pl.ds(0, L)] = ch
            par = jnp.full((L,), t, jnp.int32) & 1
            plsc.addupdate_scatter(acc_v, [par, sch], wsp, mask=win)
        d0, d1 = out_dmas(p, base)
        d0.start()
        d1.start()
        return 0

    def pair_body(i, carry):
        for p in range(2):
            bi = 2 * i + p

            def step(c, p=p, bi_base=2 * i + p):
                return process(p, bi_base, c)

            carry = lax.cond(bi < nblk, step, lambda a: a, carry)
        return carry

    for d in in_dmas(0, 0):
        d.start()
    npairs = (NBLOCKS // NW + 2) // 2
    lax.fori_loop(0, npairs, pair_body, 0)
    accs = [acc_v[0, pl.ds(k * L, L)] + acc_v[1, pl.ds(k * L, L)]
            for k in range(NV)]

    for p in range(2):
        lastbi = nblk - 1 - jnp.where((nblk - 1) % 2 == p, 0, 1)

        @pl.when(lastbi >= 0)
        def _(p=p, lastbi=lastbi):
            last_base = (wid + lastbi * NW) * B
            d0, d1 = out_dmas(p, last_base)
            d0.wait()
            d1.wait()

    for k in range(NV):
        cp_v[0, pl.ds(k * L, L)] = accs[k]
    pltpu.sync_copy(cp_v, cp_hbm.at[pl.ds(wid, 1)])


@functools.partial(
    pl.kernel,
    out_type=[
        jax.ShapeDtypeStruct((1, NCH), jnp.float32),
        jax.ShapeDtypeStruct((N, NCH), jnp.float32),
    ],
    mesh=_mesh,
    compiler_params=_params,
    scratch_types=[
        [pltpu.VMEM((B, NCH), jnp.int32)] * 2,
        [pltpu.VMEM((1, NCH), jnp.float32)] * 2,
        pltpu.VMEM((NW, NCH), jnp.float32),
        pltpu.VMEM((1, NCH), jnp.float32),
        pltpu.VMEM((1, NCH), jnp.float32),
        [pltpu.VMEM((B, NCH), jnp.float32)] * 2,
        [pltpu.VMEM((B, NCH), jnp.int32)] * 2,
        [pltpu.SemaphoreType.DMA] * 2,
        [pltpu.SemaphoreType.DMA] * 2,
    ],
)
def _phase2(ch_hbm, w_hbm, cp_hbm, cd_hbm, wn_hbm,
            ch_v, w_v, cp_v, inv_v, cd_v, wn_v, rch_v, sems, insems):
    wid = _worker_id()
    nblk = _nblk(wid)
    zeros = jnp.zeros((L,), jnp.float32)
    nch = jnp.full((L,), NCH, jnp.int32)
    zidx = jnp.zeros((L,), jnp.int32)

    pltpu.sync_copy(cp_hbm, cp_v)
    counts = []
    for k in range(NV):
        acc = zeros
        for rr in range(NW):
            acc = acc + cp_v[rr, pl.ds(k * L, L)]
        counts.append(acc)
    for k in range(NV):
        inv_v[0, pl.ds(k * L, L)] = jnp.where(
            counts[k] > 0.0, 1.0 / counts[k], 0.0)

    @pl.when(wid == 0)
    def _():
        for k in range(NV):
            cd_v[0, pl.ds(k * L, L)] = counts[k]
        pltpu.sync_copy(cd_v, cd_hbm)

    for p in range(2):
        _zero_rows(wn_v[p], B)

    def out_dma(p, base):
        return pltpu.make_async_copy(
            wn_v[p], wn_hbm.at[pl.ds(base, B)], sems[p])

    def in_dmas(p, bi):
        base = (wid + bi * NW) * B
        return [pltpu.make_async_copy(ch_hbm.at[pl.ds(base, B)],
                                      ch_v[p].at[:, pl.ds(0, C)], insems[p]),
                pltpu.make_async_copy(w_hbm.at[pl.ds(base, B)],
                                      w_v[p].at[0, pl.ds(0, B)], insems[p])]

    def process(p, bi):
        blk = wid + bi * NW
        base = blk * B

        @pl.when(bi + 1 < nblk)
        def _():
            for d in in_dmas(1 - p, bi + 1):
                d.start()

        @pl.when(bi >= 2)
        def _():
            prev_base = (wid + (bi - 2) * NW) * B
            out_dma(p, prev_base).wait()

            @plsc.parallel_loop(0, B, unroll=2)
            def reset_row(t):
                ch = rch_v[p][t, pl.ds(0, L)]
                m = ch != nch
                tsp = jnp.full((L,), t, jnp.int32)
                plsc.store_scatter(wn_v[p], [tsp, ch], zeros, mask=m)

        for d in in_dmas(p, bi):
            d.wait()

        @plsc.parallel_loop(0, B, unroll=2)
        def row(t):
            ch = ch_v[p][t, pl.ds(0, L)]
            m = ch != nch
            tsp = jnp.full((L,), t, jnp.int32)
            wsp = plsc.load_gather(w_v[p], [zidx, tsp])
            ich = plsc.load_gather(inv_v, [zidx, jnp.where(m, ch, 0)])
            plsc.store_scatter(wn_v[p], [tsp, ch], wsp * ich, mask=m)
            rch_v[p][t, pl.ds(0, L)] = ch

        out_dma(p, base).start()

    def pair_body(i, carry):
        for p in range(2):
            bi = 2 * i + p

            def step(c, p=p, bi_base=2 * i + p):
                process(p, bi_base)
                return c

            carry = lax.cond(bi < nblk, step, lambda c: c, carry)
        return carry

    for d in in_dmas(0, 0):
        d.start()
    npairs = (NBLOCKS // NW + 2) // 2
    lax.fori_loop(0, npairs, pair_body, 0)

    for p in range(2):
        lastbi = nblk - 1 - jnp.where((nblk - 1) % 2 == p, 0, 1)

        @pl.when(lastbi >= 0)
        def _(p=p, lastbi=lastbi):
            last_base = (wid + lastbi * NW) * B
            out_dma(p, last_base).wait()


def kernel(features, channels, weights, n_channels):
    n = features.shape[0]
    ff, wf, cpart = _phase1(features.reshape(n, R * C), channels, weights)
    cd, wn = _phase2(channels, weights, cpart)
    return (ff.reshape(n, R, NCH),
            wf.reshape(n, 1, NCH),
            cd,
            wn.reshape(n, 1, NCH))

# --- scband reference (transcript-rebuilt; emitter-appended) ---
"""Pipeline reference for scband-spike-mixture-model-65369402245355 (READ-ONLY COPY).

The authoritative reference and input builder live on the scoring server;
editing this copy changes nothing except your own understanding.
"""

import jax, jax.numpy as jnp
import numpy as np


def setup_inputs(seed: int = 0) -> dict:
    key = jax.random.key(seed)
    k1, k2, k3 = jax.random.split(key, 3)
    n, r, c = 100000, 5, 16
    n_channels = 128
    features = jax.random.normal(k1, (n, r, c), dtype=jnp.float32)
    channels = jax.random.randint(k2, (n, c), 0, n_channels + 1, dtype=jnp.int32)
    weights = jax.random.uniform(k3, (n,), dtype=jnp.float32)
    return {"features": features, "channels": channels, "weights": weights, "n_channels": n_channels}


def reference(features, channels, weights, n_channels):
    # Faithful jax translation of SpikeMixtureModel's to_full_probe scatter step.
    n, r, c = features.shape
    nc_static = 128
    # NaN-initialized full-probe buffer with one extra pad column (index n_channels)
    features_full = jnp.full((n, r, nc_static + 1), jnp.nan, dtype=features.dtype)
    # torch scatter_(2, targ_inds, features): overwrite along channel axis
    targ = jnp.broadcast_to(channels[:, None, :], (n, r, c))
    targ = jnp.where(targ == n_channels, nc_static, targ)
    ii = jnp.arange(n)[:, None, None]
    jj = jnp.arange(r)[None, :, None]
    features_full = features_full.at[ii, jj, targ].set(features)
    # drop pad column
    features_full = features_full[:, :, :-1]
    # observation mask -> weights
    weights_full = jnp.isfinite(features_full[:, :1, :]).astype(features_full.dtype)
    weights_full = weights_full * weights[:, None, None]
    features_full = jnp.nan_to_num(features_full)
    count_data = weights_full.sum(0)
    weights_normalized = weights_full / count_data
    weights_normalized = jnp.nan_to_num(weights_normalized)
    return features_full, weights_full, count_data, weights_normalized

if __name__ == "__main__":
    import jax
    _d = setup_inputs()
    print(jax.jit(kernel)(*tuple(_d.values())))

</pallas_src>

<mosaic_0001>
#map = affine_map<(d0, d1) -> (0, 0)>
#map1 = affine_map<(d0, d1) -> (0)>
module attributes {stable_mosaic.version = 14 : i64} {
  func.func @_phase1(%arg0: i32, %arg1: i32, %arg2: memref<100000x80xf32, #tpu.memory_space<hbm>>, %arg3: memref<100000x16xi32, #tpu.memory_space<hbm>>, %arg4: memref<100000xf32, #tpu.memory_space<hbm>>, %arg5: memref<500000x128xf32, #tpu.memory_space<hbm>>, %arg6: memref<100000x128xf32, #tpu.memory_space<hbm>>, %arg7: memref<32x128xf32, #tpu.memory_space<hbm>>, %arg8: memref<40x128xf32, #tpu.memory_space<vmem>>, %arg9: memref<40x128xf32, #tpu.memory_space<vmem>>, %arg10: memref<40x128xi32, #tpu.memory_space<vmem>>, %arg11: memref<40x128xi32, #tpu.memory_space<vmem>>, %arg12: memref<1x128xf32, #tpu.memory_space<vmem>>, %arg13: memref<1x128xf32, #tpu.memory_space<vmem>>, %arg14: memref<200x128xf32, #tpu.memory_space<vmem>>, %arg15: memref<200x128xf32, #tpu.memory_space<vmem>>, %arg16: memref<40x128xf32, #tpu.memory_space<vmem>>, %arg17: memref<40x128xf32, #tpu.memory_space<vmem>>, %arg18: memref<1x128xf32, #tpu.memory_space<vmem>>, %arg19: memref<2x128xf32, #tpu.memory_space<vmem>>, %arg20: memref<40x128xi32, #tpu.memory_space<vmem>>, %arg21: memref<40x128xi32, #tpu.memory_space<vmem>>, %arg22: memref<!tpu.dma_semaphore, #tpu.memory_space<semaphore_mem>>, %arg23: memref<!tpu.dma_semaphore, #tpu.memory_space<semaphore_mem>>, %arg24: memref<!tpu.dma_semaphore, #tpu.memory_space<semaphore_mem>>, %arg25: memref<!tpu.dma_semaphore, #tpu.memory_space<semaphore_mem>>) attributes {dimension_semantics = [#tpu.dimension_semantics<core_parallel>, #tpu.dimension_semantics<subcore_parallel>], iteration_bounds = array<i64: 2, 16>, scalar_prefetch = 0 : i64, scratch_operands = 18 : i64, tpu.core_type = #tpu.core_type<sc_vector_subcore>, window_params = [{transform_indices = #map}, {transform_indices = #map}, {transform_indices = #map1}, {transform_indices = #map}, {transform_indices = #map}, {transform_indices = #map}]} {
    %mul3A = arith.constant 2 : i32
    %mul3A_0 = arith.muli %arg1, %mul3A : i32
    %add3A = arith.addi %mul3A_0, %arg0 : i32
    %lt3A = arith.constant 4 : i32
    %lt3A_1 = arith.cmpi slt, %add3A, %lt3A : i32
    %jit3A = arith.constant 1 : i32
    %jit3A_2 = arith.constant 0 : i32
    %select_n3A = arith.select %lt3A_1, %jit3A, %jit3A_2 : i32
    %add3A_3 = arith.constant 78 : i32
    %add3A_4 = arith.addi %add3A_3, %select_n3A : i32
    %broadcast_in_dim3A = arith.constant 0.000000e+00 : f32
    %broadcast_in_dim3A_5 = vector.broadcast %broadcast_in_dim3A : f32 to vector<16xf32>
    %broadcast_in_dim3A_6 = arith.constant 128 : i32
    %broadcast_in_dim3A_7 = vector.broadcast %broadcast_in_dim3A_6 : i32 to vector<16xi32>
    %broadcast_in_dim3A_8 = arith.constant 0 : i32
    %broadcast_in_dim3A_9 = vector.broadcast %broadcast_in_dim3A_8 : i32 to vector<16xi32>
    %iota3A = tpu.iota {dimensions = array<i32: 0>} : vector<16xi32>
    %eq3A = arith.constant 15 : i32
    %eq3A_10 = vector.broadcast %eq3A : i32 to vector<16xi32>
    %eq3A_11 = arith.cmpi eq, %iota3A, %eq3A_10 : vector<16xi32>
    %broadcast_in_dim3A_12 = arith.constant 0.000000e+00 : f32
    %broadcast_in_dim3A_13 = vector.broadcast %broadcast_in_dim3A_12 : f32 to vector<16xf32>
    %scan3A = arith.constant 0 : i32
    %scan3A_14 = arith.constant 0 : i32
    %scan3A_15 = arith.constant 200 : i32
    %scan3A_16 = arith.addi %scan3A_14, %scan3A_15 : i32
    %scan3A_17 = arith.constant 1 : i32
    %scan3A_18 = scf.for %scan3A_252 = %scan3A_14 to %scan3A_16 step %scan3A_17 iter_args(%scan3A_253 = %scan3A) -> (i32)  : i32 {
      %swap3A_254 = arith.index_cast %scan3A_252 : i32 to index
      %swap3A_255 = arith.constant 0 : index
      %swap3A_256 = tpu.vector_load %arg14[%swap3A_254, %swap3A_255] {strides = array<i32>} : memref<200x128xf32, #tpu.memory_space<vmem>>, vector<16xf32>,
      tpu.vector_store %arg14[%swap3A_254, %swap3A_255], %broadcast_in_dim3A_13 {strides = array<i32>} : memref<200x128xf32, #tpu.memory_space<vmem>>, vector<16xf32>,
      %swap3A_257 = arith.index_cast %scan3A_252 : i32 to index
      %swap3A_258 = arith.constant 16 : index
      %swap3A_259 = tpu.vector_load %arg14[%swap3A_257, %swap3A_258] {strides = array<i32>} : memref<200x128xf32, #tpu.memory_space<vmem>>, vector<16xf32>,
      tpu.vector_store %arg14[%swap3A_257, %swap3A_258], %broadcast_in_dim3A_13 {strides = array<i32>} : memref<200x128xf32, #tpu.memory_space<vmem>>, vector<16xf32>,
      %swap3A_260 = arith.index_cast %scan3A_252 : i32 to index
      %swap3A_261 = arith.constant 32 : index
      %swap3A_262 = tpu.vector_load %arg14[%swap3A_260, %swap3A_261] {strides = array<i32>} : memref<200x128xf32, #tpu.memory_space<vmem>>, vector<16xf32>,
      tpu.vector_store %arg14[%swap3A_260, %swap3A_261], %broadcast_in_dim3A_13 {strides = array<i32>} : memref<200x128xf32, #tpu.memory_space<vmem>>, vector<16xf32>,
      %swap3A_263 = arith.index_cast %scan3A_252 : i32 to index
      %swap3A_264 = arith.constant 48 : index
      %swap3A_265 = tpu.vector_load %arg14[%swap3A_263, %swap3A_264] {strides = array<i32>} : memref<200x128xf32, #tpu.memory_space<vmem>>, vector<16xf32>,
      tpu.vector_store %arg14[%swap3A_263, %swap3A_264], %broadcast_in_dim3A_13 {strides = array<i32>} : memref<200x128xf32, #tpu.memory_space<vmem>>, vector<16xf32>,
      %swap3A_266 = arith.index_cast %scan3A_252 : i32 to index
      %swap3A_267 = arith.constant 64 : index
      %swap3A_268 = tpu.vector_load %arg14[%swap3A_266, %swap3A_267] {strides = array<i32>} : memref<200x128xf32, #tpu.memory_space<vmem>>, vector<16xf32>,
      tpu.vector_store %arg14[%swap3A_266, %swap3A_267], %broadcast_in_dim3A_13 {strides = array<i32>} : memref<200x128xf32, #tpu.memory_space<vmem>>, vector<16xf32>,
      %swap3A_269 = arith.index_cast %scan3A_252 : i32 to index
      %swap3A_270 = arith.constant 80 : index
      %swap3A_271 = tpu.vector_load %arg14[%swap3A_269, %swap3A_270] {strides = array<i32>} : memref<200x128xf32, #tpu.memory_space<vmem>>, vector<16xf32>,
      tpu.vector_store %arg14[%swap3A_269, %swap3A_270], %broadcast_in_dim3A_13 {strides = array<i32>} : memref<200x128xf32, #tpu.memory_space<vmem>>, vector<16xf32>,
      %swap3A_272 = arith.index_cast %scan3A_252 : i32 to index
      %swap3A_273 = arith.constant 96 : index
      %swap3A_274 = tpu.vector_load %arg14[%swap3A_272, %swap3A_273] {strides = array<i32>} : memref<200x128xf32, #tpu.memory_space<vmem>>, vector<16xf32>,
      tpu.vector_store %arg14[%swap3A_272, %swap3A_273], %broadcast_in_dim3A_13 {strides = array<i32>} : memref<200x128xf32, #tpu.memory_space<vmem>>, vector<16xf32>,
      %swap3A_275 = arith.index_cast %scan3A_252 : i32 to index
      %swap3A_276 = arith.constant 112 : index
      %swap3A_277 = tpu.vector_load %arg14[%swap3A_275, %swap3A_276] {strides = array<i32>} : memref<200x128xf32, #tpu.memory_space<vmem>>, vector<16xf32>,
      tpu.vector_store %arg14[%swap3A_275, %swap3A_276], %broadcast_in_dim3A_13 {strides = array<i32>} : memref<200x128xf32, #tpu.memory_space<vmem>>, vector<16xf32>,
      %scan3A_278 = arith.constant 0 : i32
      scf.yield %scan3A_278 : i32
    }
    %scan3A_19 = arith.constant 200 : i32
    %broadcast_in_dim3A_20 = arith.constant 0.000000e+00 : f32
    %broadcast_in_dim3A_21 = vector.broadcast %broadcast_in_dim3A_20 : f32 to vector<16xf32>
    %scan3A_22 = arith.constant 0 : i32
    %scan3A_23 = arith.constant 0 : i32
    %scan3A_24 = arith.constant 40 : i32
    %scan3A_25 = arith.addi %scan3A_23, %scan3A_24 : i32
    %scan3A_26 = arith.constant 1 : i32
    %scan3A_27 = scf.for %scan3A_252 = %scan3A_23 to %scan3A_25 step %scan3A_26 iter_args(%scan3A_253 = %scan3A_22) -> (i32)  : i32 {
      %swap3A_254 = arith.index_cast %scan3A_252 : i32 to index
      %swap3A_255 = arith.constant 0 : index
      %swap3A_256 = tpu.vector_load %arg16[%swap3A_254, %swap3A_255] {strides = array<i32>} : memref<40x128xf32, #tpu.memory_space<vmem>>, vector<16xf32>,
      tpu.vector_store %arg16[%swap3A_254, %swap3A_255], %broadcast_in_dim3A_21 {strides = array<i32>} : memref<40x128xf32, #tpu.memory_space<vmem>>, vector<16xf32>,
      %swap3A_257 = arith.index_cast %scan3A_252 : i32 to index
      %swap3A_258 = arith.constant 16 : index
      %swap3A_259 = tpu.vector_load %arg16[%swap3A_257, %swap3A_258] {strides = array<i32>} : memref<40x128xf32, #tpu.memory_space<vmem>>, vector<16xf32>,
      tpu.vector_store %arg16[%swap3A_257, %swap3A_258], %broadcast_in_dim3A_21 {strides = array<i32>} : memref<40x128xf32, #tpu.memory_space<vmem>>, vector<16xf32>,
      %swap3A_260 = arith.index_cast %scan3A_252 : i32 to index
      %swap3A_261 = arith.constant 32 : index
      %swap3A_262 = tpu.vector_load %arg16[%swap3A_260, %swap3A_261] {strides = array<i32>} : memref<40x128xf32, #tpu.memory_space<vmem>>, vector<16xf32>,
      tpu.vector_store %arg16[%swap3A_260, %swap3A_261], %broadcast_in_dim3A_21 {strides = array<i32>} : memref<40x128xf32, #tpu.memory_space<vmem>>, vector<16xf32>,
      %swap3A_263 = arith.index_cast %scan3A_252 : i32 to index
      %swap3A_264 = arith.constant 48 : index
      %swap3A_265 = tpu.vector_load %arg16[%swap3A_263, %swap3A_264] {strides = array<i32>} : memref<40x128xf32, #tpu.memory_space<vmem>>, vector<16xf32>,
      tpu.vector_store %arg16[%swap3A_263, %swap3A_264], %broadcast_in_dim3A_21 {strides = array<i32>} : memref<40x128xf32, #tpu.memory_space<vmem>>, vector<16xf32>,
      %swap3A_266 = arith.index_cast %scan3A_252 : i32 to index
      %swap3A_267 = arith.constant 64 : index
      %swap3A_268 = tpu.vector_load %arg16[%swap3A_266, %swap3A_267] {strides = array<i32>} : memref<40x128xf32, #tpu.memory_space<vmem>>, vector<16xf32>,
      tpu.vector_store %arg16[%swap3A_266, %swap3A_267], %broadcast_in_dim3A_21 {strides = array<i32>} : memref<40x128xf32, #tpu.memory_space<vmem>>, vector<16xf32>,
      %swap3A_269 = arith.index_cast %scan3A_252 : i32 to index
      %swap3A_270 = arith.constant 80 : index
      %swap3A_271 = tpu.vector_load %arg16[%swap3A_269, %swap3A_270] {strides = array<i32>} : memref<40x128xf32, #tpu.memory_space<vmem>>, vector<16xf32>,
      tpu.vector_store %arg16[%swap3A_269, %swap3A_270], %broadcast_in_dim3A_21 {strides = array<i32>} : memref<40x128xf32, #tpu.memory_space<vmem>>, vector<16xf32>,
      %swap3A_272 = arith.index_cast %scan3A_252 : i32 to index
      %swap3A_273 = arith.constant 96 : index
      %swap3A_274 = tpu.vector_load %arg16[%swap3A_272, %swap3A_273] {strides = array<i32>} : memref<40x128xf32, #tpu.memory_space<vmem>>, vector<16xf32>,
      tpu.vector_store %arg16[%swap3A_272, %swap3A_273], %broadcast_in_dim3A_21 {strides = array<i32>} : memref<40x128xf32, #tpu.memory_space<vmem>>, vector<16xf32>,
      %swap3A_275 = arith.index_cast %scan3A_252 : i32 to index
      %swap3A_276 = arith.constant 112 : index
      %swap3A_277 = tpu.vector_load %arg16[%swap3A_275, %swap3A_276] {strides = array<i32>} : memref<40x128xf32, #tpu.memory_space<vmem>>, vector<16xf32>,
      tpu.vector_store %arg16[%swap3A_275, %swap3A_276], %broadcast_in_dim3A_21 {strides = array<i32>} : memref<40x128xf32, #tpu.memory_space<vmem>>, vector<16xf32>,
      %scan3A_278 = arith.constant 0 : i32
      scf.yield %scan3A_278 : i32
    }
    %scan3A_28 = arith.constant 40 : i32
    %broadcast_in_dim3A_29 = arith.constant 0.000000e+00 : f32
    %broadcast_in_dim3A_30 = vector.broadcast %broadcast_in_dim3A_29 : f32 to vector<16xf32>
    %scan3A_31 = arith.constant 0 : i32
    %scan3A_32 = arith.constant 0 : i32
    %scan3A_33 = arith.constant 200 : i32
    %scan3A_34 = arith.addi %scan3A_32, %scan3A_33 : i32
    %scan3A_35 = arith.constant 1 : i32
    %scan3A_36 = scf.for %scan3A_252 = %scan3A_32 to %scan3A_34 step %scan3A_35 iter_args(%scan3A_253 = %scan3A_31) -> (i32)  : i32 {
      %swap3A_254 = arith.index_cast %scan3A_252 : i32 to index
      %swap3A_255 = arith.constant 0 : index
      %swap3A_256 = tpu.vector_load %arg15[%swap3A_254, %swap3A_255] {strides = array<i32>} : memref<200x128xf32, #tpu.memory_space<vmem>>, vector<16xf32>,
      tpu.vector_store %arg15[%swap3A_254, %swap3A_255], %broadcast_in_dim3A_30 {strides = array<i32>} : memref<200x128xf32, #tpu.memory_space<vmem>>, vector<16xf32>,
      %swap3A_257 = arith.index_cast %scan3A_252 : i32 to index
      %swap3A_258 = arith.constant 16 : index
      %swap3A_259 = tpu.vector_load %arg15[%swap3A_257, %swap3A_258] {strides = array<i32>} : memref<200x128xf32, #tpu.memory_space<vmem>>, vector<16xf32>,
      tpu.vector_store %arg15[%swap3A_257, %swap3A_258], %broadcast_in_dim3A_30 {strides = array<i32>} : memref<200x128xf32, #tpu.memory_space<vmem>>, vector<16xf32>,
      %swap3A_260 = arith.index_cast %scan3A_252 : i32 to index
      %swap3A_261 = arith.constant 32 : index
      %swap3A_262 = tpu.vector_load %arg15[%swap3A_260, %swap3A_261] {strides = array<i32>} : memref<200x128xf32, #tpu.memory_space<vmem>>, vector<16xf32>,
      tpu.vector_store %arg15[%swap3A_260, %swap3A_261], %broadcast_in_dim3A_30 {strides = array<i32>} : memref<200x128xf32, #tpu.memory_space<vmem>>, vector<16xf32>,
      %swap3A_263 = arith.index_cast %scan3A_252 : i32 to index
      %swap3A_264 = arith.constant 48 : index
      %swap3A_265 = tpu.vector_load %arg15[%swap3A_263, %swap3A_264] {strides = array<i32>} : memref<200x128xf32, #tpu.memory_space<vmem>>, vector<16xf32>,
      tpu.vector_store %arg15[%swap3A_263, %swap3A_264], %broadcast_in_dim3A_30 {strides = array<i32>} : memref<200x128xf32, #tpu.memory_space<vmem>>, vector<16xf32>,
      %swap3A_266 = arith.index_cast %scan3A_252 : i32 to index
      %swap3A_267 = arith.constant 64 : index
      %swap3A_268 = tpu.vector_load %arg15[%swap3A_266, %swap3A_267] {strides = array<i32>} : memref<200x128xf32, #tpu.memory_space<vmem>>, vector<16xf32>,
      tpu.vector_store %arg15[%swap3A_266, %swap3A_267], %broadcast_in_dim3A_30 {strides = array<i32>} : memref<200x128xf32, #tpu.memory_space<vmem>>, vector<16xf32>,
      %swap3A_269 = arith.index_cast %scan3A_252 : i32 to index
      %swap3A_270 = arith.constant 80 : index
      %swap3A_271 = tpu.vector_load %arg15[%swap3A_269, %swap3A_270] {strides = array<i32>} : memref<200x128xf32, #tpu.memory_space<vmem>>, vector<16xf32>,
      tpu.vector_store %arg15[%swap3A_269, %swap3A_270], %broadcast_in_dim3A_30 {strides = array<i32>} : memref<200x128xf32, #tpu.memory_space<vmem>>, vector<16xf32>,
      %swap3A_272 = arith.index_cast %scan3A_252 : i32 to index
      %swap3A_273 = arith.constant 96 : index
      %swap3A_274 = tpu.vector_load %arg15[%swap3A_272, %swap3A_273] {strides = array<i32>} : memref<200x128xf32, #tpu.memory_space<vmem>>, vector<16xf32>,
      tpu.vector_store %arg15[%swap3A_272, %swap3A_273], %broadcast_in_dim3A_30 {strides = array<i32>} : memref<200x128xf32, #tpu.memory_space<vmem>>, vector<16xf32>,
      %swap3A_275 = arith.index_cast %scan3A_252 : i32 to index
      %swap3A_276 = arith.constant 112 : index
      %swap3A_277 = tpu.vector_load %arg15[%swap3A_275, %swap3A_276] {strides = array<i32>} : memref<200x128xf32, #tpu.memory_space<vmem>>, vector<16xf32>,
      tpu.vector_store %arg15[%swap3A_275, %swap3A_276], %broadcast_in_dim3A_30 {strides = array<i32>} : memref<200x128xf32, #tpu.memory_space<vmem>>, vector<16xf32>,
      %scan3A_278 = arith.constant 0 : i32
      scf.yield %scan3A_278 : i32
    }
    %scan3A_37 = arith.constant 200 : i32
    %broadcast_in_dim3A_38 = arith.constant 0.000000e+00 : f32
    %broadcast_in_dim3A_39 = vector.broadcast %broadcast_in_dim3A_38 : f32 to vector<16xf32>
    %scan3A_40 = arith.constant 0 : i32
    %scan3A_41 = arith.constant 0 : i32
    %scan3A_42 = arith.constant 40 : i32
    %scan3A_43 = arith.addi %scan3A_41, %scan3A_42 : i32
    %scan3A_44 = arith.constant 1 : i32
    %scan3A_45 = scf.for %scan3A_252 = %scan3A_41 to %scan3A_43 step %scan3A_44 iter_args(%scan3A_253 = %scan3A_40) -> (i32)  : i32 {
      %swap3A_254 = arith.index_cast %scan3A_252 : i32 to index
      %swap3A_255 = arith.constant 0 : index
      %swap3A_256 = tpu.vector_load %arg17[%swap3A_254, %swap3A_255] {strides = array<i32>} : memref<40x128xf32, #tpu.memory_space<vmem>>, vector<16xf32>,
      tpu.vector_store %arg17[%swap3A_254, %swap3A_255], %broadcast_in_dim3A_39 {strides = array<i32>} : memref<40x128xf32, #tpu.memory_space<vmem>>, vector<16xf32>,
      %swap3A_257 = arith.index_cast %scan3A_252 : i32 to index
      %swap3A_258 = arith.constant 16 : index
      %swap3A_259 = tpu.vector_load %arg17[%swap3A_257, %swap3A_258] {strides = array<i32>} : memref<40x128xf32, #tpu.memory_space<vmem>>, vector<16xf32>,
      tpu.vector_store %arg17[%swap3A_257, %swap3A_258], %broadcast_in_dim3A_39 {strides = array<i32>} : memref<40x128xf32, #tpu.memory_space<vmem>>, vector<16xf32>,
      %swap3A_260 = arith.index_cast %scan3A_252 : i32 to index
      %swap3A_261 = arith.constant 32 : index
      %swap3A_262 = tpu.vector_load %arg17[%swap3A_260, %swap3A_261] {strides = array<i32>} : memref<40x128xf32, #tpu.memory_space<vmem>>, vector<16xf32>,
      tpu.vector_store %arg17[%swap3A_260, %swap3A_261], %broadcast_in_dim3A_39 {strides = array<i32>} : memref<40x128xf32, #tpu.memory_space<vmem>>, vector<16xf32>,
      %swap3A_263 = arith.index_cast %scan3A_252 : i32 to index
      %swap3A_264 = arith.constant 48 : index
      %swap3A_265 = tpu.vector_load %arg17[%swap3A_263, %swap3A_264] {strides = array<i32>} : memref<40x128xf32, #tpu.memory_space<vmem>>, vector<16xf32>,
      tpu.vector_store %arg17[%swap3A_263, %swap3A_264], %broadcast_in_dim3A_39 {strides = array<i32>} : memref<40x128xf32, #tpu.memory_space<vmem>>, vector<16xf32>,
      %swap3A_266 = arith.index_cast %scan3A_252 : i32 to index
      %swap3A_267 = arith.constant 64 : index
      %swap3A_268 = tpu.vector_load %arg17[%swap3A_266, %swap3A_267] {strides = array<i32>} : memref<40x128xf32, #tpu.memory_space<vmem>>, vector<16xf32>,
      tpu.vector_store %arg17[%swap3A_266, %swap3A_267], %broadcast_in_dim3A_39 {strides = array<i32>} : memref<40x128xf32, #tpu.memory_space<vmem>>, vector<16xf32>,
      %swap3A_269 = arith.index_cast %scan3A_252 : i32 to index
      %swap3A_270 = arith.constant 80 : index
      %swap3A_271 = tpu.vector_load %arg17[%swap3A_269, %swap3A_270] {strides = array<i32>} : memref<40x128xf32, #tpu.memory_space<vmem>>, vector<16xf32>,
      tpu.vector_store %arg17[%swap3A_269, %swap3A_270], %broadcast_in_dim3A_39 {strides = array<i32>} : memref<40x128xf32, #tpu.memory_space<vmem>>, vector<16xf32>,
      %swap3A_272 = arith.index_cast %scan3A_252 : i32 to index
      %swap3A_273 = arith.constant 96 : index
      %swap3A_274 = tpu.vector_load %arg17[%swap3A_272, %swap3A_273] {strides = array<i32>} : memref<40x128xf32, #tpu.memory_space<vmem>>, vector<16xf32>,
      tpu.vector_store %arg17[%swap3A_272, %swap3A_273], %broadcast_in_dim3A_39 {strides = array<i32>} : memref<40x128xf32, #tpu.memory_space<vmem>>, vector<16xf32>,
      %swap3A_275 = arith.index_cast %scan3A_252 : i32 to index
      %swap3A_276 = arith.constant 112 : index
      %swap3A_277 = tpu.vector_load %arg17[%swap3A_275, %swap3A_276] {strides = array<i32>} : memref<40x128xf32, #tpu.memory_space<vmem>>, vector<16xf32>,
      tpu.vector_store %arg17[%swap3A_275, %swap3A_276], %broadcast_in_dim3A_39 {strides = array<i32>} : memref<40x128xf32, #tpu.memory_space<vmem>>, vector<16xf32>,
      %scan3A_278 = arith.constant 0 : i32
      scf.yield %scan3A_278 : i32
    }
    %scan3A_46 = arith.constant 40 : i32
    %broadcast_in_dim3A_47 = arith.constant 0.000000e+00 : f32
    %broadcast_in_dim3A_48 = vector.broadcast %broadcast_in_dim3A_47 : f32 to vector<16xf32>
    %scan3A_49 = arith.constant 0 : i32
    %scan3A_50 = arith.constant 0 : i32
    %scan3A_51 = arith.constant 2 : i32
    %scan3A_52 = arith.addi %scan3A_50, %scan3A_51 : i32
    %scan3A_53 = arith.constant 1 : i32
    %scan3A_54 = scf.for %scan3A_252 = %scan3A_50 to %scan3A_52 step %scan3A_53 iter_args(%scan3A_253 = %scan3A_49) -> (i32)  : i32 {
      %swap3A_254 = arith.index_cast %scan3A_252 : i32 to index
      %swap3A_255 = arith.constant 0 : index
      %swap3A_256 = tpu.vector_load %arg19[%swap3A_254, %swap3A_255] {strides = array<i32>} : memref<2x128xf32, #tpu.memory_space<vmem>>, vector<16xf32>,
      tpu.vector_store %arg19[%swap3A_254, %swap3A_255], %broadcast_in_dim3A_48 {strides = array<i32>} : memref<2x128xf32, #tpu.memory_space<vmem>>, vector<16xf32>,
      %swap3A_257 = arith.index_cast %scan3A_252 : i32 to index
      %swap3A_258 = arith.constant 16 : index
      %swap3A_259 = tpu.vector_load %arg19[%swap3A_257, %swap3A_258] {strides = array<i32>} : memref<2x128xf32, #tpu.memory_space<vmem>>, vector<16xf32>,
      tpu.vector_store %arg19[%swap3A_257, %swap3A_258], %broadcast_in_dim3A_48 {strides = array<i32>} : memref<2x128xf32, #tpu.memory_space<vmem>>, vector<16xf32>,
      %swap3A_260 = arith.index_cast %scan3A_252 : i32 to index
      %swap3A_261 = arith.constant 32 : index
      %swap3A_262 = tpu.vector_load %arg19[%swap3A_260, %swap3A_261] {strides = array<i32>} : memref<2x128xf32, #tpu.memory_space<vmem>>, vector<16xf32>,
      tpu.vector_store %arg19[%swap3A_260, %swap3A_261], %broadcast_in_dim3A_48 {strides = array<i32>} : memref<2x128xf32, #tpu.memory_space<vmem>>, vector<16xf32>,
      %swap3A_263 = arith.index_cast %scan3A_252 : i32 to index
      %swap3A_264 = arith.constant 48 : index
      %swap3A_265 = tpu.vector_load %arg19[%swap3A_263, %swap3A_264] {strides = array<i32>} : memref<2x128xf32, #tpu.memory_space<vmem>>, vector<16xf32>,
      tpu.vector_store %arg19[%swap3A_263, %swap3A_264], %broadcast_in_dim3A_48 {strides = array<i32>} : memref<2x128xf32, #tpu.memory_space<vmem>>, vector<16xf32>,
      %swap3A_266 = arith.index_cast %scan3A_252 : i32 to index
      %swap3A_267 = arith.constant 64 : index
      %swap3A_268 = tpu.vector_load %arg19[%swap3A_266, %swap3A_267] {strides = array<i32>} : memref<2x128xf32, #tpu.memory_space<vmem>>, vector<16xf32>,
      tpu.vector_store %arg19[%swap3A_266, %swap3A_267], %broadcast_in_dim3A_48 {strides = array<i32>} : memref<2x128xf32, #tpu.memory_space<vmem>>, vector<16xf32>,
      %swap3A_269 = arith.index_cast %scan3A_252 : i32 to index
      %swap3A_270 = arith.constant 80 : index
      %swap3A_271 = tpu.vector_load %arg19[%swap3A_269, %swap3A_270] {strides = array<i32>} : memref<2x128xf32, #tpu.memory_space<vmem>>, vector<16xf32>,
      tpu.vector_store %arg19[%swap3A_269, %swap3A_270], %broadcast_in_dim3A_48 {strides = array<i32>} : memref<2x128xf32, #tpu.memory_space<vmem>>, vector<16xf32>,
      %swap3A_272 = arith.index_cast %scan3A_252 : i32 to index
      %swap3A_273 = arith.constant 96 : index
      %swap3A_274 = tpu.vector_load %arg19[%swap3A_272, %swap3A_273] {strides = array<i32>} : memref<2x128xf32, #tpu.memory_space<vmem>>, vector<16xf32>,
      tpu.vector_store %arg19[%swap3A_272, %swap3A_273], %broadcast_in_dim3A_48 {strides = array<i32>} : memref<2x128xf32, #tpu.memory_space<vmem>>, vector<16xf32>,
      %swap3A_275 = arith.index_cast %scan3A_252 : i32 to index
      %swap3A_276 = arith.constant 112 : index
      %swap3A_277 = tpu.vector_load %arg19[%swap3A_275, %swap3A_276] {strides = array<i32>} : memref<2x128xf32, #tpu.memory_space<vmem>>, vector<16xf32>,
      tpu.vector_store %arg19[%swap3A_275, %swap3A_276], %broadcast_in_dim3A_48 {strides = array<i32>} : memref<2x128xf32, #tpu.memory_space<vmem>>, vector<16xf32>,
      %scan3A_278 = arith.constant 0 : i32
      scf.yield %scan3A_278 : i32
    }
    %scan3A_55 = arith.constant 2 : i32
    %add3A_56 = arith.constant 0 : i32
    %add3A_57 = arith.addi %add3A, %add3A_56 : i32
    %mul3A_58 = arith.constant 40 : i32
    %mul3A_59 = arith.muli %add3A_57, %mul3A_58 : i32
    %dma_start3A = arith.constant 0 : i32
    %dma_start3A_60 = arith.constant 0 : i32
    %dma_start3A_61 = tpu.memref_slice %arg8[%dma_start3A, %dma_start3A_60] : memref<40x128xf32, #tpu.memory_space<vmem>> -> memref<40x80xf32, #tpu.memory_space<vmem>>
    %dma_start3A_62 = arith.constant 0 : i32
    %dma_start3A_63 = tpu.memref_slice %arg2[%mul3A_59, %dma_start3A_62] : memref<100000x80xf32, #tpu.memory_space<hbm>> -> memref<40x80xf32, #tpu.memory_space<hbm>>
    %dma_start3A_64 = arith.constant 0 : i32
    %dma_start3A_65 = arith.constant 0 : i32
    %dma_start3A_66 = tpu.memref_slice %arg8[%dma_start3A_64, %dma_start3A_65] : memref<40x128xf32, #tpu.memory_space<vmem>> -> memref<40x80xf32, #tpu.memory_space<vmem>>
    %dma_start3A_67 = arith.constant 0 : i32
    %dma_start3A_68 = tpu.memref_slice %arg2[%mul3A_59, %dma_start3A_67] : memref<100000x80xf32, #tpu.memory_space<hbm>> -> memref<40x80xf32, #tpu.memory_space<hbm>>
    tpu.enqueue_dma source(%dma_start3A_68 : memref<40x80xf32, #tpu.memory_space<hbm>>) target(%dma_start3A_66 : memref<40x80xf32, #tpu.memory_space<vmem>>) target_semaphore(%arg24 : memref<!tpu.dma_semaphore, #tpu.memory_space<semaphore_mem>>)
    %dma_start3A_69 = arith.constant 0 : i32
    %dma_start3A_70 = arith.constant 0 : i32
    %dma_start3A_71 = tpu.memref_slice %arg10[%dma_start3A_69, %dma_start3A_70] : memref<40x128xi32, #tpu.memory_space<vmem>> -> memref<40x16xi32, #tpu.memory_space<vmem>>
    %dma_start3A_72 = arith.constant 0 : i32
    %dma_start3A_73 = tpu.memref_slice %arg3[%mul3A_59, %dma_start3A_72] : memref<100000x16xi32, #tpu.memory_space<hbm>> -> memref<40x16xi32, #tpu.memory_space<hbm>>
    %dma_start3A_74 = arith.constant 0 : i32
    %dma_start3A_75 = arith.constant 0 : i32
    %dma_start3A_76 = tpu.memref_slice %arg10[%dma_start3A_74, %dma_start3A_75] : memref<40x128xi32, #tpu.memory_space<vmem>> -> memref<40x16xi32, #tpu.memory_space<vmem>>
    %dma_start3A_77 = arith.constant 0 : i32
    %dma_start3A_78 = tpu.memref_slice %arg3[%mul3A_59, %dma_start3A_77] : memref<100000x16xi32, #tpu.memory_space<hbm>> -> memref<40x16xi32, #tpu.memory_space<hbm>>
    tpu.enqueue_dma source(%dma_start3A_78 : memref<40x16xi32, #tpu.memory_space<hbm>>) target(%dma_start3A_76 : memref<40x16xi32, #tpu.memory_space<vmem>>) target_semaphore(%arg24 : memref<!tpu.dma_semaphore, #tpu.memory_space<semaphore_mem>>)
    %dma_start3A_79 = arith.constant 0 : i32
    %dma_start3A_80 = arith.constant 0 : i32
    %dma_start3A_81 = tpu.memref_slice %arg12[%dma_start3A_79, %dma_start3A_80] : memref<1x128xf32, #tpu.memory_space<vmem>> -> memref<1x40xf32, #tpu.memory_space<vmem>>
    %dma_start3A_82 = tpu.memref_squeeze %dma_start3A_81 : memref<1x40xf32, #tpu.memory_space<vmem>> -> memref<40xf32, #tpu.memory_space<vmem>>
    %dma_start3A_83 = tpu.memref_slice %arg4[%mul3A_59] : memref<100000xf32, #tpu.memory_space<hbm>> -> memref<40xf32, #tpu.memory_space<hbm>>
    %dma_start3A_84 = arith.constant 0 : i32
    %dma_start3A_85 = tpu.memref_slice %arg12[%dma_start3A_79, %dma_start3A_84] : memref<1x128xf32, #tpu.memory_space<vmem>> -> memref<1x40xf32, #tpu.memory_space<vmem>>
    %dma_start3A_86 = tpu.memref_squeeze %dma_start3A_85 : memref<1x40xf32, #tpu.memory_space<vmem>> -> memref<40xf32, #tpu.memory_space<vmem>>
    %dma_start3A_87 = tpu.memref_slice %arg4[%mul3A_59] : memref<100000xf32, #tpu.memory_space<hbm>> -> memref<40xf32, #tpu.memory_space<hbm>>
    tpu.enqueue_dma source(%dma_start3A_87 : memref<40xf32, #tpu.memory_space<hbm>>) target(%dma_start3A_86 : memref<40xf32, #tpu.memory_space<vmem>>) target_semaphore(%arg24 : memref<!tpu.dma_semaphore, #tpu.memory_space<semaphore_mem>>)
    %scan3A_88 = arith.constant 0 : i32
    %scan3A_89 = arith.constant 0 : i32
    %scan3A_90 = arith.constant 40 : i32
    %scan3A_91 = arith.addi %scan3A_89, %scan3A_90 : i32
    %scan3A_92 = arith.constant 1 : i32
    %scan3A_93 = scf.for %scan3A_252 = %scan3A_89 to %scan3A_91 step %scan3A_92 iter_args(%scan3A_253 = %scan3A_88) -> (i32)  : i32 {
      %mul3A_254 = arith.constant 2 : i32
      %mul3A_255 = arith.muli %mul3A_254, %scan3A_252 : i32
      %add3A_256 = arith.constant 0 : i32
      %add3A_257 = arith.addi %mul3A_255, %add3A_256 : i32
      %mul3A_258 = arith.constant 2 : i32
      %mul3A_259 = arith.muli %mul3A_258, %scan3A_252 : i32
      %add3A_260 = arith.constant 0 : i32
      %add3A_261 = arith.addi %mul3A_259, %add3A_260 : i32
      %lt3A_262 = arith.cmpi slt, %add3A_257, %add3A_4 : i32
      %convert_element_type3A_263 = arith.extui %lt3A_262 : i1 to i32
      %cond3A_264 = arith.constant 0 : i32
      %cond3A_265 = arith.cmpi ne, %convert_element_type3A_263, %cond3A_264 : i32
      %cond3A_266 = scf.if %cond3A_265 -> (i32) {
        %mul3A_280 = arith.constant 32 : i32
        %mul3A_281 = arith.muli %add3A_261, %mul3A_280 : i32
        %add3A_282 = arith.addi %add3A, %mul3A_281 : i32
        %mul3A_283 = arith.constant 40 : i32
        %mul3A_284 = arith.muli %add3A_282, %mul3A_283 : i32
        %add3A_285 = arith.constant 1 : i32
        %add3A_286 = arith.addi %add3A_261, %add3A_285 : i32
        %lt3A_287 = arith.cmpi slt, %add3A_286, %add3A_4 : i32
        %convert_element_type3A_288 = arith.extui %lt3A_287 : i1 to i32
        %cond3A_289 = arith.constant 0 : i32
        %cond3A_290 = arith.cmpi ne, %convert_element_type3A_288, %cond3A_289 : i32
        scf.if %cond3A_290 {
          %add3A_342 = arith.constant 1 : i32
          %add3A_343 = arith.addi %add3A_261, %add3A_342 : i32
          %mul3A_344 = arith.constant 32 : i32
          %mul3A_345 = arith.muli %add3A_343, %mul3A_344 : i32
          %add3A_346 = arith.addi %add3A, %mul3A_345 : i32
          %mul3A_347 = arith.constant 40 : i32
          %mul3A_348 = arith.muli %add3A_346, %mul3A_347 : i32
          %dma_start3A_349 = arith.constant 0 : i32
          %dma_start3A_350 = arith.constant 0 : i32
          %dma_start3A_351 = tpu.memref_slice %arg9[%dma_start3A_349, %dma_start3A_350] : memref<40x128xf32, #tpu.memory_space<vmem>> -> memref<40x80xf32, #tpu.memory_space<vmem>>
          %dma_start3A_352 = arith.constant 0 : i32
          %dma_start3A_353 = tpu.memref_slice %arg2[%mul3A_348, %dma_start3A_352] : memref<100000x80xf32, #tpu.memory_space<hbm>> -> memref<40x80xf32, #tpu.memory_space<hbm>>
          %dma_start3A_354 = arith.constant 0 : i32
          %dma_start3A_355 = arith.constant 0 : i32
          %dma_start3A_356 = tpu.memref_slice %arg9[%dma_start3A_354, %dma_start3A_355] : memref<40x128xf32, #tpu.memory_space<vmem>> -> memref<40x80xf32, #tpu.memory_space<vmem>>
          %dma_start3A_357 = arith.constant 0 : i32
          %dma_start3A_358 = tpu.memref_slice %arg2[%mul3A_348, %dma_start3A_357] : memref<100000x80xf32, #tpu.memory_space<hbm>> -> memref<40x80xf32, #tpu.memory_space<hbm>>
          tpu.enqueue_dma source(%dma_start3A_358 : memref<40x80xf32, #tpu.memory_space<hbm>>) target(%dma_start3A_356 : memref<40x80xf32, #tpu.memory_space<vmem>>) target_semaphore(%arg25 : memref<!tpu.dma_semaphore, #tpu.memory_space<semaphore_mem>>)
          %dma_start3A_359 = arith.constant 0 : i32
          %dma_start3A_360 = arith.constant 0 : i32
          %dma_start3A_361 = tpu.memref_slice %arg11[%dma_start3A_359, %dma_start3A_360] : memref<40x128xi32, #tpu.memory_space<vmem>> -> memref<40x16xi32, #tpu.memory_space<vmem>>
          %dma_start3A_362 = arith.constant 0 : i32
          %dma_start3A_363 = tpu.memref_slice %arg3[%mul3A_348, %dma_start3A_362] : memref<100000x16xi32, #tpu.memory_space<hbm>> -> memref<40x16xi32, #tpu.memory_space<hbm>>
          %dma_start3A_364 = arith.constant 0 : i32
          %dma_start3A_365 = arith.constant 0 : i32
          %dma_start3A_366 = tpu.memref_slice %arg11[%dma_start3A_364, %dma_start3A_365] : memref<40x128xi32, #tpu.memory_space<vmem>> -> memref<40x16xi32, #tpu.memory_space<vmem>>
          %dma_start3A_367 = arith.constant 0 : i32
          %dma_start3A_368 = tpu.memref_slice %arg3[%mul3A_348, %dma_start3A_367] : memref<100000x16xi32, #tpu.memory_space<hbm>> -> memref<40x16xi32, #tpu.memory_space<hbm>>
          tpu.enqueue_dma source(%dma_start3A_368 : memref<40x16xi32, #tpu.memory_space<hbm>>) target(%dma_start3A_366 : memref<40x16xi32, #tpu.memory_space<vmem>>) target_semaphore(%arg25 : memref<!tpu.dma_semaphore, #tpu.memory_space<semaphore_mem>>)
          %dma_start3A_369 = arith.constant 0 : i32
          %dma_start3A_370 = arith.constant 0 : i32
          %dma_start3A_371 = tpu.memref_slice %arg13[%dma_start3A_369, %dma_start3A_370] : memref<1x128xf32, #tpu.memory_space<vmem>> -> memref<1x40xf32, #tpu.memory_space<vmem>>
          %dma_start3A_372 = tpu.memref_squeeze %dma_start3A_371 : memref<1x40xf32, #tpu.memory_space<vmem>> -> memref<40xf32, #tpu.memory_space<vmem>>
          %dma_start3A_373 = tpu.memref_slice %arg4[%mul3A_348] : memref<100000xf32, #tpu.memory_space<hbm>> -> memref<40xf32, #tpu.memory_space<hbm>>
          %dma_start3A_374 = arith.constant 0 : i32
          %dma_start3A_375 = tpu.memref_slice %arg13[%dma_start3A_369, %dma_start3A_374] : memref<1x128xf32, #tpu.memory_space<vmem>> -> memref<1x40xf32, #tpu.memory_space<vmem>>
          %dma_start3A_376 = tpu.memref_squeeze %dma_start3A_375 : memref<1x40xf32, #tpu.memory_space<vmem>> -> memref<40xf32, #tpu.memory_space<vmem>>
          %dma_start3A_377 = tpu.memref_slice %arg4[%mul3A_348] : memref<100000xf32, #tpu.memory_space<hbm>> -> memref<40xf32, #tpu.memory_space<hbm>>
          tpu.enqueue_dma source(%dma_start3A_377 : memref<40xf32, #tpu.memory_space<hbm>>) target(%dma_start3A_376 : memref<40xf32, #tpu.memory_space<vmem>>) target_semaphore(%arg25 : memref<!tpu.dma_semaphore, #tpu.memory_space<semaphore_mem>>)
        } else {
        }
        %ge3A_291 = arith.constant 2 : i32
        %ge3A_292 = arith.cmpi sge, %add3A_261, %ge3A_291 : i32
        %convert_element_type3A_293 = arith.extui %ge3A_292 : i1 to i32
        %cond3A_294 = arith.constant 0 : i32
        %cond3A_295 = arith.cmpi ne, %convert_element_type3A_293, %cond3A_294 : i32
        scf.if %cond3A_295 {
          %sub3A_342 = arith.constant 2 : i32
          %sub3A_343 = arith.subi %add3A_261, %sub3A_342 : i32
          %mul3A_344 = arith.constant 32 : i32
          %mul3A_345 = arith.muli %sub3A_343, %mul3A_344 : i32
          %add3A_346 = arith.addi %add3A, %mul3A_345 : i32
          %mul3A_347 = arith.constant 40 : i32
          %mul3A_348 = arith.muli %add3A_346, %mul3A_347 : i32
          %mul3A_349 = arith.constant 5 : i32
          %mul3A_350 = arith.muli %mul3A_348, %mul3A_349 : i32
          %dma_wait3A_351 = arith.constant 0 : i32
          %dma_wait3A_352 = tpu.memref_slice %arg5[%mul3A_350, %dma_wait3A_351] : memref<500000x128xf32, #tpu.memory_space<hbm>> -> memref<200x128xf32, #tpu.memory_space<hbm>>
          %dma_wait3A_353 = arith.constant 0 : i32
          %dma_wait3A_354 = tpu.memref_slice %arg5[%mul3A_350, %dma_wait3A_353] : memref<500000x128xf32, #tpu.memory_space<hbm>> -> memref<200x128xf32, #tpu.memory_space<hbm>>
          tpu.wait_dma2 semaphore(%arg22 : memref<!tpu.dma_semaphore, #tpu.memory_space<semaphore_mem>>) src(%arg14 : memref<200x128xf32, #tpu.memory_space<vmem>>) dst(%dma_wait3A_354 : memref<200x128xf32, #tpu.memory_space<hbm>>)
          %dma_wait3A_355 = arith.constant 0 : i32
          %dma_wait3A_356 = tpu.memref_slice %arg6[%mul3A_348, %dma_wait3A_355] : memref<100000x128xf32, #tpu.memory_space<hbm>> -> memref<40x128xf32, #tpu.memory_space<hbm>>
          %dma_wait3A_357 = arith.constant 0 : i32
          %dma_wait3A_358 = tpu.memref_slice %arg6[%mul3A_348, %dma_wait3A_357] : memref<100000x128xf32, #tpu.memory_space<hbm>> -> memref<40x128xf32, #tpu.memory_space<hbm>>
          tpu.wait_dma2 semaphore(%arg22 : memref<!tpu.dma_semaphore, #tpu.memory_space<semaphore_mem>>) src(%arg16 : memref<40x128xf32, #tpu.memory_space<vmem>>) dst(%dma_wait3A_358 : memref<40x128xf32, #tpu.memory_space<hbm>>)
          %parallel_loop3A_359 = arith.constant 0 : i32
          %parallel_loop3A_360 = arith.constant 40 : i32
          %parallel_loop3A_361 = arith.constant 1 : i32
          scf.for %parallel_loop3A_362 = %parallel_loop3A_359 to %parallel_loop3A_360 step %parallel_loop3A_361  : i32 {
            %parallel_loop3A_363 = arith.index_cast %parallel_loop3A_362 : i32 to index
            %parallel_loop3A_364 = arith.constant 0 : index
            %parallel_loop3A_365 = tpu.vector_load %arg20[%parallel_loop3A_363, %parallel_loop3A_364] {strides = array<i32>} : memref<40x128xi32, #tpu.memory_space<vmem>>, vector<16xi32>,
            %parallel_loop3A_366 = arith.cmpi ne, %parallel_loop3A_365, %broadcast_in_dim3A_7 : vector<16xi32>
            %parallel_loop3A_367 = vector.broadcast %parallel_loop3A_362 : i32 to vector<16xi32>
            %parallel_loop3A_368 = arith.constant 5 : i32
            %parallel_loop3A_369 = vector.broadcast %parallel_loop3A_368 : i32 to vector<16xi32>
            %parallel_loop3A_370 = arith.muli %parallel_loop3A_367, %parallel_loop3A_369 : vector<16xi32>
            %parallel_loop3A_371 = arith.constant 0 : i32
            %parallel_loop3A_372 = vector.broadcast %parallel_loop3A_371 : i32 to vector<16xi32>
            %parallel_loop3A_373 = arith.addi %parallel_loop3A_370, %parallel_loop3A_372 : vector<16xi32>
            tpu.vector_store_idx %arg14[%parallel_loop3A_373, %parallel_loop3A_365], %broadcast_in_dim3A_5 masked %parallel_loop3A_366 : memref<200x128xf32, #tpu.memory_space<vmem>>[vector<16xi32>, vector<16xi32>], vector<16xf32>, vector<16xi1>
            %parallel_loop3A_374 = arith.constant 5 : i32
            %parallel_loop3A_375 = vector.broadcast %parallel_loop3A_374 : i32 to vector<16xi32>
            %parallel_loop3A_376 = arith.muli %parallel_loop3A_367, %parallel_loop3A_375 : vector<16xi32>
            %parallel_loop3A_377 = arith.constant 1 : i32
            %parallel_loop3A_378 = vector.broadcast %parallel_loop3A_377 : i32 to vector<16xi32>
            %parallel_loop3A_379 = arith.addi %parallel_loop3A_376, %parallel_loop3A_378 : vector<16xi32>
            tpu.vector_store_idx %arg14[%parallel_loop3A_379, %parallel_loop3A_365], %broadcast_in_dim3A_5 masked %parallel_loop3A_366 : memref<200x128xf32, #tpu.memory_space<vmem>>[vector<16xi32>, vector<16xi32>], vector<16xf32>, vector<16xi1>
            %parallel_loop3A_380 = arith.constant 5 : i32
            %parallel_loop3A_381 = vector.broadcast %parallel_loop3A_380 : i32 to vector<16xi32>
            %parallel_loop3A_382 = arith.muli %parallel_loop3A_367, %parallel_loop3A_381 : vector<16xi32>
            %parallel_loop3A_383 = arith.constant 2 : i32
            %parallel_loop3A_384 = vector.broadcast %parallel_loop3A_383 : i32 to vector<16xi32>
            %parallel_loop3A_385 = arith.addi %parallel_loop3A_382, %parallel_loop3A_384 : vector<16xi32>
            tpu.vector_store_idx %arg14[%parallel_loop3A_385, %parallel_loop3A_365], %broadcast_in_dim3A_5 masked %parallel_loop3A_366 : memref<200x128xf32, #tpu.memory_space<vmem>>[vector<16xi32>, vector<16xi32>], vector<16xf32>, vector<16xi1>
            %parallel_loop3A_386 = arith.constant 5 : i32
            %parallel_loop3A_387 = vector.broadcast %parallel_loop3A_386 : i32 to vector<16xi32>
            %parallel_loop3A_388 = arith.muli %parallel_loop3A_367, %parallel_loop3A_387 : vector<16xi32>
            %parallel_loop3A_389 = arith.constant 3 : i32
            %parallel_loop3A_390 = vector.broadcast %parallel_loop3A_389 : i32 to vector<16xi32>
            %parallel_loop3A_391 = arith.addi %parallel_loop3A_388, %parallel_loop3A_390 : vector<16xi32>
            tpu.vector_store_idx %arg14[%parallel_loop3A_391, %parallel_loop3A_365], %broadcast_in_dim3A_5 masked %parallel_loop3A_366 : memref<200x128xf32, #tpu.memory_space<vmem>>[vector<16xi32>, vector<16xi32>], vector<16xf32>, vector<16xi1>
            %parallel_loop3A_392 = arith.constant 5 : i32
            %parallel_loop3A_393 = vector.broadcast %parallel_loop3A_392 : i32 to vector<16xi32>
            %parallel_loop3A_394 = arith.muli %parallel_loop3A_367, %parallel_loop3A_393 : vector<16xi32>
            %parallel_loop3A_395 = arith.constant 4 : i32
            %parallel_loop3A_396 = vector.broadcast %parallel_loop3A_395 : i32 to vector<16xi32>
            %parallel_loop3A_397 = arith.addi %parallel_loop3A_394, %parallel_loop3A_396 : vector<16xi32>
            tpu.vector_store_idx %arg14[%parallel_loop3A_397, %parallel_loop3A_365], %broadcast_in_dim3A_5 masked %parallel_loop3A_366 : memref<200x128xf32, #tpu.memory_space<vmem>>[vector<16xi32>, vector<16xi32>], vector<16xf32>, vector<16xi1>
            tpu.vector_store_idx %arg16[%parallel_loop3A_367, %parallel_loop3A_365], %broadcast_in_dim3A_5 masked %parallel_loop3A_366 : memref<40x128xf32, #tpu.memory_space<vmem>>[vector<16xi32>, vector<16xi32>], vector<16xf32>, vector<16xi1>
          } {sc.loop_unroll_factor = 2 : i64, sc.parallel_access}
        } else {
        }
        %mul3A_296 = arith.constant 32 : i32
        %mul3A_297 = arith.muli %add3A_261, %mul3A_296 : i32
        %add3A_298 = arith.addi %add3A, %mul3A_297 : i32
        %mul3A_299 = arith.constant 40 : i32
        %mul3A_300 = arith.muli %add3A_298, %mul3A_299 : i32
        %dma_wait3A = arith.constant 0 : i32
        %dma_wait3A_301 = arith.constant 0 : i32
        %dma_wait3A_302 = tpu.memref_slice %arg8[%dma_wait3A, %dma_wait3A_301] : memref<40x128xf32, #tpu.memory_space<vmem>> -> memref<40x80xf32, #tpu.memory_space<vmem>>
        %dma_wait3A_303 = arith.constant 0 : i32
        %dma_wait3A_304 = tpu.memref_slice %arg2[%mul3A_300, %dma_wait3A_303] : memref<100000x80xf32, #tpu.memory_space<hbm>> -> memref<40x80xf32, #tpu.memory_space<hbm>>
        %dma_wait3A_305 = arith.constant 0 : i32
        %dma_wait3A_306 = arith.constant 0 : i32
        %dma_wait3A_307 = tpu.memref_slice %arg8[%dma_wait3A_305, %dma_wait3A_306] : memref<40x128xf32, #tpu.memory_space<vmem>> -> memref<40x80xf32, #tpu.memory_space<vmem>>
        %dma_wait3A_308 = arith.constant 0 : i32
        %dma_wait3A_309 = tpu.memref_slice %arg2[%mul3A_300, %dma_wait3A_308] : memref<100000x80xf32, #tpu.memory_space<hbm>> -> memref<40x80xf32, #tpu.memory_space<hbm>>
        tpu.wait_dma2 semaphore(%arg24 : memref<!tpu.dma_semaphore, #tpu.memory_space<semaphore_mem>>) src(%dma_wait3A_309 : memref<40x80xf32, #tpu.memory_space<hbm>>) dst(%dma_wait3A_307 : memref<40x80xf32, #tpu.memory_space<vmem>>)
        %dma_wait3A_310 = arith.constant 0 : i32
        %dma_wait3A_311 = arith.constant 0 : i32
        %dma_wait3A_312 = tpu.memref_slice %arg10[%dma_wait3A_310, %dma_wait3A_311] : memref<40x128xi32, #tpu.memory_space<vmem>> -> memref<40x16xi32, #tpu.memory_space<vmem>>
        %dma_wait3A_313 = arith.constant 0 : i32
        %dma_wait3A_314 = tpu.memref_slice %arg3[%mul3A_300, %dma_wait3A_313] : memref<100000x16xi32, #tpu.memory_space<hbm>> -> memref<40x16xi32, #tpu.memory_space<hbm>>
        %dma_wait3A_315 = arith.constant 0 : i32
        %dma_wait3A_316 = arith.constant 0 : i32
        %dma_wait3A_317 = tpu.memref_slice %arg10[%dma_wait3A_315, %dma_wait3A_316] : memref<40x128xi32, #tpu.memory_space<vmem>> -> memref<40x16xi32, #tpu.memory_space<vmem>>
        %dma_wait3A_318 = arith.constant 0 : i32
        %dma_wait3A_319 = tpu.memref_slice %arg3[%mul3A_300, %dma_wait3A_318] : memref<100000x16xi32, #tpu.memory_space<hbm>> -> memref<40x16xi32, #tpu.memory_space<hbm>>
        tpu.wait_dma2 semaphore(%arg24 : memref<!tpu.dma_semaphore, #tpu.memory_space<semaphore_mem>>) src(%dma_wait3A_319 : memref<40x16xi32, #tpu.memory_space<hbm>>) dst(%dma_wait3A_317 : memref<40x16xi32, #tpu.memory_space<vmem>>)
        %dma_wait3A_320 = arith.constant 0 : i32
        %dma_wait3A_321 = arith.constant 0 : i32
        %dma_wait3A_322 = tpu.memref_slice %arg12[%dma_wait3A_320, %dma_wait3A_321] : memref<1x128xf32, #tpu.memory_space<vmem>> -> memref<1x40xf32, #tpu.memory_space<vmem>>
        %dma_wait3A_323 = tpu.memref_squeeze %dma_wait3A_322 : memref<1x40xf32, #tpu.memory_space<vmem>> -> memref<40xf32, #tpu.memory_space<vmem>>
        %dma_wait3A_324 = tpu.memref_slice %arg4[%mul3A_300] : memref<100000xf32, #tpu.memory_space<hbm>> -> memref<40xf32, #tpu.memory_space<hbm>>
        %dma_wait3A_325 = arith.constant 0 : i32
        %dma_wait3A_326 = tpu.memref_slice %arg12[%dma_wait3A_320, %dma_wait3A_325] : memref<1x128xf32, #tpu.memory_space<vmem>> -> memref<1x40xf32, #tpu.memory_space<vmem>>
        %dma_wait3A_327 = tpu.memref_squeeze %dma_wait3A_326 : memref<1x40xf32, #tpu.memory_space<vmem>> -> memref<40xf32, #tpu.memory_space<vmem>>
        %dma_wait3A_328 = tpu.memref_slice %arg4[%mul3A_300] : memref<100000xf32, #tpu.memory_space<hbm>> -> memref<40xf32, #tpu.memory_space<hbm>>
        tpu.wait_dma2 semaphore(%arg24 : memref<!tpu.dma_semaphore, #tpu.memory_space<semaphore_mem>>) src(%dma_wait3A_328 : memref<40xf32, #tpu.memory_space<hbm>>) dst(%dma_wait3A_327 : memref<40xf32, #tpu.memory_space<vmem>>)
        %parallel_loop3A = arith.constant 0 : i32
        %parallel_loop3A_329 = arith.constant 40 : i32
        %parallel_loop3A_330 = arith.constant 1 : i32
        scf.for %parallel_loop3A_342 = %parallel_loop3A to %parallel_loop3A_329 step %parallel_loop3A_330  : i32 {
          %parallel_loop3A_343 = arith.index_cast %parallel_loop3A_342 : i32 to index
          %parallel_loop3A_344 = arith.constant 0 : index
          %parallel_loop3A_345 = tpu.vector_load %arg10[%parallel_loop3A_343, %parallel_loop3A_344] {strides = array<i32>} : memref<40x128xi32, #tpu.memory_space<vmem>>, vector<16xi32>,
          %parallel_loop3A_346 = arith.cmpi ne, %parallel_loop3A_345, %broadcast_in_dim3A_7 : vector<16xi32>
          %parallel_loop3A_347 = arith.constant 16 : i32
          %parallel_loop3A_348 = vector.broadcast %parallel_loop3A_347 : i32 to vector<16xi32>
          %parallel_loop3A_349 = arith.muli %parallel_loop3A_345, %parallel_loop3A_348 : vector<16xi32>
          %parallel_loop3A_350 = arith.addi %parallel_loop3A_349, %iota3A : vector<16xi32>
          %parallel_loop3A_351 = arith.constant dense<true> : vector<16xi1>
          %parallel_loop3A_352 = arith.constant -2147483648 : i32
          %parallel_loop3A_353 = vector.broadcast %parallel_loop3A_352 : i32 to vector<16xi32>
          %parallel_loop3A_354 = arith.xori %parallel_loop3A_350, %parallel_loop3A_353 : vector<16xi32>
          %parallel_loop3A_355, %parallel_loop3A_356, %parallel_loop3A_357 = tpu.sort %parallel_loop3A_354, %iota3A masked %parallel_loop3A_351 : (vector<16xi32>, vector<16xi32>, vector<16xi1>) -> (vector<16xi1>, vector<16xi32>, vector<16xi32>)
          %parallel_loop3A_358 = arith.xori %parallel_loop3A_356, %parallel_loop3A_353 : vector<16xi32>
          %parallel_loop3A_359 = arith.constant 4 : i32
          %parallel_loop3A_360 = vector.broadcast %parallel_loop3A_359 : i32 to vector<16xi32>
          %parallel_loop3A_361 = arith.shrui %parallel_loop3A_358, %parallel_loop3A_360 : vector<16xi32>
          %parallel_loop3A_362 = arith.constant 1 : i32
          %parallel_loop3A_363 = vector.broadcast %parallel_loop3A_362 : i32 to vector<16xi32>
          %parallel_loop3A_364 = arith.addi %iota3A, %parallel_loop3A_363 : vector<16xi32>
          %parallel_loop3A_365 = arith.constant 16 : i32
          %parallel_loop3A_366 = arith.constant 0 : i32
          %parallel_loop3A_367 = arith.cmpi eq, %parallel_loop3A_365, %parallel_loop3A_366 : i32
          %parallel_loop3A_368 = arith.constant 1 : i32
          %parallel_loop3A_369 = arith.select %parallel_loop3A_367, %parallel_loop3A_368, %parallel_loop3A_365 : i32
          %parallel_loop3A_370 = vector.broadcast %parallel_loop3A_369 : i32 to vector<16xi32>
          %parallel_loop3A_371 = arith.remsi %parallel_loop3A_364, %parallel_loop3A_370 : vector<16xi32>
          %parallel_loop3A_372 = arith.constant 0 : i32
          %parallel_loop3A_373 = vector.broadcast %parallel_loop3A_372 : i32 to vector<16xi32>
          %parallel_loop3A_374 = arith.cmpi ne, %parallel_loop3A_371, %parallel_loop3A_373 : vector<16xi32>
          %parallel_loop3A_375 = arith.constant 0 : i32
          %parallel_loop3A_376 = vector.broadcast %parallel_loop3A_375 : i32 to vector<16xi32>
          %parallel_loop3A_377 = arith.cmpi slt, %parallel_loop3A_371, %parallel_loop3A_376 : vector<16xi32>
          %parallel_loop3A_378 = arith.constant 0 : i32
          %parallel_loop3A_379 = arith.cmpi slt, %parallel_loop3A_369, %parallel_loop3A_378 : i32
          %parallel_loop3A_380 = vector.broadcast %parallel_loop3A_379 : i1 to vector<16xi1>
          %parallel_loop3A_381 = vector.broadcast %parallel_loop3A_380 : vector<16xi1> to vector<16xi1>
          %parallel_loop3A_382 = arith.xori %parallel_loop3A_377, %parallel_loop3A_381 : vector<16xi1>
          %parallel_loop3A_383 = arith.andi %parallel_loop3A_382, %parallel_loop3A_374 : vector<16xi1>
          %parallel_loop3A_384 = vector.broadcast %parallel_loop3A_369 : i32 to vector<16xi32>
          %parallel_loop3A_385 = arith.addi %parallel_loop3A_371, %parallel_loop3A_384 : vector<16xi32>
          %parallel_loop3A_386 = arith.select %parallel_loop3A_383, %parallel_loop3A_385, %parallel_loop3A_371 : vector<16xi1>, vector<16xi32>
          %parallel_loop3A_387 = arith.constant 0 : i32
          %parallel_loop3A_388 = vector.broadcast %parallel_loop3A_387 : i32 to vector<16xi32>
          %parallel_loop3A_389 = arith.cmpi slt, %parallel_loop3A_386, %parallel_loop3A_388 : vector<16xi32>
          %parallel_loop3A_390 = arith.constant 16 : i32
          %parallel_loop3A_391 = vector.broadcast %parallel_loop3A_390 : i32 to vector<16xi32>
          %parallel_loop3A_392 = arith.addi %parallel_loop3A_386, %parallel_loop3A_391 : vector<16xi32>
          %parallel_loop3A_393 = arith.select %parallel_loop3A_389, %parallel_loop3A_392, %parallel_loop3A_386 : vector<16xi1>, vector<16xi32>
          %parallel_loop3A_394 = vector.shape_cast %parallel_loop3A_393 : vector<16xi32> to vector<16x1xi32>
          %parallel_loop3A_395 = vector.shape_cast %parallel_loop3A_394 : vector<16x1xi32> to vector<16xi32>
          %parallel_loop3A_396 = tpu.dynamic_gather %parallel_loop3A_361[%parallel_loop3A_395] in [0] : vector<16xi32>, vector<16xi32> -> vector<16xi32>
          %parallel_loop3A_397 = arith.cmpi ne, %parallel_loop3A_361, %parallel_loop3A_396 : vector<16xi32>
          %parallel_loop3A_398 = arith.ori %parallel_loop3A_397, %eq3A_11 : vector<16xi1>
          %parallel_loop3A_399 = arith.cmpi ne, %parallel_loop3A_361, %broadcast_in_dim3A_7 : vector<16xi32>
          %parallel_loop3A_400 = arith.andi %parallel_loop3A_398, %parallel_loop3A_399 : vector<16xi1>
          %parallel_loop3A_401 = vector.broadcast %parallel_loop3A_342 : i32 to vector<16xi32>
          %parallel_loop3A_402 = tpu.vector_load_idx %arg12[%broadcast_in_dim3A_9, %parallel_loop3A_401] : memref<1x128xf32, #tpu.memory_space<vmem>>[vector<16xi32>, vector<16xi32>], vector<16xf32>,
          %parallel_loop3A_403 = arith.index_cast %parallel_loop3A_342 : i32 to index
          %parallel_loop3A_404 = arith.constant 0 : index
          %parallel_loop3A_405 = tpu.vector_load %arg8[%parallel_loop3A_403, %parallel_loop3A_404] {strides = array<i32>} : memref<40x128xf32, #tpu.memory_space<vmem>>, vector<16xf32>,
          %parallel_loop3A_406 = arith.constant 0 : i32
          %parallel_loop3A_407 = vector.broadcast %parallel_loop3A_406 : i32 to vector<16xi32>
          %parallel_loop3A_408 = arith.cmpi slt, %parallel_loop3A_357, %parallel_loop3A_407 : vector<16xi32>
          %parallel_loop3A_409 = arith.constant 16 : i32
          %parallel_loop3A_410 = vector.broadcast %parallel_loop3A_409 : i32 to vector<16xi32>
          %parallel_loop3A_411 = arith.addi %parallel_loop3A_357, %parallel_loop3A_410 : vector<16xi32>
          %parallel_loop3A_412 = arith.select %parallel_loop3A_408, %parallel_loop3A_411, %parallel_loop3A_357 : vector<16xi1>, vector<16xi32>
          %parallel_loop3A_413 = vector.shape_cast %parallel_loop3A_412 : vector<16xi32> to vector<16x1xi32>
          %parallel_loop3A_414 = vector.shape_cast %parallel_loop3A_413 : vector<16x1xi32> to vector<16xi32>
          %parallel_loop3A_415 = tpu.dynamic_gather %parallel_loop3A_405[%parallel_loop3A_414] in [0] : vector<16xf32>, vector<16xi32> -> vector<16xf32>
          %parallel_loop3A_416 = arith.constant 5 : i32
          %parallel_loop3A_417 = vector.broadcast %parallel_loop3A_416 : i32 to vector<16xi32>
          %parallel_loop3A_418 = arith.muli %parallel_loop3A_401, %parallel_loop3A_417 : vector<16xi32>
          %parallel_loop3A_419 = arith.constant 0 : i32
          %parallel_loop3A_420 = vector.broadcast %parallel_loop3A_419 : i32 to vector<16xi32>
          %parallel_loop3A_421 = arith.addi %parallel_loop3A_418, %parallel_loop3A_420 : vector<16xi32>
          tpu.vector_store_idx %arg14[%parallel_loop3A_421, %parallel_loop3A_361], %parallel_loop3A_415 masked %parallel_loop3A_400 : memref<200x128xf32, #tpu.memory_space<vmem>>[vector<16xi32>, vector<16xi32>], vector<16xf32>, vector<16xi1>
          %parallel_loop3A_422 = arith.index_cast %parallel_loop3A_342 : i32 to index
          %parallel_loop3A_423 = arith.constant 16 : index
          %parallel_loop3A_424 = tpu.vector_load %arg8[%parallel_loop3A_422, %parallel_loop3A_423] {strides = array<i32>} : memref<40x128xf32, #tpu.memory_space<vmem>>, vector<16xf32>,
          %parallel_loop3A_425 = arith.constant 0 : i32
          %parallel_loop3A_426 = vector.broadcast %parallel_loop3A_425 : i32 to vector<16xi32>
          %parallel_loop3A_427 = arith.cmpi slt, %parallel_loop3A_357, %parallel_loop3A_426 : vector<16xi32>
          %parallel_loop3A_428 = arith.constant 16 : i32
          %parallel_loop3A_429 = vector.broadcast %parallel_loop3A_428 : i32 to vector<16xi32>
          %parallel_loop3A_430 = arith.addi %parallel_loop3A_357, %parallel_loop3A_429 : vector<16xi32>
          %parallel_loop3A_431 = arith.select %parallel_loop3A_427, %parallel_loop3A_430, %parallel_loop3A_357 : vector<16xi1>, vector<16xi32>
          %parallel_loop3A_432 = vector.shape_cast %parallel_loop3A_431 : vector<16xi32> to vector<16x1xi32>
          %parallel_loop3A_433 = vector.shape_cast %parallel_loop3A_432 : vector<16x1xi32> to vector<16xi32>
          %parallel_loop3A_434 = tpu.dynamic_gather %parallel_loop3A_424[%parallel_loop3A_433] in [0] : vector<16xf32>, vector<16xi32> -> vector<16xf32>
          %parallel_loop3A_435 = arith.constant 5 : i32
          %parallel_loop3A_436 = vector.broadcast %parallel_loop3A_435 : i32 to vector<16xi32>
          %parallel_loop3A_437 = arith.muli %parallel_loop3A_401, %parallel_loop3A_436 : vector<16xi32>
          %parallel_loop3A_438 = arith.constant 1 : i32
          %parallel_loop3A_439 = vector.broadcast %parallel_loop3A_438 : i32 to vector<16xi32>
          %parallel_loop3A_440 = arith.addi %parallel_loop3A_437, %parallel_loop3A_439 : vector<16xi32>
          tpu.vector_store_idx %arg14[%parallel_loop3A_440, %parallel_loop3A_361], %parallel_loop3A_434 masked %parallel_loop3A_400 : memref<200x128xf32, #tpu.memory_space<vmem>>[vector<16xi32>, vector<16xi32>], vector<16xf32>, vector<16xi1>
          %parallel_loop3A_441 = arith.index_cast %parallel_loop3A_342 : i32 to index
          %parallel_loop3A_442 = arith.constant 32 : index
          %parallel_loop3A_443 = tpu.vector_load %arg8[%parallel_loop3A_441, %parallel_loop3A_442] {strides = array<i32>} : memref<40x128xf32, #tpu.memory_space<vmem>>, vector<16xf32>,
          %parallel_loop3A_444 = arith.constant 0 : i32
          %parallel_loop3A_445 = vector.broadcast %parallel_loop3A_444 : i32 to vector<16xi32>
          %parallel_loop3A_446 = arith.cmpi slt, %parallel_loop3A_357, %parallel_loop3A_445 : vector<16xi32>
          %parallel_loop3A_447 = arith.constant 16 : i32
          %parallel_loop3A_448 = vector.broadcast %parallel_loop3A_447 : i32 to vector<16xi32>
          %parallel_loop3A_449 = arith.addi %parallel_loop3A_357, %parallel_loop3A_448 : vector<16xi32>
          %parallel_loop3A_450 = arith.select %parallel_loop3A_446, %parallel_loop3A_449, %parallel_loop3A_357 : vector<16xi1>, vector<16xi32>
          %parallel_loop3A_451 = vector.shape_cast %parallel_loop3A_450 : vector<16xi32> to vector<16x1xi32>
          %parallel_loop3A_452 = vector.shape_cast %parallel_loop3A_451 : vector<16x1xi32> to vector<16xi32>
          %parallel_loop3A_453 = tpu.dynamic_gather %parallel_loop3A_443[%parallel_loop3A_452] in [0] : vector<16xf32>, vector<16xi32> -> vector<16xf32>
          %parallel_loop3A_454 = arith.constant 5 : i32
          %parallel_loop3A_455 = vector.broadcast %parallel_loop3A_454 : i32 to vector<16xi32>
          %parallel_loop3A_456 = arith.muli %parallel_loop3A_401, %parallel_loop3A_455 : vector<16xi32>
          %parallel_loop3A_457 = arith.constant 2 : i32
          %parallel_loop3A_458 = vector.broadcast %parallel_loop3A_457 : i32 to vector<16xi32>
          %parallel_loop3A_459 = arith.addi %parallel_loop3A_456, %parallel_loop3A_458 : vector<16xi32>
          tpu.vector_store_idx %arg14[%parallel_loop3A_459, %parallel_loop3A_361], %parallel_loop3A_453 masked %parallel_loop3A_400 : memref<200x128xf32, #tpu.memory_space<vmem>>[vector<16xi32>, vector<16xi32>], vector<16xf32>, vector<16xi1>
          %parallel_loop3A_460 = arith.index_cast %parallel_loop3A_342 : i32 to index
          %parallel_loop3A_461 = arith.constant 48 : index
          %parallel_loop3A_462 = tpu.vector_load %arg8[%parallel_loop3A_460, %parallel_loop3A_461] {strides = array<i32>} : memref<40x128xf32, #tpu.memory_space<vmem>>, vector<16xf32>,
          %parallel_loop3A_463 = arith.constant 0 : i32
          %parallel_loop3A_464 = vector.broadcast %parallel_loop3A_463 : i32 to vector<16xi32>
          %parallel_loop3A_465 = arith.cmpi slt, %parallel_loop3A_357, %parallel_loop3A_464 : vector<16xi32>
          %parallel_loop3A_466 = arith.constant 16 : i32
          %parallel_loop3A_467 = vector.broadcast %parallel_loop3A_466 : i32 to vector<16xi32>
          %parallel_loop3A_468 = arith.addi %parallel_loop3A_357, %parallel_loop3A_467 : vector<16xi32>
          %parallel_loop3A_469 = arith.select %parallel_loop3A_465, %parallel_loop3A_468, %parallel_loop3A_357 : vector<16xi1>, vector<16xi32>
          %parallel_loop3A_470 = vector.shape_cast %parallel_loop3A_469 : vector<16xi32> to vector<16x1xi32>
          %parallel_loop3A_471 = vector.shape_cast %parallel_loop3A_470 : vector<16x1xi32> to vector<16xi32>
          %parallel_loop3A_472 = tpu.dynamic_gather %parallel_loop3A_462[%parallel_loop3A_471] in [0] : vector<16xf32>, vector<16xi32> -> vector<16xf32>
          %parallel_loop3A_473 = arith.constant 5 : i32
          %parallel_loop3A_474 = vector.broadcast %parallel_loop3A_473 : i32 to vector<16xi32>
          %parallel_loop3A_475 = arith.muli %parallel_loop3A_401, %parallel_loop3A_474 : vector<16xi32>
          %parallel_loop3A_476 = arith.constant 3 : i32
          %parallel_loop3A_477 = vector.broadcast %parallel_loop3A_476 : i32 to vector<16xi32>
          %parallel_loop3A_478 = arith.addi %parallel_loop3A_475, %parallel_loop3A_477 : vector<16xi32>
          tpu.vector_store_idx %arg14[%parallel_loop3A_478, %parallel_loop3A_361], %parallel_loop3A_472 masked %parallel_loop3A_400 : memref<200x128xf32, #tpu.memory_space<vmem>>[vector<16xi32>, vector<16xi32>], vector<16xf32>, vector<16xi1>
          %parallel_loop3A_479 = arith.index_cast %parallel_loop3A_342 : i32 to index
          %parallel_loop3A_480 = arith.constant 64 : index
          %parallel_loop3A_481 = tpu.vector_load %arg8[%parallel_loop3A_479, %parallel_loop3A_480] {strides = array<i32>} : memref<40x128xf32, #tpu.memory_space<vmem>>, vector<16xf32>,
          %parallel_loop3A_482 = arith.constant 0 : i32
          %parallel_loop3A_483 = vector.broadcast %parallel_loop3A_482 : i32 to vector<16xi32>
          %parallel_loop3A_484 = arith.cmpi slt, %parallel_loop3A_357, %parallel_loop3A_483 : vector<16xi32>
          %parallel_loop3A_485 = arith.constant 16 : i32
          %parallel_loop3A_486 = vector.broadcast %parallel_loop3A_485 : i32 to vector<16xi32>
          %parallel_loop3A_487 = arith.addi %parallel_loop3A_357, %parallel_loop3A_486 : vector<16xi32>
          %parallel_loop3A_488 = arith.select %parallel_loop3A_484, %parallel_loop3A_487, %parallel_loop3A_357 : vector<16xi1>, vector<16xi32>
          %parallel_loop3A_489 = vector.shape_cast %parallel_loop3A_488 : vector<16xi32> to vector<16x1xi32>
          %parallel_loop3A_490 = vector.shape_cast %parallel_loop3A_489 : vector<16x1xi32> to vector<16xi32>
          %parallel_loop3A_491 = tpu.dynamic_gather %parallel_loop3A_481[%parallel_loop3A_490] in [0] : vector<16xf32>, vector<16xi32> -> vector<16xf32>
          %parallel_loop3A_492 = arith.constant 5 : i32
          %parallel_loop3A_493 = vector.broadcast %parallel_loop3A_492 : i32 to vector<16xi32>
          %parallel_loop3A_494 = arith.muli %parallel_loop3A_401, %parallel_loop3A_493 : vector<16xi32>
          %parallel_loop3A_495 = arith.constant 4 : i32
          %parallel_loop3A_496 = vector.broadcast %parallel_loop3A_495 : i32 to vector<16xi32>
          %parallel_loop3A_497 = arith.addi %parallel_loop3A_494, %parallel_loop3A_496 : vector<16xi32>
          tpu.vector_store_idx %arg14[%parallel_loop3A_497, %parallel_loop3A_361], %parallel_loop3A_491 masked %parallel_loop3A_400 : memref<200x128xf32, #tpu.memory_space<vmem>>[vector<16xi32>, vector<16xi32>], vector<16xf32>, vector<16xi1>
          tpu.vector_store_idx %arg16[%parallel_loop3A_401, %parallel_loop3A_345], %parallel_loop3A_402 masked %parallel_loop3A_346 : memref<40x128xf32, #tpu.memory_space<vmem>>[vector<16xi32>, vector<16xi32>], vector<16xf32>, vector<16xi1>
          %parallel_loop3A_498 = arith.index_cast %parallel_loop3A_342 : i32 to index
          %parallel_loop3A_499 = arith.constant 0 : index
          %parallel_loop3A_500 = tpu.vector_load %arg20[%parallel_loop3A_498, %parallel_loop3A_499] {strides = array<i32>} : memref<40x128xi32, #tpu.memory_space<vmem>>, vector<16xi32>,
          tpu.vector_store %arg20[%parallel_loop3A_498, %parallel_loop3A_499], %parallel_loop3A_345 {strides = array<i32>} : memref<40x128xi32, #tpu.memory_space<vmem>>, vector<16xi32>,
          %parallel_loop3A_501 = vector.broadcast %parallel_loop3A_342 : i32 to vector<16xi32>
          %parallel_loop3A_502 = arith.constant 1 : i32
          %parallel_loop3A_503 = vector.broadcast %parallel_loop3A_502 : i32 to vector<16xi32>
          %parallel_loop3A_504 = arith.andi %parallel_loop3A_501, %parallel_loop3A_503 : vector<16xi32>
          tpu.vector_store_idx %arg19[%parallel_loop3A_504, %parallel_loop3A_361], %parallel_loop3A_402 masked %parallel_loop3A_400 {add = true} : memref<2x128xf32, #tpu.memory_space<vmem>>[vector<16xi32>, vector<16xi32>], vector<16xf32>, vector<16xi1>
        } {sc.loop_unroll_factor = 2 : i64, sc.parallel_access}
        %mul3A_331 = arith.constant 5 : i32
        %mul3A_332 = arith.muli %mul3A_284, %mul3A_331 : i32
        %dma_start3A_333 = arith.constant 0 : i32
        %dma_start3A_334 = tpu.memref_slice %arg5[%mul3A_332, %dma_start3A_333] : memref<500000x128xf32, #tpu.memory_space<hbm>> -> memref<200x128xf32, #tpu.memory_space<hbm>>
        %dma_start3A_335 = arith.constant 0 : i32
        %dma_start3A_336 = tpu.memref_slice %arg5[%mul3A_332, %dma_start3A_335] : memref<500000x128xf32, #tpu.memory_space<hbm>> -> memref<200x128xf32, #tpu.memory_space<hbm>>
        tpu.enqueue_dma source(%arg14 : memref<200x128xf32, #tpu.memory_space<vmem>>) target(%dma_start3A_336 : memref<200x128xf32, #tpu.memory_space<hbm>>) target_semaphore(%arg22 : memref<!tpu.dma_semaphore, #tpu.memory_space<semaphore_mem>>)
        %dma_start3A_337 = arith.constant 0 : i32
        %dma_start3A_338 = tpu.memref_slice %arg6[%mul3A_284, %dma_start3A_337] : memref<100000x128xf32, #tpu.memory_space<hbm>> -> memref<40x128xf32, #tpu.memory_space<hbm>>
        %dma_start3A_339 = arith.constant 0 : i32
        %dma_start3A_340 = tpu.memref_slice %arg6[%mul3A_284, %dma_start3A_339] : memref<100000x128xf32, #tpu.memory_space<hbm>> -> memref<40x128xf32, #tpu.memory_space<hbm>>
        tpu.enqueue_dma source(%arg16 : memref<40x128xf32, #tpu.memory_space<vmem>>) target(%dma_start3A_340 : memref<40x128xf32, #tpu.memory_space<hbm>>) target_semaphore(%arg22 : memref<!tpu.dma_semaphore, #tpu.memory_space<semaphore_mem>>)
        %cond3A_341 = arith.constant 0 : i32
        scf.yield %cond3A_341 : i32
      } else {
        scf.yield %scan3A_253 : i32
      }
      %mul3A_267 = arith.constant 2 : i32
      %mul3A_268 = arith.muli %mul3A_267, %scan3A_252 : i32
      %add3A_269 = arith.constant 1 : i32
      %add3A_270 = arith.addi %mul3A_268, %add3A_269 : i32
      %mul3A_271 = arith.constant 2 : i32
      %mul3A_272 = arith.muli %mul3A_271, %scan3A_252 : i32
      %add3A_273 = arith.constant 1 : i32
      %add3A_274 = arith.addi %mul3A_272, %add3A_273 : i32
      %lt3A_275 = arith.cmpi slt, %add3A_270, %add3A_4 : i32
      %convert_element_type3A_276 = arith.extui %lt3A_275 : i1 to i32
      %cond3A_277 = arith.constant 0 : i32
      %cond3A_278 = arith.cmpi ne, %convert_element_type3A_276, %cond3A_277 : i32
      %cond3A_279 = scf.if %cond3A_278 -> (i32) {
        %mul3A_280 = arith.constant 32 : i32
        %mul3A_281 = arith.muli %add3A_274, %mul3A_280 : i32
        %add3A_282 = arith.addi %add3A, %mul3A_281 : i32
        %mul3A_283 = arith.constant 40 : i32
        %mul3A_284 = arith.muli %add3A_282, %mul3A_283 : i32
        %add3A_285 = arith.constant 1 : i32
        %add3A_286 = arith.addi %add3A_274, %add3A_285 : i32
        %lt3A_287 = arith.cmpi slt, %add3A_286, %add3A_4 : i32
        %convert_element_type3A_288 = arith.extui %lt3A_287 : i1 to i32
        %cond3A_289 = arith.constant 0 : i32
        %cond3A_290 = arith.cmpi ne, %convert_element_type3A_288, %cond3A_289 : i32
        scf.if %cond3A_290 {
          %add3A_342 = arith.constant 1 : i32
          %add3A_343 = arith.addi %add3A_274, %add3A_342 : i32
          %mul3A_344 = arith.constant 32 : i32
          %mul3A_345 = arith.muli %add3A_343, %mul3A_344 : i32
          %add3A_346 = arith.addi %add3A, %mul3A_345 : i32
          %mul3A_347 = arith.constant 40 : i32
          %mul3A_348 = arith.muli %add3A_346, %mul3A_347 : i32
          %dma_start3A_349 = arith.constant 0 : i32
          %dma_start3A_350 = arith.constant 0 : i32
          %dma_start3A_351 = tpu.memref_slice %arg8[%dma_start3A_349, %dma_start3A_350] : memref<40x128xf32, #tpu.memory_space<vmem>> -> memref<40x80xf32, #tpu.memory_space<vmem>>
          %dma_start3A_352 = arith.constant 0 : i32
          %dma_start3A_353 = tpu.memref_slice %arg2[%mul3A_348, %dma_start3A_352] : memref<100000x80xf32, #tpu.memory_space<hbm>> -> memref<40x80xf32, #tpu.memory_space<hbm>>
          %dma_start3A_354 = arith.constant 0 : i32
          %dma_start3A_355 = arith.constant 0 : i32
          %dma_start3A_356 = tpu.memref_slice %arg8[%dma_start3A_354, %dma_start3A_355] : memref<40x128xf32, #tpu.memory_space<vmem>> -> memref<40x80xf32, #tpu.memory_space<vmem>>
          %dma_start3A_357 = arith.constant 0 : i32
          %dma_start3A_358 = tpu.memref_slice %arg2[%mul3A_348, %dma_start3A_357] : memref<100000x80xf32, #tpu.memory_space<hbm>> -> memref<40x80xf32, #tpu.memory_space<hbm>>
          tpu.enqueue_dma source(%dma_start3A_358 : memref<40x80xf32, #tpu.memory_space<hbm>>) target(%dma_start3A_356 : memref<40x80xf32, #tpu.memory_space<vmem>>) target_semaphore(%arg24 : memref<!tpu.dma_semaphore, #tpu.memory_space<semaphore_mem>>)
          %dma_start3A_359 = arith.constant 0 : i32
          %dma_start3A_360 = arith.constant 0 : i32
          %dma_start3A_361 = tpu.memref_slice %arg10[%dma_start3A_359, %dma_start3A_360] : memref<40x128xi32, #tpu.memory_space<vmem>> -> memref<40x16xi32, #tpu.memory_space<vmem>>
          %dma_start3A_362 = arith.constant 0 : i32
          %dma_start3A_363 = tpu.memref_slice %arg3[%mul3A_348, %dma_start3A_362] : memref<100000x16xi32, #tpu.memory_space<hbm>> -> memref<40x16xi32, #tpu.memory_space<hbm>>
          %dma_start3A_364 = arith.constant 0 : i32
          %dma_start3A_365 = arith.constant 0 : i32
          %dma_start3A_366 = tpu.memref_slice %arg10[%dma_start3A_364, %dma_start3A_365] : memref<40x128xi32, #tpu.memory_space<vmem>> -> memref<40x16xi32, #tpu.memory_space<vmem>>
          %dma_start3A_367 = arith.constant 0 : i32
          %dma_start3A_368 = tpu.memref_slice %arg3[%mul3A_348, %dma_start3A_367] : memref<100000x16xi32, #tpu.memory_space<hbm>> -> memref<40x16xi32, #tpu.memory_space<hbm>>
          tpu.enqueue_dma source(%dma_start3A_368 : memref<40x16xi32, #tpu.memory_space<hbm>>) target(%dma_start3A_366 : memref<40x16xi32, #tpu.memory_space<vmem>>) target_semaphore(%arg24 : memref<!tpu.dma_semaphore, #tpu.memory_space<semaphore_mem>>)
          %dma_start3A_369 = arith.constant 0 : i32
          %dma_start3A_370 = arith.constant 0 : i32
          %dma_start3A_371 = tpu.memref_slice %arg12[%dma_start3A_369, %dma_start3A_370] : memref<1x128xf32, #tpu.memory_space<vmem>> -> memref<1x40xf32, #tpu.memory_space<vmem>>
          %dma_start3A_372 = tpu.memref_squeeze %dma_start3A_371 : memref<1x40xf32, #tpu.memory_space<vmem>> -> memref<40xf32, #tpu.memory_space<vmem>>
          %dma_start3A_373 = tpu.memref_slice %arg4[%mul3A_348] : memref<100000xf32, #tpu.memory_space<hbm>> -> memref<40xf32, #tpu.memory_space<hbm>>
          %dma_start3A_374 = arith.constant 0 : i32
          %dma_start3A_375 = tpu.memref_slice %arg12[%dma_start3A_369, %dma_start3A_374] : memref<1x128xf32, #tpu.memory_space<vmem>> -> memref<1x40xf32, #tpu.memory_space<vmem>>
          %dma_start3A_376 = tpu.memref_squeeze %dma_start3A_375 : memref<1x40xf32, #tpu.memory_space<vmem>> -> memref<40xf32, #tpu.memory_space<vmem>>
          %dma_start3A_377 = tpu.memref_slice %arg4[%mul3A_348] : memref<100000xf32, #tpu.memory_space<hbm>> -> memref<40xf32, #tpu.memory_space<hbm>>
          tpu.enqueue_dma source(%dma_start3A_377 : memref<40xf32, #tpu.memory_space<hbm>>) target(%dma_start3A_376 : memref<40xf32, #tpu.memory_space<vmem>>) target_semaphore(%arg24 : memref<!tpu.dma_semaphore, #tpu.memory_space<semaphore_mem>>)
        } else {
        }
        %ge3A_291 = arith.constant 2 : i32
        %ge3A_292 = arith.cmpi sge, %add3A_274, %ge3A_291 : i32
        %convert_element_type3A_293 = arith.extui %ge3A_292 : i1 to i32
        %cond3A_294 = arith.constant 0 : i32
        %cond3A_295 = arith.cmpi ne, %convert_element_type3A_293, %cond3A_294 : i32
        scf.if %cond3A_295 {
          %sub3A_342 = arith.constant 2 : i32
          %sub3A_343 = arith.subi %add3A_274, %sub3A_342 : i32
          %mul3A_344 = arith.constant 32 : i32
          %mul3A_345 = arith.muli %sub3A_343, %mul3A_344 : i32
          %add3A_346 = arith.addi %add3A, %mul3A_345 : i32
          %mul3A_347 = arith.constant 40 : i32
          %mul3A_348 = arith.muli %add3A_346, %mul3A_347 : i32
          %mul3A_349 = arith.constant 5 : i32
          %mul3A_350 = arith.muli %mul3A_348, %mul3A_349 : i32
          %dma_wait3A_351 = arith.constant 0 : i32
          %dma_wait3A_352 = tpu.memref_slice %arg5[%mul3A_350, %dma_wait3A_351] : memref<500000x128xf32, #tpu.memory_space<hbm>> -> memref<200x128xf32, #tpu.memory_space<hbm>>
          %dma_wait3A_353 = arith.constant 0 : i32
          %dma_wait3A_354 = tpu.memref_slice %arg5[%mul3A_350, %dma_wait3A_353] : memref<500000x128xf32, #tpu.memory_space<hbm>> -> memref<200x128xf32, #tpu.memory_space<hbm>>
          tpu.wait_dma2 semaphore(%arg23 : memref<!tpu.dma_semaphore, #tpu.memory_space<semaphore_mem>>) src(%arg15 : memref<200x128xf32, #tpu.memory_space<vmem>>) dst(%dma_wait3A_354 : memref<200x128xf32, #tpu.memory_space<hbm>>)
          %dma_wait3A_355 = arith.constant 0 : i32
          %dma_wait3A_356 = tpu.memref_slice %arg6[%mul3A_348, %dma_wait3A_355] : memref<100000x128xf32, #tpu.memory_space<hbm>> -> memref<40x128xf32, #tpu.memory_space<hbm>>
          %dma_wait3A_357 = arith.constant 0 : i32
          %dma_wait3A_358 = tpu.memref_slice %arg6[%mul3A_348, %dma_wait3A_357] : memref<100000x128xf32, #tpu.memory_space<hbm>> -> memref<40x128xf32, #tpu.memory_space<hbm>>
          tpu.wait_dma2 semaphore(%arg23 : memref<!tpu.dma_semaphore, #tpu.memory_space<semaphore_mem>>) src(%arg17 : memref<40x128xf32, #tpu.memory_space<vmem>>) dst(%dma_wait3A_358 : memref<40x128xf32, #tpu.memory_space<hbm>>)
          %parallel_loop3A_359 = arith.constant 0 : i32
          %parallel_loop3A_360 = arith.constant 40 : i32
          %parallel_loop3A_361 = arith.constant 1 : i32
          scf.for %parallel_loop3A_362 = %parallel_loop3A_359 to %parallel_loop3A_360 step %parallel_loop3A_361  : i32 {
            %parallel_loop3A_363 = arith.index_cast %parallel_loop3A_362 : i32 to index
            %parallel_loop3A_364 = arith.constant 0 : index
            %parallel_loop3A_365 = tpu.vector_load %arg21[%parallel_loop3A_363, %parallel_loop3A_364] {strides = array<i32>} : memref<40x128xi32, #tpu.memory_space<vmem>>, vector<16xi32>,
            %parallel_loop3A_366 = arith.cmpi ne, %parallel_loop3A_365, %broadcast_in_dim3A_7 : vector<16xi32>
            %parallel_loop3A_367 = vector.broadcast %parallel_loop3A_362 : i32 to vector<16xi32>
            %parallel_loop3A_368 = arith.constant 5 : i32
            %parallel_loop3A_369 = vector.broadcast %parallel_loop3A_368 : i32 to vector<16xi32>
            %parallel_loop3A_370 = arith.muli %parallel_loop3A_367, %parallel_loop3A_369 : vector<16xi32>
            %parallel_loop3A_371 = arith.constant 0 : i32
            %parallel_loop3A_372 = vector.broadcast %parallel_loop3A_371 : i32 to vector<16xi32>
            %parallel_loop3A_373 = arith.addi %parallel_loop3A_370, %parallel_loop3A_372 : vector<16xi32>
            tpu.vector_store_idx %arg15[%parallel_loop3A_373, %parallel_loop3A_365], %broadcast_in_dim3A_5 masked %parallel_loop3A_366 : memref<200x128xf32, #tpu.memory_space<vmem>>[vector<16xi32>, vector<16xi32>], vector<16xf32>, vector<16xi1>
            %parallel_loop3A_374 = arith.constant 5 : i32
            %parallel_loop3A_375 = vector.broadcast %parallel_loop3A_374 : i32 to vector<16xi32>
            %parallel_loop3A_376 = arith.muli %parallel_loop3A_367, %parallel_loop3A_375 : vector<16xi32>
            %parallel_loop3A_377 = arith.constant 1 : i32
            %parallel_loop3A_378 = vector.broadcast %parallel_loop3A_377 : i32 to vector<16xi32>
            %parallel_loop3A_379 = arith.addi %parallel_loop3A_376, %parallel_loop3A_378 : vector<16xi32>
            tpu.vector_store_idx %arg15[%parallel_loop3A_379, %parallel_loop3A_365], %broadcast_in_dim3A_5 masked %parallel_loop3A_366 : memref<200x128xf32, #tpu.memory_space<vmem>>[vector<16xi32>, vector<16xi32>], vector<16xf32>, vector<16xi1>
            %parallel_loop3A_380 = arith.constant 5 : i32
            %parallel_loop3A_381 = vector.broadcast %parallel_loop3A_380 : i32 to vector<16xi32>
            %parallel_loop3A_382 = arith.muli %parallel_loop3A_367, %parallel_loop3A_381 : vector<16xi32>
            %parallel_loop3A_383 = arith.constant 2 : i32
            %parallel_loop3A_384 = vector.broadcast %parallel_loop3A_383 : i32 to vector<16xi32>
            %parallel_loop3A_385 = arith.addi %parallel_loop3A_382, %parallel_loop3A_384 : vector<16xi32>
            tpu.vector_store_idx %arg15[%parallel_loop3A_385, %parallel_loop3A_365], %broadcast_in_dim3A_5 masked %parallel_loop3A_366 : memref<200x128xf32, #tpu.memory_space<vmem>>[vector<16xi32>, vector<16xi32>], vector<16xf32>, vector<16xi1>
            %parallel_loop3A_386 = arith.constant 5 : i32
            %parallel_loop3A_387 = vector.broadcast %parallel_loop3A_386 : i32 to vector<16xi32>
            %parallel_loop3A_388 = arith.muli %parallel_loop3A_367, %parallel_loop3A_387 : vector<16xi32>
            %parallel_loop3A_389 = arith.constant 3 : i32
            %parallel_loop3A_390 = vector.broadcast %parallel_loop3A_389 : i32 to vector<16xi32>
            %parallel_loop3A_391 = arith.addi %parallel_loop3A_388, %parallel_loop3A_390 : vector<16xi32>
            tpu.vector_store_idx %arg15[%parallel_loop3A_391, %parallel_loop3A_365], %broadcast_in_dim3A_5 masked %parallel_loop3A_366 : memref<200x128xf32, #tpu.memory_space<vmem>>[vector<16xi32>, vector<16xi32>], vector<16xf32>, vector<16xi1>
            %parallel_loop3A_392 = arith.constant 5 : i32
            %parallel_loop3A_393 = vector.broadcast %parallel_loop3A_392 : i32 to vector<16xi32>
            %parallel_loop3A_394 = arith.muli %parallel_loop3A_367, %parallel_loop3A_393 : vector<16xi32>
            %parallel_loop3A_395 = arith.constant 4 : i32
            %parallel_loop3A_396 = vector.broadcast %parallel_loop3A_395 : i32 to vector<16xi32>
            %parallel_loop3A_397 = arith.addi %parallel_loop3A_394, %parallel_loop3A_396 : vector<16xi32>
            tpu.vector_store_idx %arg15[%parallel_loop3A_397, %parallel_loop3A_365], %broadcast_in_dim3A_5 masked %parallel_loop3A_366 : memref<200x128xf32, #tpu.memory_space<vmem>>[vector<16xi32>, vector<16xi32>], vector<16xf32>, vector<16xi1>
            tpu.vector_store_idx %arg17[%parallel_loop3A_367, %parallel_loop3A_365], %broadcast_in_dim3A_5 masked %parallel_loop3A_366 : memref<40x128xf32, #tpu.memory_space<vmem>>[vector<16xi32>, vector<16xi32>], vector<16xf32>, vector<16xi1>
          } {sc.loop_unroll_factor = 2 : i64, sc.parallel_access}
        } else {
        }
        %mul3A_296 = arith.constant 32 : i32
        %mul3A_297 = arith.muli %add3A_274, %mul3A_296 : i32
        %add3A_298 = arith.addi %add3A, %mul3A_297 : i32
        %mul3A_299 = arith.constant 40 : i32
        %mul3A_300 = arith.muli %add3A_298, %mul3A_299 : i32
        %dma_wait3A = arith.constant 0 : i32
        %dma_wait3A_301 = arith.constant 0 : i32
        %dma_wait3A_302 = tpu.memref_slice %arg9[%dma_wait3A, %dma_wait3A_301] : memref<40x128xf32, #tpu.memory_space<vmem>> -> memref<40x80xf32, #tpu.memory_space<vmem>>
        %dma_wait3A_303 = arith.constant 0 : i32
        %dma_wait3A_304 = tpu.memref_slice %arg2[%mul3A_300, %dma_wait3A_303] : memref<100000x80xf32, #tpu.memory_space<hbm>> -> memref<40x80xf32, #tpu.memory_space<hbm>>
        %dma_wait3A_305 = arith.constant 0 : i32
        %dma_wait3A_306 = arith.constant 0 : i32
        %dma_wait3A_307 = tpu.memref_slice %arg9[%dma_wait3A_305, %dma_wait3A_306] : memref<40x128xf32, #tpu.memory_space<vmem>> -> memref<40x80xf32, #tpu.memory_space<vmem>>
        %dma_wait3A_308 = arith.constant 0 : i32
        %dma_wait3A_309 = tpu.memref_slice %arg2[%mul3A_300, %dma_wait3A_308] : memref<100000x80xf32, #tpu.memory_space<hbm>> -> memref<40x80xf32, #tpu.memory_space<hbm>>
        tpu.wait_dma2 semaphore(%arg25 : memref<!tpu.dma_semaphore, #tpu.memory_space<semaphore_mem>>) src(%dma_wait3A_309 : memref<40x80xf32, #tpu.memory_space<hbm>>) dst(%dma_wait3A_307 : memref<40x80xf32, #tpu.memory_space<vmem>>)
        %dma_wait3A_310 = arith.constant 0 : i32
        %dma_wait3A_311 = arith.constant 0 : i32
        %dma_wait3A_312 = tpu.memref_slice %arg11[%dma_wait3A_310, %dma_wait3A_311] : memref<40x128xi32, #tpu.memory_space<vmem>> -> memref<40x16xi32, #tpu.memory_space<vmem>>
        %dma_wait3A_313 = arith.constant 0 : i32
        %dma_wait3A_314 = tpu.memref_slice %arg3[%mul3A_300, %dma_wait3A_313] : memref<100000x16xi32, #tpu.memory_space<hbm>> -> memref<40x16xi32, #tpu.memory_space<hbm>>
        %dma_wait3A_315 = arith.constant 0 : i32
        %dma_wait3A_316 = arith.constant 0 : i32
        %dma_wait3A_317 = tpu.memref_slice %arg11[%dma_wait3A_315, %dma_wait3A_316] : memref<40x128xi32, #tpu.memory_space<vmem>> -> memref<40x16xi32, #tpu.memory_space<vmem>>
        %dma_wait3A_318 = arith.constant 0 : i32
        %dma_wait3A_319 = tpu.memref_slice %arg3[%mul3A_300, %dma_wait3A_318] : memref<100000x16xi32, #tpu.memory_space<hbm>> -> memref<40x16xi32, #tpu.memory_space<hbm>>
        tpu.wait_dma2 semaphore(%arg25 : memref<!tpu.dma_semaphore, #tpu.memory_space<semaphore_mem>>) src(%dma_wait3A_319 : memref<40x16xi32, #tpu.memory_space<hbm>>) dst(%dma_wait3A_317 : memref<40x16xi32, #tpu.memory_space<vmem>>)
        %dma_wait3A_320 = arith.constant 0 : i32
        %dma_wait3A_321 = arith.constant 0 : i32
        %dma_wait3A_322 = tpu.memref_slice %arg13[%dma_wait3A_320, %dma_wait3A_321] : memref<1x128xf32, #tpu.memory_space<vmem>> -> memref<1x40xf32, #tpu.memory_space<vmem>>
        %dma_wait3A_323 = tpu.memref_squeeze %dma_wait3A_322 : memref<1x40xf32, #tpu.memory_space<vmem>> -> memref<40xf32, #tpu.memory_space<vmem>>
        %dma_wait3A_324 = tpu.memref_slice %arg4[%mul3A_300] : memref<100000xf32, #tpu.memory_space<hbm>> -> memref<40xf32, #tpu.memory_space<hbm>>
        %dma_wait3A_325 = arith.constant 0 : i32
        %dma_wait3A_326 = tpu.memref_slice %arg13[%dma_wait3A_320, %dma_wait3A_325] : memref<1x128xf32, #tpu.memory_space<vmem>> -> memref<1x40xf32, #tpu.memory_space<vmem>>
        %dma_wait3A_327 = tpu.memref_squeeze %dma_wait3A_326 : memref<1x40xf32, #tpu.memory_space<vmem>> -> memref<40xf32, #tpu.memory_space<vmem>>
        %dma_wait3A_328 = tpu.memref_slice %arg4[%mul3A_300] : memref<100000xf32, #tpu.memory_space<hbm>> -> memref<40xf32, #tpu.memory_space<hbm>>
        tpu.wait_dma2 semaphore(%arg25 : memref<!tpu.dma_semaphore, #tpu.memory_space<semaphore_mem>>) src(%dma_wait3A_328 : memref<40xf32, #tpu.memory_space<hbm>>) dst(%dma_wait3A_327 : memref<40xf32, #tpu.memory_space<vmem>>)
        %parallel_loop3A = arith.constant 0 : i32
        %parallel_loop3A_329 = arith.constant 40 : i32
        %parallel_loop3A_330 = arith.constant 1 : i32
        scf.for %parallel_loop3A_342 = %parallel_loop3A to %parallel_loop3A_329 step %parallel_loop3A_330  : i32 {
          %parallel_loop3A_343 = arith.index_cast %parallel_loop3A_342 : i32 to index
          %parallel_loop3A_344 = arith.constant 0 : index
          %parallel_loop3A_345 = tpu.vector_load %arg11[%parallel_loop3A_343, %parallel_loop3A_344] {strides = array<i32>} : memref<40x128xi32, #tpu.memory_space<vmem>>, vector<16xi32>,
          %parallel_loop3A_346 = arith.cmpi ne, %parallel_loop3A_345, %broadcast_in_dim3A_7 : vector<16xi32>
          %parallel_loop3A_347 = arith.constant 16 : i32
          %parallel_loop3A_348 = vector.broadcast %parallel_loop3A_347 : i32 to vector<16xi32>
          %parallel_loop3A_349 = arith.muli %parallel_loop3A_345, %parallel_loop3A_348 : vector<16xi32>
          %parallel_loop3A_350 = arith.addi %parallel_loop3A_349, %iota3A : vector<16xi32>
          %parallel_loop3A_351 = arith.constant dense<true> : vector<16xi1>
          %parallel_loop3A_352 = arith.constant -2147483648 : i32
          %parallel_loop3A_353 = vector.broadcast %parallel_loop3A_352 : i32 to vector<16xi32>
          %parallel_loop3A_354 = arith.xori %parallel_loop3A_350, %parallel_loop3A_353 : vector<16xi32>
          %parallel_loop3A_355, %parallel_loop3A_356, %parallel_loop3A_357 = tpu.sort %parallel_loop3A_354, %iota3A masked %parallel_loop3A_351 : (vector<16xi32>, vector<16xi32>, vector<16xi1>) -> (vector<16xi1>, vector<16xi32>, vector<16xi32>)
          %parallel_loop3A_358 = arith.xori %parallel_loop3A_356, %parallel_loop3A_353 : vector<16xi32>
          %parallel_loop3A_359 = arith.constant 4 : i32
          %parallel_loop3A_360 = vector.broadcast %parallel_loop3A_359 : i32 to vector<16xi32>
          %parallel_loop3A_361 = arith.shrui %parallel_loop3A_358, %parallel_loop3A_360 : vector<16xi32>
          %parallel_loop3A_362 = arith.constant 1 : i32
          %parallel_loop3A_363 = vector.broadcast %parallel_loop3A_362 : i32 to vector<16xi32>
          %parallel_loop3A_364 = arith.addi %iota3A, %parallel_loop3A_363 : vector<16xi32>
          %parallel_loop3A_365 = arith.constant 16 : i32
          %parallel_loop3A_366 = arith.constant 0 : i32
          %parallel_loop3A_367 = arith.cmpi eq, %parallel_loop3A_365, %parallel_loop3A_366 : i32
          %parallel_loop3A_368 = arith.constant 1 : i32
          %parallel_loop3A_369 = arith.select %parallel_loop3A_367, %parallel_loop3A_368, %parallel_loop3A_365 : i32
          %parallel_loop3A_370 = vector.broadcast %parallel_loop3A_369 : i32 to vector<16xi32>
          %parallel_loop3A_371 = arith.remsi %parallel_loop3A_364, %parallel_loop3A_370 : vector<16xi32>
          %parallel_loop3A_372 = arith.constant 0 : i32
          %parallel_loop3A_373 = vector.broadcast %parallel_loop3A_372 : i32 to vector<16xi32>
          %parallel_loop3A_374 = arith.cmpi ne, %parallel_loop3A_371, %parallel_loop3A_373 : vector<16xi32>
          %parallel_loop3A_375 = arith.constant 0 : i32
          %parallel_loop3A_376 = vector.broadcast %parallel_loop3A_375 : i32 to vector<16xi32>
          %parallel_loop3A_377 = arith.cmpi slt, %parallel_loop3A_371, %parallel_loop3A_376 : vector<16xi32>
          %parallel_loop3A_378 = arith.constant 0 : i32
          %parallel_loop3A_379 = arith.cmpi slt, %parallel_loop3A_369, %parallel_loop3A_378 : i32
          %parallel_loop3A_380 = vector.broadcast %parallel_loop3A_379 : i1 to vector<16xi1>
          %parallel_loop3A_381 = vector.broadcast %parallel_loop3A_380 : vector<16xi1> to vector<16xi1>
          %parallel_loop3A_382 = arith.xori %parallel_loop3A_377, %parallel_loop3A_381 : vector<16xi1>
          %parallel_loop3A_383 = arith.andi %parallel_loop3A_382, %parallel_loop3A_374 : vector<16xi1>
          %parallel_loop3A_384 = vector.broadcast %parallel_loop3A_369 : i32 to vector<16xi32>
          %parallel_loop3A_385 = arith.addi %parallel_loop3A_371, %parallel_loop3A_384 : vector<16xi32>
          %parallel_loop3A_386 = arith.select %parallel_loop3A_383, %parallel_loop3A_385, %parallel_loop3A_371 : vector<16xi1>, vector<16xi32>
          %parallel_loop3A_387 = arith.constant 0 : i32
          %parallel_loop3A_388 = vector.broadcast %parallel_loop3A_387 : i32 to vector<16xi32>
          %parallel_loop3A_389 = arith.cmpi slt, %parallel_loop3A_386, %parallel_loop3A_388 : vector<16xi32>
          %parallel_loop3A_390 = arith.constant 16 : i32
          %parallel_loop3A_391 = vector.broadcast %parallel_loop3A_390 : i32 to vector<16xi32>
          %parallel_loop3A_392 = arith.addi %parallel_loop3A_386, %parallel_loop3A_391 : vector<16xi32>
          %parallel_loop3A_393 = arith.select %parallel_loop3A_389, %parallel_loop3A_392, %parallel_loop3A_386 : vector<16xi1>, vector<16xi32>
          %parallel_loop3A_394 = vector.shape_cast %parallel_loop3A_393 : vector<16xi32> to vector<16x1xi32>
          %parallel_loop3A_395 = vector.shape_cast %parallel_loop3A_394 : vector<16x1xi32> to vector<16xi32>
          %parallel_loop3A_396 = tpu.dynamic_gather %parallel_loop3A_361[%parallel_loop3A_395] in [0] : vector<16xi32>, vector<16xi32> -> vector<16xi32>
          %parallel_loop3A_397 = arith.cmpi ne, %parallel_loop3A_361, %parallel_loop3A_396 : vector<16xi32>
          %parallel_loop3A_398 = arith.ori %parallel_loop3A_397, %eq3A_11 : vector<16xi1>
          %parallel_loop3A_399 = arith.cmpi ne, %parallel_loop3A_361, %broadcast_in_dim3A_7 : vector<16xi32>
          %parallel_loop3A_400 = arith.andi %parallel_loop3A_398, %parallel_loop3A_399 : vector<16xi1>
          %parallel_loop3A_401 = vector.broadcast %parallel_loop3A_342 : i32 to vector<16xi32>
          %parallel_loop3A_402 = tpu.vector_load_idx %arg13[%broadcast_in_dim3A_9, %parallel_loop3A_401] : memref<1x128xf32, #tpu.memory_space<vmem>>[vector<16xi32>, vector<16xi32>], vector<16xf32>,
          %parallel_loop3A_403 = arith.index_cast %parallel_loop3A_342 : i32 to index
          %parallel_loop3A_404 = arith.constant 0 : index
          %parallel_loop3A_405 = tpu.vector_load %arg9[%parallel_loop3A_403, %parallel_loop3A_404] {strides = array<i32>} : memref<40x128xf32, #tpu.memory_space<vmem>>, vector<16xf32>,
          %parallel_loop3A_406 = arith.constant 0 : i32
          %parallel_loop3A_407 = vector.broadcast %parallel_loop3A_406 : i32 to vector<16xi32>
          %parallel_loop3A_408 = arith.cmpi slt, %parallel_loop3A_357, %parallel_loop3A_407 : vector<16xi32>
          %parallel_loop3A_409 = arith.constant 16 : i32
          %parallel_loop3A_410 = vector.broadcast %parallel_loop3A_409 : i32 to vector<16xi32>
          %parallel_loop3A_411 = arith.addi %parallel_loop3A_357, %parallel_loop3A_410 : vector<16xi32>
          %parallel_loop3A_412 = arith.select %parallel_loop3A_408, %parallel_loop3A_411, %parallel_loop3A_357 : vector<16xi1>, vector<16xi32>
          %parallel_loop3A_413 = vector.shape_cast %parallel_loop3A_412 : vector<16xi32> to vector<16x1xi32>
          %parallel_loop3A_414 = vector.shape_cast %parallel_loop3A_413 : vector<16x1xi32> to vector<16xi32>
          %parallel_loop3A_415 = tpu.dynamic_gather %parallel_loop3A_405[%parallel_loop3A_414] in [0] : vector<16xf32>, vector<16xi32> -> vector<16xf32>
          %parallel_loop3A_416 = arith.constant 5 : i32
          %parallel_loop3A_417 = vector.broadcast %parallel_loop3A_416 : i32 to vector<16xi32>
          %parallel_loop3A_418 = arith.muli %parallel_loop3A_401, %parallel_loop3A_417 : vector<16xi32>
          %parallel_loop3A_419 = arith.constant 0 : i32
          %parallel_loop3A_420 = vector.broadcast %parallel_loop3A_419 : i32 to vector<16xi32>
          %parallel_loop3A_421 = arith.addi %parallel_loop3A_418, %parallel_loop3A_420 : vector<16xi32>
          tpu.vector_store_idx %arg15[%parallel_loop3A_421, %parallel_loop3A_361], %parallel_loop3A_415 masked %parallel_loop3A_400 : memref<200x128xf32, #tpu.memory_space<vmem>>[vector<16xi32>, vector<16xi32>], vector<16xf32>, vector<16xi1>
          %parallel_loop3A_422 = arith.index_cast %parallel_loop3A_342 : i32 to index
          %parallel_loop3A_423 = arith.constant 16 : index
          %parallel_loop3A_424 = tpu.vector_load %arg9[%parallel_loop3A_422, %parallel_loop3A_423] {strides = array<i32>} : memref<40x128xf32, #tpu.memory_space<vmem>>, vector<16xf32>,
          %parallel_loop3A_425 = arith.constant 0 : i32
          %parallel_loop3A_426 = vector.broadcast %parallel_loop3A_425 : i32 to vector<16xi32>
          %parallel_loop3A_427 = arith.cmpi slt, %parallel_loop3A_357, %parallel_loop3A_426 : vector<16xi32>
          %parallel_loop3A_428 = arith.constant 16 : i32
          %parallel_loop3A_429 = vector.broadcast %parallel_loop3A_428 : i32 to vector<16xi32>
          %parallel_loop3A_430 = arith.addi %parallel_loop3A_357, %parallel_loop3A_429 : vector<16xi32>
          %parallel_loop3A_431 = arith.select %parallel_loop3A_427, %parallel_loop3A_430, %parallel_loop3A_357 : vector<16xi1>, vector<16xi32>
          %parallel_loop3A_432 = vector.shape_cast %parallel_loop3A_431 : vector<16xi32> to vector<16x1xi32>
          %parallel_loop3A_433 = vector.shape_cast %parallel_loop3A_432 : vector<16x1xi32> to vector<16xi32>
          %parallel_loop3A_434 = tpu.dynamic_gather %parallel_loop3A_424[%parallel_loop3A_433] in [0] : vector<16xf32>, vector<16xi32> -> vector<16xf32>
          %parallel_loop3A_435 = arith.constant 5 : i32
          %parallel_loop3A_436 = vector.broadcast %parallel_loop3A_435 : i32 to vector<16xi32>
          %parallel_loop3A_437 = arith.muli %parallel_loop3A_401, %parallel_loop3A_436 : vector<16xi32>
          %parallel_loop3A_438 = arith.constant 1 : i32
          %parallel_loop3A_439 = vector.broadcast %parallel_loop3A_438 : i32 to vector<16xi32>
          %parallel_loop3A_440 = arith.addi %parallel_loop3A_437, %parallel_loop3A_439 : vector<16xi32>
          tpu.vector_store_idx %arg15[%parallel_loop3A_440, %parallel_loop3A_361], %parallel_loop3A_434 masked %parallel_loop3A_400 : memref<200x128xf32, #tpu.memory_space<vmem>>[vector<16xi32>, vector<16xi32>], vector<16xf32>, vector<16xi1>
          %parallel_loop3A_441 = arith.index_cast %parallel_loop3A_342 : i32 to index
          %parallel_loop3A_442 = arith.constant 32 : index
          %parallel_loop3A_443 = tpu.vector_load %arg9[%parallel_loop3A_441, %parallel_loop3A_442] {strides = array<i32>} : memref<40x128xf32, #tpu.memory_space<vmem>>, vector<16xf32>,
          %parallel_loop3A_444 = arith.constant 0 : i32
          %parallel_loop3A_445 = vector.broadcast %parallel_loop3A_444 : i32 to vector<16xi32>
          %parallel_loop3A_446 = arith.cmpi slt, %parallel_loop3A_357, %parallel_loop3A_445 : vector<16xi32>
          %parallel_loop3A_447 = arith.constant 16 : i32
          %parallel_loop3A_448 = vector.broadcast %parallel_loop3A_447 : i32 to vector<16xi32>
          %parallel_loop3A_449 = arith.addi %parallel_loop3A_357, %parallel_loop3A_448 : vector<16xi32>
          %parallel_loop3A_450 = arith.select %parallel_loop3A_446, %parallel_loop3A_449, %parallel_loop3A_357 : vector<16xi1>, vector<16xi32>
          %parallel_loop3A_451 = vector.shape_cast %parallel_loop3A_450 : vector<16xi32> to vector<16x1xi32>
          %parallel_loop3A_452 = vector.shape_cast %parallel_loop3A_451 : vector<16x1xi32> to vector<16xi32>
          %parallel_loop3A_453 = tpu.dynamic_gather %parallel_loop3A_443[%parallel_loop3A_452] in [0] : vector<16xf32>, vector<16xi32> -> vector<16xf32>
          %parallel_loop3A_454 = arith.constant 5 : i32
          %parallel_loop3A_455 = vector.broadcast %parallel_loop3A_454 : i32 to vector<16xi32>
          %parallel_loop3A_456 = arith.muli %parallel_loop3A_401, %parallel_loop3A_455 : vector<16xi32>
          %parallel_loop3A_457 = arith.constant 2 : i32
          %parallel_loop3A_458 = vector.broadcast %parallel_loop3A_457 : i32 to vector<16xi32>
          %parallel_loop3A_459 = arith.addi %parallel_loop3A_456, %parallel_loop3A_458 : vector<16xi32>
          tpu.vector_store_idx %arg15[%parallel_loop3A_459, %parallel_loop3A_361], %parallel_loop3A_453 masked %parallel_loop3A_400 : memref<200x128xf32, #tpu.memory_space<vmem>>[vector<16xi32>, vector<16xi32>], vector<16xf32>, vector<16xi1>
          %parallel_loop3A_460 = arith.index_cast %parallel_loop3A_342 : i32 to index
          %parallel_loop3A_461 = arith.constant 48 : index
          %parallel_loop3A_462 = tpu.vector_load %arg9[%parallel_loop3A_460, %parallel_loop3A_461] {strides = array<i32>} : memref<40x128xf32, #tpu.memory_space<vmem>>, vector<16xf32>,
          %parallel_loop3A_463 = arith.constant 0 : i32
          %parallel_loop3A_464 = vector.broadcast %parallel_loop3A_463 : i32 to vector<16xi32>
          %parallel_loop3A_465 = arith.cmpi slt, %parallel_loop3A_357, %parallel_loop3A_464 : vector<16xi32>
          %parallel_loop3A_466 = arith.constant 16 : i32
          %parallel_loop3A_467 = vector.broadcast %parallel_loop3A_466 : i32 to vector<16xi32>
          %parallel_loop3A_468 = arith.addi %parallel_loop3A_357, %parallel_loop3A_467 : vector<16xi32>
          %parallel_loop3A_469 = arith.select %parallel_loop3A_465, %parallel_loop3A_468, %parallel_loop3A_357 : vector<16xi1>, vector<16xi32>
          %parallel_loop3A_470 = vector.shape_cast %parallel_loop3A_469 : vector<16xi32> to vector<16x1xi32>
          %parallel_loop3A_471 = vector.shape_cast %parallel_loop3A_470 : vector<16x1xi32> to vector<16xi32>
          %parallel_loop3A_472 = tpu.dynamic_gather %parallel_loop3A_462[%parallel_loop3A_471] in [0] : vector<16xf32>, vector<16xi32> -> vector<16xf32>
          %parallel_loop3A_473 = arith.constant 5 : i32
          %parallel_loop3A_474 = vector.broadcast %parallel_loop3A_473 : i32 to vector<16xi32>
          %parallel_loop3A_475 = arith.muli %parallel_loop3A_401, %parallel_loop3A_474 : vector<16xi32>
          %parallel_loop3A_476 = arith.constant 3 : i32
          %parallel_loop3A_477 = vector.broadcast %parallel_loop3A_476 : i32 to vector<16xi32>
          %parallel_loop3A_478 = arith.addi %parallel_loop3A_475, %parallel_loop3A_477 : vector<16xi32>
          tpu.vector_store_idx %arg15[%parallel_loop3A_478, %parallel_loop3A_361], %parallel_loop3A_472 masked %parallel_loop3A_400 : memref<200x128xf32, #tpu.memory_space<vmem>>[vector<16xi32>, vector<16xi32>], vector<16xf32>, vector<16xi1>
          %parallel_loop3A_479 = arith.index_cast %parallel_loop3A_342 : i32 to index
          %parallel_loop3A_480 = arith.constant 64 : index
          %parallel_loop3A_481 = tpu.vector_load %arg9[%parallel_loop3A_479, %parallel_loop3A_480] {strides = array<i32>} : memref<40x128xf32, #tpu.memory_space<vmem>>, vector<16xf32>,
          %parallel_loop3A_482 = arith.constant 0 : i32
          %parallel_loop3A_483 = vector.broadcast %parallel_loop3A_482 : i32 to vector<16xi32>
          %parallel_loop3A_484 = arith.cmpi slt, %parallel_loop3A_357, %parallel_loop3A_483 : vector<16xi32>
          %parallel_loop3A_485 = arith.constant 16 : i32
          %parallel_loop3A_486 = vector.broadcast %parallel_loop3A_485 : i32 to vector<16xi32>
          %parallel_loop3A_487 = arith.addi %parallel_loop3A_357, %parallel_loop3A_486 : vector<16xi32>
          %parallel_loop3A_488 = arith.select %parallel_loop3A_484, %parallel_loop3A_487, %parallel_loop3A_357 : vector<16xi1>, vector<16xi32>
          %parallel_loop3A_489 = vector.shape_cast %parallel_loop3A_488 : vector<16xi32> to vector<16x1xi32>
          %parallel_loop3A_490 = vector.shape_cast %parallel_loop3A_489 : vector<16x1xi32> to vector<16xi32>
          %parallel_loop3A_491 = tpu.dynamic_gather %parallel_loop3A_481[%parallel_loop3A_490] in [0] : vector<16xf32>, vector<16xi32> -> vector<16xf32>
          %parallel_loop3A_492 = arith.constant 5 : i32
          %parallel_loop3A_493 = vector.broadcast %parallel_loop3A_492 : i32 to vector<16xi32>
          %parallel_loop3A_494 = arith.muli %parallel_loop3A_401, %parallel_loop3A_493 : vector<16xi32>
          %parallel_loop3A_495 = arith.constant 4 : i32
          %parallel_loop3A_496 = vector.broadcast %parallel_loop3A_495 : i32 to vector<16xi32>
          %parallel_loop3A_497 = arith.addi %parallel_loop3A_494, %parallel_loop3A_496 : vector<16xi32>
          tpu.vector_store_idx %arg15[%parallel_loop3A_497, %parallel_loop3A_361], %parallel_loop3A_491 masked %parallel_loop3A_400 : memref<200x128xf32, #tpu.memory_space<vmem>>[vector<16xi32>, vector<16xi32>], vector<16xf32>, vector<16xi1>
          tpu.vector_store_idx %arg17[%parallel_loop3A_401, %parallel_loop3A_345], %parallel_loop3A_402 masked %parallel_loop3A_346 : memref<40x128xf32, #tpu.memory_space<vmem>>[vector<16xi32>, vector<16xi32>], vector<16xf32>, vector<16xi1>
          %parallel_loop3A_498 = arith.index_cast %parallel_loop3A_342 : i32 to index
          %parallel_loop3A_499 = arith.constant 0 : index
          %parallel_loop3A_500 = tpu.vector_load %arg21[%parallel_loop3A_498, %parallel_loop3A_499] {strides = array<i32>} : memref<40x128xi32, #tpu.memory_space<vmem>>, vector<16xi32>,
          tpu.vector_store %arg21[%parallel_loop3A_498, %parallel_loop3A_499], %parallel_loop3A_345 {strides = array<i32>} : memref<40x128xi32, #tpu.memory_space<vmem>>, vector<16xi32>,
          %parallel_loop3A_501 = vector.broadcast %parallel_loop3A_342 : i32 to vector<16xi32>
          %parallel_loop3A_502 = arith.constant 1 : i32
          %parallel_loop3A_503 = vector.broadcast %parallel_loop3A_502 : i32 to vector<16xi32>
          %parallel_loop3A_504 = arith.andi %parallel_loop3A_501, %parallel_loop3A_503 : vector<16xi32>
          tpu.vector_store_idx %arg19[%parallel_loop3A_504, %parallel_loop3A_361], %parallel_loop3A_402 masked %parallel_loop3A_400 {add = true} : memref<2x128xf32, #tpu.memory_space<vmem>>[vector<16xi32>, vector<16xi32>], vector<16xf32>, vector<16xi1>
        } {sc.loop_unroll_factor = 2 : i64, sc.parallel_access}
        %mul3A_331 = arith.constant 5 : i32
        %mul3A_332 = arith.muli %mul3A_284, %mul3A_331 : i32
        %dma_start3A_333 = arith.constant 0 : i32
        %dma_start3A_334 = tpu.memref_slice %arg5[%mul3A_332, %dma_start3A_333] : memref<500000x128xf32, #tpu.memory_space<hbm>> -> memref<200x128xf32, #tpu.memory_space<hbm>>
        %dma_start3A_335 = arith.constant 0 : i32
        %dma_start3A_336 = tpu.memref_slice %arg5[%mul3A_332, %dma_start3A_335] : memref<500000x128xf32, #tpu.memory_space<hbm>> -> memref<200x128xf32, #tpu.memory_space<hbm>>
        tpu.enqueue_dma source(%arg15 : memref<200x128xf32, #tpu.memory_space<vmem>>) target(%dma_start3A_336 : memref<200x128xf32, #tpu.memory_space<hbm>>) target_semaphore(%arg23 : memref<!tpu.dma_semaphore, #tpu.memory_space<semaphore_mem>>)
        %dma_start3A_337 = arith.constant 0 : i32
        %dma_start3A_338 = tpu.memref_slice %arg6[%mul3A_284, %dma_start3A_337] : memref<100000x128xf32, #tpu.memory_space<hbm>> -> memref<40x128xf32, #tpu.memory_space<hbm>>
        %dma_start3A_339 = arith.constant 0 : i32
        %dma_start3A_340 = tpu.memref_slice %arg6[%mul3A_284, %dma_start3A_339] : memref<100000x128xf32, #tpu.memory_space<hbm>> -> memref<40x128xf32, #tpu.memory_space<hbm>>
        tpu.enqueue_dma source(%arg17 : memref<40x128xf32, #tpu.memory_space<vmem>>) target(%dma_start3A_340 : memref<40x128xf32, #tpu.memory_space<hbm>>) target_semaphore(%arg23 : memref<!tpu.dma_semaphore, #tpu.memory_space<semaphore_mem>>)
        %cond3A_341 = arith.constant 0 : i32
        scf.yield %cond3A_341 : i32
      } else {
        scf.yield %cond3A_266 : i32
      }
      scf.yield %cond3A_279 : i32
    }
    %scan3A_94 = arith.constant 40 : i32
    %get3A = arith.constant 0 : i32
    %get3A_95 = arith.index_cast %get3A : i32 to index
    %get3A_96 = arith.constant 0 : index
    %get3A_97 = tpu.vector_load %arg19[%get3A_95, %get3A_96] {strides = array<i32>} : memref<2x128xf32, #tpu.memory_space<vmem>>, vector<16xf32>,
    %get3A_98 = arith.constant 1 : i32
    %get3A_99 = arith.index_cast %get3A_98 : i32 to index
    %get3A_100 = arith.constant 0 : index
    %get3A_101 = tpu.vector_load %arg19[%get3A_99, %get3A_100] {strides = array<i32>} : memref<2x128xf32, #tpu.memory_space<vmem>>, vector<16xf32>,
    %add3A_102 = arith.addf %get3A_97, %get3A_101 : vector<16xf32>
    %get3A_103 = arith.constant 0 : i32
    %get3A_104 = arith.index_cast %get3A_103 : i32 to index
    %get3A_105 = arith.constant 16 : index
    %get3A_106 = tpu.vector_load %arg19[%get3A_104, %get3A_105] {strides = array<i32>} : memref<2x128xf32, #tpu.memory_space<vmem>>, vector<16xf32>,
    %get3A_107 = arith.constant 1 : i32
    %get3A_108 = arith.index_cast %get3A_107 : i32 to index
    %get3A_109 = arith.constant 16 : index
    %get3A_110 = tpu.vector_load %arg19[%get3A_108, %get3A_109] {strides = array<i32>} : memref<2x128xf32, #tpu.memory_space<vmem>>, vector<16xf32>,
    %add3A_111 = arith.addf %get3A_106, %get3A_110 : vector<16xf32>
    %get3A_112 = arith.constant 0 : i32
    %get3A_113 = arith.index_cast %get3A_112 : i32 to index
    %get3A_114 = arith.constant 32 : index
    %get3A_115 = tpu.vector_load %arg19[%get3A_113, %get3A_114] {strides = array<i32>} : memref<2x128xf32, #tpu.memory_space<vmem>>, vector<16xf32>,
    %get3A_116 = arith.constant 1 : i32
    %get3A_117 = arith.index_cast %get3A_116 : i32 to index
    %get3A_118 = arith.constant 32 : index
    %get3A_119 = tpu.vector_load %arg19[%get3A_117, %get3A_118] {strides = array<i32>} : memref<2x128xf32, #tpu.memory_space<vmem>>, vector<16xf32>,
    %add3A_120 = arith.addf %get3A_115, %get3A_119 : vector<16xf32>
    %get3A_121 = arith.constant 0 : i32
    %get3A_122 = arith.index_cast %get3A_121 : i32 to index
    %get3A_123 = arith.constant 48 : index
    %get3A_124 = tpu.vector_load %arg19[%get3A_122, %get3A_123] {strides = array<i32>} : memref<2x128xf32, #tpu.memory_space<vmem>>, vector<16xf32>,
    %get3A_125 = arith.constant 1 : i32
    %get3A_126 = arith.index_cast %get3A_125 : i32 to index
    %get3A_127 = arith.constant 48 : index
    %get3A_128 = tpu.vector_load %arg19[%get3A_126, %get3A_127] {strides = array<i32>} : memref<2x128xf32, #tpu.memory_space<vmem>>, vector<16xf32>,
    %add3A_129 = arith.addf %get3A_124, %get3A_128 : vector<16xf32>
    %get3A_130 = arith.constant 0 : i32
    %get3A_131 = arith.index_cast %get3A_130 : i32 to index
    %get3A_132 = arith.constant 64 : index
    %get3A_133 = tpu.vector_load %arg19[%get3A_131, %get3A_132] {strides = array<i32>} : memref<2x128xf32, #tpu.memory_space<vmem>>, vector<16xf32>,
    %get3A_134 = arith.constant 1 : i32
    %get3A_135 = arith.index_cast %get3A_134 : i32 to index
    %get3A_136 = arith.constant 64 : index
    %get3A_137 = tpu.vector_load %arg19[%get3A_135, %get3A_136] {strides = array<i32>} : memref<2x128xf32, #tpu.memory_space<vmem>>, vector<16xf32>,
    %add3A_138 = arith.addf %get3A_133, %get3A_137 : vector<16xf32>
    %get3A_139 = arith.constant 0 : i32
    %get3A_140 = arith.index_cast %get3A_139 : i32 to index
    %get3A_141 = arith.constant 80 : index
    %get3A_142 = tpu.vector_load %arg19[%get3A_140, %get3A_141] {strides = array<i32>} : memref<2x128xf32, #tpu.memory_space<vmem>>, vector<16xf32>,
    %get3A_143 = arith.constant 1 : i32
    %get3A_144 = arith.index_cast %get3A_143 : i32 to index
    %get3A_145 = arith.constant 80 : index
    %get3A_146 = tpu.vector_load %arg19[%get3A_144, %get3A_145] {strides = array<i32>} : memref<2x128xf32, #tpu.memory_space<vmem>>, vector<16xf32>,
    %add3A_147 = arith.addf %get3A_142, %get3A_146 : vector<16xf32>
    %get3A_148 = arith.constant 0 : i32
    %get3A_149 = arith.index_cast %get3A_148 : i32 to index
    %get3A_150 = arith.constant 96 : index
    %get3A_151 = tpu.vector_load %arg19[%get3A_149, %get3A_150] {strides = array<i32>} : memref<2x128xf32, #tpu.memory_space<vmem>>, vector<16xf32>,
    %get3A_152 = arith.constant 1 : i32
    %get3A_153 = arith.index_cast %get3A_152 : i32 to index
    %get3A_154 = arith.constant 96 : index
    %get3A_155 = tpu.vector_load %arg19[%get3A_153, %get3A_154] {strides = array<i32>} : memref<2x128xf32, #tpu.memory_space<vmem>>, vector<16xf32>,
    %add3A_156 = arith.addf %get3A_151, %get3A_155 : vector<16xf32>
    %get3A_157 = arith.constant 0 : i32
    %get3A_158 = arith.index_cast %get3A_157 : i32 to index
    %get3A_159 = arith.constant 112 : index
    %get3A_160 = tpu.vector_load %arg19[%get3A_158, %get3A_159] {strides = array<i32>} : memref<2x128xf32, #tpu.memory_space<vmem>>, vector<16xf32>,
    %get3A_161 = arith.constant 1 : i32
    %get3A_162 = arith.index_cast %get3A_161 : i32 to index
    %get3A_163 = arith.constant 112 : index
    %get3A_164 = tpu.vector_load %arg19[%get3A_162, %get3A_163] {strides = array<i32>} : memref<2x128xf32, #tpu.memory_space<vmem>>, vector<16xf32>,
    %add3A_165 = arith.addf %get3A_160, %get3A_164 : vector<16xf32>
    %sub3A = arith.constant 1 : i32
    %sub3A_166 = arith.subi %add3A_4, %sub3A : i32
    %sub3A_167 = arith.constant 1 : i32
    %sub3A_168 = arith.subi %add3A_4, %sub3A_167 : i32
    %jit3A_169 = arith.constant 2 : i32
    %eq3A_170 = arith.constant 0 : i32
    %eq3A_171 = arith.cmpi eq, %jit3A_169, %eq3A_170 : i32
    %jit3A_172 = arith.constant 1 : i32
    %select_n3A_173 = arith.select %eq3A_171, %jit3A_172, %jit3A_169 : i32
    %rem3A = arith.remsi %sub3A_168, %select_n3A_173 : i32
    %ne3A = arith.constant 0 : i32
    %ne3A_174 = arith.cmpi ne, %rem3A, %ne3A : i32
    %lt3A_175 = arith.constant 0 : i32
    %lt3A_176 = arith.cmpi slt, %rem3A, %lt3A_175 : i32
    %lt3A_177 = arith.constant 0 : i32
    %lt3A_178 = arith.cmpi slt, %select_n3A_173, %lt3A_177 : i32
    %ne3A_179 = arith.xori %lt3A_176, %lt3A_178 : i1
    %and3A = arith.andi %ne3A_179, %ne3A_174 : i1
    %add3A_180 = arith.addi %rem3A, %select_n3A_173 : i32
    %select_n3A_181 = arith.select %and3A, %add3A_180, %rem3A : i32
    %eq3A_182 = arith.constant 0 : i32
    %eq3A_183 = arith.cmpi eq, %select_n3A_181, %eq3A_182 : i32
    %jit3A_184 = arith.constant 0 : i32
    %jit3A_185 = arith.constant 1 : i32
    %select_n3A_186 = arith.select %eq3A_183, %jit3A_184, %jit3A_185 : i32
    %sub3A_187 = arith.subi %sub3A_166, %select_n3A_186 : i32
    %ge3A = arith.constant 0 : i32
    %ge3A_188 = arith.cmpi sge, %sub3A_187, %ge3A : i32
    %convert_element_type3A = arith.extui %ge3A_188 : i1 to i32
    %cond3A = arith.constant 0 : i32
    %cond3A_189 = arith.cmpi ne, %convert_element_type3A, %cond3A : i32
    scf.if %cond3A_189 {
      %mul3A_252 = arith.constant 32 : i32
      %mul3A_253 = arith.muli %sub3A_187, %mul3A_252 : i32
      %add3A_254 = arith.addi %add3A, %mul3A_253 : i32
      %mul3A_255 = arith.constant 40 : i32
      %mul3A_256 = arith.muli %add3A_254, %mul3A_255 : i32
      %mul3A_257 = arith.constant 5 : i32
      %mul3A_258 = arith.muli %mul3A_256, %mul3A_257 : i32
      %dma_wait3A = arith.constant 0 : i32
      %dma_wait3A_259 = tpu.memref_slice %arg5[%mul3A_258, %dma_wait3A] : memref<500000x128xf32, #tpu.memory_space<hbm>> -> memref<200x128xf32, #tpu.memory_space<hbm>>
      %dma_wait3A_260 = arith.constant 0 : i32
      %dma_wait3A_261 = tpu.memref_slice %arg5[%mul3A_258, %dma_wait3A_260] : memref<500000x128xf32, #tpu.memory_space<hbm>> -> memref<200x128xf32, #tpu.memory_space<hbm>>
      tpu.wait_dma2 semaphore(%arg22 : memref<!tpu.dma_semaphore, #tpu.memory_space<semaphore_mem>>) src(%arg14 : memref<200x128xf32, #tpu.memory_space<vmem>>) dst(%dma_wait3A_261 : memref<200x128xf32, #tpu.memory_space<hbm>>)
      %dma_wait3A_262 = arith.constant 0 : i32
      %dma_wait3A_263 = tpu.memref_slice %arg6[%mul3A_256, %dma_wait3A_262] : memref<100000x128xf32, #tpu.memory_space<hbm>> -> memref<40x128xf32, #tpu.memory_space<hbm>>
      %dma_wait3A_264 = arith.constant 0 : i32
      %dma_wait3A_265 = tpu.memref_slice %arg6[%mul3A_256, %dma_wait3A_264] : memref<100000x128xf32, #tpu.memory_space<hbm>> -> memref<40x128xf32, #tpu.memory_space<hbm>>
      tpu.wait_dma2 semaphore(%arg22 : memref<!tpu.dma_semaphore, #tpu.memory_space<semaphore_mem>>) src(%arg16 : memref<40x128xf32, #tpu.memory_space<vmem>>) dst(%dma_wait3A_265 : memref<40x128xf32, #tpu.memory_space<hbm>>)
    } else {
    }
    %sub3A_190 = arith.constant 1 : i32
    %sub3A_191 = arith.subi %add3A_4, %sub3A_190 : i32
    %sub3A_192 = arith.constant 1 : i32
    %sub3A_193 = arith.subi %add3A_4, %sub3A_192 : i32
    %jit3A_194 = arith.constant 2 : i32
    %eq3A_195 = arith.constant 0 : i32
    %eq3A_196 = arith.cmpi eq, %jit3A_194, %eq3A_195 : i32
    %jit3A_197 = arith.constant 1 : i32
    %select_n3A_198 = arith.select %eq3A_196, %jit3A_197, %jit3A_194 : i32
    %rem3A_199 = arith.remsi %sub3A_193, %select_n3A_198 : i32
    %ne3A_200 = arith.constant 0 : i32
    %ne3A_201 = arith.cmpi ne, %rem3A_199, %ne3A_200 : i32
    %lt3A_202 = arith.constant 0 : i32
    %lt3A_203 = arith.cmpi slt, %rem3A_199, %lt3A_202 : i32
    %lt3A_204 = arith.constant 0 : i32
    %lt3A_205 = arith.cmpi slt, %select_n3A_198, %lt3A_204 : i32
    %ne3A_206 = arith.xori %lt3A_203, %lt3A_205 : i1
    %and3A_207 = arith.andi %ne3A_206, %ne3A_201 : i1
    %add3A_208 = arith.addi %rem3A_199, %select_n3A_198 : i32
    %select_n3A_209 = arith.select %and3A_207, %add3A_208, %rem3A_199 : i32
    %eq3A_210 = arith.constant 1 : i32
    %eq3A_211 = arith.cmpi eq, %select_n3A_209, %eq3A_210 : i32
    %jit3A_212 = arith.constant 0 : i32
    %jit3A_213 = arith.constant 1 : i32
    %select_n3A_214 = arith.select %eq3A_211, %jit3A_212, %jit3A_213 : i32
    %sub3A_215 = arith.subi %sub3A_191, %select_n3A_214 : i32
    %ge3A_216 = arith.constant 0 : i32
    %ge3A_217 = arith.cmpi sge, %sub3A_215, %ge3A_216 : i32
    %convert_element_type3A_218 = arith.extui %ge3A_217 : i1 to i32
    %cond3A_219 = arith.constant 0 : i32
    %cond3A_220 = arith.cmpi ne, %convert_element_type3A_218, %cond3A_219 : i32
    scf.if %cond3A_220 {
      %mul3A_252 = arith.constant 32 : i32
      %mul3A_253 = arith.muli %sub3A_215, %mul3A_252 : i32
      %add3A_254 = arith.addi %add3A, %mul3A_253 : i32
      %mul3A_255 = arith.constant 40 : i32
      %mul3A_256 = arith.muli %add3A_254, %mul3A_255 : i32
      %mul3A_257 = arith.constant 5 : i32
      %mul3A_258 = arith.muli %mul3A_256, %mul3A_257 : i32
      %dma_wait3A = arith.constant 0 : i32
      %dma_wait3A_259 = tpu.memref_slice %arg5[%mul3A_258, %dma_wait3A] : memref<500000x128xf32, #tpu.memory_space<hbm>> -> memref<200x128xf32, #tpu.memory_space<hbm>>
      %dma_wait3A_260 = arith.constant 0 : i32
      %dma_wait3A_261 = tpu.memref_slice %arg5[%mul3A_258, %dma_wait3A_260] : memref<500000x128xf32, #tpu.memory_space<hbm>> -> memref<200x128xf32, #tpu.memory_space<hbm>>
      tpu.wait_dma2 semaphore(%arg23 : memref<!tpu.dma_semaphore, #tpu.memory_space<semaphore_mem>>) src(%arg15 : memref<200x128xf32, #tpu.memory_space<vmem>>) dst(%dma_wait3A_261 : memref<200x128xf32, #tpu.memory_space<hbm>>)
      %dma_wait3A_262 = arith.constant 0 : i32
      %dma_wait3A_263 = tpu.memref_slice %arg6[%mul3A_256, %dma_wait3A_262] : memref<100000x128xf32, #tpu.memory_space<hbm>> -> memref<40x128xf32, #tpu.memory_space<hbm>>
      %dma_wait3A_264 = arith.constant 0 : i32
      %dma_wait3A_265 = tpu.memref_slice %arg6[%mul3A_256, %dma_wait3A_264] : memref<100000x128xf32, #tpu.memory_space<hbm>> -> memref<40x128xf32, #tpu.memory_space<hbm>>
      tpu.wait_dma2 semaphore(%arg23 : memref<!tpu.dma_semaphore, #tpu.memory_space<semaphore_mem>>) src(%arg17 : memref<40x128xf32, #tpu.memory_space<vmem>>) dst(%dma_wait3A_265 : memref<40x128xf32, #tpu.memory_space<hbm>>)
    } else {
    }
    %swap3A = arith.constant 0 : i32
    %swap3A_221 = arith.index_cast %swap3A : i32 to index
    %swap3A_222 = arith.constant 0 : index
    %swap3A_223 = tpu.vector_load %arg18[%swap3A_221, %swap3A_222] {strides = array<i32>} : memref<1x128xf32, #tpu.memory_space<vmem>>, vector<16xf32>,
    tpu.vector_store %arg18[%swap3A_221, %swap3A_222], %add3A_102 {strides = array<i32>} : memref<1x128xf32, #tpu.memory_space<vmem>>, vector<16xf32>,
    %swap3A_224 = arith.constant 0 : i32
    %swap3A_225 = arith.index_cast %swap3A_224 : i32 to index
    %swap3A_226 = arith.constant 16 : index
    %swap3A_227 = tpu.vector_load %arg18[%swap3A_225, %swap3A_226] {strides = array<i32>} : memref<1x128xf32, #tpu.memory_space<vmem>>, vector<16xf32>,
    tpu.vector_store %arg18[%swap3A_225, %swap3A_226], %add3A_111 {strides = array<i32>} : memref<1x128xf32, #tpu.memory_space<vmem>>, vector<16xf32>,
    %swap3A_228 = arith.constant 0 : i32
    %swap3A_229 = arith.index_cast %swap3A_228 : i32 to index
    %swap3A_230 = arith.constant 32 : index
    %swap3A_231 = tpu.vector_load %arg18[%swap3A_229, %swap3A_230] {strides = array<i32>} : memref<1x128xf32, #tpu.memory_space<vmem>>, vector<16xf32>,
    tpu.vector_store %arg18[%swap3A_229, %swap3A_230], %add3A_120 {strides = array<i32>} : memref<1x128xf32, #tpu.memory_space<vmem>>, vector<16xf32>,
    %swap3A_232 = arith.constant 0 : i32
    %swap3A_233 = arith.index_cast %swap3A_232 : i32 to index
    %swap3A_234 = arith.constant 48 : index
    %swap3A_235 = tpu.vector_load %arg18[%swap3A_233, %swap3A_234] {strides = array<i32>} : memref<1x128xf32, #tpu.memory_space<vmem>>, vector<16xf32>,
    tpu.vector_store %arg18[%swap3A_233, %swap3A_234], %add3A_129 {strides = array<i32>} : memref<1x128xf32, #tpu.memory_space<vmem>>, vector<16xf32>,
    %swap3A_236 = arith.constant 0 : i32
    %swap3A_237 = arith.index_cast %swap3A_236 : i32 to index
    %swap3A_238 = arith.constant 64 : index
    %swap3A_239 = tpu.vector_load %arg18[%swap3A_237, %swap3A_238] {strides = array<i32>} : memref<1x128xf32, #tpu.memory_space<vmem>>, vector<16xf32>,
    tpu.vector_store %arg18[%swap3A_237, %swap3A_238], %add3A_138 {strides = array<i32>} : memref<1x128xf32, #tpu.memory_space<vmem>>, vector<16xf32>,
    %swap3A_240 = arith.constant 0 : i32
    %swap3A_241 = arith.index_cast %swap3A_240 : i32 to index
    %swap3A_242 = arith.constant 80 : index
    %swap3A_243 = tpu.vector_load %arg18[%swap3A_241, %swap3A_242] {strides = array<i32>} : memref<1x128xf32, #tpu.memory_space<vmem>>, vector<16xf32>,
    tpu.vector_store %arg18[%swap3A_241, %swap3A_242], %add3A_147 {strides = array<i32>} : memref<1x128xf32, #tpu.memory_space<vmem>>, vector<16xf32>,
    %swap3A_244 = arith.constant 0 : i32
    %swap3A_245 = arith.index_cast %swap3A_244 : i32 to index
    %swap3A_246 = arith.constant 96 : index
    %swap3A_247 = tpu.vector_load %arg18[%swap3A_245, %swap3A_246] {strides = array<i32>} : memref<1x128xf32, #tpu.memory_space<vmem>>, vector<16xf32>,
    tpu.vector_store %arg18[%swap3A_245, %swap3A_246], %add3A_156 {strides = array<i32>} : memref<1x128xf32, #tpu.memory_space<vmem>>, vector<16xf32>,
    %swap3A_248 = arith.constant 0 : i32
    %swap3A_249 = arith.index_cast %swap3A_248 : i32 to index
    %swap3A_250 = arith.constant 112 : index
    %swap3A_251 = tpu.vector_load %arg18[%swap3A_249, %swap3A_250] {strides = array<i32>} : memref<1x128xf32, #tpu.memory_space<vmem>>, vector<16xf32>,
    tpu.vector_store %arg18[%swap3A_249, %swap3A_250], %add3A_165 {strides = array<i32>} : memref<1x128xf32, #tpu.memory_space<vmem>>, vector<16xf32>,
    "tpu.region"() ({
      %run_scoped3A = tpu.sem_alloc : memref<!tpu.dma_semaphore, #tpu.memory_space<semaphore_mem>>
      %dma_start3A_252 = arith.constant 0 : i32
      %dma_start3A_253 = tpu.memref_slice %arg7[%add3A, %dma_start3A_252] : memref<32x128xf32, #tpu.memory_space<hbm>> -> memref<1x128xf32, #tpu.memory_space<hbm>>
      %dma_start3A_254 = arith.constant 0 : i32
      %dma_start3A_255 = tpu.memref_slice %arg7[%add3A, %dma_start3A_254] : memref<32x128xf32, #tpu.memory_space<hbm>> -> memref<1x128xf32, #tpu.memory_space<hbm>>
      tpu.enqueue_dma source(%arg18 : memref<1x128xf32, #tpu.memory_space<vmem>>) target(%dma_start3A_255 : memref<1x128xf32, #tpu.memory_space<hbm>>) target_semaphore(%run_scoped3A : memref<!tpu.dma_semaphore, #tpu.memory_space<semaphore_mem>>)
      %dma_wait3A = arith.constant 0 : i32
      %dma_wait3A_256 = tpu.memref_slice %arg7[%add3A, %dma_wait3A] : memref<32x128xf32, #tpu.memory_space<hbm>> -> memref<1x128xf32, #tpu.memory_space<hbm>>
      %dma_wait3A_257 = arith.constant 0 : i32
      %dma_wait3A_258 = tpu.memref_slice %arg7[%add3A, %dma_wait3A_257] : memref<32x128xf32, #tpu.memory_space<hbm>> -> memref<1x128xf32, #tpu.memory_space<hbm>>
      tpu.wait_dma2 semaphore(%run_scoped3A : memref<!tpu.dma_semaphore, #tpu.memory_space<semaphore_mem>>) src(%arg18 : memref<1x128xf32, #tpu.memory_space<vmem>>) dst(%dma_wait3A_258 : memref<1x128xf32, #tpu.memory_space<hbm>>)
      tpu.yield
    }) : () -> ()
    return
  }
}

#map = affine_map<(d0, d1) -> (0, 0)>
#map1 = affine_map<(d0, d1) -> (0)>
module attributes {stable_mosaic.version = 14 : i64} {
  func.func @_phase2(%arg0: i32, %arg1: i32, %arg2: memref<100000x16xi32, #tpu.memory_space<hbm>>, %arg3: memref<100000xf32, #tpu.memory_space<hbm>>, %arg4: memref<32x128xf32, #tpu.memory_space<hbm>>, %arg5: memref<1x128xf32, #tpu.memory_space<hbm>>, %arg6: memref<100000x128xf32, #tpu.memory_space<hbm>>, %arg7: memref<40x128xi32, #tpu.memory_space<vmem>>, %arg8: memref<40x128xi32, #tpu.memory_space<vmem>>, %arg9: memref<1x128xf32, #tpu.memory_space<vmem>>, %arg10: memref<1x128xf32, #tpu.memory_space<vmem>>, %arg11: memref<32x128xf32, #tpu.memory_space<vmem>>, %arg12: memref<1x128xf32, #tpu.memory_space<vmem>>, %arg13: memref<1x128xf32, #tpu.memory_space<vmem>>, %arg14: memref<40x128xf32, #tpu.memory_space<vmem>>, %arg15: memref<40x128xf32, #tpu.memory_space<vmem>>, %arg16: memref<40x128xi32, #tpu.memory_space<vmem>>, %arg17: memref<40x128xi32, #tpu.memory_space<vmem>>, %arg18: memref<!tpu.dma_semaphore, #tpu.memory_space<semaphore_mem>>, %arg19: memref<!tpu.dma_semaphore, #tpu.memory_space<semaphore_mem>>, %arg20: memref<!tpu.dma_semaphore, #tpu.memory_space<semaphore_mem>>, %arg21: memref<!tpu.dma_semaphore, #tpu.memory_space<semaphore_mem>>) attributes {dimension_semantics = [#tpu.dimension_semantics<core_parallel>, #tpu.dimension_semantics<subcore_parallel>], iteration_bounds = array<i64: 2, 16>, scalar_prefetch = 0 : i64, scratch_operands = 15 : i64, tpu.core_type = #tpu.core_type<sc_vector_subcore>, window_params = [{transform_indices = #map}, {transform_indices = #map1}, {transform_indices = #map}, {transform_indices = #map}, {transform_indices = #map}]} {
    %mul3A = arith.constant 2 : i32
    %mul3A_0 = arith.muli %arg1, %mul3A : i32
    %add3A = arith.addi %mul3A_0, %arg0 : i32
    %lt3A = arith.constant 4 : i32
    %lt3A_1 = arith.cmpi slt, %add3A, %lt3A : i32
    %jit3A = arith.constant 1 : i32
    %jit3A_2 = arith.constant 0 : i32
    %select_n3A = arith.select %lt3A_1, %jit3A, %jit3A_2 : i32
    %add3A_3 = arith.constant 78 : i32
    %add3A_4 = arith.addi %add3A_3, %select_n3A : i32
    %broadcast_in_dim3A = arith.constant 0.000000e+00 : f32
    %broadcast_in_dim3A_5 = vector.broadcast %broadcast_in_dim3A : f32 to vector<16xf32>
    %broadcast_in_dim3A_6 = arith.constant 128 : i32
    %broadcast_in_dim3A_7 = vector.broadcast %broadcast_in_dim3A_6 : i32 to vector<16xi32>
    %broadcast_in_dim3A_8 = arith.constant 0 : i32
    %broadcast_in_dim3A_9 = vector.broadcast %broadcast_in_dim3A_8 : i32 to vector<16xi32>
    "tpu.region"() ({
      %run_scoped3A = tpu.sem_alloc : memref<!tpu.dma_semaphore, #tpu.memory_space<semaphore_mem>>
      tpu.enqueue_dma source(%arg4 : memref<32x128xf32, #tpu.memory_space<hbm>>) target(%arg11 : memref<32x128xf32, #tpu.memory_space<vmem>>) target_semaphore(%run_scoped3A : memref<!tpu.dma_semaphore, #tpu.memory_space<semaphore_mem>>)
      tpu.wait_dma2 semaphore(%run_scoped3A : memref<!tpu.dma_semaphore, #tpu.memory_space<semaphore_mem>>) src(%arg4 : memref<32x128xf32, #tpu.memory_space<hbm>>) dst(%arg11 : memref<32x128xf32, #tpu.memory_space<vmem>>)
      tpu.yield
    }) : () -> ()
    %get3A = arith.constant 0 : i32
    %get3A_10 = arith.index_cast %get3A : i32 to index
    %get3A_11 = arith.constant 0 : index
    %get3A_12 = tpu.vector_load %arg11[%get3A_10, %get3A_11] {strides = array<i32>} : memref<32x128xf32, #tpu.memory_space<vmem>>, vector<16xf32>,
    %add3A_13 = arith.addf %broadcast_in_dim3A_5, %get3A_12 : vector<16xf32>
    %get3A_14 = arith.constant 1 : i32
    %get3A_15 = arith.index_cast %get3A_14 : i32 to index
    %get3A_16 = arith.constant 0 : index
    %get3A_17 = tpu.vector_load %arg11[%get3A_15, %get3A_16] {strides = array<i32>} : memref<32x128xf32, #tpu.memory_space<vmem>>, vector<16xf32>,
    %add3A_18 = arith.addf %add3A_13, %get3A_17 : vector<16xf32>
    %get3A_19 = arith.constant 2 : i32
    %get3A_20 = arith.index_cast %get3A_19 : i32 to index
    %get3A_21 = arith.constant 0 : index
    %get3A_22 = tpu.vector_load %arg11[%get3A_20, %get3A_21] {strides = array<i32>} : memref<32x128xf32, #tpu.memory_space<vmem>>, vector<16xf32>,
    %add3A_23 = arith.addf %add3A_18, %get3A_22 : vector<16xf32>
    %get3A_24 = arith.constant 3 : i32
    %get3A_25 = arith.index_cast %get3A_24 : i32 to index
    %get3A_26 = arith.constant 0 : index
    %get3A_27 = tpu.vector_load %arg11[%get3A_25, %get3A_26] {strides = array<i32>} : memref<32x128xf32, #tpu.memory_space<vmem>>, vector<16xf32>,
    %add3A_28 = arith.addf %add3A_23, %get3A_27 : vector<16xf32>
    %get3A_29 = arith.constant 4 : i32
    %get3A_30 = arith.index_cast %get3A_29 : i32 to index
    %get3A_31 = arith.constant 0 : index
    %get3A_32 = tpu.vector_load %arg11[%get3A_30, %get3A_31] {strides = array<i32>} : memref<32x128xf32, #tpu.memory_space<vmem>>, vector<16xf32>,
    %add3A_33 = arith.addf %add3A_28, %get3A_32 : vector<16xf32>
    %get3A_34 = arith.constant 5 : i32
    %get3A_35 = arith.index_cast %get3A_34 : i32 to index
    %get3A_36 = arith.constant 0 : index
    %get3A_37 = tpu.vector_load %arg11[%get3A_35, %get3A_36] {strides = array<i32>} : memref<32x128xf32, #tpu.memory_space<vmem>>, vector<16xf32>,
    %add3A_38 = arith.addf %add3A_33, %get3A_37 : vector<16xf32>
    %get3A_39 = arith.constant 6 : i32
    %get3A_40 = arith.index_cast %get3A_39 : i32 to index
    %get3A_41 = arith.constant 0 : index
    %get3A_42 = tpu.vector_load %arg11[%get3A_40, %get3A_41] {strides = array<i32>} : memref<32x128xf32, #tpu.memory_space<vmem>>, vector<16xf32>,
    %add3A_43 = arith.addf %add3A_38, %get3A_42 : vector<16xf32>
    %get3A_44 = arith.constant 7 : i32
    %get3A_45 = arith.index_cast %get3A_44 : i32 to index
    %get3A_46 = arith.constant 0 : index
    %get3A_47 = tpu.vector_load %arg11[%get3A_45, %get3A_46] {strides = array<i32>} : memref<32x128xf32, #tpu.memory_space<vmem>>, vector<16xf32>,
    %add3A_48 = arith.addf %add3A_43, %get3A_47 : vector<16xf32>
    %get3A_49 = arith.constant 8 : i32
    %get3A_50 = arith.index_cast %get3A_49 : i32 to index
    %get3A_51 = arith.constant 0 : index
    %get3A_52 = tpu.vector_load %arg11[%get3A_50, %get3A_51] {strides = array<i32>} : memref<32x128xf32, #tpu.memory_space<vmem>>, vector<16xf32>,
    %add3A_53 = arith.addf %add3A_48, %get3A_52 : vector<16xf32>
    %get3A_54 = arith.constant 9 : i32
    %get3A_55 = arith.index_cast %get3A_54 : i32 to index
    %get3A_56 = arith.constant 0 : index
    %get3A_57 = tpu.vector_load %arg11[%get3A_55, %get3A_56] {strides = array<i32>} : memref<32x128xf32, #tpu.memory_space<vmem>>, vector<16xf32>,
    %add3A_58 = arith.addf %add3A_53, %get3A_57 : vector<16xf32>
    %get3A_59 = arith.constant 10 : i32
    %get3A_60 = arith.index_cast %get3A_59 : i32 to index
    %get3A_61 = arith.constant 0 : index
    %get3A_62 = tpu.vector_load %arg11[%get3A_60, %get3A_61] {strides = array<i32>} : memref<32x128xf32, #tpu.memory_space<vmem>>, vector<16xf32>,
    %add3A_63 = arith.addf %add3A_58, %get3A_62 : vector<16xf32>
    %get3A_64 = arith.constant 11 : i32
    %get3A_65 = arith.index_cast %get3A_64 : i32 to index
    %get3A_66 = arith.constant 0 : index
    %get3A_67 = tpu.vector_load %arg11[%get3A_65, %get3A_66] {strides = array<i32>} : memref<32x128xf32, #tpu.memory_space<vmem>>, vector<16xf32>,
    %add3A_68 = arith.addf %add3A_63, %get3A_67 : vector<16xf32>
    %get3A_69 = arith.constant 12 : i32
    %get3A_70 = arith.index_cast %get3A_69 : i32 to index
    %get3A_71 = arith.constant 0 : index
    %get3A_72 = tpu.vector_load %arg11[%get3A_70, %get3A_71] {strides = array<i32>} : memref<32x128xf32, #tpu.memory_space<vmem>>, vector<16xf32>,
    %add3A_73 = arith.addf %add3A_68, %get3A_72 : vector<16xf32>
    %get3A_74 = arith.constant 13 : i32
    %get3A_75 = arith.index_cast %get3A_74 : i32 to index
    %get3A_76 = arith.constant 0 : index
    %get3A_77 = tpu.vector_load %arg11[%get3A_75, %get3A_76] {strides = array<i32>} : memref<32x128xf32, #tpu.memory_space<vmem>>, vector<16xf32>,
    %add3A_78 = arith.addf %add3A_73, %get3A_77 : vector<16xf32>
    %get3A_79 = arith.constant 14 : i32
    %get3A_80 = arith.index_cast %get3A_79 : i32 to index
    %get3A_81 = arith.constant 0 : index
    %get3A_82 = tpu.vector_load %arg11[%get3A_80, %get3A_81] {strides = array<i32>} : memref<32x128xf32, #tpu.memory_space<vmem>>, vector<16xf32>,
    %add3A_83 = arith.addf %add3A_78, %get3A_82 : vector<16xf32>
    %get3A_84 = arith.constant 15 : i32
    %get3A_85 = arith.index_cast %get3A_84 : i32 to index
    %get3A_86 = arith.constant 0 : index
    %get3A_87 = tpu.vector_load %arg11[%get3A_85, %get3A_86] {strides = array<i32>} : memref<32x128xf32, #tpu.memory_space<vmem>>, vector<16xf32>,
    %add3A_88 = arith.addf %add3A_83, %get3A_87 : vector<16xf32>
    %get3A_89 = arith.constant 16 : i32
    %get3A_90 = arith.index_cast %get3A_89 : i32 to index
    %get3A_91 = arith.constant 0 : index
    %get3A_92 = tpu.vector_load %arg11[%get3A_90, %get3A_91] {strides = array<i32>} : memref<32x128xf32, #tpu.memory_space<vmem>>, vector<16xf32>,
    %add3A_93 = arith.addf %add3A_88, %get3A_92 : vector<16xf32>
    %get3A_94 = arith.constant 17 : i32
    %get3A_95 = arith.index_cast %get3A_94 : i32 to index
    %get3A_96 = arith.constant 0 : index
    %get3A_97 = tpu.vector_load %arg11[%get3A_95, %get3A_96] {strides = array<i32>} : memref<32x128xf32, #tpu.memory_space<vmem>>, vector<16xf32>,
    %add3A_98 = arith.addf %add3A_93, %get3A_97 : vector<16xf32>
    %get3A_99 = arith.constant 18 : i32
    %get3A_100 = arith.index_cast %get3A_99 : i32 to index
    %get3A_101 = arith.constant 0 : index
    %get3A_102 = tpu.vector_load %arg11[%get3A_100, %get3A_101] {strides = array<i32>} : memref<32x128xf32, #tpu.memory_space<vmem>>, vector<16xf32>,
    %add3A_103 = arith.addf %add3A_98, %get3A_102 : vector<16xf32>
    %get3A_104 = arith.constant 19 : i32
    %get3A_105 = arith.index_cast %get3A_104 : i32 to index
    %get3A_106 = arith.constant 0 : index
    %get3A_107 = tpu.vector_load %arg11[%get3A_105, %get3A_106] {strides = array<i32>} : memref<32x128xf32, #tpu.memory_space<vmem>>, vector<16xf32>,
    %add3A_108 = arith.addf %add3A_103, %get3A_107 : vector<16xf32>
    %get3A_109 = arith.constant 20 : i32
    %get3A_110 = arith.index_cast %get3A_109 : i32 to index
    %get3A_111 = arith.constant 0 : index
    %get3A_112 = tpu.vector_load %arg11[%get3A_110, %get3A_111] {strides = array<i32>} : memref<32x128xf32, #tpu.memory_space<vmem>>, vector<16xf32>,
    %add3A_113 = arith.addf %add3A_108, %get3A_112 : vector<16xf32>
    %get3A_114 = arith.constant 21 : i32
    %get3A_115 = arith.index_cast %get3A_114 : i32 to index
    %get3A_116 = arith.constant 0 : index
    %get3A_117 = tpu.vector_load %arg11[%get3A_115, %get3A_116] {strides = array<i32>} : memref<32x128xf32, #tpu.memory_space<vmem>>, vector<16xf32>,
    %add3A_118 = arith.addf %add3A_113, %get3A_117 : vector<16xf32>
    %get3A_119 = arith.constant 22 : i32
    %get3A_120 = arith.index_cast %get3A_119 : i32 to index
    %get3A_121 = arith.constant 0 : index
    %get3A_122 = tpu.vector_load %arg11[%get3A_120, %get3A_121] {strides = array<i32>} : memref<32x128xf32, #tpu.memory_space<vmem>>, vector<16xf32>,
    %add3A_123 = arith.addf %add3A_118, %get3A_122 : vector<16xf32>
    %get3A_124 = arith.constant 23 : i32
    %get3A_125 = arith.index_cast %get3A_124 : i32 to index
    %get3A_126 = arith.constant 0 : index
    %get3A_127 = tpu.vector_load %arg11[%get3A_125, %get3A_126] {strides = array<i32>} : memref<32x128xf32, #tpu.memory_space<vmem>>, vector<16xf32>,
    %add3A_128 = arith.addf %add3A_123, %get3A_127 : vector<16xf32>
    %get3A_129 = arith.constant 24 : i32
    %get3A_130 = arith.index_cast %get3A_129 : i32 to index
    %get3A_131 = arith.constant 0 : index
    %get3A_132 = tpu.vector_load %arg11[%get3A_130, %get3A_131] {strides = array<i32>} : memref<32x128xf32, #tpu.memory_space<vmem>>, vector<16xf32>,
    %add3A_133 = arith.addf %add3A_128, %get3A_132 : vector<16xf32>
    %get3A_134 = arith.constant 25 : i32
    %get3A_135 = arith.index_cast %get3A_134 : i32 to index
    %get3A_136 = arith.constant 0 : index
    %get3A_137 = tpu.vector_load %arg11[%get3A_135, %get3A_136] {strides = array<i32>} : memref<32x128xf32, #tpu.memory_space<vmem>>, vector<16xf32>,
    %add3A_138 = arith.addf %add3A_133, %get3A_137 : vector<16xf32>
    %get3A_139 = arith.constant 26 : i32
    %get3A_140 = arith.index_cast %get3A_139 : i32 to index
    %get3A_141 = arith.constant 0 : index
    %get3A_142 = tpu.vector_load %arg11[%get3A_140, %get3A_141] {strides = array<i32>} : memref<32x128xf32, #tpu.memory_space<vmem>>, vector<16xf32>,
    %add3A_143 = arith.addf %add3A_138, %get3A_142 : vector<16xf32>
    %get3A_144 = arith.constant 27 : i32
    %get3A_145 = arith.index_cast %get3A_144 : i32 to index
    %get3A_146 = arith.constant 0 : index
    %get3A_147 = tpu.vector_load %arg11[%get3A_145, %get3A_146] {strides = array<i32>} : memref<32x128xf32, #tpu.memory_space<vmem>>, vector<16xf32>,
    %add3A_148 = arith.addf %add3A_143, %get3A_147 : vector<16xf32>
    %get3A_149 = arith.constant 28 : i32
    %get3A_150 = arith.index_cast %get3A_149 : i32 to index
    %get3A_151 = arith.constant 0 : index
    %get3A_152 = tpu.vector_load %arg11[%get3A_150, %get3A_151] {strides = array<i32>} : memref<32x128xf32, #tpu.memory_space<vmem>>, vector<16xf32>,
    %add3A_153 = arith.addf %add3A_148, %get3A_152 : vector<16xf32>
    %get3A_154 = arith.constant 29 : i32
    %get3A_155 = arith.index_cast %get3A_154 : i32 to index
    %get3A_156 = arith.constant 0 : index
    %get3A_157 = tpu.vector_load %arg11[%get3A_155, %get3A_156] {strides = array<i32>} : memref<32x128xf32, #tpu.memory_space<vmem>>, vector<16xf32>,
    %add3A_158 = arith.addf %add3A_153, %get3A_157 : vector<16xf32>
    %get3A_159 = arith.constant 30 : i32
    %get3A_160 = arith.index_cast %get3A_159 : i32 to index
    %get3A_161 = arith.constant 0 : index
    %get3A_162 = tpu.vector_load %arg11[%get3A_160, %get3A_161] {strides = array<i32>} : memref<32x128xf32, #tpu.memory_space<vmem>>, vector<16xf32>,
    %add3A_163 = arith.addf %add3A_158, %get3A_162 : vector<16xf32>
    %get3A_164 = arith.constant 31 : i32
    %get3A_165 = arith.index_cast %get3A_164 : i32 to index
    %get3A_166 = arith.constant 0 : index
    %get3A_167 = tpu.vector_load %arg11[%get3A_165, %get3A_166] {strides = array<i32>} : memref<32x128xf32, #tpu.memory_space<vmem>>, vector<16xf32>,
    %add3A_168 = arith.addf %add3A_163, %get3A_167 : vector<16xf32>
    %get3A_169 = arith.constant 0 : i32
    %get3A_170 = arith.index_cast %get3A_169 : i32 to index
    %get3A_171 = arith.constant 16 : index
    %get3A_172 = tpu.vector_load %arg11[%get3A_170, %get3A_171] {strides = array<i32>} : memref<32x128xf32, #tpu.memory_space<vmem>>, vector<16xf32>,
    %add3A_173 = arith.addf %broadcast_in_dim3A_5, %get3A_172 : vector<16xf32>
    %get3A_174 = arith.constant 1 : i32
    %get3A_175 = arith.index_cast %get3A_174 : i32 to index
    %get3A_176 = arith.constant 16 : index
    %get3A_177 = tpu.vector_load %arg11[%get3A_175, %get3A_176] {strides = array<i32>} : memref<32x128xf32, #tpu.memory_space<vmem>>, vector<16xf32>,
    %add3A_178 = arith.addf %add3A_173, %get3A_177 : vector<16xf32>
    %get3A_179 = arith.constant 2 : i32
    %get3A_180 = arith.index_cast %get3A_179 : i32 to index
    %get3A_181 = arith.constant 16 : index
    %get3A_182 = tpu.vector_load %arg11[%get3A_180, %get3A_181] {strides = array<i32>} : memref<32x128xf32, #tpu.memory_space<vmem>>, vector<16xf32>,
    %add3A_183 = arith.addf %add3A_178, %get3A_182 : vector<16xf32>
    %get3A_184 = arith.constant 3 : i32
    %get3A_185 = arith.index_cast %get3A_184 : i32 to index
    %get3A_186 = arith.constant 16 : index
    %get3A_187 = tpu.vector_load %arg11[%get3A_185, %get3A_186] {strides = array<i32>} : memref<32x128xf32, #tpu.memory_space<vmem>>, vector<16xf32>,
    %add3A_188 = arith.addf %add3A_183, %get3A_187 : vector<16xf32>
    %get3A_189 = arith.constant 4 : i32
    %get3A_190 = arith.index_cast %get3A_189 : i32 to index
    %get3A_191 = arith.constant 16 : index
    %get3A_192 = tpu.vector_load %arg11[%get3A_190, %get3A_191] {strides = array<i32>} : memref<32x128xf32, #tpu.memory_space<vmem>>, vector<16xf32>,
    %add3A_193 = arith.addf %add3A_188, %get3A_192 : vector<16xf32>
    %get3A_194 = arith.constant 5 : i32
    %get3A_195 = arith.index_cast %get3A_194 : i32 to index
    %get3A_196 = arith.constant 16 : index
    %get3A_197 = tpu.vector_load %arg11[%get3A_195, %get3A_196] {strides = array<i32>} : memref<32x128xf32, #tpu.memory_space<vmem>>, vector<16xf32>,
    %add3A_198 = arith.addf %add3A_193, %get3A_197 : vector<16xf32>
    %get3A_199 = arith.constant 6 : i32
    %get3A_200 = arith.index_cast %get3A_199 : i32 to index
    %get3A_201 = arith.constant 16 : index
    %get3A_202 = tpu.vector_load %arg11[%get3A_200, %get3A_201] {strides = array<i32>} : memref<32x128xf32, #tpu.memory_space<vmem>>, vector<16xf32>,
    %add3A_203 = arith.addf %add3A_198, %get3A_202 : vector<16xf32>
    %get3A_204 = arith.constant 7 : i32
    %get3A_205 = arith.index_cast %get3A_204 : i32 to index
    %get3A_206 = arith.constant 16 : index
    %get3A_207 = tpu.vector_load %arg11[%get3A_205, %get3A_206] {strides = array<i32>} : memref<32x128xf32, #tpu.memory_space<vmem>>, vector<16xf32>,
    %add3A_208 = arith.addf %add3A_203, %get3A_207 : vector<16xf32>
    %get3A_209 = arith.constant 8 : i32
    %get3A_210 = arith.index_cast %get3A_209 : i32 to index
    %get3A_211 = arith.constant 16 : index
    %get3A_212 = tpu.vector_load %arg11[%get3A_210, %get3A_211] {strides = array<i32>} : memref<32x128xf32, #tpu.memory_space<vmem>>, vector<16xf32>,
    %add3A_213 = arith.addf %add3A_208, %get3A_212 : vector<16xf32>
    %get3A_214 = arith.constant 9 : i32
    %get3A_215 = arith.index_cast %get3A_214 : i32 to index
    %get3A_216 = arith.constant 16 : index
    %get3A_217 = tpu.vector_load %arg11[%get3A_215, %get3A_216] {strides = array<i32>} : memref<32x128xf32, #tpu.memory_space<vmem>>, vector<16xf32>,
    %add3A_218 = arith.addf %add3A_213, %get3A_217 : vector<16xf32>
    %get3A_219 = arith.constant 10 : i32
    %get3A_220 = arith.index_cast %get3A_219 : i32 to index
    %get3A_221 = arith.constant 16 : index
    %get3A_222 = tpu.vector_load %arg11[%get3A_220, %get3A_221] {strides = array<i32>} : memref<32x128xf32, #tpu.memory_space<vmem>>, vector<16xf32>,
    %add3A_223 = arith.addf %add3A_218, %get3A_222 : vector<16xf32>
    %get3A_224 = arith.constant 11 : i32
    %get3A_225 = arith.index_cast %get3A_224 : i32 to index
    %get3A_226 = arith.constant 16 : index
    %get3A_227 = tpu.vector_load %arg11[%get3A_225, %get3A_226] {strides = array<i32>} : memref<32x128xf32, #tpu.memory_space<vmem>>, vector<16xf32>,
    %add3A_228 = arith.addf %add3A_223, %get3A_227 : vector<16xf32>
    %get3A_229 = arith.constant 12 : i32
    %get3A_230 = arith.index_cast %get3A_229 : i32 to index
    %get3A_231 = arith.constant 16 : index
    %get3A_232 = tpu.vector_load %arg11[%get3A_230, %get3A_231] {strides = array<i32>} : memref<32x128xf32, #tpu.memory_space<vmem>>, vector<16xf32>,
    %add3A_233 = arith.addf %add3A_228, %get3A_232 : vector<16xf32>
    %get3A_234 = arith.constant 13 : i32
    %get3A_235 = arith.index_cast %get3A_234 : i32 to index
    %get3A_236 = arith.constant 16 : index
    %get3A_237 = tpu.vector_load %arg11[%get3A_235, %get3A_236] {strides = array<i32>} : memref<32x128xf32, #tpu.memory_space<vmem>>, vector<16xf32>,
    %add3A_238 = arith.addf %add3A_233, %get3A_237 : vector<16xf32>
    %get3A_239 = arith.constant 14 : i32
    %get3A_240 = arith.index_cast %get3A_239 : i32 to index
    %get3A_241 = arith.constant 16 : index
    %get3A_242 = tpu.vector_load %arg11[%get3A_240, %get3A_241] {strides = array<i32>} : memref<32x128xf32, #tpu.memory_space<vmem>>, vector<16xf32>,
    %add3A_243 = arith.addf %add3A_238, %get3A_242 : vector<16xf32>
    %get3A_244 = arith.constant 15 : i32
    %get3A_245 = arith.index_cast %get3A_244 : i32 to index
    %get3A_246 = arith.constant 16 : index
    %get3A_247 = tpu.vector_load %arg11[%get3A_245, %get3A_246] {strides = array<i32>} : memref<32x128xf32, #tpu.memory_space<vmem>>, vector<16xf32>,
    %add3A_248 = arith.addf %add3A_243, %get3A_247 : vector<16xf32>
    %get3A_249 = arith.constant 16 : i32
    %get3A_250 = arith.index_cast %get3A_249 : i32 to index
    %get3A_251 = arith.constant 16 : index
    %get3A_252 = tpu.vector_load %arg11[%get3A_250, %get3A_251] {strides = array<i32>} : memref<32x128xf32, #tpu.memory_space<vmem>>, vector<16xf32>,
    %add3A_253 = arith.addf %add3A_248, %get3A_252 : vector<16xf32>
    %get3A_254 = arith.constant 17 : i32
    %get3A_255 = arith.index_cast %get3A_254 : i32 to index
    %get3A_256 = arith.constant 16 : index
    %get3A_257 = tpu.vector_load %arg11[%get3A_255, %get3A_256] {strides = array<i32>} : memref<32x128xf32, #tpu.memory_space<vmem>>, vector<16xf32>,
    %add3A_258 = arith.addf %add3A_253, %get3A_257 : vector<16xf32>
    %get3A_259 = arith.constant 18 : i32
    %get3A_260 = arith.index_cast %get3A_259 : i32 to index
    %get3A_261 = arith.constant 16 : index
    %get3A_262 = tpu.vector_load %arg11[%get3A_260, %get3A_261] {strides = array<i32>} : memref<32x128xf32, #tpu.memory_space<vmem>>, vector<16xf32>,
    %add3A_263 = arith.addf %add3A_258, %get3A_262 : vector<16xf32>
    %get3A_264 = arith.constant 19 : i32
    %get3A_265 = arith.index_cast %get3A_264 : i32 to index
    %get3A_266 = arith.constant 16 : index
    %get3A_267 = tpu.vector_load %arg11[%get3A_265, %get3A_266] {strides = array<i32>} : memref<32x128xf32, #tpu.memory_space<vmem>>, vector<16xf32>,
    %add3A_268 = arith.addf %add3A_263, %get3A_267 : vector<16xf32>
    %get3A_269 = arith.constant 20 : i32
    %get3A_270 = arith.index_cast %get3A_269 : i32 to index
    %get3A_271 = arith.constant 16 : index
    %get3A_272 = tpu.vector_load %arg11[%get3A_270, %get3A_271] {strides = array<i32>} : memref<32x128xf32, #tpu.memory_space<vmem>>, vector<16xf32>,
    %add3A_273 = arith.addf %add3A_268, %get3A_272 : vector<16xf32>
    %get3A_274 = arith.constant 21 : i32
    %get3A_275 = arith.index_cast %get3A_274 : i32 to index
    %get3A_276 = arith.constant 16 : index
    %get3A_277 = tpu.vector_load %arg11[%get3A_275, %get3A_276] {strides = array<i32>} : memref<32x128xf32, #tpu.memory_space<vmem>>, vector<16xf32>,
    %add3A_278 = arith.addf %add3A_273, %get3A_277 : vector<16xf32>
    %get3A_279 = arith.constant 22 : i32
    %get3A_280 = arith.index_cast %get3A_279 : i32 to index
    %get3A_281 = arith.constant 16 : index
    %get3A_282 = tpu.vector_load %arg11[%get3A_280, %get3A_281] {strides = array<i32>} : memref<32x128xf32, #tpu.memory_space<vmem>>, vector<16xf32>,
    %add3A_283 = arith.addf %add3A_278, %get3A_282 : vector<16xf32>
    %get3A_284 = arith.constant 23 : i32
    %get3A_285 = arith.index_cast %get3A_284 : i32 to index
    %get3A_286 = arith.constant 16 : index
    %get3A_287 = tpu.vector_load %arg11[%get3A_285, %get3A_286] {strides = array<i32>} : memref<32x128xf32, #tpu.memory_space<vmem>>, vector<16xf32>,
    %add3A_288 = arith.addf %add3A_283, %get3A_287 : vector<16xf32>
    %get3A_289 = arith.constant 24 : i32
    %get3A_290 = arith.index_cast %get3A_289 : i32 to index
    %get3A_291 = arith.constant 16 : index
    %get3A_292 = tpu.vector_load %arg11[%get3A_290, %get3A_291] {strides = array<i32>} : memref<32x128xf32, #tpu.memory_space<vmem>>, vector<16xf32>,
    %add3A_293 = arith.addf %add3A_288, %get3A_292 : vector<16xf32>
    %get3A_294 = arith.constant 25 : i32
    %get3A_295 = arith.index_cast %get3A_294 : i32 to index
    %get3A_296 = arith.constant 16 : index
    %get3A_297 = tpu.vector_load %arg11[%get3A_295, %get3A_296] {strides = array<i32>} : memref<32x128xf32, #tpu.memory_space<vmem>>, vector<16xf32>,
    %add3A_298 = arith.addf %add3A_293, %get3A_297 : vector<16xf32>
    %get3A_299 = arith.constant 26 : i32
    %get3A_300 = arith.index_cast %get3A_299 : i32 to index
    %get3A_301 = arith.constant 16 : index
    %get3A_302 = tpu.vector_load %arg11[%get3A_300, %get3A_301] {strides = array<i32>} : memref<32x128xf32, #tpu.memory_space<vmem>>, vector<16xf32>,
    %add3A_303 = arith.addf %add3A_298, %get3A_302 : vector<16xf32>
    %get3A_304 = arith.constant 27 : i32
    %get3A_305 = arith.index_cast %get3A_304 : i32 to index
    %get3A_306 = arith.constant 16 : index
    %get3A_307 = tpu.vector_load %arg11[%get3A_305, %get3A_306] {strides = array<i32>} : memref<32x128xf32, #tpu.memory_space<vmem>>, vector<16xf32>,
    %add3A_308 = arith.addf %add3A_303, %get3A_307 : vector<16xf32>
    %get3A_309 = arith.constant 28 : i32
    %get3A_310 = arith.index_cast %get3A_309 : i32 to index
    %get3A_311 = arith.constant 16 : index
    %get3A_312 = tpu.vector_load %arg11[%get3A_310, %get3A_311] {strides = array<i32>} : memref<32x128xf32, #tpu.memory_space<vmem>>, vector<16xf32>,
    %add3A_313 = arith.addf %add3A_308, %get3A_312 : vector<16xf32>
    %get3A_314 = arith.constant 29 : i32
    %get3A_315 = arith.index_cast %get3A_314 : i32 to index
    %get3A_316 = arith.constant 16 : index
    %get3A_317 = tpu.vector_load %arg11[%get3A_315, %get3A_316] {strides = array<i32>} : memref<32x128xf32, #tpu.memory_space<vmem>>, vector<16xf32>,
    %add3A_318 = arith.addf %add3A_313, %get3A_317 : vector<16xf32>
    %get3A_319 = arith.constant 30 : i32
    %get3A_320 = arith.index_cast %get3A_319 : i32 to index
    %get3A_321 = arith.constant 16 : index
    %get3A_322 = tpu.vector_load %arg11[%get3A_320, %get3A_321] {strides = array<i32>} : memref<32x128xf32, #tpu.memory_space<vmem>>, vector<16xf32>,
    %add3A_323 = arith.addf %add3A_318, %get3A_322 : vector<16xf32>
    %get3A_324 = arith.constant 31 : i32
    %get3A_325 = arith.index_cast %get3A_324 : i32 to index
    %get3A_326 = arith.constant 16 : index
    %get3A_327 = tpu.vector_load %arg11[%get3A_325, %get3A_326] {strides = array<i32>} : memref<32x128xf32, #tpu.memory_space<vmem>>, vector<16xf32>,
    %add3A_328 = arith.addf %add3A_323, %get3A_327 : vector<16xf32>
    %get3A_329 = arith.constant 0 : i32
    %get3A_330 = arith.index_cast %get3A_329 : i32 to index
    %get3A_331 = arith.constant 32 : index
    %get3A_332 = tpu.vector_load %arg11[%get3A_330, %get3A_331] {strides = array<i32>} : memref<32x128xf32, #tpu.memory_space<vmem>>, vector<16xf32>,
    %add3A_333 = arith.addf %broadcast_in_dim3A_5, %get3A_332 : vector<16xf32>
    %get3A_334 = arith.constant 1 : i32
    %get3A_335 = arith.index_cast %get3A_334 : i32 to index
    %get3A_336 = arith.constant 32 : index
    %get3A_337 = tpu.vector_load %arg11[%get3A_335, %get3A_336] {strides = array<i32>} : memref<32x128xf32, #tpu.memory_space<vmem>>, vector<16xf32>,
    %add3A_338 = arith.addf %add3A_333, %get3A_337 : vector<16xf32>
    %get3A_339 = arith.constant 2 : i32
    %get3A_340 = arith.index_cast %get3A_339 : i32 to index
    %get3A_341 = arith.constant 32 : index
    %get3A_342 = tpu.vector_load %arg11[%get3A_340, %get3A_341] {strides = array<i32>} : memref<32x128xf32, #tpu.memory_space<vmem>>, vector<16xf32>,
    %add3A_343 = arith.addf %add3A_338, %get3A_342 : vector<16xf32>
    %get3A_344 = arith.constant 3 : i32
    %get3A_345 = arith.index_cast %get3A_344 : i32 to index
    %get3A_346 = arith.constant 32 : index
    %get3A_347 = tpu.vector_load %arg11[%get3A_345, %get3A_346] {strides = array<i32>} : memref<32x128xf32, #tpu.memory_space<vmem>>, vector<16xf32>,
    %add3A_348 = arith.addf %add3A_343, %get3A_347 : vector<16xf32>
    %get3A_349 = arith.constant 4 : i32
    %get3A_350 = arith.index_cast %get3A_349 : i32 to index
    %get3A_351 = arith.constant 32 : index
    %get3A_352 = tpu.vector_load %arg11[%get3A_350, %get3A_351] {strides = array<i32>} : memref<32x128xf32, #tpu.memory_space<vmem>>, vector<16xf32>,
    %add3A_353 = arith.addf %add3A_348, %get3A_352 : vector<16xf32>
    %get3A_354 = arith.constant 5 : i32
    %get3A_355 = arith.index_cast %get3A_354 : i32 to index
    %get3A_356 = arith.constant 32 : index
    %get3A_357 = tpu.vector_load %arg11[%get3A_355, %get3A_356] {strides = array<i32>} : memref<32x128xf32, #tpu.memory_space<vmem>>, vector<16xf32>,
    %add3A_358 = arith.addf %add3A_353, %get3A_357 : vector<16xf32>
    %get3A_359 = arith.constant 6 : i32
    %get3A_360 = arith.index_cast %get3A_359 : i32 to index
    %get3A_361 = arith.constant 32 : index
    %get3A_362 = tpu.vector_load %arg11[%get3A_360, %get3A_361] {strides = array<i32>} : memref<32x128xf32, #tpu.memory_space<vmem>>, vector<16xf32>,
    %add3A_363 = arith.addf %add3A_358, %get3A_362 : vector<16xf32>
    %get3A_364 = arith.constant 7 : i32
    %get3A_365 = arith.index_cast %get3A_364 : i32 to index
    %get3A_366 = arith.constant 32 : index
    %get3A_367 = tpu.vector_load %arg11[%get3A_365, %get3A_366] {strides = array<i32>} : memref<32x128xf32, #tpu.memory_space<vmem>>, vector<16xf32>,
    %add3A_368 = arith.addf %add3A_363, %get3A_367 : vector<16xf32>
    %get3A_369 = arith.constant 8 : i32
    %get3A_370 = arith.index_cast %get3A_369 : i32 to index
    %get3A_371 = arith.constant 32 : index
    %get3A_372 = tpu.vector_load %arg11[%get3A_370, %get3A_371] {strides = array<i32>} : memref<32x128xf32, #tpu.memory_space<vmem>>, vector<16xf32>,
    %add3A_373 = arith.addf %add3A_368, %get3A_372 : vector<16xf32>
    %get3A_374 = arith.constant 9 : i32
    %get3A_375 = arith.index_cast %get3A_374 : i32 to index
    %get3A_376 = arith.constant 32 : index
    %get3A_377 = tpu.vector_load %arg11[%get3A_375, %get3A_376] {strides = array<i32>} : memref<32x128xf32, #tpu.memory_space<vmem>>, vector<16xf32>,
    %add3A_378 = arith.addf %add3A_373, %get3A_377 : vector<16xf32>
    %get3A_379 = arith.constant 10 : i32
    %get3A_380 = arith.index_cast %get3A_379 : i32 to index
    %get3A_381 = arith.constant 32 : index
    %get3A_382 = tpu.vector_load %arg11[%get3A_380, %get3A_381] {strides = array<i32>} : memref<32x128xf32, #tpu.memory_space<vmem>>, vector<16xf32>,
    %add3A_383 = arith.addf %add3A_378, %get3A_382 : vector<16xf32>
    %get3A_384 = arith.constant 11 : i32
    %get3A_385 = arith.index_cast %get3A_384 : i32 to index
    %get3A_386 = arith.constant 32 : index
    %get3A_387 = tpu.vector_load %arg11[%get3A_385, %get3A_386] {strides = array<i32>} : memref<32x128xf32, #tpu.memory_space<vmem>>, vector<16xf32>,
    %add3A_388 = arith.addf %add3A_383, %get3A_387 : vector<16xf32>
    %get3A_389 = arith.constant 12 : i32
    %get3A_390 = arith.index_cast %get3A_389 : i32 to index
    %get3A_391 = arith.constant 32 : index
    %get3A_392 = tpu.vector_load %arg11[%get3A_390, %get3A_391] {strides = array<i32>} : memref<32x128xf32, #tpu.memory_space<vmem>>, vector<16xf32>,
    %add3A_393 = arith.addf %add3A_388, %get3A_392 : vector<16xf32>
    %get3A_394 = arith.constant 13 : i32
    %get3A_395 = arith.index_cast %get3A_394 : i32 to index
    %get3A_396 = arith.constant 32 : index
    %get3A_397 = tpu.vector_load %arg11[%get3A_395, %get3A_396] {strides = array<i32>} : memref<32x128xf32, #tpu.memory_space<vmem>>, vector<16xf32>,
    %add3A_398 = arith.addf %add3A_393, %get3A_397 : vector<16xf32>
    %get3A_399 = arith.constant 14 : i32
    %get3A_400 = arith.index_cast %get3A_399 : i32 to index
    %get3A_401 = arith.constant 32 : index
    %get3A_402 = tpu.vector_load %arg11[%get3A_400, %get3A_401] {strides = array<i32>} : memref<32x128xf32, #tpu.memory_space<vmem>>, vector<16xf32>,
    %add3A_403 = arith.addf %add3A_398, %get3A_402 : vector<16xf32>
    %get3A_404 = arith.constant 15 : i32
    %get3A_405 = arith.index_cast %get3A_404 : i32 to index
    %get3A_406 = arith.constant 32 : index
    %get3A_407 = tpu.vector_load %arg11[%get3A_405, %get3A_406] {strides = array<i32>} : memref<32x128xf32, #tpu.memory_space<vmem>>, vector<16xf32>,
    %add3A_408 = arith.addf %add3A_403, %get3A_407 : vector<16xf32>
    %get3A_409 = arith.constant 16 : i32
    %get3A_410 = arith.index_cast %get3A_409 : i32 to index
    %get3A_411 = arith.constant 32 : index
    %get3A_412 = tpu.vector_load %arg11[%get3A_410, %get3A_411] {strides = array<i32>} : memref<32x128xf32, #tpu.memory_space<vmem>>, vector<16xf32>,
    %add3A_413 = arith.addf %add3A_408, %get3A_412 : vector<16xf32>
    %get3A_414 = arith.constant 17 : i32
    %get3A_415 = arith.index_cast %get3A_414 : i32 to index
    %get3A_416 = arith.constant 32 : index
    %get3A_417 = tpu.vector_load %arg11[%get3A_415, %get3A_416] {strides = array<i32>} : memref<32x128xf32, #tpu.memory_space<vmem>>, vector<16xf32>,
    %add3A_418 = arith.addf %add3A_413, %get3A_417 : vector<16xf32>
    %get3A_419 = arith.constant 18 : i32
    %get3A_420 = arith.index_cast %get3A_419 : i32 to index
    %get3A_421 = arith.constant 32 : index
    %get3A_422 = tpu.vector_load %arg11[%get3A_420, %get3A_421] {strides = array<i32>} : memref<32x128xf32, #tpu.memory_space<vmem>>, vector<16xf32>,
    %add3A_423 = arith.addf %add3A_418, %get3A_422 : vector<16xf32>
    %get3A_424 = arith.constant 19 : i32
    %get3A_425 = arith.index_cast %get3A_424 : i32 to index
    %get3A_426 = arith.constant 32 : index
    %get3A_427 = tpu.vector_load %arg11[%get3A_425, %get3A_426] {strides = array<i32>} : memref<32x128xf32, #tpu.memory_space<vmem>>, vector<16xf32>,
    %add3A_428 = arith.addf %add3A_423, %get3A_427 : vector<16xf32>
    %get3A_429 = arith.constant 20 : i32
    %get3A_430 = arith.index_cast %get3A_429 : i32 to index
    %get3A_431 = arith.constant 32 : index
    %get3A_432 = tpu.vector_load %arg11[%get3A_430, %get3A_431] {strides = array<i32>} : memref<32x128xf32, #tpu.memory_space<vmem>>, vector<16xf32>,
    %add3A_433 = arith.addf %add3A_428, %get3A_432 : vector<16xf32>
    %get3A_434 = arith.constant 21 : i32
    %get3A_435 = arith.index_cast %get3A_434 : i32 to index
    %get3A_436 = arith.constant 32 : index
    %get3A_437 = tpu.vector_load %arg11[%get3A_435, %get3A_436] {strides = array<i32>} : memref<32x128xf32, #tpu.memory_space<vmem>>, vector<16xf32>,
    %add3A_438 = arith.addf %add3A_433, %get3A_437 : vector<16xf32>
    %get3A_439 = arith.constant 22 : i32
    %get3A_440 = arith.index_cast %get3A_439 : i32 to index
    %get3A_441 = arith.constant 32 : index
    %get3A_442 = tpu.vector_load %arg11[%get3A_440, %get3A_441] {strides = array<i32>} : memref<32x128xf32, #tpu.memory_space<vmem>>, vector<16xf32>,
    %add3A_443 = arith.addf %add3A_438, %get3A_442 : vector<16xf32>
    %get3A_444 = arith.constant 23 : i32
    %get3A_445 = arith.index_cast %get3A_444 : i32 to index
    %get3A_446 = arith.constant 32 : index
    %get3A_447 = tpu.vector_load %arg11[%get3A_445, %get3A_446] {strides = array<i32>} : memref<32x128xf32, #tpu.memory_space<vmem>>, vector<16xf32>,
    %add3A_448 = arith.addf %add3A_443, %get3A_447 : vector<16xf32>
    %get3A_449 = arith.constant 24 : i32
    %get3A_450 = arith.index_cast %get3A_449 : i32 to index
    %get3A_451 = arith.constant 32 : index
    %get3A_452 = tpu.vector_load %arg11[%get3A_450, %get3A_451] {strides = array<i32>} : memref<32x128xf32, #tpu.memory_space<vmem>>, vector<16xf32>,
    %add3A_453 = arith.addf %add3A_448, %get3A_452 : vector<16xf32>
    %get3A_454 = arith.constant 25 : i32
    %get3A_455 = arith.index_cast %get3A_454 : i32 to index
    %get3A_456 = arith.constant 32 : index
    %get3A_457 = tpu.vector_load %arg11[%get3A_455, %get3A_456] {strides = array<i32>} : memref<32x128xf32, #tpu.memory_space<vmem>>, vector<16xf32>,
    %add3A_458 = arith.addf %add3A_453, %get3A_457 : vector<16xf32>
    %get3A_459 = arith.constant 26 : i32
    %get3A_460 = arith.index_cast %get3A_459 : i32 to index
    %get3A_461 = arith.constant 32 : index
    %get3A_462 = tpu.vector_load %arg11[%get3A_460, %get3A_461] {strides = array<i32>} : memref<32x128xf32, #tpu.memory_space<vmem>>, vector<16xf32>,
    %add3A_463 = arith.addf %add3A_458, %get3A_462 : vector<16xf32>
    %get3A_464 = arith.constant 27 : i32
    %get3A_465 = arith.index_cast %get3A_464 : i32 to index
    %get3A_466 = arith.constant 32 : index
    %get3A_467 = tpu.vector_load %arg11[%get3A_465, %get3A_466] {strides = array<i32>} : memref<32x128xf32, #tpu.memory_space<vmem>>, vector<16xf32>,
    %add3A_468 = arith.addf %add3A_463, %get3A_467 : vector<16xf32>
    %get3A_469 = arith.constant 28 : i32
    %get3A_470 = arith.index_cast %get3A_469 : i32 to index
    %get3A_471 = arith.constant 32 : index
    %get3A_472 = tpu.vector_load %arg11[%get3A_470, %get3A_471] {strides = array<i32>} : memref<32x128xf32, #tpu.memory_space<vmem>>, vector<16xf32>,
    %add3A_473 = arith.addf %add3A_468, %get3A_472 : vector<16xf32>
    %get3A_474 = arith.constant 29 : i32
    %get3A_475 = arith.index_cast %get3A_474 : i32 to index
    %get3A_476 = arith.constant 32 : index
    %get3A_477 = tpu.vector_load %arg11[%get3A_475, %get3A_476] {strides = array<i32>} : memref<32x128xf32, #tpu.memory_space<vmem>>, vector<16xf32>,
    %add3A_478 = arith.addf %add3A_473, %get3A_477 : vector<16xf32>
    %get3A_479 = arith.constant 30 : i32
    %get3A_480 = arith.index_cast %get3A_479 : i32 to index
    %get3A_481 = arith.constant 32 : index
    %get3A_482 = tpu.vector_load %arg11[%get3A_480, %get3A_481] {strides = array<i32>} : memref<32x128xf32, #tpu.memory_space<vmem>>, vector<16xf32>,
    %add3A_483 = arith.addf %add3A_478, %get3A_482 : vector<16xf32>
    %get3A_484 = arith.constant 31 : i32
    %get3A_485 = arith.index_cast %get3A_484 : i32 to index
    %get3A_486 = arith.constant 32 : index
    %get3A_487 = tpu.vector_load %arg11[%get3A_485, %get3A_486] {strides = array<i32>} : memref<32x128xf32, #tpu.memory_space<vmem>>, vector<16xf32>,
    %add3A_488 = arith.addf %add3A_483, %get3A_487 : vector<16xf32>
    %get3A_489 = arith.constant 0 : i32
    %get3A_490 = arith.index_cast %get3A_489 : i32 to index
    %get3A_491 = arith.constant 48 : index
    %get3A_492 = tpu.vector_load %arg11[%get3A_490, %get3A_491] {strides = array<i32>} : memref<32x128xf32, #tpu.memory_space<vmem>>, vector<16xf32>,
    %add3A_493 = arith.addf %broadcast_in_dim3A_5, %get3A_492 : vector<16xf32>
    %get3A_494 = arith.constant 1 : i32
    %get3A_495 = arith.index_cast %get3A_494 : i32 to index
    %get3A_496 = arith.constant 48 : index
    %get3A_497 = tpu.vector_load %arg11[%get3A_495, %get3A_496] {strides = array<i32>} : memref<32x128xf32, #tpu.memory_space<vmem>>, vector<16xf32>,
    %add3A_498 = arith.addf %add3A_493, %get3A_497 : vector<16xf32>
    %get3A_499 = arith.constant 2 : i32
    %get3A_500 = arith.index_cast %get3A_499 : i32 to index
    %get3A_501 = arith.constant 48 : index
    %get3A_502 = tpu.vector_load %arg11[%get3A_500, %get3A_501] {strides = array<i32>} : memref<32x128xf32, #tpu.memory_space<vmem>>, vector<16xf32>,
    %add3A_503 = arith.addf %add3A_498, %get3A_502 : vector<16xf32>
    %get3A_504 = arith.constant 3 : i32
    %get3A_505 = arith.index_cast %get3A_504 : i32 to index
    %get3A_506 = arith.constant 48 : index
    %get3A_507 = tpu.vector_load %arg11[%get3A_505, %get3A_506] {strides = array<i32>} : memref<32x128xf32, #tpu.memory_space<vmem>>, vector<16xf32>,
    %add3A_508 = arith.addf %add3A_503, %get3A_507 : vector<16xf32>
    %get3A_509 = arith.constant 4 : i32
    %get3A_510 = arith.index_cast %get3A_509 : i32 to index
    %get3A_511 = arith.constant 48 : index
    %get3A_512 = tpu.vector_load %arg11[%get3A_510, %get3A_511] {strides = array<i32>} : memref<32x128xf32, #tpu.memory_space<vmem>>, vector<16xf32>,
    %add3A_513 = arith.addf %add3A_508, %get3A_512 : vector<16xf32>
    %get3A_514 = arith.constant 5 : i32
    %get3A_515 = arith.index_cast %get3A_514 : i32 to index
    %get3A_516 = arith.constant 48 : index
    %get3A_517 = tpu.vector_load %arg11[%get3A_515, %get3A_516] {strides = array<i32>} : memref<32x128xf32, #tpu.memory_space<vmem>>, vector<16xf32>,
    %add3A_518 = arith.addf %add3A_513, %get3A_517 : vector<16xf32>
    %get3A_519 = arith.constant 6 : i32
    %get3A_520 = arith.index_cast %get3A_519 : i32 to index
    %get3A_521 = arith.constant 48 : index
    %get3A_522 = tpu.vector_load %arg11[%get3A_520, %get3A_521] {strides = array<i32>} : memref<32x128xf32, #tpu.memory_space<vmem>>, vector<16xf32>,
    %add3A_523 = arith.addf %add3A_518, %get3A_522 : vector<16xf32>
    %get3A_524 = arith.constant 7 : i32
    %get3A_525 = arith.index_cast %get3A_524 : i32 to index
    %get3A_526 = arith.constant 48 : index
    %get3A_527 = tpu.vector_load %arg11[%get3A_525, %get3A_526] {strides = array<i32>} : memref<32x128xf32, #tpu.memory_space<vmem>>, vector<16xf32>,
    %add3A_528 = arith.addf %add3A_523, %get3A_527 : vector<16xf32>
    %get3A_529 = arith.constant 8 : i32
    %get3A_530 = arith.index_cast %get3A_529 : i32 to index
    %get3A_531 = arith.constant 48 : index
    %get3A_532 = tpu.vector_load %arg11[%get3A_530, %get3A_531] {strides = array<i32>} : memref<32x128xf32, #tpu.memory_space<vmem>>, vector<16xf32>,
    %add3A_533 = arith.addf %add3A_528, %get3A_532 : vector<16xf32>
    %get3A_534 = arith.constant 9 : i32
    %get3A_535 = arith.index_cast %get3A_534 : i32 to index
    %get3A_536 = arith.constant 48 : index
    %get3A_537 = tpu.vector_load %arg11[%get3A_535, %get3A_536] {strides = array<i32>} : memref<32x128xf32, #tpu.memory_space<vmem>>, vector<16xf32>,
    %add3A_538 = arith.addf %add3A_533, %get3A_537 : vector<16xf32>
    %get3A_539 = arith.constant 10 : i32
    %get3A_540 = arith.index_cast %get3A_539 : i32 to index
    %get3A_541 = arith.constant 48 : index
    %get3A_542 = tpu.vector_load %arg11[%get3A_540, %get3A_541] {strides = array<i32>} : memref<32x128xf32, #tpu.memory_space<vmem>>, vector<16xf32>,
    %add3A_543 = arith.addf %add3A_538, %get3A_542 : vector<16xf32>
    %get3A_544 = arith.constant 11 : i32
    %get3A_545 = arith.index_cast %get3A_544 : i32 to index
    %get3A_546 = arith.constant 48 : index
    %get3A_547 = tpu.vector_load %arg11[%get3A_545, %get3A_546] {strides = array<i32>} : memref<32x128xf32, #tpu.memory_space<vmem>>, vector<16xf32>,
    %add3A_548 = arith.addf %add3A_543, %get3A_547 : vector<16xf32>
    %get3A_549 = arith.constant 12 : i32
    %get3A_550 = arith.index_cast %get3A_549 : i32 to index
    %get3A_551 = arith.constant 48 : index
    %get3A_552 = tpu.vector_load %arg11[%get3A_550, %get3A_551] {strides = array<i32>} : memref<32x128xf32, #tpu.memory_space<vmem>>, vector<16xf32>,
    %add3A_553 = arith.addf %add3A_548, %get3A_552 : vector<16xf32>
    %get3A_554 = arith.constant 13 : i32
    %get3A_555 = arith.index_cast %get3A_554 : i32 to index
    %get3A_556 = arith.constant 48 : index
    %get3A_557 = tpu.vector_load %arg11[%get3A_555, %get3A_556] {strides = array<i32>} : memref<32x128xf32, #tpu.memory_space<vmem>>, vector<16xf32>,
    %add3A_558 = arith.addf %add3A_553, %get3A_557 : vector<16xf32>
    %get3A_559 = arith.constant 14 : i32
    %get3A_560 = arith.index_cast %get3A_559 : i32 to index
    %get3A_561 = arith.constant 48 : index
    %get3A_562 = tpu.vector_load %arg11[%get3A_560, %get3A_561] {strides = array<i32>} : memref<32x128xf32, #tpu.memory_space<vmem>>, vector<16xf32>,
    %add3A_563 = arith.addf %add3A_558, %get3A_562 : vector<16xf32>
    %get3A_564 = arith.constant 15 : i32
    %get3A_565 = arith.index_cast %get3A_564 : i32 to index
    %get3A_566 = arith.constant 48 : index
    %get3A_567 = tpu.vector_load %arg11[%get3A_565, %get3A_566] {strides = array<i32>} : memref<32x128xf32, #tpu.memory_space<vmem>>, vector<16xf32>,
    %add3A_568 = arith.addf %add3A_563, %get3A_567 : vector<16xf32>
    %get3A_569 = arith.constant 16 : i32
    %get3A_570 = arith.index_cast %get3A_569 : i32 to index
    %get3A_571 = arith.constant 48 : index
    %get3A_572 = tpu.vector_load %arg11[%get3A_570, %get3A_571] {strides = array<i32>} : memref<32x128xf32, #tpu.memory_space<vmem>>, vector<16xf32>,
    %add3A_573 = arith.addf %add3A_568, %get3A_572 : vector<16xf32>
    %get3A_574 = arith.constant 17 : i32
    %get3A_575 = arith.index_cast %get3A_574 : i32 to index
    %get3A_576 = arith.constant 48 : index
    %get3A_577 = tpu.vector_load %arg11[%get3A_575, %get3A_576] {strides = array<i32>} : memref<32x128xf32, #tpu.memory_space<vmem>>, vector<16xf32>,
    %add3A_578 = arith.addf %add3A_573, %get3A_577 : vector<16xf32>
    %get3A_579 = arith.constant 18 : i32
    %get3A_580 = arith.index_cast %get3A_579 : i32 to index
    %get3A_581 = arith.constant 48 : index
    %get3A_582 = tpu.vector_load %arg11[%get3A_580, %get3A_581] {strides = array<i32>} : memref<32x128xf32, #tpu.memory_space<vmem>>, vector<16xf32>,
    %add3A_583 = arith.addf %add3A_578, %get3A_582 : vector<16xf32>
    %get3A_584 = arith.constant 19 : i32
    %get3A_585 = arith.index_cast %get3A_584 : i32 to index
    %get3A_586 = arith.constant 48 : index
    %get3A_587 = tpu.vector_load %arg11[%get3A_585, %get3A_586] {strides = array<i32>} : memref<32x128xf32, #tpu.memory_space<vmem>>, vector<16xf32>,
    %add3A_588 = arith.addf %add3A_583, %get3A_587 : vector<16xf32>
    %get3A_589 = arith.constant 20 : i32
    %get3A_590 = arith.index_cast %get3A_589 : i32 to index
    %get3A_591 = arith.constant 48 : index
    %get3A_592 = tpu.vector_load %arg11[%get3A_590, %get3A_591] {strides = array<i32>} : memref<32x128xf32, #tpu.memory_space<vmem>>, vector<16xf32>,
    %add3A_593 = arith.addf %add3A_588, %get3A_592 : vector<16xf32>
    %get3A_594 = arith.constant 21 : i32
    %get3A_595 = arith.index_cast %get3A_594 : i32 to index
    %get3A_596 = arith.constant 48 : index
    %get3A_597 = tpu.vector_load %arg11[%get3A_595, %get3A_596] {strides = array<i32>} : memref<32x128xf32, #tpu.memory_space<vmem>>, vector<16xf32>,
    %add3A_598 = arith.addf %add3A_593, %get3A_597 : vector<16xf32>
    %get3A_599 = arith.constant 22 : i32
    %get3A_600 = arith.index_cast %get3A_599 : i32 to index
    %get3A_601 = arith.constant 48 : index
    %get3A_602 = tpu.vector_load %arg11[%get3A_600, %get3A_601] {strides = array<i32>} : memref<32x128xf32, #tpu.memory_space<vmem>>, vector<16xf32>,
    %add3A_603 = arith.addf %add3A_598, %get3A_602 : vector<16xf32>
    %get3A_604 = arith.constant 23 : i32
    %get3A_605 = arith.index_cast %get3A_604 : i32 to index
    %get3A_606 = arith.constant 48 : index
    %get3A_607 = tpu.vector_load %arg11[%get3A_605, %get3A_606] {strides = array<i32>} : memref<32x128xf32, #tpu.memory_space<vmem>>, vector<16xf32>,
    %add3A_608 = arith.addf %add3A_603, %get3A_607 : vector<16xf32>
    %get3A_609 = arith.constant 24 : i32
    %get3A_610 = arith.index_cast %get3A_609 : i32 to index
    %get3A_611 = arith.constant 48 : index
    %get3A_612 = tpu.vector_load %arg11[%get3A_610, %get3A_611] {strides = array<i32>} : memref<32x128xf32, #tpu.memory_space<vmem>>, vector<16xf32>,
    %add3A_613 = arith.addf %add3A_608, %get3A_612 : vector<16xf32>
    %get3A_614 = arith.constant 25 : i32
    %get3A_615 = arith.index_cast %get3A_614 : i32 to index
    %get3A_616 = arith.constant 48 : index
    %get3A_617 = tpu.vector_load %arg11[%get3A_615, %get3A_616] {strides = array<i32>} : memref<32x128xf32, #tpu.memory_space<vmem>>, vector<16xf32>,
    %add3A_618 = arith.addf %add3A_613, %get3A_617 : vector<16xf32>
    %get3A_619 = arith.constant 26 : i32
    %get3A_620 = arith.index_cast %get3A_619 : i32 to index
    %get3A_621 = arith.constant 48 : index
    %get3A_622 = tpu.vector_load %arg11[%get3A_620, %get3A_621] {strides = array<i32>} : memref<32x128xf32, #tpu.memory_space<vmem>>, vector<16xf32>,
    %add3A_623 = arith.addf %add3A_618, %get3A_622 : vector<16xf32>
    %get3A_624 = arith.constant 27 : i32
    %get3A_625 = arith.index_cast %get3A_624 : i32 to index
    %get3A_626 = arith.constant 48 : index
    %get3A_627 = tpu.vector_load %arg11[%get3A_625, %get3A_626] {strides = array<i32>} : memref<32x128xf32, #tpu.memory_space<vmem>>, vector<16xf32>,
    %add3A_628 = arith.addf %add3A_623, %get3A_627 : vector<16xf32>
    %get3A_629 = arith.constant 28 : i32
    %get3A_630 = arith.index_cast %get3A_629 : i32 to index
    %get3A_631 = arith.constant 48 : index
    %get3A_632 = tpu.vector_load %arg11[%get3A_630, %get3A_631] {strides = array<i32>} : memref<32x128xf32, #tpu.memory_space<vmem>>, vector<16xf32>,
    %add3A_633 = arith.addf %add3A_628, %get3A_632 : vector<16xf32>
    %get3A_634 = arith.constant 29 : i32
    %get3A_635 = arith.index_cast %get3A_634 : i32 to index
    %get3A_636 = arith.constant 48 : index
    %get3A_637 = tpu.vector_load %arg11[%get3A_635, %get3A_636] {strides = array<i32>} : memref<32x128xf32, #tpu.memory_space<vmem>>, vector<16xf32>,
    %add3A_638 = arith.addf %add3A_633, %get3A_637 : vector<16xf32>
    %get3A_639 = arith.constant 30 : i32
    %get3A_640 = arith.index_cast %get3A_639 : i32 to index
    %get3A_641 = arith.constant 48 : index
    %get3A_642 = tpu.vector_load %arg11[%get3A_640, %get3A_641] {strides = array<i32>} : memref<32x128xf32, #tpu.memory_space<vmem>>, vector<16xf32>,
    %add3A_643 = arith.addf %add3A_638, %get3A_642 : vector<16xf32>
    %get3A_644 = arith.constant 31 : i32
    %get3A_645 = arith.index_cast %get3A_644 : i32 to index
    %get3A_646 = arith.constant 48 : index
    %get3A_647 = tpu.vector_load %arg11[%get3A_645, %get3A_646] {strides = array<i32>} : memref<32x128xf32, #tpu.memory_space<vmem>>, vector<16xf32>,
    %add3A_648 = arith.addf %add3A_643, %get3A_647 : vector<16xf32>
    %get3A_649 = arith.constant 0 : i32
    %get3A_650 = arith.index_cast %get3A_649 : i32 to index
    %get3A_651 = arith.constant 64 : index
    %get3A_652 = tpu.vector_load %arg11[%get3A_650, %get3A_651] {strides = array<i32>} : memref<32x128xf32, #tpu.memory_space<vmem>>, vector<16xf32>,
    %add3A_653 = arith.addf %broadcast_in_dim3A_5, %get3A_652 : vector<16xf32>
    %get3A_654 = arith.constant 1 : i32
    %get3A_655 = arith.index_cast %get3A_654 : i32 to index
    %get3A_656 = arith.constant 64 : index
    %get3A_657 = tpu.vector_load %arg11[%get3A_655, %get3A_656] {strides = array<i32>} : memref<32x128xf32, #tpu.memory_space<vmem>>, vector<16xf32>,
    %add3A_658 = arith.addf %add3A_653, %get3A_657 : vector<16xf32>
    %get3A_659 = arith.constant 2 : i32
    %get3A_660 = arith.index_cast %get3A_659 : i32 to index
    %get3A_661 = arith.constant 64 : index
    %get3A_662 = tpu.vector_load %arg11[%get3A_660, %get3A_661] {strides = array<i32>} : memref<32x128xf32, #tpu.memory_space<vmem>>, vector<16xf32>,
    %add3A_663 = arith.addf %add3A_658, %get3A_662 : vector<16xf32>
    %get3A_664 = arith.constant 3 : i32
    %get3A_665 = arith.index_cast %get3A_664 : i32 to index
    %get3A_666 = arith.constant 64 : index
    %get3A_667 = tpu.vector_load %arg11[%get3A_665, %get3A_666] {strides = array<i32>} : memref<32x128xf32, #tpu.memory_space<vmem>>, vector<16xf32>,
    %add3A_668 = arith.addf %add3A_663, %get3A_667 : vector<16xf32>
    %get3A_669 = arith.constant 4 : i32
    %get3A_670 = arith.index_cast %get3A_669 : i32 to index
    %get3A_671 = arith.constant 64 : index
    %get3A_672 = tpu.vector_load %arg11[%get3A_670, %get3A_671] {strides = array<i32>} : memref<32x128xf32, #tpu.memory_space<vmem>>, vector<16xf32>,
    %add3A_673 = arith.addf %add3A_668, %get3A_672 : vector<16xf32>
    %get3A_674 = arith.constant 5 : i32
    %get3A_675 = arith.index_cast %get3A_674 : i32 to index
    %get3A_676 = arith.constant 64 : index
    %get3A_677 = tpu.vector_load %arg11[%get3A_675, %get3A_676] {strides = array<i32>} : memref<32x128xf32, #tpu.memory_space<vmem>>, vector<16xf32>,
    %add3A_678 = arith.addf %add3A_673, %get3A_677 : vector<16xf32>
    %get3A_679 = arith.constant 6 : i32
    %get3A_680 = arith.index_cast %get3A_679 : i32 to index
    %get3A_681 = arith.constant 64 : index
    %get3A_682 = tpu.vector_load %arg11[%get3A_680, %get3A_681] {strides = array<i32>} : memref<32x128xf32, #tpu.memory_space<vmem>>, vector<16xf32>,
    %add3A_683 = arith.addf %add3A_678, %get3A_682 : vector<16xf32>
    %get3A_684 = arith.constant 7 : i32
    %get3A_685 = arith.index_cast %get3A_684 : i32 to index
    %get3A_686 = arith.constant 64 : index
    %get3A_687 = tpu.vector_load %arg11[%get3A_685, %get3A_686] {strides = array<i32>} : memref<32x128xf32, #tpu.memory_space<vmem>>, vector<16xf32>,
    %add3A_688 = arith.addf %add3A_683, %get3A_687 : vector<16xf32>
    %get3A_689 = arith.constant 8 : i32
    %get3A_690 = arith.index_cast %get3A_689 : i32 to index
    %get3A_691 = arith.constant 64 : index
    %get3A_692 = tpu.vector_load %arg11[%get3A_690, %get3A_691] {strides = array<i32>} : memref<32x128xf32, #tpu.memory_space<vmem>>, vector<16xf32>,
    %add3A_693 = arith.addf %add3A_688, %get3A_692 : vector<16xf32>
    %get3A_694 = arith.constant 9 : i32
    %get3A_695 = arith.index_cast %get3A_694 : i32 to index
    %get3A_696 = arith.constant 64 : index
    %get3A_697 = tpu.vector_load %arg11[%get3A_695, %get3A_696] {strides = array<i32>} : memref<32x128xf32, #tpu.memory_space<vmem>>, vector<16xf32>,
    %add3A_698 = arith.addf %add3A_693, %get3A_697 : vector<16xf32>
    %get3A_699 = arith.constant 10 : i32
    %get3A_700 = arith.index_cast %get3A_699 : i32 to index
    %get3A_701 = arith.constant 64 : index
    %get3A_702 = tpu.vector_load %arg11[%get3A_700, %get3A_701] {strides = array<i32>} : memref<32x128xf32, #tpu.memory_space<vmem>>, vector<16xf32>,
    %add3A_703 = arith.addf %add3A_698, %get3A_702 : vector<16xf32>
    %get3A_704 = arith.constant 11 : i32
    %get3A_705 = arith.index_cast %get3A_704 : i32 to index
    %get3A_706 = arith.constant 64 : index
    %get3A_707 = tpu.vector_load %arg11[%get3A_705, %get3A_706] {strides = array<i32>} : memref<32x128xf32, #tpu.memory_space<vmem>>, vector<16xf32>,
    %add3A_708 = arith.addf %add3A_703, %get3A_707 : vector<16xf32>
    %get3A_709 = arith.constant 12 : i32
    %get3A_710 = arith.index_cast %get3A_709 : i32 to index
    %get3A_711 = arith.constant 64 : index
    %get3A_712 = tpu.vector_load %arg11[%get3A_710, %get3A_711] {strides = array<i32>} : memref<32x128xf32, #tpu.memory_space<vmem>>, vector<16xf32>,
    %add3A_713 = arith.addf %add3A_708, %get3A_712 : vector<16xf32>
    %get3A_714 = arith.constant 13 : i32
    %get3A_715 = arith.index_cast %get3A_714 : i32 to index
    %get3A_716 = arith.constant 64 : index
    %get3A_717 = tpu.vector_load %arg11[%get3A_715, %get3A_716] {strides = array<i32>} : memref<32x128xf32, #tpu.memory_space<vmem>>, vector<16xf32>,
    %add3A_718 = arith.addf %add3A_713, %get3A_717 : vector<16xf32>
    %get3A_719 = arith.constant 14 : i32
    %get3A_720 = arith.index_cast %get3A_719 : i32 to index
    %get3A_721 = arith.constant 64 : index
    %get3A_722 = tpu.vector_load %arg11[%get3A_720, %get3A_721] {strides = array<i32>} : memref<32x128xf32, #tpu.memory_space<vmem>>, vector<16xf32>,
    %add3A_723 = arith.addf %add3A_718, %get3A_722 : vector<16xf32>
    %get3A_724 = arith.constant 15 : i32
    %get3A_725 = arith.index_cast %get3A_724 : i32 to index
    %get3A_726 = arith.constant 64 : index
    %get3A_727 = tpu.vector_load %arg11[%get3A_725, %get3A_726] {strides = array<i32>} : memref<32x128xf32, #tpu.memory_space<vmem>>, vector<16xf32>,
    %add3A_728 = arith.addf %add3A_723, %get3A_727 : vector<16xf32>
    %get3A_729 = arith.constant 16 : i32
    %get3A_730 = arith.index_cast %get3A_729 : i32 to index
    %get3A_731 = arith.constant 64 : index
    %get3A_732 = tpu.vector_load %arg11[%get3A_730, %get3A_731] {strides = array<i32>} : memref<32x128xf32, #tpu.memory_space<vmem>>, vector<16xf32>,
    %add3A_733 = arith.addf %add3A_728, %get3A_732 : vector<16xf32>
    %get3A_734 = arith.constant 17 : i32
    %get3A_735 = arith.index_cast %get3A_734 : i32 to index
    %get3A_736 = arith.constant 64 : index
    %get3A_737 = tpu.vector_load %arg11[%get3A_735, %get3A_736] {strides = array<i32>} : memref<32x128xf32, #tpu.memory_space<vmem>>, vector<16xf32>,
    %add3A_738 = arith.addf %add3A_733, %get3A_737 : vector<16xf32>
    %get3A_739 = arith.constant 18 : i32
    %get3A_740 = arith.index_cast %get3A_739 : i32 to index
    %get3A_741 = arith.constant 64 : index
    %get3A_742 = tpu.vector_load %arg11[%get3A_740, %get3A_741] {strides = array<i32>} : memref<32x128xf32, #tpu.memory_space<vmem>>, vector<16xf32>,
    %add3A_743 = arith.addf %add3A_738, %get3A_742 : vector<16xf32>
    %get3A_744 = arith.constant 19 : i32
    %get3A_745 = arith.index_cast %get3A_744 : i32 to index
    %get3A_746 = arith.constant 64 : index
    %get3A_747 = tpu.vector_load %arg11[%get3A_745, %get3A_746] {strides = array<i32>} : memref<32x128xf32, #tpu.memory_space<vmem>>, vector<16xf32>,
    %add3A_748 = arith.addf %add3A_743, %get3A_747 : vector<16xf32>
    %get3A_749 = arith.constant 20 : i32
    %get3A_750 = arith.index_cast %get3A_749 : i32 to index
    %get3A_751 = arith.constant 64 : index
    %get3A_752 = tpu.vector_load %arg11[%get3A_750, %get3A_751] {strides = array<i32>} : memref<32x128xf32, #tpu.memory_space<vmem>>, vector<16xf32>,
    %add3A_753 = arith.addf %add3A_748, %get3A_752 : vector<16xf32>
    %get3A_754 = arith.constant 21 : i32
    %get3A_755 = arith.index_cast %get3A_754 : i32 to index
    %get3A_756 = arith.constant 64 : index
    %get3A_757 = tpu.vector_load %arg11[%get3A_755, %get3A_756] {strides = array<i32>} : memref<32x128xf32, #tpu.memory_space<vmem>>, vector<16xf32>,
    %add3A_758 = arith.addf %add3A_753, %get3A_757 : vector<16xf32>
    %get3A_759 = arith.constant 22 : i32
    %get3A_760 = arith.index_cast %get3A_759 : i32 to index
    %get3A_761 = arith.constant 64 : index
    %get3A_762 = tpu.vector_load %arg11[%get3A_760, %get3A_761] {strides = array<i32>} : memref<32x128xf32, #tpu.memory_space<vmem>>, vector<16xf32>,
    %add3A_763 = arith.addf %add3A_758, %get3A_762 : vector<16xf32>
    %get3A_764 = arith.constant 23 : i32
    %get3A_765 = arith.index_cast %get3A_764 : i32 to index
    %get3A_766 = arith.constant 64 : index
    %get3A_767 = tpu.vector_load %arg11[%get3A_765, %get3A_766] {strides = array<i32>} : memref<32x128xf32, #tpu.memory_space<vmem>>, vector<16xf32>,
    %add3A_768 = arith.addf %add3A_763, %get3A_767 : vector<16xf32>
    %get3A_769 = arith.constant 24 : i32
    %get3A_770 = arith.index_cast %get3A_769 : i32 to index
    %get3A_771 = arith.constant 64 : index
    %get3A_772 = tpu.vector_load %arg11[%get3A_770, %get3A_771] {strides = array<i32>} : memref<32x128xf32, #tpu.memory_space<vmem>>, vector<16xf32>,
    %add3A_773 = arith.addf %add3A_768, %get3A_772 : vector<16xf32>
    %get3A_774 = arith.constant 25 : i32
    %get3A_775 = arith.index_cast %get3A_774 : i32 to index
    %get3A_776 = arith.constant 64 : index
    %get3A_777 = tpu.vector_load %arg11[%get3A_775, %get3A_776] {strides = array<i32>} : memref<32x128xf32, #tpu.memory_space<vmem>>, vector<16xf32>,
    %add3A_778 = arith.addf %add3A_773, %get3A_777 : vector<16xf32>
    %get3A_779 = arith.constant 26 : i32
    %get3A_780 = arith.index_cast %get3A_779 : i32 to index
    %get3A_781 = arith.constant 64 : index
    %get3A_782 = tpu.vector_load %arg11[%get3A_780, %get3A_781] {strides = array<i32>} : memref<32x128xf32, #tpu.memory_space<vmem>>, vector<16xf32>,
    %add3A_783 = arith.addf %add3A_778, %get3A_782 : vector<16xf32>
    %get3A_784 = arith.constant 27 : i32
    %get3A_785 = arith.index_cast %get3A_784 : i32 to index
    %get3A_786 = arith.constant 64 : index
    %get3A_787 = tpu.vector_load %arg11[%get3A_785, %get3A_786] {strides = array<i32>} : memref<32x128xf32, #tpu.memory_space<vmem>>, vector<16xf32>,
    %add3A_788 = arith.addf %add3A_783, %get3A_787 : vector<16xf32>
    %get3A_789 = arith.constant 28 : i32
    %get3A_790 = arith.index_cast %get3A_789 : i32 to index
    %get3A_791 = arith.constant 64 : index
    %get3A_792 = tpu.vector_load %arg11[%get3A_790, %get3A_791] {strides = array<i32>} : memref<32x128xf32, #tpu.memory_space<vmem>>, vector<16xf32>,
    %add3A_793 = arith.addf %add3A_788, %get3A_792 : vector<16xf32>
    %get3A_794 = arith.constant 29 : i32
    %get3A_795 = arith.index_cast %get3A_794 : i32 to index
    %get3A_796 = arith.constant 64 : index
    %get3A_797 = tpu.vector_load %arg11[%get3A_795, %get3A_796] {strides = array<i32>} : memref<32x128xf32, #tpu.memory_space<vmem>>, vector<16xf32>,
    %add3A_798 = arith.addf %add3A_793, %get3A_797 : vector<16xf32>
    %get3A_799 = arith.constant 30 : i32
    %get3A_800 = arith.index_cast %get3A_799 : i32 to index
    %get3A_801 = arith.constant 64 : index
    %get3A_802 = tpu.vector_load %arg11[%get3A_800, %get3A_801] {strides = array<i32>} : memref<32x128xf32, #tpu.memory_space<vmem>>, vector<16xf32>,
    %add3A_803 = arith.addf %add3A_798, %get3A_802 : vector<16xf32>
    %get3A_804 = arith.constant 31 : i32
    %get3A_805 = arith.index_cast %get3A_804 : i32 to index
    %get3A_806 = arith.constant 64 : index
    %get3A_807 = tpu.vector_load %arg11[%get3A_805, %get3A_806] {strides = array<i32>} : memref<32x128xf32, #tpu.memory_space<vmem>>, vector<16xf32>,
    %add3A_808 = arith.addf %add3A_803, %get3A_807 : vector<16xf32>
    %get3A_809 = arith.constant 0 : i32
    %get3A_810 = arith.index_cast %get3A_809 : i32 to index
    %get3A_811 = arith.constant 80 : index
    %get3A_812 = tpu.vector_load %arg11[%get3A_810, %get3A_811] {strides = array<i32>} : memref<32x128xf32, #tpu.memory_space<vmem>>, vector<16xf32>,
    %add3A_813 = arith.addf %broadcast_in_dim3A_5, %get3A_812 : vector<16xf32>
    %get3A_814 = arith.constant 1 : i32
    %get3A_815 = arith.index_cast %get3A_814 : i32 to index
    %get3A_816 = arith.constant 80 : index
    %get3A_817 = tpu.vector_load %arg11[%get3A_815, %get3A_816] {strides = array<i32>} : memref<32x128xf32, #tpu.memory_space<vmem>>, vector<16xf32>,
    %add3A_818 = arith.addf %add3A_813, %get3A_817 : vector<16xf32>
    %get3A_819 = arith.constant 2 : i32
    %get3A_820 = arith.index_cast %get3A_819 : i32 to index
    %get3A_821 = arith.constant 80 : index
    %get3A_822 = tpu.vector_load %arg11[%get3A_820, %get3A_821] {strides = array<i32>} : memref<32x128xf32, #tpu.memory_space<vmem>>, vector<16xf32>,
    %add3A_823 = arith.addf %add3A_818, %get3A_822 : vector<16xf32>
    %get3A_824 = arith.constant 3 : i32
    %get3A_825 = arith.index_cast %get3A_824 : i32 to index
    %get3A_826 = arith.constant 80 : index
    %get3A_827 = tpu.vector_load %arg11[%get3A_825, %get3A_826] {strides = array<i32>} : memref<32x128xf32, #tpu.memory_space<vmem>>, vector<16xf32>,
    %add3A_828 = arith.addf %add3A_823, %get3A_827 : vector<16xf32>
    %get3A_829 = arith.constant 4 : i32
    %get3A_830 = arith.index_cast %get3A_829 : i32 to index
    %get3A_831 = arith.constant 80 : index
    %get3A_832 = tpu.vector_load %arg11[%get3A_830, %get3A_831] {strides = array<i32>} : memref<32x128xf32, #tpu.memory_space<vmem>>, vector<16xf32>,
    %add3A_833 = arith.addf %add3A_828, %get3A_832 : vector<16xf32>
    %get3A_834 = arith.constant 5 : i32
    %get3A_835 = arith.index_cast %get3A_834 : i32 to index
    %get3A_836 = arith.constant 80 : index
    %get3A_837 = tpu.vector_load %arg11[%get3A_835, %get3A_836] {strides = array<i32>} : memref<32x128xf32, #tpu.memory_space<vmem>>, vector<16xf32>,
    %add3A_838 = arith.addf %add3A_833, %get3A_837 : vector<16xf32>
    %get3A_839 = arith.constant 6 : i32
    %get3A_840 = arith.index_cast %get3A_839 : i32 to index
    %get3A_841 = arith.constant 80 : index
    %get3A_842 = tpu.vector_load %arg11[%get3A_840, %get3A_841] {strides = array<i32>} : memref<32x128xf32, #tpu.memory_space<vmem>>, vector<16xf32>,
    %add3A_843 = arith.addf %add3A_838, %get3A_842 : vector<16xf32>
    %get3A_844 = arith.constant 7 : i32
    %get3A_845 = arith.index_cast %get3A_844 : i32 to index
    %get3A_846 = arith.constant 80 : index
    %get3A_847 = tpu.vector_load %arg11[%get3A_845, %get3A_846] {strides = array<i32>} : memref<32x128xf32, #tpu.memory_space<vmem>>, vector<16xf32>,
    %add3A_848 = arith.addf %add3A_843, %get3A_847 : vector<16xf32>
    %get3A_849 = arith.constant 8 : i32
    %get3A_850 = arith.index_cast %get3A_849 : i32 to index
    %get3A_851 = arith.constant 80 : index
    %get3A_852 = tpu.vector_load %arg11[%get3A_850, %get3A_851] {strides = array<i32>} : memref<32x128xf32, #tpu.memory_space<vmem>>, vector<16xf32>,
    %add3A_853 = arith.addf %add3A_848, %get3A_852 : vector<16xf32>
    %get3A_854 = arith.constant 9 : i32
    %get3A_855 = arith.index_cast %get3A_854 : i32 to index
    %get3A_856 = arith.constant 80 : index
    %get3A_857 = tpu.vector_load %arg11[%get3A_855, %get3A_856] {strides = array<i32>} : memref<32x128xf32, #tpu.memory_space<vmem>>, vector<16xf32>,
    %add3A_858 = arith.addf %add3A_853, %get3A_857 : vector<16xf32>
    %get3A_859 = arith.constant 10 : i32
    %get3A_860 = arith.index_cast %get3A_859 : i32 to index
    %get3A_861 = arith.constant 80 : index
    %get3A_862 = tpu.vector_load %arg11[%get3A_860, %get3A_861] {strides = array<i32>} : memref<32x128xf32, #tpu.memory_space<vmem>>, vector<16xf32>,
    %add3A_863 = arith.addf %add3A_858, %get3A_862 : vector<16xf32>
    %get3A_864 = arith.constant 11 : i32
    %get3A_865 = arith.index_cast %get3A_864 : i32 to index
    %get3A_866 = arith.constant 80 : index
    %get3A_867 = tpu.vector_load %arg11[%get3A_865, %get3A_866] {strides = array<i32>} : memref<32x128xf32, #tpu.memory_space<vmem>>, vector<16xf32>,
    %add3A_868 = arith.addf %add3A_863, %get3A_867 : vector<16xf32>
    %get3A_869 = arith.constant 12 : i32
    %get3A_870 = arith.index_cast %get3A_869 : i32 to index
    %get3A_871 = arith.constant 80 : index
    %get3A_872 = tpu.vector_load %arg11[%get3A_870, %get3A_871] {strides = array<i32>} : memref<32x128xf32, #tpu.memory_space<vmem>>, vector<16xf32>,
    %add3A_873 = arith.addf %add3A_868, %get3A_872 : vector<16xf32>
    %get3A_874 = arith.constant 13 : i32
    %get3A_875 = arith.index_cast %get3A_874 : i32 to index
    %get3A_876 = arith.constant 80 : index
    %get3A_877 = tpu.vector_load %arg11[%get3A_875, %get3A_876] {strides = array<i32>} : memref<32x128xf32, #tpu.memory_space<vmem>>, vector<16xf32>,
    %add3A_878 = arith.addf %add3A_873, %get3A_877 : vector<16xf32>
    %get3A_879 = arith.constant 14 : i32
    %get3A_880 = arith.index_cast %get3A_879 : i32 to index
    %get3A_881 = arith.constant 80 : index
    %get3A_882 = tpu.vector_load %arg11[%get3A_880, %get3A_881] {strides = array<i32>} : memref<32x128xf32, #tpu.memory_space<vmem>>, vector<16xf32>,
    %add3A_883 = arith.addf %add3A_878, %get3A_882 : vector<16xf32>
    %get3A_884 = arith.constant 15 : i32
    %get3A_885 = arith.index_cast %get3A_884 : i32 to index
    %get3A_886 = arith.constant 80 : index
    %get3A_887 = tpu.vector_load %arg11[%get3A_885, %get3A_886] {strides = array<i32>} : memref<32x128xf32, #tpu.memory_space<vmem>>, vector<16xf32>,
    %add3A_888 = arith.addf %add3A_883, %get3A_887 : vector<16xf32>
    %get3A_889 = arith.constant 16 : i32
    %get3A_890 = arith.index_cast %get3A_889 : i32 to index
    %get3A_891 = arith.constant 80 : index
    %get3A_892 = tpu.vector_load %arg11[%get3A_890, %get3A_891] {strides = array<i32>} : memref<32x128xf32, #tpu.memory_space<vmem>>, vector<16xf32>,
    %add3A_893 = arith.addf %add3A_888, %get3A_892 : vector<16xf32>
    %get3A_894 = arith.constant 17 : i32
    %get3A_895 = arith.index_cast %get3A_894 : i32 to index
    %get3A_896 = arith.constant 80 : index
    %get3A_897 = tpu.vector_load %arg11[%get3A_895, %get3A_896] {strides = array<i32>} : memref<32x128xf32, #tpu.memory_space<vmem>>, vector<16xf32>,
    %add3A_898 = arith.addf %add3A_893, %get3A_897 : vector<16xf32>
    %get3A_899 = arith.constant 18 : i32
    %get3A_900 = arith.index_cast %get3A_899 : i32 to index
    %get3A_901 = arith.constant 80 : index
    %get3A_902 = tpu.vector_load %arg11[%get3A_900, %get3A_901] {strides = array<i32>} : memref<32x128xf32, #tpu.memory_space<vmem>>, vector<16xf32>,
    %add3A_903 = arith.addf %add3A_898, %get3A_902 : vector<16xf32>
    %get3A_904 = arith.constant 19 : i32
    %get3A_905 = arith.index_cast %get3A_904 : i32 to index
    %get3A_906 = arith.constant 80 : index
    %get3A_907 = tpu.vector_load %arg11[%get3A_905, %get3A_906] {strides = array<i32>} : memref<32x128xf32, #tpu.memory_space<vmem>>, vector<16xf32>,
    %add3A_908 = arith.addf %add3A_903, %get3A_907 : vector<16xf32>
    %get3A_909 = arith.constant 20 : i32
    %get3A_910 = arith.index_cast %get3A_909 : i32 to index
    %get3A_911 = arith.constant 80 : index
    %get3A_912 = tpu.vector_load %arg11[%get3A_910, %get3A_911] {strides = array<i32>} : memref<32x128xf32, #tpu.memory_space<vmem>>, vector<16xf32>,
    %add3A_913 = arith.addf %add3A_908, %get3A_912 : vector<16xf32>
    %get3A_914 = arith.constant 21 : i32
    %get3A_915 = arith.index_cast %get3A_914 : i32 to index
    %get3A_916 = arith.constant 80 : index
    %get3A_917 = tpu.vector_load %arg11[%get3A_915, %get3A_916] {strides = array<i32>} : memref<32x128xf32, #tpu.memory_space<vmem>>, vector<16xf32>,
    %add3A_918 = arith.addf %add3A_913, %get3A_917 : vector<16xf32>
    %get3A_919 = arith.constant 22 : i32
    %get3A_920 = arith.index_cast %get3A_919 : i32 to index
    %get3A_921 = arith.constant 80 : index
    %get3A_922 = tpu.vector_load %arg11[%get3A_920, %get3A_921] {strides = array<i32>} : memref<32x128xf32, #tpu.memory_space<vmem>>, vector<16xf32>,
    %add3A_923 = arith.addf %add3A_918, %get3A_922 : vector<16xf32>
    %get3A_924 = arith.constant 23 : i32
    %get3A_925 = arith.index_cast %get3A_924 : i32 to index
    %get3A_926 = arith.constant 80 : index
    %get3A_927 = tpu.vector_load %arg11[%get3A_925, %get3A_926] {strides = array<i32>} : memref<32x128xf32, #tpu.memory_space<vmem>>, vector<16xf32>,
    %add3A_928 = arith.addf %add3A_923, %get3A_927 : vector<16xf32>
    %get3A_929 = arith.constant 24 : i32
    %get3A_930 = arith.index_cast %get3A_929 : i32 to index
    %get3A_931 = arith.constant 80 : index
    %get3A_932 = tpu.vector_load %arg11[%get3A_930, %get3A_931] {strides = array<i32>} : memref<32x128xf32, #tpu.memory_space<vmem>>, vector<16xf32>,
    %add3A_933 = arith.addf %add3A_928, %get3A_932 : vector<16xf32>
    %get3A_934 = arith.constant 25 : i32
    %get3A_935 = arith.index_cast %get3A_934 : i32 to index
    %get3A_936 = arith.constant 80 : index
    %get3A_937 = tpu.vector_load %arg11[%get3A_935, %get3A_936] {strides = array<i32>} : memref<32x128xf32, #tpu.memory_space<vmem>>, vector<16xf32>,
    %add3A_938 = arith.addf %add3A_933, %get3A_937 : vector<16xf32>
    %get3A_939 = arith.constant 26 : i32
    %get3A_940 = arith.index_cast %get3A_939 : i32 to index
    %get3A_941 = arith.constant 80 : index
    %get3A_942 = tpu.vector_load %arg11[%get3A_940, %get3A_941] {strides = array<i32>} : memref<32x128xf32, #tpu.memory_space<vmem>>, vector<16xf32>,
    %add3A_943 = arith.addf %add3A_938, %get3A_942 : vector<16xf32>
    %get3A_944 = arith.constant 27 : i32
    %get3A_945 = arith.index_cast %get3A_944 : i32 to index
    %get3A_946 = arith.constant 80 : index
    %get3A_947 = tpu.vector_load %arg11[%get3A_945, %get3A_946] {strides = array<i32>} : memref<32x128xf32, #tpu.memory_space<vmem>>, vector<16xf32>,
    %add3A_948 = arith.addf %add3A_943, %get3A_947 : vector<16xf32>
    %get3A_949 = arith.constant 28 : i32
    %get3A_950 = arith.index_cast %get3A_949 : i32 to index
    %get3A_951 = arith.constant 80 : index
    %get3A_952 = tpu.vector_load %arg11[%get3A_950, %get3A_951] {strides = array<i32>} : memref<32x128xf32, #tpu.memory_space<vmem>>, vector<16xf32>,
    %add3A_953 = arith.addf %add3A_948, %get3A_952 : vector<16xf32>
    %get3A_954 = arith.constant 29 : i32
    %get3A_955 = arith.index_cast %get3A_954 : i32 to index
    %get3A_956 = arith.constant 80 : index
    %get3A_957 = tpu.vector_load %arg11[%get3A_955, %get3A_956] {strides = array<i32>} : memref<32x128xf32, #tpu.memory_space<vmem>>, vector<16xf32>,
    %add3A_958 = arith.addf %add3A_953, %get3A_957 : vector<16xf32>
    %get3A_959 = arith.constant 30 : i32
    %get3A_960 = arith.index_cast %get3A_959 : i32 to index
    %get3A_961 = arith.constant 80 : index
    %get3A_962 = tpu.vector_load %arg11[%get3A_960, %get3A_961] {strides = array<i32>} : memref<32x128xf32, #tpu.memory_space<vmem>>, vector<16xf32>,
    %add3A_963 = arith.addf %add3A_958, %get3A_962 : vector<16xf32>
    %get3A_964 = arith.constant 31 : i32
    %get3A_965 = arith.index_cast %get3A_964 : i32 to index
    %get3A_966 = arith.constant 80 : index
    %get3A_967 = tpu.vector_load %arg11[%get3A_965, %get3A_966] {strides = array<i32>} : memref<32x128xf32, #tpu.memory_space<vmem>>, vector<16xf32>,
    %add3A_968 = arith.addf %add3A_963, %get3A_967 : vector<16xf32>
    %get3A_969 = arith.constant 0 : i32
    %get3A_970 = arith.index_cast %get3A_969 : i32 to index
    %get3A_971 = arith.constant 96 : index
    %get3A_972 = tpu.vector_load %arg11[%get3A_970, %get3A_971] {strides = array<i32>} : memref<32x128xf32, #tpu.memory_space<vmem>>, vector<16xf32>,
    %add3A_973 = arith.addf %broadcast_in_dim3A_5, %get3A_972 : vector<16xf32>
    %get3A_974 = arith.constant 1 : i32
    %get3A_975 = arith.index_cast %get3A_974 : i32 to index
    %get3A_976 = arith.constant 96 : index
    %get3A_977 = tpu.vector_load %arg11[%get3A_975, %get3A_976] {strides = array<i32>} : memref<32x128xf32, #tpu.memory_space<vmem>>, vector<16xf32>,
    %add3A_978 = arith.addf %add3A_973, %get3A_977 : vector<16xf32>
    %get3A_979 = arith.constant 2 : i32
    %get3A_980 = arith.index_cast %get3A_979 : i32 to index
    %get3A_981 = arith.constant 96 : index
    %get3A_982 = tpu.vector_load %arg11[%get3A_980, %get3A_981] {strides = array<i32>} : memref<32x128xf32, #tpu.memory_space<vmem>>, vector<16xf32>,
    %add3A_983 = arith.addf %add3A_978, %get3A_982 : vector<16xf32>
    %get3A_984 = arith.constant 3 : i32
    %get3A_985 = arith.index_cast %get3A_984 : i32 to index
    %get3A_986 = arith.constant 96 : index
    %get3A_987 = tpu.vector_load %arg11[%get3A_985, %get3A_986] {strides = array<i32>} : memref<32x128xf32, #tpu.memory_space<vmem>>, vector<16xf32>,
    %add3A_988 = arith.addf %add3A_983, %get3A_987 : vector<16xf32>
    %get3A_989 = arith.constant 4 : i32
    %get3A_990 = arith.index_cast %get3A_989 : i32 to index
    %get3A_991 = arith.constant 96 : index
    %get3A_992 = tpu.vector_load %arg11[%get3A_990, %get3A_991] {strides = array<i32>} : memref<32x128xf32, #tpu.memory_space<vmem>>, vector<16xf32>,
    %add3A_993 = arith.addf %add3A_988, %get3A_992 : vector<16xf32>
    %get3A_994 = arith.constant 5 : i32
    %get3A_995 = arith.index_cast %get3A_994 : i32 to index
    %get3A_996 = arith.constant 96 : index
    %get3A_997 = tpu.vector_load %arg11[%get3A_995, %get3A_996] {strides = array<i32>} : memref<32x128xf32, #tpu.memory_space<vmem>>, vector<16xf32>,
    %add3A_998 = arith.addf %add3A_993, %get3A_997 : vector<16xf32>
    %get3A_999 = arith.constant 6 : i32
    %get3A_1000 = arith.index_cast %get3A_999 : i32 to index
    %get3A_1001 = arith.constant 96 : index
    %get3A_1002 = tpu.vector_load %arg11[%get3A_1000, %get3A_1001] {strides = array<i32>} : memref<32x128xf32, #tpu.memory_space<vmem>>, vector<16xf32>,
    %add3A_1003 = arith.addf %add3A_998, %get3A_1002 : vector<16xf32>
    %get3A_1004 = arith.constant 7 : i32
    %get3A_1005 = arith.index_cast %get3A_1004 : i32 to index
    %get3A_1006 = arith.constant 96 : index
    %get3A_1007 = tpu.vector_load %arg11[%get3A_1005, %get3A_1006] {strides = array<i32>} : memref<32x128xf32, #tpu.memory_space<vmem>>, vector<16xf32>,
    %add3A_1008 = arith.addf %add3A_1003, %get3A_1007 : vector<16xf32>
    %get3A_1009 = arith.constant 8 : i32
    %get3A_1010 = arith.index_cast %get3A_1009 : i32 to index
    %get3A_1011 = arith.constant 96 : index
    %get3A_1012 = tpu.vector_load %arg11[%get3A_1010, %get3A_1011] {strides = array<i32>} : memref<32x128xf32, #tpu.memory_space<vmem>>, vector<16xf32>,
    %add3A_1013 = arith.addf %add3A_1008, %get3A_1012 : vector<16xf32>
    %get3A_1014 = arith.constant 9 : i32
    %get3A_1015 = arith.index_cast %get3A_1014 : i32 to index
    %get3A_1016 = arith.constant 96 : index
    %get3A_1017 = tpu.vector_load %arg11[%get3A_1015, %get3A_1016] {strides = array<i32>} : memref<32x128xf32, #tpu.memory_space<vmem>>, vector<16xf32>,
    %add3A_1018 = arith.addf %add3A_1013, %get3A_1017 : vector<16xf32>
    %get3A_1019 = arith.constant 10 : i32
    %get3A_1020 = arith.index_cast %get3A_1019 : i32 to index
    %get3A_1021 = arith.constant 96 : index
    %get3A_1022 = tpu.vector_load %arg11[%get3A_1020, %get3A_1021] {strides = array<i32>} : memref<32x128xf32, #tpu.memory_space<vmem>>, vector<16xf32>,
    %add3A_1023 = arith.addf %add3A_1018, %get3A_1022 : vector<16xf32>
    %get3A_1024 = arith.constant 11 : i32
    %get3A_1025 = arith.index_cast %get3A_1024 : i32 to index
    %get3A_1026 = arith.constant 96 : index
    %get3A_1027 = tpu.vector_load %arg11[%get3A_1025, %get3A_1026] {strides = array<i32>} : memref<32x128xf32, #tpu.memory_space<vmem>>, vector<16xf32>,
    %add3A_1028 = arith.addf %add3A_1023, %get3A_1027 : vector<16xf32>
    %get3A_1029 = arith.constant 12 : i32
    %get3A_1030 = arith.index_cast %get3A_1029 : i32 to index
    %get3A_1031 = arith.constant 96 : index
    %get3A_1032 = tpu.vector_load %arg11[%get3A_1030, %get3A_1031] {strides = array<i32>} : memref<32x128xf32, #tpu.memory_space<vmem>>, vector<16xf32>,
    %add3A_1033 = arith.addf %add3A_1028, %get3A_1032 : vector<16xf32>
    %get3A_1034 = arith.constant 13 : i32
    %get3A_1035 = arith.index_cast %get3A_1034 : i32 to index
    %get3A_1036 = arith.constant 96 : index
    %get3A_1037 = tpu.vector_load %arg11[%get3A_1035, %get3A_1036] {strides = array<i32>} : memref<32x128xf32, #tpu.memory_space<vmem>>, vector<16xf32>,
    %add3A_1038 = arith.addf %add3A_1033, %get3A_1037 : vector<16xf32>
    %get3A_1039 = arith.constant 14 : i32
    %get3A_1040 = arith.index_cast %get3A_1039 : i32 to index
    %get3A_1041 = arith.constant 96 : index
    %get3A_1042 = tpu.vector_load %arg11[%get3A_1040, %get3A_1041] {strides = array<i32>} : memref<32x128xf32, #tpu.memory_space<vmem>>, vector<16xf32>,
    %add3A_1043 = arith.addf %add3A_1038, %get3A_1042 : vector<16xf32>
    %get3A_1044 = arith.constant 15 : i32
    %get3A_1045 = arith.index_cast %get3A_1044 : i32 to index
    %get3A_1046 = arith.constant 96 : index
    %get3A_1047 = tpu.vector_load %arg11[%get3A_1045, %get3A_1046] {strides = array<i32>} : memref<32x128xf32, #tpu.memory_space<vmem>>, vector<16xf32>,
    %add3A_1048 = arith.addf %add3A_1043, %get3A_1047 : vector<16xf32>
    %get3A_1049 = arith.constant 16 : i32
    %get3A_1050 = arith.index_cast %get3A_1049 : i32 to index
    %get3A_1051 = arith.constant 96 : index
    %get3A_1052 = tpu.vector_load %arg11[%get3A_1050, %get3A_1051] {strides = array<i32>} : memref<32x128xf32, #tpu.memory_space<vmem>>, vector<16xf32>,
    %add3A_1053 = arith.addf %add3A_1048, %get3A_1052 : vector<16xf32>
    %get3A_1054 = arith.constant 17 : i32
    %get3A_1055 = arith.index_cast %get3A_1054 : i32 to index
    %get3A_1056 = arith.constant 96 : index
    %get3A_1057 = tpu.vector_load %arg11[%get3A_1055, %get3A_1056] {strides = array<i32>} : memref<32x128xf32, #tpu.memory_space<vmem>>, vector<16xf32>,
    %add3A_1058 = arith.addf %add3A_1053, %get3A_1057 : vector<16xf32>
    %get3A_1059 = arith.constant 18 : i32
    %get3A_1060 = arith.index_cast %get3A_1059 : i32 to index
    %get3A_1061 = arith.constant 96 : index
    %get3A_1062 = tpu.vector_load %arg11[%get3A_1060, %get3A_1061] {strides = array<i32>} : memref<32x128xf32, #tpu.memory_space<vmem>>, vector<16xf32>,
    %add3A_1063 = arith.addf %add3A_1058, %get3A_1062 : vector<16xf32>
    %get3A_1064 = arith.constant 19 : i32
    %get3A_1065 = arith.index_cast %get3A_1064 : i32 to index
    %get3A_1066 = arith.constant 96 : index
    %get3A_1067 = tpu.vector_load %arg11[%get3A_1065, %get3A_1066] {strides = array<i32>} : memref<32x128xf32, #tpu.memory_space<vmem>>, vector<16xf32>,
    %add3A_1068 = arith.addf %add3A_1063, %get3A_1067 : vector<16xf32>
    %get3A_1069 = arith.constant 20 : i32
    %get3A_1070 = arith.index_cast %get3A_1069 : i32 to index
    %get3A_1071 = arith.constant 96 : index
    %get3A_1072 = tpu.vector_load %arg11[%get3A_1070, %get3A_1071] {strides = array<i32>} : memref<32x128xf32, #tpu.memory_space<vmem>>, vector<16xf32>,
    %add3A_1073 = arith.addf %add3A_1068, %get3A_1072 : vector<16xf32>
    %get3A_1074 = arith.constant 21 : i32
    %get3A_1075 = arith.index_cast %get3A_1074 : i32 to index
    %get3A_1076 = arith.constant 96 : index
    %get3A_1077 = tpu.vector_load %arg11[%get3A_1075, %get3A_1076] {strides = array<i32>} : memref<32x128xf32, #tpu.memory_space<vmem>>, vector<16xf32>,
    %add3A_1078 = arith.addf %add3A_1073, %get3A_1077 : vector<16xf32>
    %get3A_1079 = arith.constant 22 : i32
    %get3A_1080 = arith.index_cast %get3A_1079 : i32 to index
    %get3A_1081 = arith.constant 96 : index
    %get3A_1082 = tpu.vector_load %arg11[%get3A_1080, %get3A_1081] {strides = array<i32>} : memref<32x128xf32, #tpu.memory_space<vmem>>, vector<16xf32>,
    %add3A_1083 = arith.addf %add3A_1078, %get3A_1082 : vector<16xf32>
    %get3A_1084 = arith.constant 23 : i32
    %get3A_1085 = arith.index_cast %get3A_1084 : i32 to index
    %get3A_1086 = arith.constant 96 : index
    %get3A_1087 = tpu.vector_load %arg11[%get3A_1085, %get3A_1086] {strides = array<i32>} : memref<32x128xf32, #tpu.memory_space<vmem>>, vector<16xf32>,
    %add3A_1088 = arith.addf %add3A_1083, %get3A_1087 : vector<16xf32>
    %get3A_1089 = arith.constant 24 : i32
    %get3A_1090 = arith.index_cast %get3A_1089 : i32 to index
    %get3A_1091 = arith.constant 96 : index
    %get3A_1092 = tpu.vector_load %arg11[%get3A_1090, %get3A_1091] {strides = array<i32>} : memref<32x128xf32, #tpu.memory_space<vmem>>, vector<16xf32>,
    %add3A_1093 = arith.addf %add3A_1088, %get3A_1092 : vector<16xf32>
    %get3A_1094 = arith.constant 25 : i32
    %get3A_1095 = arith.index_cast %get3A_1094 : i32 to index
    %get3A_1096 = arith.constant 96 : index
    %get3A_1097 = tpu.vector_load %arg11[%get3A_1095, %get3A_1096] {strides = array<i32>} : memref<32x128xf32, #tpu.memory_space<vmem>>, vector<16xf32>,
    %add3A_1098 = arith.addf %add3A_1093, %get3A_1097 : vector<16xf32>
    %get3A_1099 = arith.constant 26 : i32
    %get3A_1100 = arith.index_cast %get3A_1099 : i32 to index
    %get3A_1101 = arith.constant 96 : index
    %get3A_1102 = tpu.vector_load %arg11[%get3A_1100, %get3A_1101] {strides = array<i32>} : memref<32x128xf32, #tpu.memory_space<vmem>>, vector<16xf32>,
    %add3A_1103 = arith.addf %add3A_1098, %get3A_1102 : vector<16xf32>
    %get3A_1104 = arith.constant 27 : i32
    %get3A_1105 = arith.index_cast %get3A_1104 : i32 to index
    %get3A_1106 = arith.constant 96 : index
    %get3A_1107 = tpu.vector_load %arg11[%get3A_1105, %get3A_1106] {strides = array<i32>} : memref<32x128xf32, #tpu.memory_space<vmem>>, vector<16xf32>,
    %add3A_1108 = arith.addf %add3A_1103, %get3A_1107 : vector<16xf32>
    %get3A_1109 = arith.constant 28 : i32
    %get3A_1110 = arith.index_cast %get3A_1109 : i32 to index
    %get3A_1111 = arith.constant 96 : index
    %get3A_1112 = tpu.vector_load %arg11[%get3A_1110, %get3A_1111] {strides = array<i32>} : memref<32x128xf32, #tpu.memory_space<vmem>>, vector<16xf32>,
    %add3A_1113 = arith.addf %add3A_1108, %get3A_1112 : vector<16xf32>
    %get3A_1114 = arith.constant 29 : i32
    %get3A_1115 = arith.index_cast %get3A_1114 : i32 to index
    %get3A_1116 = arith.constant 96 : index
    %get3A_1117 = tpu.vector_load %arg11[%get3A_1115, %get3A_1116] {strides = array<i32>} : memref<32x128xf32, #tpu.memory_space<vmem>>, vector<16xf32>,
    %add3A_1118 = arith.addf %add3A_1113, %get3A_1117 : vector<16xf32>
    %get3A_1119 = arith.constant 30 : i32
    %get3A_1120 = arith.index_cast %get3A_1119 : i32 to index
    %get3A_1121 = arith.constant 96 : index
    %get3A_1122 = tpu.vector_load %arg11[%get3A_1120, %get3A_1121] {strides = array<i32>} : memref<32x128xf32, #tpu.memory_space<vmem>>, vector<16xf32>,
    %add3A_1123 = arith.addf %add3A_1118, %get3A_1122 : vector<16xf32>
    %get3A_1124 = arith.constant 31 : i32
    %get3A_1125 = arith.index_cast %get3A_1124 : i32 to index
    %get3A_1126 = arith.constant 96 : index
    %get3A_1127 = tpu.vector_load %arg11[%get3A_1125, %get3A_1126] {strides = array<i32>} : memref<32x128xf32, #tpu.memory_space<vmem>>, vector<16xf32>,
    %add3A_1128 = arith.addf %add3A_1123, %get3A_1127 : vector<16xf32>
    %get3A_1129 = arith.constant 0 : i32
    %get3A_1130 = arith.index_cast %get3A_1129 : i32 to index
    %get3A_1131 = arith.constant 112 : index
    %get3A_1132 = tpu.vector_load %arg11[%get3A_1130, %get3A_1131] {strides = array<i32>} : memref<32x128xf32, #tpu.memory_space<vmem>>, vector<16xf32>,
    %add3A_1133 = arith.addf %broadcast_in_dim3A_5, %get3A_1132 : vector<16xf32>
    %get3A_1134 = arith.constant 1 : i32
    %get3A_1135 = arith.index_cast %get3A_1134 : i32 to index
    %get3A_1136 = arith.constant 112 : index
    %get3A_1137 = tpu.vector_load %arg11[%get3A_1135, %get3A_1136] {strides = array<i32>} : memref<32x128xf32, #tpu.memory_space<vmem>>, vector<16xf32>,
    %add3A_1138 = arith.addf %add3A_1133, %get3A_1137 : vector<16xf32>
    %get3A_1139 = arith.constant 2 : i32
    %get3A_1140 = arith.index_cast %get3A_1139 : i32 to index
    %get3A_1141 = arith.constant 112 : index
    %get3A_1142 = tpu.vector_load %arg11[%get3A_1140, %get3A_1141] {strides = array<i32>} : memref<32x128xf32, #tpu.memory_space<vmem>>, vector<16xf32>,
    %add3A_1143 = arith.addf %add3A_1138, %get3A_1142 : vector<16xf32>
    %get3A_1144 = arith.constant 3 : i32
    %get3A_1145 = arith.index_cast %get3A_1144 : i32 to index
    %get3A_1146 = arith.constant 112 : index
    %get3A_1147 = tpu.vector_load %arg11[%get3A_1145, %get3A_1146] {strides = array<i32>} : memref<32x128xf32, #tpu.memory_space<vmem>>, vector<16xf32>,
    %add3A_1148 = arith.addf %add3A_1143, %get3A_1147 : vector<16xf32>
    %get3A_1149 = arith.constant 4 : i32
    %get3A_1150 = arith.index_cast %get3A_1149 : i32 to index
    %get3A_1151 = arith.constant 112 : index
    %get3A_1152 = tpu.vector_load %arg11[%get3A_1150, %get3A_1151] {strides = array<i32>} : memref<32x128xf32, #tpu.memory_space<vmem>>, vector<16xf32>,
    %add3A_1153 = arith.addf %add3A_1148, %get3A_1152 : vector<16xf32>
    %get3A_1154 = arith.constant 5 : i32
    %get3A_1155 = arith.index_cast %get3A_1154 : i32 to index
    %get3A_1156 = arith.constant 112 : index
    %get3A_1157 = tpu.vector_load %arg11[%get3A_1155, %get3A_1156] {strides = array<i32>} : memref<32x128xf32, #tpu.memory_space<vmem>>, vector<16xf32>,
    %add3A_1158 = arith.addf %add3A_1153, %get3A_1157 : vector<16xf32>
    %get3A_1159 = arith.constant 6 : i32
    %get3A_1160 = arith.index_cast %get3A_1159 : i32 to index
    %get3A_1161 = arith.constant 112 : index
    %get3A_1162 = tpu.vector_load %arg11[%get3A_1160, %get3A_1161] {strides = array<i32>} : memref<32x128xf32, #tpu.memory_space<vmem>>, vector<16xf32>,
    %add3A_1163 = arith.addf %add3A_1158, %get3A_1162 : vector<16xf32>
    %get3A_1164 = arith.constant 7 : i32
    %get3A_1165 = arith.index_cast %get3A_1164 : i32 to index
    %get3A_1166 = arith.constant 112 : index
    %get3A_1167 = tpu.vector_load %arg11[%get3A_1165, %get3A_1166] {strides = array<i32>} : memref<32x128xf32, #tpu.memory_space<vmem>>, vector<16xf32>,
    %add3A_1168 = arith.addf %add3A_1163, %get3A_1167 : vector<16xf32>
    %get3A_1169 = arith.constant 8 : i32
    %get3A_1170 = arith.index_cast %get3A_1169 : i32 to index
    %get3A_1171 = arith.constant 112 : index
    %get3A_1172 = tpu.vector_load %arg11[%get3A_1170, %get3A_1171] {strides = array<i32>} : memref<32x128xf32, #tpu.memory_space<vmem>>, vector<16xf32>,
    %add3A_1173 = arith.addf %add3A_1168, %get3A_1172 : vector<16xf32>
    %get3A_1174 = arith.constant 9 : i32
    %get3A_1175 = arith.index_cast %get3A_1174 : i32 to index
    %get3A_1176 = arith.constant 112 : index
    %get3A_1177 = tpu.vector_load %arg11[%get3A_1175, %get3A_1176] {strides = array<i32>} : memref<32x128xf32, #tpu.memory_space<vmem>>, vector<16xf32>,
    %add3A_1178 = arith.addf %add3A_1173, %get3A_1177 : vector<16xf32>
    %get3A_1179 = arith.constant 10 : i32
    %get3A_1180 = arith.index_cast %get3A_1179 : i32 to index
    %get3A_1181 = arith.constant 112 : index
    %get3A_1182 = tpu.vector_load %arg11[%get3A_1180, %get3A_1181] {strides = array<i32>} : memref<32x128xf32, #tpu.memory_space<vmem>>, vector<16xf32>,
    %add3A_1183 = arith.addf %add3A_1178, %get3A_1182 : vector<16xf32>
    %get3A_1184 = arith.constant 11 : i32
    %get3A_1185 = arith.index_cast %get3A_1184 : i32 to index
    %get3A_1186 = arith.constant 112 : index
    %get3A_1187 = tpu.vector_load %arg11[%get3A_1185, %get3A_1186] {strides = array<i32>} : memref<32x128xf32, #tpu.memory_space<vmem>>, vector<16xf32>,
    %add3A_1188 = arith.addf %add3A_1183, %get3A_1187 : vector<16xf32>
    %get3A_1189 = arith.constant 12 : i32
    %get3A_1190 = arith.index_cast %get3A_1189 : i32 to index
    %get3A_1191 = arith.constant 112 : index
    %get3A_1192 = tpu.vector_load %arg11[%get3A_1190, %get3A_1191] {strides = array<i32>} : memref<32x128xf32, #tpu.memory_space<vmem>>, vector<16xf32>,
    %add3A_1193 = arith.addf %add3A_1188, %get3A_1192 : vector<16xf32>
    %get3A_1194 = arith.constant 13 : i32
    %get3A_1195 = arith.index_cast %get3A_1194 : i32 to index
    %get3A_1196 = arith.constant 112 : index
    %get3A_1197 = tpu.vector_load %arg11[%get3A_1195, %get3A_1196] {strides = array<i32>} : memref<32x128xf32, #tpu.memory_space<vmem>>, vector<16xf32>,
    %add3A_1198 = arith.addf %add3A_1193, %get3A_1197 : vector<16xf32>
    %get3A_1199 = arith.constant 14 : i32
    %get3A_1200 = arith.index_cast %get3A_1199 : i32 to index
    %get3A_1201 = arith.constant 112 : index
    %get3A_1202 = tpu.vector_load %arg11[%get3A_1200, %get3A_1201] {strides = array<i32>} : memref<32x128xf32, #tpu.memory_space<vmem>>, vector<16xf32>,
    %add3A_1203 = arith.addf %add3A_1198, %get3A_1202 : vector<16xf32>
    %get3A_1204 = arith.constant 15 : i32
    %get3A_1205 = arith.index_cast %get3A_1204 : i32 to index
    %get3A_1206 = arith.constant 112 : index
    %get3A_1207 = tpu.vector_load %arg11[%get3A_1205, %get3A_1206] {strides = array<i32>} : memref<32x128xf32, #tpu.memory_space<vmem>>, vector<16xf32>,
    %add3A_1208 = arith.addf %add3A_1203, %get3A_1207 : vector<16xf32>
    %get3A_1209 = arith.constant 16 : i32
    %get3A_1210 = arith.index_cast %get3A_1209 : i32 to index
    %get3A_1211 = arith.constant 112 : index
    %get3A_1212 = tpu.vector_load %arg11[%get3A_1210, %get3A_1211] {strides = array<i32>} : memref<32x128xf32, #tpu.memory_space<vmem>>, vector<16xf32>,
    %add3A_1213 = arith.addf %add3A_1208, %get3A_1212 : vector<16xf32>
    %get3A_1214 = arith.constant 17 : i32
    %get3A_1215 = arith.index_cast %get3A_1214 : i32 to index
    %get3A_1216 = arith.constant 112 : index
    %get3A_1217 = tpu.vector_load %arg11[%get3A_1215, %get3A_1216] {strides = array<i32>} : memref<32x128xf32, #tpu.memory_space<vmem>>, vector<16xf32>,
    %add3A_1218 = arith.addf %add3A_1213, %get3A_1217 : vector<16xf32>
    %get3A_1219 = arith.constant 18 : i32
    %get3A_1220 = arith.index_cast %get3A_1219 : i32 to index
    %get3A_1221 = arith.constant 112 : index
    %get3A_1222 = tpu.vector_load %arg11[%get3A_1220, %get3A_1221] {strides = array<i32>} : memref<32x128xf32, #tpu.memory_space<vmem>>, vector<16xf32>,
    %add3A_1223 = arith.addf %add3A_1218, %get3A_1222 : vector<16xf32>
    %get3A_1224 = arith.constant 19 : i32
    %get3A_1225 = arith.index_cast %get3A_1224 : i32 to index
    %get3A_1226 = arith.constant 112 : index
    %get3A_1227 = tpu.vector_load %arg11[%get3A_1225, %get3A_1226] {strides = array<i32>} : memref<32x128xf32, #tpu.memory_space<vmem>>, vector<16xf32>,
    %add3A_1228 = arith.addf %add3A_1223, %get3A_1227 : vector<16xf32>
    %get3A_1229 = arith.constant 20 : i32
    %get3A_1230 = arith.index_cast %get3A_1229 : i32 to index
    %get3A_1231 = arith.constant 112 : index
    %get3A_1232 = tpu.vector_load %arg11[%get3A_1230, %get3A_1231] {strides = array<i32>} : memref<32x128xf32, #tpu.memory_space<vmem>>, vector<16xf32>,
    %add3A_1233 = arith.addf %add3A_1228, %get3A_1232 : vector<16xf32>
    %get3A_1234 = arith.constant 21 : i32
    %get3A_1235 = arith.index_cast %get3A_1234 : i32 to index
    %get3A_1236 = arith.constant 112 : index
    %get3A_1237 = tpu.vector_load %arg11[%get3A_1235, %get3A_1236] {strides = array<i32>} : memref<32x128xf32, #tpu.memory_space<vmem>>, vector<16xf32>,
    %add3A_1238 = arith.addf %add3A_1233, %get3A_1237 : vector<16xf32>
    %get3A_1239 = arith.constant 22 : i32
    %get3A_1240 = arith.index_cast %get3A_1239 : i32 to index
    %get3A_1241 = arith.constant 112 : index
    %get3A_1242 = tpu.vector_load %arg11[%get3A_1240, %get3A_1241] {strides = array<i32>} : memref<32x128xf32, #tpu.memory_space<vmem>>, vector<16xf32>,
    %add3A_1243 = arith.addf %add3A_1238, %get3A_1242 : vector<16xf32>
    %get3A_1244 = arith.constant 23 : i32
    %get3A_1245 = arith.index_cast %get3A_1244 : i32 to index
    %get3A_1246 = arith.constant 112 : index
    %get3A_1247 = tpu.vector_load %arg11[%get3A_1245, %get3A_1246] {strides = array<i32>} : memref<32x128xf32, #tpu.memory_space<vmem>>, vector<16xf32>,
    %add3A_1248 = arith.addf %add3A_1243, %get3A_1247 : vector<16xf32>
    %get3A_1249 = arith.constant 24 : i32
    %get3A_1250 = arith.index_cast %get3A_1249 : i32 to index
    %get3A_1251 = arith.constant 112 : index
    %get3A_1252 = tpu.vector_load %arg11[%get3A_1250, %get3A_1251] {strides = array<i32>} : memref<32x128xf32, #tpu.memory_space<vmem>>, vector<16xf32>,
    %add3A_1253 = arith.addf %add3A_1248, %get3A_1252 : vector<16xf32>
    %get3A_1254 = arith.constant 25 : i32
    %get3A_1255 = arith.index_cast %get3A_1254 : i32 to index
    %get3A_1256 = arith.constant 112 : index
    %get3A_1257 = tpu.vector_load %arg11[%get3A_1255, %get3A_1256] {strides = array<i32>} : memref<32x128xf32, #tpu.memory_space<vmem>>, vector<16xf32>,
    %add3A_1258 = arith.addf %add3A_1253, %get3A_1257 : vector<16xf32>
    %get3A_1259 = arith.constant 26 : i32
    %get3A_1260 = arith.index_cast %get3A_1259 : i32 to index
    %get3A_1261 = arith.constant 112 : index
    %get3A_1262 = tpu.vector_load %arg11[%get3A_1260, %get3A_1261] {strides = array<i32>} : memref<32x128xf32, #tpu.memory_space<vmem>>, vector<16xf32>,
    %add3A_1263 = arith.addf %add3A_1258, %get3A_1262 : vector<16xf32>
    %get3A_1264 = arith.constant 27 : i32
    %get3A_1265 = arith.index_cast %get3A_1264 : i32 to index
    %get3A_1266 = arith.constant 112 : index
    %get3A_1267 = tpu.vector_load %arg11[%get3A_1265, %get3A_1266] {strides = array<i32>} : memref<32x128xf32, #tpu.memory_space<vmem>>, vector<16xf32>,
    %add3A_1268 = arith.addf %add3A_1263, %get3A_1267 : vector<16xf32>
    %get3A_1269 = arith.constant 28 : i32
    %get3A_1270 = arith.index_cast %get3A_1269 : i32 to index
    %get3A_1271 = arith.constant 112 : index
    %get3A_1272 = tpu.vector_load %arg11[%get3A_1270, %get3A_1271] {strides = array<i32>} : memref<32x128xf32, #tpu.memory_space<vmem>>, vector<16xf32>,
    %add3A_1273 = arith.addf %add3A_1268, %get3A_1272 : vector<16xf32>
    %get3A_1274 = arith.constant 29 : i32
    %get3A_1275 = arith.index_cast %get3A_1274 : i32 to index
    %get3A_1276 = arith.constant 112 : index
    %get3A_1277 = tpu.vector_load %arg11[%get3A_1275, %get3A_1276] {strides = array<i32>} : memref<32x128xf32, #tpu.memory_space<vmem>>, vector<16xf32>,
    %add3A_1278 = arith.addf %add3A_1273, %get3A_1277 : vector<16xf32>
    %get3A_1279 = arith.constant 30 : i32
    %get3A_1280 = arith.index_cast %get3A_1279 : i32 to index
    %get3A_1281 = arith.constant 112 : index
    %get3A_1282 = tpu.vector_load %arg11[%get3A_1280, %get3A_1281] {strides = array<i32>} : memref<32x128xf32, #tpu.memory_space<vmem>>, vector<16xf32>,
    %add3A_1283 = arith.addf %add3A_1278, %get3A_1282 : vector<16xf32>
    %get3A_1284 = arith.constant 31 : i32
    %get3A_1285 = arith.index_cast %get3A_1284 : i32 to index
    %get3A_1286 = arith.constant 112 : index
    %get3A_1287 = tpu.vector_load %arg11[%get3A_1285, %get3A_1286] {strides = array<i32>} : memref<32x128xf32, #tpu.memory_space<vmem>>, vector<16xf32>,
    %add3A_1288 = arith.addf %add3A_1283, %get3A_1287 : vector<16xf32>
    %gt3A = arith.constant 0.000000e+00 : f32
    %gt3A_1289 = vector.broadcast %gt3A : f32 to vector<16xf32>
    %gt3A_1290 = arith.cmpf ogt, %add3A_168, %gt3A_1289 : vector<16xf32>
    %div3A = arith.constant 1.000000e+00 : f32
    %div3A_1291 = vector.broadcast %div3A : f32 to vector<16xf32>
    %div3A_1292 = arith.divf %div3A_1291, %add3A_168 : vector<16xf32>
    %jit3A_1293 = arith.constant 0.000000e+00 : f32
    %broadcast_in_dim3A_1294 = vector.broadcast %jit3A_1293 : f32 to vector<16xf32>
    %select_n3A_1295 = arith.select %gt3A_1290, %div3A_1292, %broadcast_in_dim3A_1294 : vector<16xi1>, vector<16xf32>
    %swap3A = arith.constant 0 : i32
    %swap3A_1296 = arith.index_cast %swap3A : i32 to index
    %swap3A_1297 = arith.constant 0 : index
    %swap3A_1298 = tpu.vector_load %arg12[%swap3A_1296, %swap3A_1297] {strides = array<i32>} : memref<1x128xf32, #tpu.memory_space<vmem>>, vector<16xf32>,
    tpu.vector_store %arg12[%swap3A_1296, %swap3A_1297], %select_n3A_1295 {strides = array<i32>} : memref<1x128xf32, #tpu.memory_space<vmem>>, vector<16xf32>,
    %gt3A_1299 = arith.constant 0.000000e+00 : f32
    %gt3A_1300 = vector.broadcast %gt3A_1299 : f32 to vector<16xf32>
    %gt3A_1301 = arith.cmpf ogt, %add3A_328, %gt3A_1300 : vector<16xf32>
    %div3A_1302 = arith.constant 1.000000e+00 : f32
    %div3A_1303 = vector.broadcast %div3A_1302 : f32 to vector<16xf32>
    %div3A_1304 = arith.divf %div3A_1303, %add3A_328 : vector<16xf32>
    %jit3A_1305 = arith.constant 0.000000e+00 : f32
    %broadcast_in_dim3A_1306 = vector.broadcast %jit3A_1305 : f32 to vector<16xf32>
    %select_n3A_1307 = arith.select %gt3A_1301, %div3A_1304, %broadcast_in_dim3A_1306 : vector<16xi1>, vector<16xf32>
    %swap3A_1308 = arith.constant 0 : i32
    %swap3A_1309 = arith.index_cast %swap3A_1308 : i32 to index
    %swap3A_1310 = arith.constant 16 : index
    %swap3A_1311 = tpu.vector_load %arg12[%swap3A_1309, %swap3A_1310] {strides = array<i32>} : memref<1x128xf32, #tpu.memory_space<vmem>>, vector<16xf32>,
    tpu.vector_store %arg12[%swap3A_1309, %swap3A_1310], %select_n3A_1307 {strides = array<i32>} : memref<1x128xf32, #tpu.memory_space<vmem>>, vector<16xf32>,
    %gt3A_1312 = arith.constant 0.000000e+00 : f32
    %gt3A_1313 = vector.broadcast %gt3A_1312 : f32 to vector<16xf32>
    %gt3A_1314 = arith.cmpf ogt, %add3A_488, %gt3A_1313 : vector<16xf32>
    %div3A_1315 = arith.constant 1.000000e+00 : f32
    %div3A_1316 = vector.broadcast %div3A_1315 : f32 to vector<16xf32>
    %div3A_1317 = arith.divf %div3A_1316, %add3A_488 : vector<16xf32>
    %jit3A_1318 = arith.constant 0.000000e+00 : f32
    %broadcast_in_dim3A_1319 = vector.broadcast %jit3A_1318 : f32 to vector<16xf32>
    %select_n3A_1320 = arith.select %gt3A_1314, %div3A_1317, %broadcast_in_dim3A_1319 : vector<16xi1>, vector<16xf32>
    %swap3A_1321 = arith.constant 0 : i32
    %swap3A_1322 = arith.index_cast %swap3A_1321 : i32 to index
    %swap3A_1323 = arith.constant 32 : index
    %swap3A_1324 = tpu.vector_load %arg12[%swap3A_1322, %swap3A_1323] {strides = array<i32>} : memref<1x128xf32, #tpu.memory_space<vmem>>, vector<16xf32>,
    tpu.vector_store %arg12[%swap3A_1322, %swap3A_1323], %select_n3A_1320 {strides = array<i32>} : memref<1x128xf32, #tpu.memory_space<vmem>>, vector<16xf32>,
    %gt3A_1325 = arith.constant 0.000000e+00 : f32
    %gt3A_1326 = vector.broadcast %gt3A_1325 : f32 to vector<16xf32>
    %gt3A_1327 = arith.cmpf ogt, %add3A_648, %gt3A_1326 : vector<16xf32>
    %div3A_1328 = arith.constant 1.000000e+00 : f32
    %div3A_1329 = vector.broadcast %div3A_1328 : f32 to vector<16xf32>
    %div3A_1330 = arith.divf %div3A_1329, %add3A_648 : vector<16xf32>
    %jit3A_1331 = arith.constant 0.000000e+00 : f32
    %broadcast_in_dim3A_1332 = vector.broadcast %jit3A_1331 : f32 to vector<16xf32>
    %select_n3A_1333 = arith.select %gt3A_1327, %div3A_1330, %broadcast_in_dim3A_1332 : vector<16xi1>, vector<16xf32>
    %swap3A_1334 = arith.constant 0 : i32
    %swap3A_1335 = arith.index_cast %swap3A_1334 : i32 to index
    %swap3A_1336 = arith.constant 48 : index
    %swap3A_1337 = tpu.vector_load %arg12[%swap3A_1335, %swap3A_1336] {strides = array<i32>} : memref<1x128xf32, #tpu.memory_space<vmem>>, vector<16xf32>,
    tpu.vector_store %arg12[%swap3A_1335, %swap3A_1336], %select_n3A_1333 {strides = array<i32>} : memref<1x128xf32, #tpu.memory_space<vmem>>, vector<16xf32>,
    %gt3A_1338 = arith.constant 0.000000e+00 : f32
    %gt3A_1339 = vector.broadcast %gt3A_1338 : f32 to vector<16xf32>
    %gt3A_1340 = arith.cmpf ogt, %add3A_808, %gt3A_1339 : vector<16xf32>
    %div3A_1341 = arith.constant 1.000000e+00 : f32
    %div3A_1342 = vector.broadcast %div3A_1341 : f32 to vector<16xf32>
    %div3A_1343 = arith.divf %div3A_1342, %add3A_808 : vector<16xf32>
    %jit3A_1344 = arith.constant 0.000000e+00 : f32
    %broadcast_in_dim3A_1345 = vector.broadcast %jit3A_1344 : f32 to vector<16xf32>
    %select_n3A_1346 = arith.select %gt3A_1340, %div3A_1343, %broadcast_in_dim3A_1345 : vector<16xi1>, vector<16xf32>
    %swap3A_1347 = arith.constant 0 : i32
    %swap3A_1348 = arith.index_cast %swap3A_1347 : i32 to index
    %swap3A_1349 = arith.constant 64 : index
    %swap3A_1350 = tpu.vector_load %arg12[%swap3A_1348, %swap3A_1349] {strides = array<i32>} : memref<1x128xf32, #tpu.memory_space<vmem>>, vector<16xf32>,
    tpu.vector_store %arg12[%swap3A_1348, %swap3A_1349], %select_n3A_1346 {strides = array<i32>} : memref<1x128xf32, #tpu.memory_space<vmem>>, vector<16xf32>,
    %gt3A_1351 = arith.constant 0.000000e+00 : f32
    %gt3A_1352 = vector.broadcast %gt3A_1351 : f32 to vector<16xf32>
    %gt3A_1353 = arith.cmpf ogt, %add3A_968, %gt3A_1352 : vector<16xf32>
    %div3A_1354 = arith.constant 1.000000e+00 : f32
    %div3A_1355 = vector.broadcast %div3A_1354 : f32 to vector<16xf32>
    %div3A_1356 = arith.divf %div3A_1355, %add3A_968 : vector<16xf32>
    %jit3A_1357 = arith.constant 0.000000e+00 : f32
    %broadcast_in_dim3A_1358 = vector.broadcast %jit3A_1357 : f32 to vector<16xf32>
    %select_n3A_1359 = arith.select %gt3A_1353, %div3A_1356, %broadcast_in_dim3A_1358 : vector<16xi1>, vector<16xf32>
    %swap3A_1360 = arith.constant 0 : i32
    %swap3A_1361 = arith.index_cast %swap3A_1360 : i32 to index
    %swap3A_1362 = arith.constant 80 : index
    %swap3A_1363 = tpu.vector_load %arg12[%swap3A_1361, %swap3A_1362] {strides = array<i32>} : memref<1x128xf32, #tpu.memory_space<vmem>>, vector<16xf32>,
    tpu.vector_store %arg12[%swap3A_1361, %swap3A_1362], %select_n3A_1359 {strides = array<i32>} : memref<1x128xf32, #tpu.memory_space<vmem>>, vector<16xf32>,
    %gt3A_1364 = arith.constant 0.000000e+00 : f32
    %gt3A_1365 = vector.broadcast %gt3A_1364 : f32 to vector<16xf32>
    %gt3A_1366 = arith.cmpf ogt, %add3A_1128, %gt3A_1365 : vector<16xf32>
    %div3A_1367 = arith.constant 1.000000e+00 : f32
    %div3A_1368 = vector.broadcast %div3A_1367 : f32 to vector<16xf32>
    %div3A_1369 = arith.divf %div3A_1368, %add3A_1128 : vector<16xf32>
    %jit3A_1370 = arith.constant 0.000000e+00 : f32
    %broadcast_in_dim3A_1371 = vector.broadcast %jit3A_1370 : f32 to vector<16xf32>
    %select_n3A_1372 = arith.select %gt3A_1366, %div3A_1369, %broadcast_in_dim3A_1371 : vector<16xi1>, vector<16xf32>
    %swap3A_1373 = arith.constant 0 : i32
    %swap3A_1374 = arith.index_cast %swap3A_1373 : i32 to index
    %swap3A_1375 = arith.constant 96 : index
    %swap3A_1376 = tpu.vector_load %arg12[%swap3A_1374, %swap3A_1375] {strides = array<i32>} : memref<1x128xf32, #tpu.memory_space<vmem>>, vector<16xf32>,
    tpu.vector_store %arg12[%swap3A_1374, %swap3A_1375], %select_n3A_1372 {strides = array<i32>} : memref<1x128xf32, #tpu.memory_space<vmem>>, vector<16xf32>,
    %gt3A_1377 = arith.constant 0.000000e+00 : f32
    %gt3A_1378 = vector.broadcast %gt3A_1377 : f32 to vector<16xf32>
    %gt3A_1379 = arith.cmpf ogt, %add3A_1288, %gt3A_1378 : vector<16xf32>
    %div3A_1380 = arith.constant 1.000000e+00 : f32
    %div3A_1381 = vector.broadcast %div3A_1380 : f32 to vector<16xf32>
    %div3A_1382 = arith.divf %div3A_1381, %add3A_1288 : vector<16xf32>
    %jit3A_1383 = arith.constant 0.000000e+00 : f32
    %broadcast_in_dim3A_1384 = vector.broadcast %jit3A_1383 : f32 to vector<16xf32>
    %select_n3A_1385 = arith.select %gt3A_1379, %div3A_1382, %broadcast_in_dim3A_1384 : vector<16xi1>, vector<16xf32>
    %swap3A_1386 = arith.constant 0 : i32
    %swap3A_1387 = arith.index_cast %swap3A_1386 : i32 to index
    %swap3A_1388 = arith.constant 112 : index
    %swap3A_1389 = tpu.vector_load %arg12[%swap3A_1387, %swap3A_1388] {strides = array<i32>} : memref<1x128xf32, #tpu.memory_space<vmem>>, vector<16xf32>,
    tpu.vector_store %arg12[%swap3A_1387, %swap3A_1388], %select_n3A_1385 {strides = array<i32>} : memref<1x128xf32, #tpu.memory_space<vmem>>, vector<16xf32>,
    %eq3A = arith.constant 0 : i32
    %eq3A_1390 = arith.cmpi eq, %add3A, %eq3A : i32
    %convert_element_type3A = arith.extui %eq3A_1390 : i1 to i32
    %cond3A = arith.constant 0 : i32
    %cond3A_1391 = arith.cmpi ne, %convert_element_type3A, %cond3A : i32
    scf.if %cond3A_1391 {
      %swap3A_1494 = arith.constant 0 : i32
      %swap3A_1495 = arith.index_cast %swap3A_1494 : i32 to index
      %swap3A_1496 = arith.constant 0 : index
      %swap3A_1497 = tpu.vector_load %arg13[%swap3A_1495, %swap3A_1496] {strides = array<i32>} : memref<1x128xf32, #tpu.memory_space<vmem>>, vector<16xf32>,
      tpu.vector_store %arg13[%swap3A_1495, %swap3A_1496], %add3A_168 {strides = array<i32>} : memref<1x128xf32, #tpu.memory_space<vmem>>, vector<16xf32>,
      %swap3A_1498 = arith.constant 0 : i32
      %swap3A_1499 = arith.index_cast %swap3A_1498 : i32 to index
      %swap3A_1500 = arith.constant 16 : index
      %swap3A_1501 = tpu.vector_load %arg13[%swap3A_1499, %swap3A_1500] {strides = array<i32>} : memref<1x128xf32, #tpu.memory_space<vmem>>, vector<16xf32>,
      tpu.vector_store %arg13[%swap3A_1499, %swap3A_1500], %add3A_328 {strides = array<i32>} : memref<1x128xf32, #tpu.memory_space<vmem>>, vector<16xf32>,
      %swap3A_1502 = arith.constant 0 : i32
      %swap3A_1503 = arith.index_cast %swap3A_1502 : i32 to index
      %swap3A_1504 = arith.constant 32 : index
      %swap3A_1505 = tpu.vector_load %arg13[%swap3A_1503, %swap3A_1504] {strides = array<i32>} : memref<1x128xf32, #tpu.memory_space<vmem>>, vector<16xf32>,
      tpu.vector_store %arg13[%swap3A_1503, %swap3A_1504], %add3A_488 {strides = array<i32>} : memref<1x128xf32, #tpu.memory_space<vmem>>, vector<16xf32>,
      %swap3A_1506 = arith.constant 0 : i32
      %swap3A_1507 = arith.index_cast %swap3A_1506 : i32 to index
      %swap3A_1508 = arith.constant 48 : index
      %swap3A_1509 = tpu.vector_load %arg13[%swap3A_1507, %swap3A_1508] {strides = array<i32>} : memref<1x128xf32, #tpu.memory_space<vmem>>, vector<16xf32>,
      tpu.vector_store %arg13[%swap3A_1507, %swap3A_1508], %add3A_648 {strides = array<i32>} : memref<1x128xf32, #tpu.memory_space<vmem>>, vector<16xf32>,
      %swap3A_1510 = arith.constant 0 : i32
      %swap3A_1511 = arith.index_cast %swap3A_1510 : i32 to index
      %swap3A_1512 = arith.constant 64 : index
      %swap3A_1513 = tpu.vector_load %arg13[%swap3A_1511, %swap3A_1512] {strides = array<i32>} : memref<1x128xf32, #tpu.memory_space<vmem>>, vector<16xf32>,
      tpu.vector_store %arg13[%swap3A_1511, %swap3A_1512], %add3A_808 {strides = array<i32>} : memref<1x128xf32, #tpu.memory_space<vmem>>, vector<16xf32>,
      %swap3A_1514 = arith.constant 0 : i32
      %swap3A_1515 = arith.index_cast %swap3A_1514 : i32 to index
      %swap3A_1516 = arith.constant 80 : index
      %swap3A_1517 = tpu.vector_load %arg13[%swap3A_1515, %swap3A_1516] {strides = array<i32>} : memref<1x128xf32, #tpu.memory_space<vmem>>, vector<16xf32>,
      tpu.vector_store %arg13[%swap3A_1515, %swap3A_1516], %add3A_968 {strides = array<i32>} : memref<1x128xf32, #tpu.memory_space<vmem>>, vector<16xf32>,
      %swap3A_1518 = arith.constant 0 : i32
      %swap3A_1519 = arith.index_cast %swap3A_1518 : i32 to index
      %swap3A_1520 = arith.constant 96 : index
      %swap3A_1521 = tpu.vector_load %arg13[%swap3A_1519, %swap3A_1520] {strides = array<i32>} : memref<1x128xf32, #tpu.memory_space<vmem>>, vector<16xf32>,
      tpu.vector_store %arg13[%swap3A_1519, %swap3A_1520], %add3A_1128 {strides = array<i32>} : memref<1x128xf32, #tpu.memory_space<vmem>>, vector<16xf32>,
      %swap3A_1522 = arith.constant 0 : i32
      %swap3A_1523 = arith.index_cast %swap3A_1522 : i32 to index
      %swap3A_1524 = arith.constant 112 : index
      %swap3A_1525 = tpu.vector_load %arg13[%swap3A_1523, %swap3A_1524] {strides = array<i32>} : memref<1x128xf32, #tpu.memory_space<vmem>>, vector<16xf32>,
      tpu.vector_store %arg13[%swap3A_1523, %swap3A_1524], %add3A_1288 {strides = array<i32>} : memref<1x128xf32, #tpu.memory_space<vmem>>, vector<16xf32>,
      "tpu.region"() ({
        %run_scoped3A = tpu.sem_alloc : memref<!tpu.dma_semaphore, #tpu.memory_space<semaphore_mem>>
        tpu.enqueue_dma source(%arg13 : memref<1x128xf32, #tpu.memory_space<vmem>>) target(%arg5 : memref<1x128xf32, #tpu.memory_space<hbm>>) target_semaphore(%run_scoped3A : memref<!tpu.dma_semaphore, #tpu.memory_space<semaphore_mem>>)
        tpu.wait_dma2 semaphore(%run_scoped3A : memref<!tpu.dma_semaphore, #tpu.memory_space<semaphore_mem>>) src(%arg13 : memref<1x128xf32, #tpu.memory_space<vmem>>) dst(%arg5 : memref<1x128xf32, #tpu.memory_space<hbm>>)
        tpu.yield
      }) : () -> ()
    } else {
    }
    %broadcast_in_dim3A_1392 = arith.constant 0.000000e+00 : f32
    %broadcast_in_dim3A_1393 = vector.broadcast %broadcast_in_dim3A_1392 : f32 to vector<16xf32>
    %scan3A = arith.constant 0 : i32
    %scan3A_1394 = arith.constant 0 : i32
    %scan3A_1395 = arith.constant 40 : i32
    %scan3A_1396 = arith.addi %scan3A_1394, %scan3A_1395 : i32
    %scan3A_1397 = arith.constant 1 : i32
    %scan3A_1398 = scf.for %scan3A_1494 = %scan3A_1394 to %scan3A_1396 step %scan3A_1397 iter_args(%scan3A_1495 = %scan3A) -> (i32)  : i32 {
      %swap3A_1496 = arith.index_cast %scan3A_1494 : i32 to index
      %swap3A_1497 = arith.constant 0 : index
      %swap3A_1498 = tpu.vector_load %arg14[%swap3A_1496, %swap3A_1497] {strides = array<i32>} : memref<40x128xf32, #tpu.memory_space<vmem>>, vector<16xf32>,
      tpu.vector_store %arg14[%swap3A_1496, %swap3A_1497], %broadcast_in_dim3A_1393 {strides = array<i32>} : memref<40x128xf32, #tpu.memory_space<vmem>>, vector<16xf32>,
      %swap3A_1499 = arith.index_cast %scan3A_1494 : i32 to index
      %swap3A_1500 = arith.constant 16 : index
      %swap3A_1501 = tpu.vector_load %arg14[%swap3A_1499, %swap3A_1500] {strides = array<i32>} : memref<40x128xf32, #tpu.memory_space<vmem>>, vector<16xf32>,
      tpu.vector_store %arg14[%swap3A_1499, %swap3A_1500], %broadcast_in_dim3A_1393 {strides = array<i32>} : memref<40x128xf32, #tpu.memory_space<vmem>>, vector<16xf32>,
      %swap3A_1502 = arith.index_cast %scan3A_1494 : i32 to index
      %swap3A_1503 = arith.constant 32 : index
      %swap3A_1504 = tpu.vector_load %arg14[%swap3A_1502, %swap3A_1503] {strides = array<i32>} : memref<40x128xf32, #tpu.memory_space<vmem>>, vector<16xf32>,
      tpu.vector_store %arg14[%swap3A_1502, %swap3A_1503], %broadcast_in_dim3A_1393 {strides = array<i32>} : memref<40x128xf32, #tpu.memory_space<vmem>>, vector<16xf32>,
      %swap3A_1505 = arith.index_cast %scan3A_1494 : i32 to index
      %swap3A_1506 = arith.constant 48 : index
      %swap3A_1507 = tpu.vector_load %arg14[%swap3A_1505, %swap3A_1506] {strides = array<i32>} : memref<40x128xf32, #tpu.memory_space<vmem>>, vector<16xf32>,
      tpu.vector_store %arg14[%swap3A_1505, %swap3A_1506], %broadcast_in_dim3A_1393 {strides = array<i32>} : memref<40x128xf32, #tpu.memory_space<vmem>>, vector<16xf32>,
      %swap3A_1508 = arith.index_cast %scan3A_1494 : i32 to index
      %swap3A_1509 = arith.constant 64 : index
      %swap3A_1510 = tpu.vector_load %arg14[%swap3A_1508, %swap3A_1509] {strides = array<i32>} : memref<40x128xf32, #tpu.memory_space<vmem>>, vector<16xf32>,
      tpu.vector_store %arg14[%swap3A_1508, %swap3A_1509], %broadcast_in_dim3A_1393 {strides = array<i32>} : memref<40x128xf32, #tpu.memory_space<vmem>>, vector<16xf32>,
      %swap3A_1511 = arith.index_cast %scan3A_1494 : i32 to index
      %swap3A_1512 = arith.constant 80 : index
      %swap3A_1513 = tpu.vector_load %arg14[%swap3A_1511, %swap3A_1512] {strides = array<i32>} : memref<40x128xf32, #tpu.memory_space<vmem>>, vector<16xf32>,
      tpu.vector_store %arg14[%swap3A_1511, %swap3A_1512], %broadcast_in_dim3A_1393 {strides = array<i32>} : memref<40x128xf32, #tpu.memory_space<vmem>>, vector<16xf32>,
      %swap3A_1514 = arith.index_cast %scan3A_1494 : i32 to index
      %swap3A_1515 = arith.constant 96 : index
      %swap3A_1516 = tpu.vector_load %arg14[%swap3A_1514, %swap3A_1515] {strides = array<i32>} : memref<40x128xf32, #tpu.memory_space<vmem>>, vector<16xf32>,
      tpu.vector_store %arg14[%swap3A_1514, %swap3A_1515], %broadcast_in_dim3A_1393 {strides = array<i32>} : memref<40x128xf32, #tpu.memory_space<vmem>>, vector<16xf32>,
      %swap3A_1517 = arith.index_cast %scan3A_1494 : i32 to index
      %swap3A_1518 = arith.constant 112 : index
      %swap3A_1519 = tpu.vector_load %arg14[%swap3A_1517, %swap3A_1518] {strides = array<i32>} : memref<40x128xf32, #tpu.memory_space<vmem>>, vector<16xf32>,
      tpu.vector_store %arg14[%swap3A_1517, %swap3A_1518], %broadcast_in_dim3A_1393 {strides = array<i32>} : memref<40x128xf32, #tpu.memory_space<vmem>>, vector<16xf32>,
      %scan3A_1520 = arith.constant 0 : i32
      scf.yield %scan3A_1520 : i32
    }
    %scan3A_1399 = arith.constant 40 : i32
    %broadcast_in_dim3A_1400 = arith.constant 0.000000e+00 : f32
    %broadcast_in_dim3A_1401 = vector.broadcast %broadcast_in_dim3A_1400 : f32 to vector<16xf32>
    %scan3A_1402 = arith.constant 0 : i32
    %scan3A_1403 = arith.constant 0 : i32
    %scan3A_1404 = arith.constant 40 : i32
    %scan3A_1405 = arith.addi %scan3A_1403, %scan3A_1404 : i32
    %scan3A_1406 = arith.constant 1 : i32
    %scan3A_1407 = scf.for %scan3A_1494 = %scan3A_1403 to %scan3A_1405 step %scan3A_1406 iter_args(%scan3A_1495 = %scan3A_1402) -> (i32)  : i32 {
      %swap3A_1496 = arith.index_cast %scan3A_1494 : i32 to index
      %swap3A_1497 = arith.constant 0 : index
      %swap3A_1498 = tpu.vector_load %arg15[%swap3A_1496, %swap3A_1497] {strides = array<i32>} : memref<40x128xf32, #tpu.memory_space<vmem>>, vector<16xf32>,
      tpu.vector_store %arg15[%swap3A_1496, %swap3A_1497], %broadcast_in_dim3A_1401 {strides = array<i32>} : memref<40x128xf32, #tpu.memory_space<vmem>>, vector<16xf32>,
      %swap3A_1499 = arith.index_cast %scan3A_1494 : i32 to index
      %swap3A_1500 = arith.constant 16 : index
      %swap3A_1501 = tpu.vector_load %arg15[%swap3A_1499, %swap3A_1500] {strides = array<i32>} : memref<40x128xf32, #tpu.memory_space<vmem>>, vector<16xf32>,
      tpu.vector_store %arg15[%swap3A_1499, %swap3A_1500], %broadcast_in_dim3A_1401 {strides = array<i32>} : memref<40x128xf32, #tpu.memory_space<vmem>>, vector<16xf32>,
      %swap3A_1502 = arith.index_cast %scan3A_1494 : i32 to index
      %swap3A_1503 = arith.constant 32 : index
      %swap3A_1504 = tpu.vector_load %arg15[%swap3A_1502, %swap3A_1503] {strides = array<i32>} : memref<40x128xf32, #tpu.memory_space<vmem>>, vector<16xf32>,
      tpu.vector_store %arg15[%swap3A_1502, %swap3A_1503], %broadcast_in_dim3A_1401 {strides = array<i32>} : memref<40x128xf32, #tpu.memory_space<vmem>>, vector<16xf32>,
      %swap3A_1505 = arith.index_cast %scan3A_1494 : i32 to index
      %swap3A_1506 = arith.constant 48 : index
      %swap3A_1507 = tpu.vector_load %arg15[%swap3A_1505, %swap3A_1506] {strides = array<i32>} : memref<40x128xf32, #tpu.memory_space<vmem>>, vector<16xf32>,
      tpu.vector_store %arg15[%swap3A_1505, %swap3A_1506], %broadcast_in_dim3A_1401 {strides = array<i32>} : memref<40x128xf32, #tpu.memory_space<vmem>>, vector<16xf32>,
      %swap3A_1508 = arith.index_cast %scan3A_1494 : i32 to index
      %swap3A_1509 = arith.constant 64 : index
      %swap3A_1510 = tpu.vector_load %arg15[%swap3A_1508, %swap3A_1509] {strides = array<i32>} : memref<40x128xf32, #tpu.memory_space<vmem>>, vector<16xf32>,
      tpu.vector_store %arg15[%swap3A_1508, %swap3A_1509], %broadcast_in_dim3A_1401 {strides = array<i32>} : memref<40x128xf32, #tpu.memory_space<vmem>>, vector<16xf32>,
      %swap3A_1511 = arith.index_cast %scan3A_1494 : i32 to index
      %swap3A_1512 = arith.constant 80 : index
      %swap3A_1513 = tpu.vector_load %arg15[%swap3A_1511, %swap3A_1512] {strides = array<i32>} : memref<40x128xf32, #tpu.memory_space<vmem>>, vector<16xf32>,
      tpu.vector_store %arg15[%swap3A_1511, %swap3A_1512], %broadcast_in_dim3A_1401 {strides = array<i32>} : memref<40x128xf32, #tpu.memory_space<vmem>>, vector<16xf32>,
      %swap3A_1514 = arith.index_cast %scan3A_1494 : i32 to index
      %swap3A_1515 = arith.constant 96 : index
      %swap3A_1516 = tpu.vector_load %arg15[%swap3A_1514, %swap3A_1515] {strides = array<i32>} : memref<40x128xf32, #tpu.memory_space<vmem>>, vector<16xf32>,
      tpu.vector_store %arg15[%swap3A_1514, %swap3A_1515], %broadcast_in_dim3A_1401 {strides = array<i32>} : memref<40x128xf32, #tpu.memory_space<vmem>>, vector<16xf32>,
      %swap3A_1517 = arith.index_cast %scan3A_1494 : i32 to index
      %swap3A_1518 = arith.constant 112 : index
      %swap3A_1519 = tpu.vector_load %arg15[%swap3A_1517, %swap3A_1518] {strides = array<i32>} : memref<40x128xf32, #tpu.memory_space<vmem>>, vector<16xf32>,
      tpu.vector_store %arg15[%swap3A_1517, %swap3A_1518], %broadcast_in_dim3A_1401 {strides = array<i32>} : memref<40x128xf32, #tpu.memory_space<vmem>>, vector<16xf32>,
      %scan3A_1520 = arith.constant 0 : i32
      scf.yield %scan3A_1520 : i32
    }
    %scan3A_1408 = arith.constant 40 : i32
    %add3A_1409 = arith.constant 0 : i32
    %add3A_1410 = arith.addi %add3A, %add3A_1409 : i32
    %mul3A_1411 = arith.constant 40 : i32
    %mul3A_1412 = arith.muli %add3A_1410, %mul3A_1411 : i32
    %dma_start3A = arith.constant 0 : i32
    %dma_start3A_1413 = arith.constant 0 : i32
    %dma_start3A_1414 = tpu.memref_slice %arg7[%dma_start3A, %dma_start3A_1413] : memref<40x128xi32, #tpu.memory_space<vmem>> -> memref<40x16xi32, #tpu.memory_space<vmem>>
    %dma_start3A_1415 = arith.constant 0 : i32
    %dma_start3A_1416 = tpu.memref_slice %arg2[%mul3A_1412, %dma_start3A_1415] : memref<100000x16xi32, #tpu.memory_space<hbm>> -> memref<40x16xi32, #tpu.memory_space<hbm>>
    %dma_start3A_1417 = arith.constant 0 : i32
    %dma_start3A_1418 = arith.constant 0 : i32
    %dma_start3A_1419 = tpu.memref_slice %arg7[%dma_start3A_1417, %dma_start3A_1418] : memref<40x128xi32, #tpu.memory_space<vmem>> -> memref<40x16xi32, #tpu.memory_space<vmem>>
    %dma_start3A_1420 = arith.constant 0 : i32
    %dma_start3A_1421 = tpu.memref_slice %arg2[%mul3A_1412, %dma_start3A_1420] : memref<100000x16xi32, #tpu.memory_space<hbm>> -> memref<40x16xi32, #tpu.memory_space<hbm>>
    tpu.enqueue_dma source(%dma_start3A_1421 : memref<40x16xi32, #tpu.memory_space<hbm>>) target(%dma_start3A_1419 : memref<40x16xi32, #tpu.memory_space<vmem>>) target_semaphore(%arg20 : memref<!tpu.dma_semaphore, #tpu.memory_space<semaphore_mem>>)
    %dma_start3A_1422 = arith.constant 0 : i32
    %dma_start3A_1423 = arith.constant 0 : i32
    %dma_start3A_1424 = tpu.memref_slice %arg9[%dma_start3A_1422, %dma_start3A_1423] : memref<1x128xf32, #tpu.memory_space<vmem>> -> memref<1x40xf32, #tpu.memory_space<vmem>>
    %dma_start3A_1425 = tpu.memref_squeeze %dma_start3A_1424 : memref<1x40xf32, #tpu.memory_space<vmem>> -> memref<40xf32, #tpu.memory_space<vmem>>
    %dma_start3A_1426 = tpu.memref_slice %arg3[%mul3A_1412] : memref<100000xf32, #tpu.memory_space<hbm>> -> memref<40xf32, #tpu.memory_space<hbm>>
    %dma_start3A_1427 = arith.constant 0 : i32
    %dma_start3A_1428 = tpu.memref_slice %arg9[%dma_start3A_1422, %dma_start3A_1427] : memref<1x128xf32, #tpu.memory_space<vmem>> -> memref<1x40xf32, #tpu.memory_space<vmem>>
    %dma_start3A_1429 = tpu.memref_squeeze %dma_start3A_1428 : memref<1x40xf32, #tpu.memory_space<vmem>> -> memref<40xf32, #tpu.memory_space<vmem>>
    %dma_start3A_1430 = tpu.memref_slice %arg3[%mul3A_1412] : memref<100000xf32, #tpu.memory_space<hbm>> -> memref<40xf32, #tpu.memory_space<hbm>>
    tpu.enqueue_dma source(%dma_start3A_1430 : memref<40xf32, #tpu.memory_space<hbm>>) target(%dma_start3A_1429 : memref<40xf32, #tpu.memory_space<vmem>>) target_semaphore(%arg20 : memref<!tpu.dma_semaphore, #tpu.memory_space<semaphore_mem>>)
    %scan3A_1431 = arith.constant 0 : i32
    %scan3A_1432 = arith.constant 0 : i32
    %scan3A_1433 = arith.constant 40 : i32
    %scan3A_1434 = arith.addi %scan3A_1432, %scan3A_1433 : i32
    %scan3A_1435 = arith.constant 1 : i32
    scf.for %scan3A_1494 = %scan3A_1432 to %scan3A_1434 step %scan3A_1435  : i32 {
      %mul3A_1495 = arith.constant 2 : i32
      %mul3A_1496 = arith.muli %mul3A_1495, %scan3A_1494 : i32
      %add3A_1497 = arith.constant 0 : i32
      %add3A_1498 = arith.addi %mul3A_1496, %add3A_1497 : i32
      %mul3A_1499 = arith.constant 2 : i32
      %mul3A_1500 = arith.muli %mul3A_1499, %scan3A_1494 : i32
      %add3A_1501 = arith.constant 0 : i32
      %add3A_1502 = arith.addi %mul3A_1500, %add3A_1501 : i32
      %lt3A_1503 = arith.cmpi slt, %add3A_1498, %add3A_4 : i32
      %convert_element_type3A_1504 = arith.extui %lt3A_1503 : i1 to i32
      %cond3A_1505 = arith.constant 0 : i32
      %cond3A_1506 = arith.cmpi ne, %convert_element_type3A_1504, %cond3A_1505 : i32
      scf.if %cond3A_1506 {
        %mul3A_1519 = arith.constant 32 : i32
        %mul3A_1520 = arith.muli %add3A_1502, %mul3A_1519 : i32
        %add3A_1521 = arith.addi %add3A, %mul3A_1520 : i32
        %mul3A_1522 = arith.constant 40 : i32
        %mul3A_1523 = arith.muli %add3A_1521, %mul3A_1522 : i32
        %add3A_1524 = arith.constant 1 : i32
        %add3A_1525 = arith.addi %add3A_1502, %add3A_1524 : i32
        %lt3A_1526 = arith.cmpi slt, %add3A_1525, %add3A_4 : i32
        %convert_element_type3A_1527 = arith.extui %lt3A_1526 : i1 to i32
        %cond3A_1528 = arith.constant 0 : i32
        %cond3A_1529 = arith.cmpi ne, %convert_element_type3A_1527, %cond3A_1528 : i32
        scf.if %cond3A_1529 {
          %add3A_1564 = arith.constant 1 : i32
          %add3A_1565 = arith.addi %add3A_1502, %add3A_1564 : i32
          %mul3A_1566 = arith.constant 32 : i32
          %mul3A_1567 = arith.muli %add3A_1565, %mul3A_1566 : i32
          %add3A_1568 = arith.addi %add3A, %mul3A_1567 : i32
          %mul3A_1569 = arith.constant 40 : i32
          %mul3A_1570 = arith.muli %add3A_1568, %mul3A_1569 : i32
          %dma_start3A_1571 = arith.constant 0 : i32
          %dma_start3A_1572 = arith.constant 0 : i32
          %dma_start3A_1573 = tpu.memref_slice %arg8[%dma_start3A_1571, %dma_start3A_1572] : memref<40x128xi32, #tpu.memory_space<vmem>> -> memref<40x16xi32, #tpu.memory_space<vmem>>
          %dma_start3A_1574 = arith.constant 0 : i32
          %dma_start3A_1575 = tpu.memref_slice %arg2[%mul3A_1570, %dma_start3A_1574] : memref<100000x16xi32, #tpu.memory_space<hbm>> -> memref<40x16xi32, #tpu.memory_space<hbm>>
          %dma_start3A_1576 = arith.constant 0 : i32
          %dma_start3A_1577 = arith.constant 0 : i32
          %dma_start3A_1578 = tpu.memref_slice %arg8[%dma_start3A_1576, %dma_start3A_1577] : memref<40x128xi32, #tpu.memory_space<vmem>> -> memref<40x16xi32, #tpu.memory_space<vmem>>
          %dma_start3A_1579 = arith.constant 0 : i32
          %dma_start3A_1580 = tpu.memref_slice %arg2[%mul3A_1570, %dma_start3A_1579] : memref<100000x16xi32, #tpu.memory_space<hbm>> -> memref<40x16xi32, #tpu.memory_space<hbm>>
          tpu.enqueue_dma source(%dma_start3A_1580 : memref<40x16xi32, #tpu.memory_space<hbm>>) target(%dma_start3A_1578 : memref<40x16xi32, #tpu.memory_space<vmem>>) target_semaphore(%arg21 : memref<!tpu.dma_semaphore, #tpu.memory_space<semaphore_mem>>)
          %dma_start3A_1581 = arith.constant 0 : i32
          %dma_start3A_1582 = arith.constant 0 : i32
          %dma_start3A_1583 = tpu.memref_slice %arg10[%dma_start3A_1581, %dma_start3A_1582] : memref<1x128xf32, #tpu.memory_space<vmem>> -> memref<1x40xf32, #tpu.memory_space<vmem>>
          %dma_start3A_1584 = tpu.memref_squeeze %dma_start3A_1583 : memref<1x40xf32, #tpu.memory_space<vmem>> -> memref<40xf32, #tpu.memory_space<vmem>>
          %dma_start3A_1585 = tpu.memref_slice %arg3[%mul3A_1570] : memref<100000xf32, #tpu.memory_space<hbm>> -> memref<40xf32, #tpu.memory_space<hbm>>
          %dma_start3A_1586 = arith.constant 0 : i32
          %dma_start3A_1587 = tpu.memref_slice %arg10[%dma_start3A_1581, %dma_start3A_1586] : memref<1x128xf32, #tpu.memory_space<vmem>> -> memref<1x40xf32, #tpu.memory_space<vmem>>
          %dma_start3A_1588 = tpu.memref_squeeze %dma_start3A_1587 : memref<1x40xf32, #tpu.memory_space<vmem>> -> memref<40xf32, #tpu.memory_space<vmem>>
          %dma_start3A_1589 = tpu.memref_slice %arg3[%mul3A_1570] : memref<100000xf32, #tpu.memory_space<hbm>> -> memref<40xf32, #tpu.memory_space<hbm>>
          tpu.enqueue_dma source(%dma_start3A_1589 : memref<40xf32, #tpu.memory_space<hbm>>) target(%dma_start3A_1588 : memref<40xf32, #tpu.memory_space<vmem>>) target_semaphore(%arg21 : memref<!tpu.dma_semaphore, #tpu.memory_space<semaphore_mem>>)
        } else {
        }
        %ge3A_1530 = arith.constant 2 : i32
        %ge3A_1531 = arith.cmpi sge, %add3A_1502, %ge3A_1530 : i32
        %convert_element_type3A_1532 = arith.extui %ge3A_1531 : i1 to i32
        %cond3A_1533 = arith.constant 0 : i32
        %cond3A_1534 = arith.cmpi ne, %convert_element_type3A_1532, %cond3A_1533 : i32
        scf.if %cond3A_1534 {
          %sub3A_1564 = arith.constant 2 : i32
          %sub3A_1565 = arith.subi %add3A_1502, %sub3A_1564 : i32
          %mul3A_1566 = arith.constant 32 : i32
          %mul3A_1567 = arith.muli %sub3A_1565, %mul3A_1566 : i32
          %add3A_1568 = arith.addi %add3A, %mul3A_1567 : i32
          %mul3A_1569 = arith.constant 40 : i32
          %mul3A_1570 = arith.muli %add3A_1568, %mul3A_1569 : i32
          %dma_wait3A_1571 = arith.constant 0 : i32
          %dma_wait3A_1572 = tpu.memref_slice %arg6[%mul3A_1570, %dma_wait3A_1571] : memref<100000x128xf32, #tpu.memory_space<hbm>> -> memref<40x128xf32, #tpu.memory_space<hbm>>
          %dma_wait3A_1573 = arith.constant 0 : i32
          %dma_wait3A_1574 = tpu.memref_slice %arg6[%mul3A_1570, %dma_wait3A_1573] : memref<100000x128xf32, #tpu.memory_space<hbm>> -> memref<40x128xf32, #tpu.memory_space<hbm>>
          tpu.wait_dma2 semaphore(%arg18 : memref<!tpu.dma_semaphore, #tpu.memory_space<semaphore_mem>>) src(%arg14 : memref<40x128xf32, #tpu.memory_space<vmem>>) dst(%dma_wait3A_1574 : memref<40x128xf32, #tpu.memory_space<hbm>>)
          %parallel_loop3A_1575 = arith.constant 0 : i32
          %parallel_loop3A_1576 = arith.constant 40 : i32
          %parallel_loop3A_1577 = arith.constant 1 : i32
          scf.for %parallel_loop3A_1578 = %parallel_loop3A_1575 to %parallel_loop3A_1576 step %parallel_loop3A_1577  : i32 {
            %parallel_loop3A_1579 = arith.index_cast %parallel_loop3A_1578 : i32 to index
            %parallel_loop3A_1580 = arith.constant 0 : index
            %parallel_loop3A_1581 = tpu.vector_load %arg16[%parallel_loop3A_1579, %parallel_loop3A_1580] {strides = array<i32>} : memref<40x128xi32, #tpu.memory_space<vmem>>, vector<16xi32>,
            %parallel_loop3A_1582 = arith.cmpi ne, %parallel_loop3A_1581, %broadcast_in_dim3A_7 : vector<16xi32>
            %parallel_loop3A_1583 = vector.broadcast %parallel_loop3A_1578 : i32 to vector<16xi32>
            tpu.vector_store_idx %arg14[%parallel_loop3A_1583, %parallel_loop3A_1581], %broadcast_in_dim3A_5 masked %parallel_loop3A_1582 : memref<40x128xf32, #tpu.memory_space<vmem>>[vector<16xi32>, vector<16xi32>], vector<16xf32>, vector<16xi1>
          } {sc.loop_unroll_factor = 2 : i64, sc.parallel_access}
        } else {
        }
        %mul3A_1535 = arith.constant 32 : i32
        %mul3A_1536 = arith.muli %add3A_1502, %mul3A_1535 : i32
        %add3A_1537 = arith.addi %add3A, %mul3A_1536 : i32
        %mul3A_1538 = arith.constant 40 : i32
        %mul3A_1539 = arith.muli %add3A_1537, %mul3A_1538 : i32
        %dma_wait3A = arith.constant 0 : i32
        %dma_wait3A_1540 = arith.constant 0 : i32
        %dma_wait3A_1541 = tpu.memref_slice %arg7[%dma_wait3A, %dma_wait3A_1540] : memref<40x128xi32, #tpu.memory_space<vmem>> -> memref<40x16xi32, #tpu.memory_space<vmem>>
        %dma_wait3A_1542 = arith.constant 0 : i32
        %dma_wait3A_1543 = tpu.memref_slice %arg2[%mul3A_1539, %dma_wait3A_1542] : memref<100000x16xi32, #tpu.memory_space<hbm>> -> memref<40x16xi32, #tpu.memory_space<hbm>>
        %dma_wait3A_1544 = arith.constant 0 : i32
        %dma_wait3A_1545 = arith.constant 0 : i32
        %dma_wait3A_1546 = tpu.memref_slice %arg7[%dma_wait3A_1544, %dma_wait3A_1545] : memref<40x128xi32, #tpu.memory_space<vmem>> -> memref<40x16xi32, #tpu.memory_space<vmem>>
        %dma_wait3A_1547 = arith.constant 0 : i32
        %dma_wait3A_1548 = tpu.memref_slice %arg2[%mul3A_1539, %dma_wait3A_1547] : memref<100000x16xi32, #tpu.memory_space<hbm>> -> memref<40x16xi32, #tpu.memory_space<hbm>>
        tpu.wait_dma2 semaphore(%arg20 : memref<!tpu.dma_semaphore, #tpu.memory_space<semaphore_mem>>) src(%dma_wait3A_1548 : memref<40x16xi32, #tpu.memory_space<hbm>>) dst(%dma_wait3A_1546 : memref<40x16xi32, #tpu.memory_space<vmem>>)
        %dma_wait3A_1549 = arith.constant 0 : i32
        %dma_wait3A_1550 = arith.constant 0 : i32
        %dma_wait3A_1551 = tpu.memref_slice %arg9[%dma_wait3A_1549, %dma_wait3A_1550] : memref<1x128xf32, #tpu.memory_space<vmem>> -> memref<1x40xf32, #tpu.memory_space<vmem>>
        %dma_wait3A_1552 = tpu.memref_squeeze %dma_wait3A_1551 : memref<1x40xf32, #tpu.memory_space<vmem>> -> memref<40xf32, #tpu.memory_space<vmem>>
        %dma_wait3A_1553 = tpu.memref_slice %arg3[%mul3A_1539] : memref<100000xf32, #tpu.memory_space<hbm>> -> memref<40xf32, #tpu.memory_space<hbm>>
        %dma_wait3A_1554 = arith.constant 0 : i32
        %dma_wait3A_1555 = tpu.memref_slice %arg9[%dma_wait3A_1549, %dma_wait3A_1554] : memref<1x128xf32, #tpu.memory_space<vmem>> -> memref<1x40xf32, #tpu.memory_space<vmem>>
        %dma_wait3A_1556 = tpu.memref_squeeze %dma_wait3A_1555 : memref<1x40xf32, #tpu.memory_space<vmem>> -> memref<40xf32, #tpu.memory_space<vmem>>
        %dma_wait3A_1557 = tpu.memref_slice %arg3[%mul3A_1539] : memref<100000xf32, #tpu.memory_space<hbm>> -> memref<40xf32, #tpu.memory_space<hbm>>
        tpu.wait_dma2 semaphore(%arg20 : memref<!tpu.dma_semaphore, #tpu.memory_space<semaphore_mem>>) src(%dma_wait3A_1557 : memref<40xf32, #tpu.memory_space<hbm>>) dst(%dma_wait3A_1556 : memref<40xf32, #tpu.memory_space<vmem>>)
        %parallel_loop3A = arith.constant 0 : i32
        %parallel_loop3A_1558 = arith.constant 40 : i32
        %parallel_loop3A_1559 = arith.constant 1 : i32
        scf.for %parallel_loop3A_1564 = %parallel_loop3A to %parallel_loop3A_1558 step %parallel_loop3A_1559  : i32 {
          %parallel_loop3A_1565 = arith.index_cast %parallel_loop3A_1564 : i32 to index
          %parallel_loop3A_1566 = arith.constant 0 : index
          %parallel_loop3A_1567 = tpu.vector_load %arg7[%parallel_loop3A_1565, %parallel_loop3A_1566] {strides = array<i32>} : memref<40x128xi32, #tpu.memory_space<vmem>>, vector<16xi32>,
          %parallel_loop3A_1568 = arith.cmpi ne, %parallel_loop3A_1567, %broadcast_in_dim3A_7 : vector<16xi32>
          %parallel_loop3A_1569 = vector.broadcast %parallel_loop3A_1564 : i32 to vector<16xi32>
          %parallel_loop3A_1570 = tpu.vector_load_idx %arg9[%broadcast_in_dim3A_9, %parallel_loop3A_1569] : memref<1x128xf32, #tpu.memory_space<vmem>>[vector<16xi32>, vector<16xi32>], vector<16xf32>,
          %parallel_loop3A_1571 = arith.constant 0 : i32
          %parallel_loop3A_1572 = vector.broadcast %parallel_loop3A_1571 : i32 to vector<16xi32>
          %parallel_loop3A_1573 = arith.select %parallel_loop3A_1568, %parallel_loop3A_1567, %parallel_loop3A_1572 : vector<16xi1>, vector<16xi32>
          %parallel_loop3A_1574 = tpu.vector_load_idx %arg12[%broadcast_in_dim3A_9, %parallel_loop3A_1573] : memref<1x128xf32, #tpu.memory_space<vmem>>[vector<16xi32>, vector<16xi32>], vector<16xf32>,
          %parallel_loop3A_1575 = arith.mulf %parallel_loop3A_1570, %parallel_loop3A_1574 : vector<16xf32>
          tpu.vector_store_idx %arg14[%parallel_loop3A_1569, %parallel_loop3A_1567], %parallel_loop3A_1575 masked %parallel_loop3A_1568 : memref<40x128xf32, #tpu.memory_space<vmem>>[vector<16xi32>, vector<16xi32>], vector<16xf32>, vector<16xi1>
          %parallel_loop3A_1576 = arith.index_cast %parallel_loop3A_1564 : i32 to index
          %parallel_loop3A_1577 = arith.constant 0 : index
          %parallel_loop3A_1578 = tpu.vector_load %arg16[%parallel_loop3A_1576, %parallel_loop3A_1577] {strides = array<i32>} : memref<40x128xi32, #tpu.memory_space<vmem>>, vector<16xi32>,
          tpu.vector_store %arg16[%parallel_loop3A_1576, %parallel_loop3A_1577], %parallel_loop3A_1567 {strides = array<i32>} : memref<40x128xi32, #tpu.memory_space<vmem>>, vector<16xi32>,
        } {sc.loop_unroll_factor = 2 : i64, sc.parallel_access}
        %dma_start3A_1560 = arith.constant 0 : i32
        %dma_start3A_1561 = tpu.memref_slice %arg6[%mul3A_1523, %dma_start3A_1560] : memref<100000x128xf32, #tpu.memory_space<hbm>> -> memref<40x128xf32, #tpu.memory_space<hbm>>
        %dma_start3A_1562 = arith.constant 0 : i32
        %dma_start3A_1563 = tpu.memref_slice %arg6[%mul3A_1523, %dma_start3A_1562] : memref<100000x128xf32, #tpu.memory_space<hbm>> -> memref<40x128xf32, #tpu.memory_space<hbm>>
        tpu.enqueue_dma source(%arg14 : memref<40x128xf32, #tpu.memory_space<vmem>>) target(%dma_start3A_1563 : memref<40x128xf32, #tpu.memory_space<hbm>>) target_semaphore(%arg18 : memref<!tpu.dma_semaphore, #tpu.memory_space<semaphore_mem>>)
      } else {
      }
      %mul3A_1507 = arith.constant 2 : i32
      %mul3A_1508 = arith.muli %mul3A_1507, %scan3A_1494 : i32
      %add3A_1509 = arith.constant 1 : i32
      %add3A_1510 = arith.addi %mul3A_1508, %add3A_1509 : i32
      %mul3A_1511 = arith.constant 2 : i32
      %mul3A_1512 = arith.muli %mul3A_1511, %scan3A_1494 : i32
      %add3A_1513 = arith.constant 1 : i32
      %add3A_1514 = arith.addi %mul3A_1512, %add3A_1513 : i32
      %lt3A_1515 = arith.cmpi slt, %add3A_1510, %add3A_4 : i32
      %convert_element_type3A_1516 = arith.extui %lt3A_1515 : i1 to i32
      %cond3A_1517 = arith.constant 0 : i32
      %cond3A_1518 = arith.cmpi ne, %convert_element_type3A_1516, %cond3A_1517 : i32
      scf.if %cond3A_1518 {
        %mul3A_1519 = arith.constant 32 : i32
        %mul3A_1520 = arith.muli %add3A_1514, %mul3A_1519 : i32
        %add3A_1521 = arith.addi %add3A, %mul3A_1520 : i32
        %mul3A_1522 = arith.constant 40 : i32
        %mul3A_1523 = arith.muli %add3A_1521, %mul3A_1522 : i32
        %add3A_1524 = arith.constant 1 : i32
        %add3A_1525 = arith.addi %add3A_1514, %add3A_1524 : i32
        %lt3A_1526 = arith.cmpi slt, %add3A_1525, %add3A_4 : i32
        %convert_element_type3A_1527 = arith.extui %lt3A_1526 : i1 to i32
        %cond3A_1528 = arith.constant 0 : i32
        %cond3A_1529 = arith.cmpi ne, %convert_element_type3A_1527, %cond3A_1528 : i32
        scf.if %cond3A_1529 {
          %add3A_1564 = arith.constant 1 : i32
          %add3A_1565 = arith.addi %add3A_1514, %add3A_1564 : i32
          %mul3A_1566 = arith.constant 32 : i32
          %mul3A_1567 = arith.muli %add3A_1565, %mul3A_1566 : i32
          %add3A_1568 = arith.addi %add3A, %mul3A_1567 : i32
          %mul3A_1569 = arith.constant 40 : i32
          %mul3A_1570 = arith.muli %add3A_1568, %mul3A_1569 : i32
          %dma_start3A_1571 = arith.constant 0 : i32
          %dma_start3A_1572 = arith.constant 0 : i32
          %dma_start3A_1573 = tpu.memref_slice %arg7[%dma_start3A_1571, %dma_start3A_1572] : memref<40x128xi32, #tpu.memory_space<vmem>> -> memref<40x16xi32, #tpu.memory_space<vmem>>
          %dma_start3A_1574 = arith.constant 0 : i32
          %dma_start3A_1575 = tpu.memref_slice %arg2[%mul3A_1570, %dma_start3A_1574] : memref<100000x16xi32, #tpu.memory_space<hbm>> -> memref<40x16xi32, #tpu.memory_space<hbm>>
          %dma_start3A_1576 = arith.constant 0 : i32
          %dma_start3A_1577 = arith.constant 0 : i32
          %dma_start3A_1578 = tpu.memref_slice %arg7[%dma_start3A_1576, %dma_start3A_1577] : memref<40x128xi32, #tpu.memory_space<vmem>> -> memref<40x16xi32, #tpu.memory_space<vmem>>
          %dma_start3A_1579 = arith.constant 0 : i32
          %dma_start3A_1580 = tpu.memref_slice %arg2[%mul3A_1570, %dma_start3A_1579] : memref<100000x16xi32, #tpu.memory_space<hbm>> -> memref<40x16xi32, #tpu.memory_space<hbm>>
          tpu.enqueue_dma source(%dma_start3A_1580 : memref<40x16xi32, #tpu.memory_space<hbm>>) target(%dma_start3A_1578 : memref<40x16xi32, #tpu.memory_space<vmem>>) target_semaphore(%arg20 : memref<!tpu.dma_semaphore, #tpu.memory_space<semaphore_mem>>)
          %dma_start3A_1581 = arith.constant 0 : i32
          %dma_start3A_1582 = arith.constant 0 : i32
          %dma_start3A_1583 = tpu.memref_slice %arg9[%dma_start3A_1581, %dma_start3A_1582] : memref<1x128xf32, #tpu.memory_space<vmem>> -> memref<1x40xf32, #tpu.memory_space<vmem>>
          %dma_start3A_1584 = tpu.memref_squeeze %dma_start3A_1583 : memref<1x40xf32, #tpu.memory_space<vmem>> -> memref<40xf32, #tpu.memory_space<vmem>>
          %dma_start3A_1585 = tpu.memref_slice %arg3[%mul3A_1570] : memref<100000xf32, #tpu.memory_space<hbm>> -> memref<40xf32, #tpu.memory_space<hbm>>
          %dma_start3A_1586 = arith.constant 0 : i32
          %dma_start3A_1587 = tpu.memref_slice %arg9[%dma_start3A_1581, %dma_start3A_1586] : memref<1x128xf32, #tpu.memory_space<vmem>> -> memref<1x40xf32, #tpu.memory_space<vmem>>
          %dma_start3A_1588 = tpu.memref_squeeze %dma_start3A_1587 : memref<1x40xf32, #tpu.memory_space<vmem>> -> memref<40xf32, #tpu.memory_space<vmem>>
          %dma_start3A_1589 = tpu.memref_slice %arg3[%mul3A_1570] : memref<100000xf32, #tpu.memory_space<hbm>> -> memref<40xf32, #tpu.memory_space<hbm>>
          tpu.enqueue_dma source(%dma_start3A_1589 : memref<40xf32, #tpu.memory_space<hbm>>) target(%dma_start3A_1588 : memref<40xf32, #tpu.memory_space<vmem>>) target_semaphore(%arg20 : memref<!tpu.dma_semaphore, #tpu.memory_space<semaphore_mem>>)
        } else {
        }
        %ge3A_1530 = arith.constant 2 : i32
        %ge3A_1531 = arith.cmpi sge, %add3A_1514, %ge3A_1530 : i32
        %convert_element_type3A_1532 = arith.extui %ge3A_1531 : i1 to i32
        %cond3A_1533 = arith.constant 0 : i32
        %cond3A_1534 = arith.cmpi ne, %convert_element_type3A_1532, %cond3A_1533 : i32
        scf.if %cond3A_1534 {
          %sub3A_1564 = arith.constant 2 : i32
          %sub3A_1565 = arith.subi %add3A_1514, %sub3A_1564 : i32
          %mul3A_1566 = arith.constant 32 : i32
          %mul3A_1567 = arith.muli %sub3A_1565, %mul3A_1566 : i32
          %add3A_1568 = arith.addi %add3A, %mul3A_1567 : i32
          %mul3A_1569 = arith.constant 40 : i32
          %mul3A_1570 = arith.muli %add3A_1568, %mul3A_1569 : i32
          %dma_wait3A_1571 = arith.constant 0 : i32
          %dma_wait3A_1572 = tpu.memref_slice %arg6[%mul3A_1570, %dma_wait3A_1571] : memref<100000x128xf32, #tpu.memory_space<hbm>> -> memref<40x128xf32, #tpu.memory_space<hbm>>
          %dma_wait3A_1573 = arith.constant 0 : i32
          %dma_wait3A_1574 = tpu.memref_slice %arg6[%mul3A_1570, %dma_wait3A_1573] : memref<100000x128xf32, #tpu.memory_space<hbm>> -> memref<40x128xf32, #tpu.memory_space<hbm>>
          tpu.wait_dma2 semaphore(%arg19 : memref<!tpu.dma_semaphore, #tpu.memory_space<semaphore_mem>>) src(%arg15 : memref<40x128xf32, #tpu.memory_space<vmem>>) dst(%dma_wait3A_1574 : memref<40x128xf32, #tpu.memory_space<hbm>>)
          %parallel_loop3A_1575 = arith.constant 0 : i32
          %parallel_loop3A_1576 = arith.constant 40 : i32
          %parallel_loop3A_1577 = arith.constant 1 : i32
          scf.for %parallel_loop3A_1578 = %parallel_loop3A_1575 to %parallel_loop3A_1576 step %parallel_loop3A_1577  : i32 {
            %parallel_loop3A_1579 = arith.index_cast %parallel_loop3A_1578 : i32 to index
            %parallel_loop3A_1580 = arith.constant 0 : index
            %parallel_loop3A_1581 = tpu.vector_load %arg17[%parallel_loop3A_1579, %parallel_loop3A_1580] {strides = array<i32>} : memref<40x128xi32, #tpu.memory_space<vmem>>, vector<16xi32>,
            %parallel_loop3A_1582 = arith.cmpi ne, %parallel_loop3A_1581, %broadcast_in_dim3A_7 : vector<16xi32>
            %parallel_loop3A_1583 = vector.broadcast %parallel_loop3A_1578 : i32 to vector<16xi32>
            tpu.vector_store_idx %arg15[%parallel_loop3A_1583, %parallel_loop3A_1581], %broadcast_in_dim3A_5 masked %parallel_loop3A_1582 : memref<40x128xf32, #tpu.memory_space<vmem>>[vector<16xi32>, vector<16xi32>], vector<16xf32>, vector<16xi1>
          } {sc.loop_unroll_factor = 2 : i64, sc.parallel_access}
        } else {
        }
        %mul3A_1535 = arith.constant 32 : i32
        %mul3A_1536 = arith.muli %add3A_1514, %mul3A_1535 : i32
        %add3A_1537 = arith.addi %add3A, %mul3A_1536 : i32
        %mul3A_1538 = arith.constant 40 : i32
        %mul3A_1539 = arith.muli %add3A_1537, %mul3A_1538 : i32
        %dma_wait3A = arith.constant 0 : i32
        %dma_wait3A_1540 = arith.constant 0 : i32
        %dma_wait3A_1541 = tpu.memref_slice %arg8[%dma_wait3A, %dma_wait3A_1540] : memref<40x128xi32, #tpu.memory_space<vmem>> -> memref<40x16xi32, #tpu.memory_space<vmem>>
        %dma_wait3A_1542 = arith.constant 0 : i32
        %dma_wait3A_1543 = tpu.memref_slice %arg2[%mul3A_1539, %dma_wait3A_1542] : memref<100000x16xi32, #tpu.memory_space<hbm>> -> memref<40x16xi32, #tpu.memory_space<hbm>>
        %dma_wait3A_1544 = arith.constant 0 : i32
        %dma_wait3A_1545 = arith.constant 0 : i32
        %dma_wait3A_1546 = tpu.memref_slice %arg8[%dma_wait3A_1544, %dma_wait3A_1545] : memref<40x128xi32, #tpu.memory_space<vmem>> -> memref<40x16xi32, #tpu.memory_space<vmem>>
        %dma_wait3A_1547 = arith.constant 0 : i32
        %dma_wait3A_1548 = tpu.memref_slice %arg2[%mul3A_1539, %dma_wait3A_1547] : memref<100000x16xi32, #tpu.memory_space<hbm>> -> memref<40x16xi32, #tpu.memory_space<hbm>>
        tpu.wait_dma2 semaphore(%arg21 : memref<!tpu.dma_semaphore, #tpu.memory_space<semaphore_mem>>) src(%dma_wait3A_1548 : memref<40x16xi32, #tpu.memory_space<hbm>>) dst(%dma_wait3A_1546 : memref<40x16xi32, #tpu.memory_space<vmem>>)
        %dma_wait3A_1549 = arith.constant 0 : i32
        %dma_wait3A_1550 = arith.constant 0 : i32
        %dma_wait3A_1551 = tpu.memref_slice %arg10[%dma_wait3A_1549, %dma_wait3A_1550] : memref<1x128xf32, #tpu.memory_space<vmem>> -> memref<1x40xf32, #tpu.memory_space<vmem>>
        %dma_wait3A_1552 = tpu.memref_squeeze %dma_wait3A_1551 : memref<1x40xf32, #tpu.memory_space<vmem>> -> memref<40xf32, #tpu.memory_space<vmem>>
        %dma_wait3A_1553 = tpu.memref_slice %arg3[%mul3A_1539] : memref<100000xf32, #tpu.memory_space<hbm>> -> memref<40xf32, #tpu.memory_space<hbm>>
        %dma_wait3A_1554 = arith.constant 0 : i32
        %dma_wait3A_1555 = tpu.memref_slice %arg10[%dma_wait3A_1549, %dma_wait3A_1554] : memref<1x128xf32, #tpu.memory_space<vmem>> -> memref<1x40xf32, #tpu.memory_space<vmem>>
        %dma_wait3A_1556 = tpu.memref_squeeze %dma_wait3A_1555 : memref<1x40xf32, #tpu.memory_space<vmem>> -> memref<40xf32, #tpu.memory_space<vmem>>
        %dma_wait3A_1557 = tpu.memref_slice %arg3[%mul3A_1539] : memref<100000xf32, #tpu.memory_space<hbm>> -> memref<40xf32, #tpu.memory_space<hbm>>
        tpu.wait_dma2 semaphore(%arg21 : memref<!tpu.dma_semaphore, #tpu.memory_space<semaphore_mem>>) src(%dma_wait3A_1557 : memref<40xf32, #tpu.memory_space<hbm>>) dst(%dma_wait3A_1556 : memref<40xf32, #tpu.memory_space<vmem>>)
        %parallel_loop3A = arith.constant 0 : i32
        %parallel_loop3A_1558 = arith.constant 40 : i32
        %parallel_loop3A_1559 = arith.constant 1 : i32
        scf.for %parallel_loop3A_1564 = %parallel_loop3A to %parallel_loop3A_1558 step %parallel_loop3A_1559  : i32 {
          %parallel_loop3A_1565 = arith.index_cast %parallel_loop3A_1564 : i32 to index
          %parallel_loop3A_1566 = arith.constant 0 : index
          %parallel_loop3A_1567 = tpu.vector_load %arg8[%parallel_loop3A_1565, %parallel_loop3A_1566] {strides = array<i32>} : memref<40x128xi32, #tpu.memory_space<vmem>>, vector<16xi32>,
          %parallel_loop3A_1568 = arith.cmpi ne, %parallel_loop3A_1567, %broadcast_in_dim3A_7 : vector<16xi32>
          %parallel_loop3A_1569 = vector.broadcast %parallel_loop3A_1564 : i32 to vector<16xi32>
          %parallel_loop3A_1570 = tpu.vector_load_idx %arg10[%broadcast_in_dim3A_9, %parallel_loop3A_1569] : memref<1x128xf32, #tpu.memory_space<vmem>>[vector<16xi32>, vector<16xi32>], vector<16xf32>,
          %parallel_loop3A_1571 = arith.constant 0 : i32
          %parallel_loop3A_1572 = vector.broadcast %parallel_loop3A_1571 : i32 to vector<16xi32>
          %parallel_loop3A_1573 = arith.select %parallel_loop3A_1568, %parallel_loop3A_1567, %parallel_loop3A_1572 : vector<16xi1>, vector<16xi32>
          %parallel_loop3A_1574 = tpu.vector_load_idx %arg12[%broadcast_in_dim3A_9, %parallel_loop3A_1573] : memref<1x128xf32, #tpu.memory_space<vmem>>[vector<16xi32>, vector<16xi32>], vector<16xf32>,
          %parallel_loop3A_1575 = arith.mulf %parallel_loop3A_1570, %parallel_loop3A_1574 : vector<16xf32>
          tpu.vector_store_idx %arg15[%parallel_loop3A_1569, %parallel_loop3A_1567], %parallel_loop3A_1575 masked %parallel_loop3A_1568 : memref<40x128xf32, #tpu.memory_space<vmem>>[vector<16xi32>, vector<16xi32>], vector<16xf32>, vector<16xi1>
          %parallel_loop3A_1576 = arith.index_cast %parallel_loop3A_1564 : i32 to index
          %parallel_loop3A_1577 = arith.constant 0 : index
          %parallel_loop3A_1578 = tpu.vector_load %arg17[%parallel_loop3A_1576, %parallel_loop3A_1577] {strides = array<i32>} : memref<40x128xi32, #tpu.memory_space<vmem>>, vector<16xi32>,
          tpu.vector_store %arg17[%parallel_loop3A_1576, %parallel_loop3A_1577], %parallel_loop3A_1567 {strides = array<i32>} : memref<40x128xi32, #tpu.memory_space<vmem>>, vector<16xi32>,
        } {sc.loop_unroll_factor = 2 : i64, sc.parallel_access}
        %dma_start3A_1560 = arith.constant 0 : i32
        %dma_start3A_1561 = tpu.memref_slice %arg6[%mul3A_1523, %dma_start3A_1560] : memref<100000x128xf32, #tpu.memory_space<hbm>> -> memref<40x128xf32, #tpu.memory_space<hbm>>
        %dma_start3A_1562 = arith.constant 0 : i32
        %dma_start3A_1563 = tpu.memref_slice %arg6[%mul3A_1523, %dma_start3A_1562] : memref<100000x128xf32, #tpu.memory_space<hbm>> -> memref<40x128xf32, #tpu.memory_space<hbm>>
        tpu.enqueue_dma source(%arg15 : memref<40x128xf32, #tpu.memory_space<vmem>>) target(%dma_start3A_1563 : memref<40x128xf32, #tpu.memory_space<hbm>>) target_semaphore(%arg19 : memref<!tpu.dma_semaphore, #tpu.memory_space<semaphore_mem>>)
      } else {
      }
    }
    %scan3A_1436 = arith.constant 40 : i32
    %sub3A = arith.constant 1 : i32
    %sub3A_1437 = arith.subi %add3A_4, %sub3A : i32
    %sub3A_1438 = arith.constant 1 : i32
    %sub3A_1439 = arith.subi %add3A_4, %sub3A_1438 : i32
    %jit3A_1440 = arith.constant 2 : i32
    %eq3A_1441 = arith.constant 0 : i32
    %eq3A_1442 = arith.cmpi eq, %jit3A_1440, %eq3A_1441 : i32
    %jit3A_1443 = arith.constant 1 : i32
    %select_n3A_1444 = arith.select %eq3A_1442, %jit3A_1443, %jit3A_1440 : i32
    %rem3A = arith.remsi %sub3A_1439, %select_n3A_1444 : i32
    %ne3A = arith.constant 0 : i32
    %ne3A_1445 = arith.cmpi ne, %rem3A, %ne3A : i32
    %lt3A_1446 = arith.constant 0 : i32
    %lt3A_1447 = arith.cmpi slt, %rem3A, %lt3A_1446 : i32
    %lt3A_1448 = arith.constant 0 : i32
    %lt3A_1449 = arith.cmpi slt, %select_n3A_1444, %lt3A_1448 : i32
    %ne3A_1450 = arith.xori %lt3A_1447, %lt3A_1449 : i1
    %and3A = arith.andi %ne3A_1450, %ne3A_1445 : i1
    %add3A_1451 = arith.addi %rem3A, %select_n3A_1444 : i32
    %select_n3A_1452 = arith.select %and3A, %add3A_1451, %rem3A : i32
    %eq3A_1453 = arith.constant 0 : i32
    %eq3A_1454 = arith.cmpi eq, %select_n3A_1452, %eq3A_1453 : i32
    %jit3A_1455 = arith.constant 0 : i32
    %jit3A_1456 = arith.constant 1 : i32
    %select_n3A_1457 = arith.select %eq3A_1454, %jit3A_1455, %jit3A_1456 : i32
    %sub3A_1458 = arith.subi %sub3A_1437, %select_n3A_1457 : i32
    %ge3A = arith.constant 0 : i32
    %ge3A_1459 = arith.cmpi sge, %sub3A_1458, %ge3A : i32
    %convert_element_type3A_1460 = arith.extui %ge3A_1459 : i1 to i32
    %cond3A_1461 = arith.constant 0 : i32
    %cond3A_1462 = arith.cmpi ne, %convert_element_type3A_1460, %cond3A_1461 : i32
    scf.if %cond3A_1462 {
      %mul3A_1494 = arith.constant 32 : i32
      %mul3A_1495 = arith.muli %sub3A_1458, %mul3A_1494 : i32
      %add3A_1496 = arith.addi %add3A, %mul3A_1495 : i32
      %mul3A_1497 = arith.constant 40 : i32
      %mul3A_1498 = arith.muli %add3A_1496, %mul3A_1497 : i32
      %dma_wait3A = arith.constant 0 : i32
      %dma_wait3A_1499 = tpu.memref_slice %arg6[%mul3A_1498, %dma_wait3A] : memref<100000x128xf32, #tpu.memory_space<hbm>> -> memref<40x128xf32, #tpu.memory_space<hbm>>
      %dma_wait3A_1500 = arith.constant 0 : i32
      %dma_wait3A_1501 = tpu.memref_slice %arg6[%mul3A_1498, %dma_wait3A_1500] : memref<100000x128xf32, #tpu.memory_space<hbm>> -> memref<40x128xf32, #tpu.memory_space<hbm>>
      tpu.wait_dma2 semaphore(%arg18 : memref<!tpu.dma_semaphore, #tpu.memory_space<semaphore_mem>>) src(%arg14 : memref<40x128xf32, #tpu.memory_space<vmem>>) dst(%dma_wait3A_1501 : memref<40x128xf32, #tpu.memory_space<hbm>>)
    } else {
    }
    %sub3A_1463 = arith.constant 1 : i32
    %sub3A_1464 = arith.subi %add3A_4, %sub3A_1463 : i32
    %sub3A_1465 = arith.constant 1 : i32
    %sub3A_1466 = arith.subi %add3A_4, %sub3A_1465 : i32
    %jit3A_1467 = arith.constant 2 : i32
    %eq3A_1468 = arith.constant 0 : i32
    %eq3A_1469 = arith.cmpi eq, %jit3A_1467, %eq3A_1468 : i32
    %jit3A_1470 = arith.constant 1 : i32
    %select_n3A_1471 = arith.select %eq3A_1469, %jit3A_1470, %jit3A_1467 : i32
    %rem3A_1472 = arith.remsi %sub3A_1466, %select_n3A_1471 : i32
    %ne3A_1473 = arith.constant 0 : i32
    %ne3A_1474 = arith.cmpi ne, %rem3A_1472, %ne3A_1473 : i32
    %lt3A_1475 = arith.constant 0 : i32
    %lt3A_1476 = arith.cmpi slt, %rem3A_1472, %lt3A_1475 : i32
    %lt3A_1477 = arith.constant 0 : i32
    %lt3A_1478 = arith.cmpi slt, %select_n3A_1471, %lt3A_1477 : i32
    %ne3A_1479 = arith.xori %lt3A_1476, %lt3A_1478 : i1
    %and3A_1480 = arith.andi %ne3A_1479, %ne3A_1474 : i1
    %add3A_1481 = arith.addi %rem3A_1472, %select_n3A_1471 : i32
    %select_n3A_1482 = arith.select %and3A_1480, %add3A_1481, %rem3A_1472 : i32
    %eq3A_1483 = arith.constant 1 : i32
    %eq3A_1484 = arith.cmpi eq, %select_n3A_1482, %eq3A_1483 : i32
    %jit3A_1485 = arith.constant 0 : i32
    %jit3A_1486 = arith.constant 1 : i32
    %select_n3A_1487 = arith.select %eq3A_1484, %jit3A_1485, %jit3A_1486 : i32
    %sub3A_1488 = arith.subi %sub3A_1464, %select_n3A_1487 : i32
    %ge3A_1489 = arith.constant 0 : i32
    %ge3A_1490 = arith.cmpi sge, %sub3A_1488, %ge3A_1489 : i32
    %convert_element_type3A_1491 = arith.extui %ge3A_1490 : i1 to i32
    %cond3A_1492 = arith.constant 0 : i32
    %cond3A_1493 = arith.cmpi ne, %convert_element_type3A_1491, %cond3A_1492 : i32
    scf.if %cond3A_1493 {
      %mul3A_1494 = arith.constant 32 : i32
      %mul3A_1495 = arith.muli %sub3A_1488, %mul3A_1494 : i32
      %add3A_1496 = arith.addi %add3A, %mul3A_1495 : i32
      %mul3A_1497 = arith.constant 40 : i32
      %mul3A_1498 = arith.muli %add3A_1496, %mul3A_1497 : i32
      %dma_wait3A = arith.constant 0 : i32
      %dma_wait3A_1499 = tpu.memref_slice %arg6[%mul3A_1498, %dma_wait3A] : memref<100000x128xf32, #tpu.memory_space<hbm>> -> memref<40x128xf32, #tpu.memory_space<hbm>>
      %dma_wait3A_1500 = arith.constant 0 : i32
      %dma_wait3A_1501 = tpu.memref_slice %arg6[%mul3A_1498, %dma_wait3A_1500] : memref<100000x128xf32, #tpu.memory_space<hbm>> -> memref<40x128xf32, #tpu.memory_space<hbm>>
      tpu.wait_dma2 semaphore(%arg19 : memref<!tpu.dma_semaphore, #tpu.memory_space<semaphore_mem>>) src(%arg15 : memref<40x128xf32, #tpu.memory_space<vmem>>) dst(%dma_wait3A_1501 : memref<40x128xf32, #tpu.memory_space<hbm>>)
    } else {
    }
    return
  }
}

</mosaic_0001>

<sc_bundles>
// kernel: kernel.4.cloned.1.call-start
scs
__scs_entry_jumppad:
0x0: {  	(pc) =	sbr.rel $0x88, $3  }
0x1: {  	(tag) =	ssettag $0x0;
	lr =	simm.s32 $0x1  }
0x2: {  	[smem:$0x3F9E] =	sst lr;
	_ =	strace $0xD0000000  }
0x3: {  	_ = 	snop  }
0x4: {  	_ = 	snop  }
0x5: {  	_ = 	snop  }
0x6: {  	_ = 	snop  }
0x7: {  	_ = 	snop  }
__scs_overlays_trampoline_lowered:
0x8: {  	[smem:$0x3FAD] =	sst s0  }
0x9: {  	[smem:$0x3FAE] =	sst s1  }
0xa: {  	[smem:$0x3FAF] =	sst s2  }
0xb: {  	[smem:$0x3FB0] =	sst s3  }
0xc: {  	[smem:$0x3FB1] =	sst s4  }
0xd: {  	[smem:$0x3FB2] =	sst s5  }
0xe: {  	[smem:$0x3FB3] =	sst s6  }
0xf: {  	[smem:$0x3FB4] =	sst s7  }
0x10: {  	[smem:$0x3FB5] =	sst s8  }
0x11: {  	[smem:$0x3FB6] =	sst s9;
	s0 =	simm.s32 @!p0 $0x0  }
0x12: {  	s1 =	sld [smem:$0x3F9C];
	s0 =	simm.s32 @p0 $0x1  }
0x13: {  	[smem:$0x3FB7] =	sst s0;
	s0 =	simm.s32 @!p1 $0x0  }
0x14: {  	s2 =	sld [smem:$0x3F9B];
	s0 =	simm.s32 @p1 $0x1  }
0x15: {  	[smem:$0x3FB8] =	sst s0;
	s0 =	simm.s32 @!p2 $0x0  }
0x16: {  	s3 =	sld [smem:$0x3FDB];
	s0 =	simm.s32 @p2 $0x1  }
0x17: {  	s4 =	simm.s32 $0x1BF5;
	[smem:$0x3FBA] =	sst s0  }
0x18: {  	s0 =	sld [smem:$0x3F9D];
	_ =	swait.ge [sflag:s4], $0x0  }
0x19: {  	s7 =	sld [smem:$0x3F9E]  }
0x1a: {  	s8 =	sadd.s32 $0xFFFFE003, lr  }
0x1b: {  	s9 =	sadd.s32 $0xFFFFFEF7, lr;
	s5 =	simm.s32 $0xFFFFFFFF;
	p2 =	slt.u32 s8, $0xFFFFF086  }
0x1c: {  	p1 =	slt.u32 s9, $0xF7A;
	s5 =	simm.s32 @!p2 $0x0  }
0x1d: {  	s5 =	simm.s32 @p1 $0x1;
	p0 =	seq.s32 s7, s2  }
0x1e: {  	s7 =	smul.u32 @!p0 $0xF7A, s2;
	p2 =	seq.s32 @!p0 s5, $0x0  }
0x1f: {  	s9 =	smul.u32 $0xF7A, s1;
	s8 =	simm.s32 @!p0 $0x1BF5;
	p2 =	por !p2, p0  }
0x20: {  	[sflag:s8] =	ssyncset.s32 @!p0 $0xFFFFF086;
	s6 =	sadd.s32 @!p0 s3, s7;
	s7 =	simm.s32 @!p0 $0x108  }
0x21: {  	s3 =	sadd.s32 s3, s9;
	s6 =	sadd.s32 @!p0 $0x88, s6;
	s7 =	simm.s32 @p2 $0x1082  }
0x22: {  	[simem:s7], [sflag:s8] =	dma.local @!p0 [hbm:s6], $0xF7A  }
0x23: {  	s9 =	sor.u32 $0xD0000000, s2;
	s6 =	simm.s32 $0x108;
	_ =	swait.ge @!p0 [sflag:s8], $0x0  }
0x24: {  	s3 =	sadd.s32 $0x88, s3;
	s6 =	simm.s32 @!p1 $0x1082;
	[sflag:s4] =	ssyncset.s32 $0xFFFFF086  }
0x25: {  	[simem:s6], [sflag:s4] =	dma.local [hbm:s3], $0xF7A  }
0x26: {  	[smem:$0x3F9E] =	sst s1;
	(tag) =	ssettag s2;
	_ =	strace s9  }
0x27: {  	s1 =	sld [smem:$0x3FAE]  }
0x28: {  	s2 =	sld [smem:$0x3FAF]  }
0x29: {  	s4 =	sld [smem:$0x3FB1]  }
0x2a: {  	p0 =	seq.s32 s5, $0x0;
	s5 =	sld [smem:$0x3FB2]  }
0x2b: {  	s6 =	sld [smem:$0x3FB3]  }
0x2c: {  	s7 =	sld [smem:$0x3FB4]  }
0x2d: {  	s3 =	simm.s32 $0x108;
	s8 =	sld [smem:$0x3FB5]  }
0x2e: {  	s3 =	simm.s32 @!p0 $0x1082;
	s9 =	sld [smem:$0x3FB6]  }
0x2f: {  	lr =	sadd.s32 s0, s3;
	s0 =	sld [smem:$0x3FAD]  }
0x30: {  	s3 =	sld [smem:$0x3FB0]  }
0x31: {  	[smem:$0x3FB9] =	sst s10  }
0x32: {  	s10 =	sld [smem:$0x3FB7];
	_ =	sdelay $0x3  }
0x33: {  	p0 =	seq.s32 s10, $0x1;
	s10 =	sld [smem:$0x3FB9];
	_ =	sdelay $0x3  }
0x34: {  	[smem:$0x3FB9] =	sst s10  }
0x35: {  	s10 =	sld [smem:$0x3FB8];
	_ =	sdelay $0x3  }
0x36: {  	p1 =	seq.s32 s10, $0x1;
	s10 =	sld [smem:$0x3FB9];
	_ =	sdelay $0x3  }
0x37: {  	[smem:$0x3FB9] =	sst s10  }
0x38: {  	s10 =	sld [smem:$0x3FBA]  }
0x39: {  	_ = 	snop;
	(pc) =	sbr.ind lr, $3  }
0x3a: {  	_ = 	snop  }
0x3b: {  	_ = 	snop  }
0x3c: {  	p2 =	seq.s32 s10, $0x1;
	s10 =	sld [smem:$0x3FB9]  }
0x3d: {  	_ =	shalt  }
0x3e: {  	_ =	shalt  }
0x3f: {  	_ =	shalt  }
0x40: {  	_ =	shalt  }
0x41: {  	_ =	shalt  }
0x42: {  	_ =	shalt  }
0x43: {  	_ =	shalt  }
0x44: {  	_ =	shalt  }
0x45: {  	_ =	shalt  }
0x46: {  	_ =	shalt  }
0x47: {  	_ =	shalt  }
0x48: {  	_ =	shalt  }
0x49: {  	_ =	shalt  }
0x4a: {  	_ =	shalt  }
0x4b: {  	_ =	shalt  }
0x4c: {  	_ =	shalt  }
0x4d: {  	_ =	shalt  }
0x4e: {  	_ =	shalt  }
0x4f: {  	_ =	shalt  }
0x50: {  	_ =	shalt  }
0x51: {  	_ =	shalt  }
0x52: {  	_ =	shalt  }
0x53: {  	_ =	shalt  }
0x54: {  	_ =	shalt  }
0x55: {  	_ =	shalt  }
0x56: {  	_ =	shalt  }
0x57: {  	_ =	shalt  }
0x58: {  	_ =	shalt  }
0x59: {  	_ =	shalt  }
0x5a: {  	_ =	shalt  }
0x5b: {  	_ =	shalt  }
0x5c: {  	_ =	shalt  }
0x5d: {  	_ =	shalt  }
0x5e: {  	_ =	shalt  }
0x5f: {  	_ =	shalt  }
0x60: {  	_ =	shalt  }
0x61: {  	_ =	shalt  }
0x62: {  	_ =	shalt  }
0x63: {  	_ =	shalt  }
0x64: {  	_ =	shalt  }
0x65: {  	_ =	shalt  }
0x66: {  	_ =	shalt  }
0x67: {  	_ =	shalt  }
0x68: {  	_ =	shalt  }
0x69: {  	_ =	shalt  }
0x6a: {  	_ =	shalt  }
0x6b: {  	_ =	shalt  }
0x6c: {  	_ =	shalt  }
0x6d: {  	_ =	shalt  }
0x6e: {  	_ =	shalt  }
0x6f: {  	_ =	shalt  }
0x70: {  	_ =	shalt  }
0x71: {  	_ =	shalt  }
0x72: {  	_ =	shalt  }
0x73: {  	_ =	shalt  }
0x74: {  	_ =	shalt  }
0x75: {  	_ =	shalt  }
0x76: {  	_ =	shalt  }
0x77: {  	_ =	shalt  }
0x78: {  	_ =	shalt  }
0x79: {  	_ =	shalt  }
0x7a: {  	_ =	shalt  }
0x7b: {  	_ =	shalt  }
0x7c: {  	_ =	shalt  }
0x7d: {  	_ =	shalt  }
0x7e: {  	_ =	shalt  }
0x7f: {  	_ =	shalt  }
0x80: {  	_ =	shalt  }
0x81: {  	_ =	shalt  }
0x82: {  	_ =	shalt  }
0x83: {  	_ =	shalt  }
0x84: {  	_ =	shalt  }
0x85: {  	_ =	shalt  }
0x86: {  	_ =	shalt  }
0x87: {  	_ =	shalt  }
.Lfunc_end0:
.L_simem_size_0:
called_computation.1_lowered:
.L_overlay_start_0:
0x88: {  	s2 =	sld [smem:$0x3FD9]  }
0x89: {  	s3 =	sld [smem:$0x3FFE];
	_ =	sdelay $0x1  }
0x8a: {  	s1 =	srdreg.scid  }
0x8b: {  	s0 =	sand.u32 $0x1, s1  }
0x8c: {  	s14 =	sshll.u32 s0, $0xA;
	s2 =	sadd.s32 s3, s2  }
0x8d: {  	s2 =	sadd.s32 s2, s14  }
0x8e: {  	[smem:$0x3FC5] =	sst s2  }
0x8f: {  	_ = 	snop  }
0x90: {  	s2 =	sld [smem:$0x3FD0];
	_ =	sdelay $0x2  }
0x91: {  	s4 =	simm.s32 $0xB;
	s5 =	simm.s32 $0x10;
	s15 =	sld [smem:$0x3FC7]  }
0x92: {  	[smem:s5], [sflag:s4] =	dma.local [hbm:s2], $0x1  }
0x93: {  	_ =	swait.eq [sflag:s4], $0x1  }
0x94: {  	s16 =	sld [smem:$0x10];
	[sflag:s4] =	ssyncset.done $0x0  }
0x95: {  	s17 =	sld [smem:$0x11];
	[sflag:s4] =	ssyncadd.s32 $0xFFFFFFFF  }
0x96: {  	s18 =	sld [smem:$0x13];
	(tm) =	ssettm $0x1  }
0x97: {  	s6 =	sld [smem:$0x3FFB];
	_ =	sdelay $0x3  }
0x98: {  	_ =	strace s6  }
0x99: {  	s6 =	sld [smem:$0x3FFC];
	_ =	sdelay $0x3  }
0x9a: {  	_ =	strace s6  }
0x9b: {  	s6 =	sld [smem:$0x3FFD];
	_ =	sdelay $0x3  }
0x9c: {  	_ =	strace s6  }
0x9d: {  	_ =	strace $0x8FFFFFFF  }
0x9e: {  	s19 =	sld [smem:$0x3FDB];
	_ =	sdelay $0x1  }
0x9f: {  	s7 =	simm.s32 $_scs_section_size  }
0xa0: {  	s8 =	simm.s32 $_size__tile_overlayer_lowered;
	s9 =	simm.s32 $_tile_overlayer_lowered  }
0xa1: {  	s22 =	simm.s32 $0x1BFF;
	s21 =	sshll.u32 s9, $0x1;
	s6 =	sadd.s32 s7, s19  }
0xa2: {  	s10 =	simm.s32 $0x0;
	s20 =	sshll.u32 s8, $0x1;
	s8 =	sadd.s32 s21, s6  }
0xa3: {  	[timem:s10], [sflag:s22] =	dma.local [hbm:s8], s20  }
0xa4: {  	_ =	swait.ge [sflag:s22], s20  }
0xa5: {  	s7 =	ssub.s32 $0x0, s20;
	[sflag:s22] =	ssyncset.done $0x0  }
0xa6: {  	[sflag:s22] =	ssyncadd.s32 s7;
	_ =	sdelay $0x1  }
0xa7: {  	s23 =	simm.s32 $0x1B8B  }
0xa8: {  	_ =	swait.ge [sflag:s23], $0x1  }
0xa9: {  	[sflag:s23] =	ssyncset.done $0x0  }
0xaa: {  	s25 =	simm.s32 $0x1B8E;
	s24 =	sld [smem:$0x3FFE];
	[sflag:s23] =	ssyncadd.s32 $0xFFFFFFFF  }
0xab: {  	s26 =	simm.s32 $execute0_lowered;
	[smem:$0x3FD2] =	sst s25  }
0xac: {  	s8 =	sshll.u32 s26, $0x1;
	_ =	strace $0x80000046;
	[dreg:$0x1] =	wrdreg $0xFFFFFFFF  }
0xad: {  	s28 =	simm.s32 $_size_execute0_lowered;
	s6 =	sadd.s32 s6, s8;
	[dreg:$0x0] =	wrdreg $0x0  }
0xae: {  	s8 =	sshll.u32 s28, $0x1;
	[dreg:$0x2] =	wrdreg s6  }
0xaf: {  	[dreg:$0x3] =	wrdreg s8  }
0xb0: {  	[dreg:$0x4] =	wrdreg $0xC0  }
0xb1: {  	_ =	task [dreg:s10], $0x5FFFF  }
0xb2: {  	[dreg:$0x1] =	wrdreg $0xFFFFFFFF  }
0xb3: {  	[dreg:$0x0] =	wrdreg $0x60  }
0xb4: {  	[dreg:$0x2] =	wrdreg s18  }
0xb5: {  	[dreg:$0x3] =	wrdreg s24  }
0xb6: {  	[dreg:$0x4] =	wrdreg s15  }
0xb7: {  	[dreg:$0x5] =	wrdreg s16  }
0xb8: {  	[dreg:$0x6] =	wrdreg s17  }
0xb9: {  	[dreg:$0x7] =	wrdreg $0x9  }
0xba: {  	_ =	task.clear_ibuf [dreg:s10], $0x8FFFF;
	_ =	strace $0x90000046  }
0xbb: {  	s29 =	simm.s32 $0x9;
	_ =	strace $0x80000048  }
0xbc: {  	_ =	swait.ge [sflag:s29], $0x1  }
0xbd: {  	[sflag:s29] =	ssyncadd.s32 $0xFFFFFFFF  }
0xbe: {  	_ =	strace $0x90000048  }
0xbf: {  	_ =	sfence  }
0xc0: {  	s30 =	sld [smem:$0x0];
	_ =	sdelay $0x2  }
0xc1: {  	s31 =	sshll.u32 s1, $0xD;
	s1 =	sshrl.u32 s1, $0x2  }
0xc2: {  	s3 =	sand.u32 $0x4000, s31;
	s1 =	sadd.s32 s1, s30  }
0xc3: {  	s0 =	sor.u32 s3, s0;
	s1 =	sshll.u32 s1, $0x11  }
0xc4: {  	s0 =	sor.u32 s1, s0  }
0xc5: {  	s0 =	sadd.s32 $0x8F2B, s0  }
0xc6: {  	[sflag:s0] =	ssyncadd.remote.s32 $0x1  }
0xc7: {  	_ =	sfence.sel $0xFFFF  }
0xc8: {  	[dreg:$0x0] =	wrdreg $0xFFFFFFFF;
	(pc) =	sbr.abs _section_cstart, $3  }
0xc9: {  	[dreg:$0x1] =	wrdreg $0xFFFFFFFF  }
0xca: {  	_ =	task.clear_ibuf [dreg:s10], $0x2FFFF;
	_ =	strace $0x9FFFFFFF  }
0xcb: {  	(tm) =	ssettm $0x7FFFFFFF  }
tec
execute0_lowered:
.L_overlay_start_1:
0x0: {  	(tag) =	ssettag $0x1  }
0x1: {  	s2 =	rddreg [dreg:$0x0]  }
0x2: {  	s0 =	rddreg [dreg:$0x1]  }
0x3: {  	s3 =	rddreg [dreg:$0x2]  }
0x4: {  	s29 =	rddreg [dreg:$0x3];
	s6 =	simm.s32 $0x0;
	s1 =	srdreg.scid  }
0x5: {  	s5 =	stileid.u32;
	s9 =	simm.s32 $0x4F;
	s15 =	simm.s32 $0x5000  }
0x6: {  	s16 =	simm.s32 $0x5080;
	s17 =	simm.s32 $0x3;
	s18 =	simm.s32 $0x5100  }
0x7: {  	s19 =	simm.s32 $0x11900;
	s20 =	simm.s32 $0x14180;
	s21 =	simm.s32 $0x1  }
0x8: {  	s22 =	simm.s32 $0x4;
	s23 =	simm.s32 $0xB500;
	s24 =	simm.s32 $0x12D00  }
0x9: {  	s25 =	simm.s32 $0x2;
	s1 =	sand.u32 $0x1, s1;
	s4 =	sshll.u32 s5, $0x1  }
0xa: {  	v0 =	vimm.s32 $0xFEDCBA9;
	v1 =	vimm.s32 $0x87654321;
	[smem:$0x7FF] =	sst s6;
	s7 =	sadd.s32 $0x1600, s0;
	s8 =	sor.u32 s1, s4  }
0xb: {  	p0 =	slt.u32 s5, $0x2;
	v0 =	vunpack.c.l.s4.s8 v0;
	v1 =	vunpack.c.l.s4.s8 v1;
	_ =	strace $0x80000047;
	s10 =	smul.u32 $0x190, s8  }
0xc: {  	s1 =	ssub.s32 $0x2, s1;
	s9 =	simm.s32 @!p0 $0x4E;
	s12 =	smul.u32 $0x5, s8  }
.Ltmp0:
0xd: {  	s4 =	sshll.u32 s8, $0x4;
	s28 =	sshrl.u32 s1, $0x1;
	v0 =	vunpack.c.0.s8.s32 v0;
	v1 =	vunpack.c.0.s8.s32 v1;
	(pc) =	sbr.rel .LBB2_1-.Ltmp0, $4  }
0xe: {  	s11 =	smul.u32 $0x50, s8;
	s0 =	sadd.s32 s4, s0;
	s30 =	sadd.s32 s3, s12  }
0xf: {  	s1 =	ssub.s32 s1, s28;
	s0 =	sadd.s32 $0x32400, s0;
	v3 =	vcombine.low v1, v0;
	[dreg:$0x6] =	wrdreg s30  }
0x10: {  	vm0 =	vcmask $0x3F3C;
	s10 =	sadd.s32 s2, s10;
	s31 =	smax.u32 s1, $0x1;
	v1 =	vlaneseq.u32;
	[dreg:$0x7] =	wrdreg s0  }
0x11: {  	s11 =	sadd.s32 s7, s11;
	v0 =	vimm.f32 $0.0e+00;
	s2 =	simm.s32 $0x0;
	[dreg:$0x8] =	wrdreg s31;
	v2 =	vor.u32 $0x80000000, v1;
	v3 =	vand.u32 $0xF, v3  }
.LBB2_43:
0x12: {  	v4 =	vld [tilespmem:$0x14180]  }
0x13: {  	v5 =	vld [tilespmem:$0x14200]  }
0x14: {  	v6 =	vld [tilespmem:$0x14190]  }
0x15: {  	v7 =	vld [tilespmem:$0x14210]  }
0x16: {  	v8 =	vld [tilespmem:$0x141A0]  }
0x17: {  	v9 =	vld [tilespmem:$0x14220]  }
0x18: {  	v10 =	vld [tilespmem:$0x141B0]  }
0x19: {  	v11 =	vld [tilespmem:$0x14230]  }
0x1a: {  	v12 =	vld [tilespmem:$0x141C0]  }
0x1b: {  	v13 =	vld [tilespmem:$0x14240]  }
0x1c: {  	v14 =	vld [tilespmem:$0x141D0]  }
0x1d: {  	v15 =	vld [tilespmem:$0x14250]  }
0x1e: {  	v16 =	vld [tilespmem:$0x141E0]  }
0x1f: {  	v17 =	vld [tilespmem:$0x14260]  }
0x20: {  	v18 =	vld [tilespmem:$0x141F0]  }
0x21: {  	v19 =	vld [tilespmem:$0x14270];
	_ =	swait.ge [sflag:s21], $0x6400  }
0x22: {  	[sflag:s21] =	ssyncset.done $0x0  }
0x23: {  	[sflag:s21] =	ssyncadd.s32 $0xFFFF9C00  }
0x24: {  	_ =	swait.ge [sflag:s21], $0x1400  }
0x25: {  	[sflag:s21] =	ssyncset.done $0x0  }
0x26: {  	[sflag:s21] =	ssyncadd.s32 $0xFFFFEC00  }
0x27: {  	_ =	swait.ge [sflag:s25], $0x6400  }
0x28: {  	[sflag:s25] =	ssyncset.done $0x0  }
0x29: {  	[sflag:s25] =	ssyncadd.s32 $0xFFFF9C00  }
0x2a: {  	_ =	swait.ge [sflag:s25], $0x1400  }
0x2b: {  	v4 =	vadd.f32 v5, v4;
	[sflag:s25] =	ssyncset.done $0x0  }
0x2c: {  	v5 =	vadd.f32 v7, v6;
	[sflag:s25] =	ssyncadd.s32 $0xFFFFEC00  }
0x2d: {  	v62 =	vadd.f32 v9, v8;
	[tilespmem:$0x14100] =	vst v4  }
0x2e: {  	v63 =	vadd.f32 v15, v14;
	[tilespmem:$0x14110] =	vst v5  }
0x2f: {  	v4 =	vadd.f32 v11, v10;
	[tilespmem:$0x14120] =	vst v62  }
0x30: {  	v5 =	vadd.f32 v13, v12;
	[tilespmem:$0x14150] =	vst v63  }
0x31: {  	[tilespmem:$0x14130] =	vst v4;
	v4 =	vadd.f32 v17, v16  }
0x32: {  	[tilespmem:$0x14140] =	vst v5;
	v5 =	vadd.f32 v19, v18  }
0x33: {  	[tilespmem:$0x14160] =	vst v4  }
0x34: {  	s1 =	simm.s32 $0x14100;
	s30 =	simm.s32 $0x5;
	s0 =	rddreg [dreg:$0x7];
	[tilespmem:$0x14170] =	vst v5  }
0x35: {  	[hbm4b:s0+s6] =	stream.linear.scatter [tilespmem:s1], [sflag:$0x5], $0x80, $0x38;
	[tilespmem:$0x16A80] =	vst v63  }
0x36: {  	_ =	swait.ge [sflag:s30], $0x80  }
0x37: {  	s2 =	rddreg [dreg:$0x9]  }
0x38: {  	s31 =	rddreg [dreg:$0x8];
	s2 =	sadd.s32 $0x1, s2  }
0x39: {  	p0 =	sne.s32 s2, s31  }
.Ltmp1:
0x3a: {  	_ = 	snop;
	(pc) =	sbr.rel @!p0 .LBB2_44-.Ltmp1, $3  }
0x3b: {  	_ =	sdelay $0x1  }
0x3c: {  	[sflag:s30] =	ssyncset.done $0x0  }
0x3d: {  	[sflag:s30] =	ssyncadd.s32 $0xFFFFFF80  }
.LBB2_1:
0x3e: {  	s0 =	simm.s32 $0x0;
	s1 =	simm.s32 $0x200  }
.LBB2_2:
0x3f: {  	p0 =	sne.s32 s1, $0x18E00;
	[tilespmem:s0+$0x5170] =	vst v0  }
0x40: {  	[tilespmem:s0+$0x5100] =	vst v0  }
0x41: {  	[tilespmem:s0+$0x5110] =	vst v0  }
.Ltmp2:
0x42: {  	[tilespmem:s0+$0x5120] =	vst v0;
	(pc) =	sbr.rel @p0 .LBB2_2-.Ltmp2, $4  }
0x43: {  	[tilespmem:s0+$0x5130] =	vst v0  }
0x44: {  	[tilespmem:s0+$0x5140] =	vst v0  }
0x45: {  	[tilespmem:s0+$0x5150] =	vst v0  }
0x46: {  	[tilespmem:s0+$0x5160] =	vst v0;
	s0 =	sshra.s32 s1, $0x2;
	s1 =	sadd.s32 $0x200, s1  }
0x47: {  	[tilespmem:s0+$0x5170] =	vst v0  }
0x48: {  	[tilespmem:s0+$0x5100] =	vst v0  }
0x49: {  	[tilespmem:s0+$0x5110] =	vst v0  }
0x4a: {  	[tilespmem:s0+$0x5120] =	vst v0  }
0x4b: {  	[tilespmem:s0+$0x5130] =	vst v0  }
0x4c: {  	[tilespmem:s0+$0x5140] =	vst v0  }
0x4d: {  	[tilespmem:s0+$0x5150] =	vst v0  }
0x4e: {  	[tilespmem:s0+$0x5160] =	vst v0;
	s0 =	simm.s32 $0x0;
	s1 =	simm.s32 $0x200  }
.LBB2_4:
0x4f: {  	p0 =	sne.s32 s1, $0x4E00;
	[tilespmem:s0+$0x11970] =	vst v0  }
0x50: {  	[tilespmem:s0+$0x11900] =	vst v0  }
0x51: {  	[tilespmem:s0+$0x11910] =	vst v0  }
.Ltmp3:
0x52: {  	[tilespmem:s0+$0x11920] =	vst v0;
	(pc) =	sbr.rel @p0 .LBB2_4-.Ltmp3, $4  }
0x53: {  	[tilespmem:s0+$0x11930] =	vst v0  }
0x54: {  	[tilespmem:s0+$0x11940] =	vst v0  }
0x55: {  	[tilespmem:s0+$0x11950] =	vst v0  }
0x56: {  	[tilespmem:s0+$0x11960] =	vst v0;
	s0 =	sshra.s32 s1, $0x2;
	s1 =	sadd.s32 $0x200, s1  }
0x57: {  	[tilespmem:s0+$0x11970] =	vst v0  }
0x58: {  	[tilespmem:s0+$0x11900] =	vst v0  }
0x59: {  	[tilespmem:s0+$0x11910] =	vst v0  }
0x5a: {  	[tilespmem:s0+$0x11920] =	vst v0  }
0x5b: {  	[tilespmem:s0+$0x11930] =	vst v0  }
0x5c: {  	[tilespmem:s0+$0x11940] =	vst v0  }
0x5d: {  	[tilespmem:s0+$0x11950] =	vst v0  }
0x5e: {  	[tilespmem:s0+$0x11960] =	vst v0;
	s0 =	simm.s32 $0x0;
	s1 =	simm.s32 $0x200  }
.LBB2_6:
0x5f: {  	p0 =	sne.s32 s1, $0x18E00;
	[tilespmem:s0+$0xB570] =	vst v0  }
0x60: {  	[tilespmem:s0+$0xB500] =	vst v0  }
0x61: {  	[tilespmem:s0+$0xB510] =	vst v0  }
.Ltmp4:
0x62: {  	[tilespmem:s0+$0xB520] =	vst v0;
	(pc) =	sbr.rel @p0 .LBB2_6-.Ltmp4, $4  }
0x63: {  	[tilespmem:s0+$0xB530] =	vst v0  }
0x64: {  	[tilespmem:s0+$0xB540] =	vst v0  }
0x65: {  	[tilespmem:s0+$0xB550] =	vst v0  }
0x66: {  	[tilespmem:s0+$0xB560] =	vst v0;
	s0 =	sshra.s32 s1, $0x2;
	s1 =	sadd.s32 $0x200, s1  }
0x67: {  	[tilespmem:s0+$0xB570] =	vst v0  }
0x68: {  	[tilespmem:s0+$0xB500] =	vst v0  }
0x69: {  	[tilespmem:s0+$0xB510] =	vst v0  }
0x6a: {  	[tilespmem:s0+$0xB520] =	vst v0  }
0x6b: {  	[tilespmem:s0+$0xB530] =	vst v0  }
0x6c: {  	[tilespmem:s0+$0xB540] =	vst v0  }
0x6d: {  	[tilespmem:s0+$0xB550] =	vst v0  }
0x6e: {  	[tilespmem:s0+$0xB560] =	vst v0;
	s0 =	simm.s32 $0x0;
	s1 =	simm.s32 $0x200  }
.LBB2_8:
0x6f: {  	p0 =	sne.s32 s1, $0x4E00;
	[tilespmem:s0+$0x12D70] =	vst v0  }
0x70: {  	[tilespmem:s0+$0x12D00] =	vst v0  }
0x71: {  	[tilespmem:s0+$0x12D10] =	vst v0  }
.Ltmp5:
0x72: {  	[tilespmem:s0+$0x12D20] =	vst v0;
	(pc) =	sbr.rel @p0 .LBB2_8-.Ltmp5, $4  }
0x73: {  	[tilespmem:s0+$0x12D30] =	vst v0  }
0x74: {  	[tilespmem:s0+$0x12D40] =	vst v0  }
0x75: {  	[tilespmem:s0+$0x12D50] =	vst v0  }
0x76: {  	[tilespmem:s0+$0x12D60] =	vst v0;
	s0 =	sshra.s32 s1, $0x2;
	s1 =	sadd.s32 $0x200, s1  }
0x77: {  	[tilespmem:s0+$0x12D70] =	vst v0  }
0x78: {  	[tilespmem:s0+$0x12D00] =	vst v0  }
0x79: {  	[tilespmem:s0+$0x12D10] =	vst v0  }
0x7a: {  	[tilespmem:s0+$0x12D20] =	vst v0  }
0x7b: {  	[tilespmem:s0+$0x12D30] =	vst v0  }
0x7c: {  	[tilespmem:s0+$0x12D40] =	vst v0  }
0x7d: {  	[tilespmem:s0+$0x12D50] =	vst v0  }
0x7e: {  	[tilespmem:s0+$0x12D60] =	vst v0  }
0x7f: {  	[tilespmem:$0x14180] =	vst v0  }
0x80: {  	[tilespmem:$0x14190] =	vst v0  }
0x81: {  	[tilespmem:$0x141A0] =	vst v0  }
0x82: {  	[tilespmem:$0x141B0] =	vst v0  }
0x83: {  	[tilespmem:$0x141C0] =	vst v0  }
0x84: {  	[tilespmem:$0x141D0] =	vst v0  }
0x85: {  	[tilespmem:$0x141E0] =	vst v0  }
0x86: {  	[tilespmem:$0x141F0] =	vst v0  }
0x87: {  	[tilespmem:$0x14200] =	vst v0  }
0x88: {  	[tilespmem:$0x14210] =	vst v0  }
0x89: {  	[tilespmem:$0x14220] =	vst v0  }
0x8a: {  	[tilespmem:$0x14230] =	vst v0  }
0x8b: {  	[tilespmem:$0x14240] =	vst v0  }
0x8c: {  	[tilespmem:$0x14250] =	vst v0  }
0x8d: {  	s0 =	simm.s32 $0x0;
	[tilespmem:$0x14260] =	vst v0  }
0x8e: {  	s1 =	simm.s32 $0xA;
	s12 =	sadd.s32 $0x0, s10;
	s4 =	simm.s32 $0x80;
	[tilespmem:$0x14270] =	vst v0  }
.LBB2_10:
0x8f: {  	[tilespmem:s0], [sflag:$0x3] =	stream.linear.gather [hbm4b:s12+s6], $0x50, $0x38;
	[tilespmem:$0x16A80] =	vst v63  }
0x90: {  	s12 =	smov.u32 s1;
	s0 =	smov.u32 s4;
	p0 =	sne.s32 s1, $0x186  }
.Ltmp6:
0x91: {  	s1 =	sadd.s32 $0xA, s1;
	(pc) =	sbr.rel @p0 .LBB2_10-.Ltmp6, $2  }
0x92: {  	_ =	sdelay $0x2  }
0x93: {  	s4 =	sadd.s32 $0x80, s4;
	s12 =	sadd.s32 s12, s10  }
0x94: {  	[tilespmem:s0], [sflag:$0x3] =	stream.linear.gather [hbm4b:s12+s6], $0x50, $0x38;
	[tilespmem:$0x16A80] =	vst v63  }
0x95: {  	[dreg:$0x9] =	wrdreg s2;
	s0 =	simm.s32 $0x2800  }
0x96: {  	s1 =	simm.s32 $0x2;
	s12 =	sadd.s32 $0x0, s11;
	s4 =	simm.s32 $0x2880  }
.LBB2_12:
0x97: {  	[tilespmem:s0], [sflag:$0x3] =	stream.linear.gather [hbm4b:s12+s6], $0x10, $0x38;
	[tilespmem:$0x16A80] =	vst v63  }
0x98: {  	s12 =	smov.u32 s1;
	s0 =	smov.u32 s4;
	p0 =	sne.s32 s1, $0x4E  }
.Ltmp7:
0x99: {  	s1 =	sadd.s32 $0x2, s1;
	(pc) =	sbr.rel @p0 .LBB2_12-.Ltmp7, $2  }
0x9a: {  	_ =	sdelay $0x2  }
0x9b: {  	s4 =	sadd.s32 $0x80, s4;
	s12 =	sadd.s32 s12, s11  }
.Ltmp8:
0x9c: {  	(pc) =	sbr.rel .LBB2_14-.Ltmp8, $4  }
0x9d: {  	_ = 	snop  }
0x9e: {  	[tilespmem:s0], [sflag:$0x3] =	stream.linear.gather [hbm4b:s12+s6], $0x10, $0x38;
	[tilespmem:$0x16A80] =	vst v63  }
0x9f: {  	s30 =	simm.s32 $0x0;
	s31 =	rddreg [dreg:$0x6]  }
0xa0: {  	[tilespmem:s15], [sflag:$0x3] =	stream.linear.gather [hbm4b:s31+s30], $0x28, $0x38;
	[tilespmem:$0x16A80] =	vst v63  }
.LBB2_42:
0xa1: {  	s30 =	sadd.s32 $0x1, s30  }
0xa2: {  	p0 =	sne.s32 s30, $0x28  }
.Ltmp9:
0xa3: {  	_ = 	snop;
	(pc) =	sbr.rel @!p0 .LBB2_43-.Ltmp9, $1  }
0xa4: {  	_ =	sdelay $0x3  }
.LBB2_14:
0xa5: {  	s0 =	sshll.u32 s30, $0x1  }
0xa6: {  	p0 =	slt.u32 s0, s9  }
.Ltmp10:
0xa7: {  	_ = 	snop;
	(pc) =	sbr.rel @!p0 .LBB2_28-.Ltmp10, $2  }
0xa8: {  	_ =	sdelay $0x2  }
0xa9: {  	s31 =	sor.u32 $0x1, s0  }
0xaa: {  	s31 =	sor.u32 $0x1, s0  }
0xab: {  	p0 =	sge.u32 s31, s9  }
.Ltmp11:
0xac: {  	_ = 	snop;
	(pc) =	sbr.rel @p0 .LBB2_21-.Ltmp11, $1  }
0xad: {  	_ =	sdelay $0x3  }
0xae: {  	s1 =	sshll.u32 s31, $0x5  }
0xaf: {  	s1 =	sor.u32 s8, s1  }
0xb0: {  	s4 =	smul.u32 $0x190, s1  }
0xb1: {  	s2 =	rddreg [dreg:$0x0]  }
0xb2: {  	s12 =	simm.s32 $0x1400;
	s4 =	sadd.s32 s2, s4  }
0xb3: {  	s13 =	simm.s32 $0xA;
	s14 =	simm.s32 $0x1480;
	s26 =	sadd.s32 $0x0, s4  }
.LBB2_17:
0xb4: {  	[tilespmem:s12], [sflag:$0x4] =	stream.linear.gather [hbm4b:s26+s6], $0x50, $0x38;
	[tilespmem:$0x16A80] =	vst v63  }
0xb5: {  	s26 =	smov.u32 s13;
	s12 =	smov.u32 s14;
	p0 =	sne.s32 s13, $0x186  }
.Ltmp12:
0xb6: {  	s13 =	sadd.s32 $0xA, s13;
	(pc) =	sbr.rel @p0 .LBB2_17-.Ltmp12, $2  }
0xb7: {  	_ =	sdelay $0x2  }
0xb8: {  	s14 =	sadd.s32 $0x80, s14;
	s26 =	sadd.s32 s26, s4  }
0xb9: {  	s4 =	smul.u32 $0x50, s1  }
0xba: {  	[tilespmem:s12], [sflag:$0x4] =	stream.linear.gather [hbm4b:s26+s6], $0x50, $0x38;
	[tilespmem:$0x16A80] =	vst v63  }
0xbb: {  	s12 =	simm.s32 $0x3C00;
	s4 =	sadd.s32 s7, s4  }
0xbc: {  	s13 =	simm.s32 $0x2;
	s14 =	simm.s32 $0x3C80;
	s26 =	sadd.s32 $0x0, s4  }
.LBB2_19:
0xbd: {  	[tilespmem:s12], [sflag:$0x4] =	stream.linear.gather [hbm4b:s26+s6], $0x10, $0x38;
	[tilespmem:$0x16A80] =	vst v63  }
0xbe: {  	s26 =	smov.u32 s13;
	s12 =	smov.u32 s14;
	p0 =	sne.s32 s13, $0x4E  }
.Ltmp13:
0xbf: {  	s13 =	sadd.s32 $0x2, s13;
	(pc) =	sbr.rel @p0 .LBB2_19-.Ltmp13, $2  }
0xc0: {  	_ =	sdelay $0x2  }
0xc1: {  	s14 =	sadd.s32 $0x80, s14;
	s26 =	sadd.s32 s26, s4  }
0xc2: {  	s1 =	smul.u32 $0x5, s1  }
0xc3: {  	[tilespmem:s12], [sflag:$0x4] =	stream.linear.gather [hbm4b:s26+s6], $0x10, $0x38;
	[tilespmem:$0x16A80] =	vst v63  }
0xc4: {  	s2 =	rddreg [dreg:$0x2]  }
0xc5: {  	s1 =	sadd.s32 s2, s1  }
0xc6: {  	[tilespmem:s16], [sflag:$0x4] =	stream.linear.gather [hbm4b:s1+s6], $0x28, $0x38;
	[tilespmem:$0x16A80] =	vst v63  }
.LBB2_21:
0xc7: {  	p0 =	seq.s32 s30, $0x0  }
.Ltmp14:
0xc8: {  	_ = 	snop;
	(pc) =	sbr.rel @p0 .LBB2_25-.Ltmp14, $1  }
0xc9: {  	_ =	sdelay $0x3  }
0xca: {  	_ =	swait.ge [sflag:s21], $0x6400  }
0xcb: {  	[sflag:s21] =	ssyncset.done $0x0  }
0xcc: {  	[sflag:s21] =	ssyncadd.s32 $0xFFFF9C00  }
0xcd: {  	_ =	swait.ge [sflag:s21], $0x1400  }
0xce: {  	[sflag:s21] =	ssyncset.done $0x0  }
0xcf: {  	s1 =	simm.s32 $0x14300;
	[sflag:s21] =	ssyncadd.s32 $0xFFFFEC00  }
0xd0: {  	v4 =	vld [tilespmem:s1+$0x0]  }
0xd1: {  	v5 =	vld [tilespmem:s1+$0xFFFFFF80];
	_ =	sdelay $0x1  }
0xd2: {  	s26 =	simm.s32 $0x0;
	s4 =	simm.s32 $0x1  }
0xd3: {  	v6 =	vmov s4;
	v7 =	vmov s26  }
0xd4: {  	v8 =	vmul.u32 $0x280, v6;
	v9 =	vmul.u32 $0x280, v7  }
0xd5: {  	vm4 =	vne.s32 v4, $0x80;
	v10 =	vand.u32 $0xFFFFFFF8, v4;
	v11 =	vand.u32 $0xFFFFFFF8, v5  }
0xd6: {  	v4 =	vand.u32 $0x7, v4;
	vm3 =	vne.s32 v5, $0x80;
	v8 =	vadd.s32 v8, v10  }
0xd7: {  	v5 =	vand.u32 $0x7, v5;
	v9 =	vadd.s32 v9, v11;
	v8 =	vor.u32 v4, v8  }
0xd8: {  	v12 =	vor.u32 v5, v9  }
0xd9: {  	v6 =	vshll.u32 v6, $0x7;
	vm2 =	vmmov vm4;
	v13 =	vadd.s32 $0x80, v12  }
0xda: {  	s1 =	simm.s32 $0x14400;
	v6 =	vadd.s32 v6, v10;
	v16 =	vadd.s32 $0x80, v8  }
0xdb: {  	s28 =	simm.s32 $0x3;
	v17 =	vld [tilespmem:s1+$0x0];
	v4 =	vor.u32 v4, v6;
	v6 =	vshll.u32 v7, $0x7;
	v14 =	vadd.s32 $0x100, v12  }
0xdc: {  	v15 =	vmov s28;
	v9 =	vld [tilespmem:s1+$0xFFFFFF80];
	v6 =	vadd.s32 v6, v11;
	v11 =	vadd.s32 $0x100, v8;
	[tilespmem:v8+s18+$0x0] =	vst.idx.msk vm4, v0  }
0xdd: {  	s12 =	simm.s32 $0x2;
	v19 =	vmul.u32 $0x280, v15;
	vm1 =	vmmov vm3;
	v18 =	vadd.s32 $0x180, v8;
	[tilespmem:v12+s18+$0x0] =	vst.idx.msk vm3, v0  }
0xde: {  	v5 =	vor.u32 v5, v6;
	v6 =	vmov s12;
	[tilespmem:v13+s18+$0x0] =	vst.idx.msk vm3, v0;
	v13 =	vadd.s32 $0x200, v8  }
0xdf: {  	v7 =	vadd.s32 $0x180, v12;
	v10 =	vadd.s32 $0x200, v12;
	v20 =	vmul.u32 $0x280, v6;
	[tilespmem:v16+s18+$0x0] =	vst.idx.msk vm2, v0  }
0xe0: {  	v12 =	vshll.u32 v15, $0x7;
	vm4 =	vne.s32 v17, $0x80;
	v15 =	vand.u32 $0xFFFFFFF8, v17;
	[tilespmem:v14+s18+$0x0] =	vst.idx.msk vm3, v0  }
0xe1: {  	v8 =	vand.u32 $0xFFFFFFF8, v9;
	v14 =	vand.u32 $0x7, v17;
	v17 =	vadd.s32 v19, v15;
	[tilespmem:v11+s18+$0x0] =	vst.idx.msk vm2, v0  }
0xe2: {  	s4 =	simm.s32 $0x4;
	vm3 =	vne.s32 v9, $0x80;
	v16 =	vadd.s32 v20, v8;
	v11 =	vor.u32 v14, v17;
	[tilespmem:v18+s18+$0x0] =	vst.idx.msk vm2, v0  }
.LBB2_23:
0xe3: {  	p0 =	slt.u32 s4, $0x26;
	v17 =	vand.u32 $0x7, v9;
	v9 =	vadd.s32 v12, v15;
	[tilespmem:v13+s18+$0x0] =	vst.idx.msk vm2, v0;
	s12 =	smov.u32 s4;
	s4 =	sadd.s32 $0x2, s4  }
0xe4: {  	v12 =	vor.u32 v17, v16;
	[tilespmem:v4+s19+$0x0] =	vst.idx.msk vm2, v0;
	v4 =	vor.u32 v14, v9;
	vm2 =	vmmov vm4  }
0xe5: {  	v13 =	vadd.s32 $0x80, v12;
	[tilespmem:v7+s18+$0x0] =	vst.idx.msk vm1, v0  }
0xe6: {  	s1 =	sadd.s32 $0x100, s1;
	v16 =	vadd.s32 $0x80, v11;
	v14 =	vadd.s32 $0x100, v12;
	[tilespmem:v10+s18+$0x0] =	vst.idx.msk vm1, v0  }
0xe7: {  	v6 =	vshll.u32 v6, $0x7;
	v18 =	vld [tilespmem:s1+$0x0];
	[tilespmem:v5+s19+$0x0] =	vst.idx.msk vm1, v0;
	vm1 =	vmmov vm3  }
0xe8: {  	v19 =	vadd.s32 $0x100, v11;
	v20 =	vadd.s32 $0x180, v11;
	v5 =	vadd.s32 v6, v8;
	v9 =	vld [tilespmem:s1+$0xFFFFFF80];
	[tilespmem:v11+s18+$0x0] =	vst.idx.msk vm4, v0  }
0xe9: {  	s13 =	sadd.s32 $0x1, s12;
	v7 =	vadd.s32 $0x180, v12;
	v5 =	vor.u32 v17, v5;
	[tilespmem:v12+s18+$0x0] =	vst.idx.msk vm3, v0  }
.Ltmp15:
0xea: {  	v10 =	vadd.s32 $0x200, v12;
	v8 =	vmov s13;
	[tilespmem:v13+s18+$0x0] =	vst.idx.msk vm3, v0;
	v13 =	vadd.s32 $0x200, v11;
	(pc) =	sbr.rel @p0 .LBB2_23-.Ltmp15, $4  }
0xeb: {  	v6 =	vmov s12;
	v12 =	vshll.u32 v8, $0x7;
	v11 =	vmul.u32 $0x280, v8;
	[tilespmem:v14+s18+$0x0] =	vst.idx.msk vm3, v0  }
0xec: {  	v17 =	vmul.u32 $0x280, v6;
	vm4 =	vne.s32 v18, $0x80;
	v15 =	vand.u32 $0xFFFFFFF8, v18;
	[tilespmem:v16+s18+$0x0] =	vst.idx.msk vm2, v0  }
0xed: {  	v14 =	vand.u32 $0x7, v18;
	v8 =	vand.u32 $0xFFFFFFF8, v9;
	v11 =	vadd.s32 v11, v15;
	[tilespmem:v19+s18+$0x0] =	vst.idx.msk vm2, v0  }
0xee: {  	vm3 =	vne.s32 v9, $0x80;
	v16 =	vadd.s32 v17, v8;
	v11 =	vor.u32 v14, v11;
	[tilespmem:v20+s18+$0x0] =	vst.idx.msk vm2, v0  }
0xef: {  	_ =	sdelay $0x4  }
0xf0: {  	[tilespmem:v13+s18+$0x0] =	vst.idx.msk vm2, v0  }
0xf1: {  	v9 =	vand.u32 $0x7, v9;
	[tilespmem:v7+s18+$0x0] =	vst.idx.msk vm1, v0;
	v59 =	vadd.s32 $0x80, v11  }
0xf2: {  	v57 =	vor.u32 v9, v16;
	[tilespmem:v4+s19+$0x0] =	vst.idx.msk vm2, v0  }
0xf3: {  	[tilespmem:v10+s18+$0x0] =	vst.idx.msk vm1, v0;
	v4 =	vadd.s32 $0x80, v57  }
0xf4: {  	[tilespmem:v5+s19+$0x0] =	vst.idx.msk vm1, v0;
	v5 =	vadd.s32 $0x100, v11  }
0xf5: {  	[tilespmem:v11+s18+$0x0] =	vst.idx.msk vm4, v0;
	v58 =	vadd.s32 $0x100, v57  }
0xf6: {  	v60 =	vadd.s32 $0x180, v11;
	[tilespmem:v59+s18+$0x0] =	vst.idx.msk vm4, v0  }
0xf7: {  	v62 =	vadd.s32 $0x180, v57;
	[tilespmem:v57+s18+$0x0] =	vst.idx.msk vm3, v0  }
0xf8: {  	v6 =	vshll.u32 v6, $0x7;
	v63 =	vadd.s32 $0x200, v57;
	[tilespmem:v4+s18+$0x0] =	vst.idx.msk vm3, v0  }
0xf9: {  	v6 =	vadd.s32 v6, v8;
	v4 =	vadd.s32 $0x200, v11;
	[tilespmem:v5+s18+$0x0] =	vst.idx.msk vm4, v0  }
0xfa: {  	v12 =	vadd.s32 v12, v15;
	v5 =	vor.u32 v9, v6;
	[tilespmem:v58+s18+$0x0] =	vst.idx.msk vm3, v0  }
0xfb: {  	v61 =	vor.u32 v14, v12;
	[tilespmem:v60+s18+$0x0] =	vst.idx.msk vm4, v0  }
0xfc: {  	[tilespmem:v62+s18+$0x0] =	vst.idx.msk vm3, v0  }
0xfd: {  	[tilespmem:v63+s18+$0x0] =	vst.idx.msk vm3, v0  }
0xfe: {  	[tilespmem:v4+s18+$0x0] =	vst.idx.msk vm4, v0  }
0xff: {  	[tilespmem:v5+s19+$0x0] =	vst.idx.msk vm3, v0  }
0x100: {  	vm2 =	vmmov vm4;
	vm1 =	vmmov vm3;
	[tilespmem:v61+s19+$0x0] =	vst.idx.msk vm4, v0  }
.LBB2_25:
0x101: {  	_ =	swait.ge [sflag:s17], $0xC80  }
0x102: {  	[sflag:s17] =	ssyncset.done $0x0  }
0x103: {  	[sflag:s17] =	ssyncadd.s32 $0xFFFFF380  }
0x104: {  	_ =	swait.ge [sflag:s17], $0x280  }
0x105: {  	[sflag:s17] =	ssyncset.done $0x0  }
0x106: {  	[sflag:s17] =	ssyncadd.s32 $0xFFFFFD80  }
0x107: {  	_ =	swait.ge [sflag:s17], $0x28  }
0x108: {  	[sflag:s17] =	ssyncset.done $0x0  }
0x109: {  	s1 =	simm.s32 $0x2880;
	[sflag:s17] =	ssyncadd.s32 $0xFFFFFFD8  }
0x10a: {  	v7 =	vld [tilespmem:s1+$0xFFFFFF80]  }
0x10b: {  	v6 =	vld [tilespmem:s1+$0x0];
	_ =	sdelay $0x3  }
0x10c: {  	v4 =	vshll.u32 v7, $0x4  }
0x10d: {  	v5 =	vshll.u32 v6, $0x4;
	v4 =	vxor.u32 v2, v4  }
0x10e: {  	(xrf1) =	vsort.ascd.msk.u32 $0xffff, v4, v1;
	v4 =	vxor.u32 v2, v5  }
0x10f: {  	(xrf1) =	vsort.ascd.msk.u32 $0xffff, v4, v1;
	_ =	sdelay $0xb  }
0x110: {  	s3 =	simm.s32 $0x0  }
0x111: {  	s4 =	simm.s32 $0x2980;
	v14 =	vmov s3;
	v4, v8, _ =	vpop (xrf1)  }
0x112: {  	v12 =	vmul.u32 $0x280, v14;
	v9 =	vshrl.u32 v4, $0x4;
	v5, v11, _ =	vpop (xrf1);
	v4 =	vld [tilespmem:s4+$0xFFFFFF80]  }
0x113: {  	v16 =	vshrl.u32 v8, $0x1B;
	v10 =	vxor.u32 $0x8000000, v9;
	v13 =	vshrl.u32 v5, $0x4  }
0x114: {  	v5 =	vld [tilespmem:s4+$0x0];
	vm1 =	vne.s32 v9, $0x8000080;
	v23 =	vand.u32 $0x7, v9;
	v15 =	vperm.xlane v10, v3  }
0x115: {  	v17 =	vxor.u32 $0x8000000, v13;
	v18 =	vand.u32 $0xFFFFFF8, v10;
	vm3 =	vne.s32 v13, $0x8000080  }
0x116: {  	v24 =	vand.u32 $0x7, v13;
	v19 =	vperm.xlane v17, v3;
	vm2 =	vne.s32 v10, v15  }
0x117: {  	s4 =	simm.s32 $0x1;
	v15 =	vand.u32 $0xFFFFFF8, v17;
	vm2 =	vmor vm2, vm0;
	v10 =	vshll.u32 v4, $0x4  }
0x118: {  	s13 =	simm.s32 $0x80;
	vm4 =	vne.s32 v17, v19;
	v19 =	vmov s4;
	v10 =	vxor.u32 v2, v10  }
0x119: {  	v20 =	vld [tilespmem:s13+$0xFFFFFF80];
	vm1 =	vmand vm1, vm2;
	v17 =	vshll.u32 v5, $0x4;
	v21 =	vmul.u32 $0x280, v19;
	(xrf1) =	vsort.ascd.msk.u32 $0xffff, v10, v1  }
0x11a: {  	v22 =	vld [tilespmem:s13+$0x0];
	vm2 =	vmor vm4, vm0;
	v17 =	vxor.u32 v2, v17;
	v10 =	vadd.s32 v12, v18  }
0x11b: {  	vm2 =	vmand vm3, vm2;
	(xrf1) =	vsort.ascd.msk.u32 $0xffff, v17, v1;
	v10 =	vor.u32 v23, v10;
	v9 =	vadd.s32 v21, v15  }
0x11c: {  	s12 =	simm.s32 $0x2;
	v13 =	vand.u32 $0x10, v16;
	v12 =	vshrl.u32 v11, $0x1B;
	v21 =	vor.u32 v24, v9  }
0x11d: {  	s14 =	simm.s32 $0x3;
	v31 =	vmov s12;
	v9 =	vand.u32 $0x10, v12;
	v12 =	vadd.s32 v8, v13  }
0x11e: {  	v57 =	vmov s14;
	v17 =	vadd.s32 v11, v9;
	v8 =	vperm.xlane v20, v12  }
0x11f: {  	v26 =	vmul.u32 $0x280, v31;
	v41 =	vmul.u32 $0x280, v57;
	v13 =	vld.idx.msk [tilespmem:v14+s15+$0x0], $0xffff;
	v11 =	vperm.xlane v22, v17  }
0x120: {  	v16 =	vand.u32 $0xFFFFFFF8, v6;
	vm3 =	vne.s32 v6, $0x80;
	vm11 =	vmmov vm1;
	v9 =	vld.idx.msk [tilespmem:v19+s15+$0x0], $0xffff;
	[tilespmem:v10+s18+$0x0] =	vst.idx.msk vm1, v8  }
0x121: {  	v14 =	vshll.u32 v14, $0x7;
	v20 =	vshll.u32 v19, $0x7;
	v8 =	vor.u32 v23, v18;
	v18 =	vld [tilespmem:s13+$0xFFFFFF90];
	[tilespmem:v21+s18+$0x0] =	vst.idx.msk vm2, v11  }
0x122: {  	v16 =	vadd.s32 v20, v16;
	v11 =	vor.u32 v24, v15;
	v15 =	vand.u32 $0xFFFFFFF8, v7;
	v20 =	vld [tilespmem:s13+$0x10]  }
0x123: {  	vm3 =	vmmov vm3;
	v30 =	vadd.s32 v14, v15;
	v14 =	vadd.s32 $0x80, v10  }
0x124: {  	vm4 =	vne.s32 v5, $0x80;
	vm5 =	vmmov vm3;
	v15 =	vadd.s32 $0x80, v21  }
0x125: {  	vm3 =	vmmov vm4;
	v32 =	vadd.s32 $0x180, v10;
	v27 =	vadd.s32 $0x100, v10  }
0x126: {  	v19 =	vadd.s32 $0x200, v21;
	v63 =	vadd.s32 $0x180, v21;
	v18 =	vperm.xlane v18, v12  }
0x127: {  	vm10 =	vmmov vm5;
	vm3 =	vmmov vm3;
	v20 =	vperm.xlane v20, v17;
	v23, v25, _ =	vpop (xrf1)  }
0x128: {  	v22 =	vand.u32 $0xFFFFFFF8, v5;
	vm1 =	vmmov vm2;
	[tilespmem:v14+s18+$0x0] =	vst.idx.msk vm11, v18;
	v28 =	vshrl.u32 v23, $0x4  }
0x129: {  	v24 =	vadd.s32 $0x100, v21;
	v23, v29, _ =	vpop (xrf1);
	v18 =	vshrl.u32 v25, $0x1B;
	[tilespmem:v15+s18+$0x0] =	vst.idx.msk vm2, v20;
	v33 =	vxor.u32 $0x8000000, v28  }
0x12a: {  	v23 =	vshrl.u32 v23, $0x4;
	v14 =	vshrl.u32 v29, $0x1B;
	v35 =	vld [tilespmem:s13+$0x20];
	vm2 =	vne.s32 v28, $0x8000080  }
0x12b: {  	s28 =	simm.s32 $0x2A80;
	v34 =	vld [tilespmem:s13+$0xFFFFFFA0];
	v18 =	vand.u32 $0x10, v18;
	v15 =	vperm.xlane v33, v3;
	v20 =	vxor.u32 $0x8000000, v23  }
0x12c: {  	v36 =	vand.u32 $0x10, v14;
	v38 =	vand.u32 $0xFFFFFF8, v33;
	v14 =	vld [tilespmem:s28+$0xFFFFFF80];
	v37 =	vperm.xlane v20, v3  }
0x12d: {  	s12 =	simm.s32 $0x180;
	vm6 =	vne.s32 v23, $0x8000080;
	v40 =	vand.u32 $0x7, v23;
	vm4 =	vne.s32 v33, v15;
	v15 =	vld [tilespmem:s28+$0x0]  }
0x12e: {  	v23 =	vadd.s32 v25, v18;
	v56 =	vand.u32 $0xFFFFFF8, v20;
	vm8 =	vne.s32 v20, v37;
	v20 =	vld [tilespmem:s12+$0xFFFFFF80]  }
0x12f: {  	v26 =	vadd.s32 v26, v38;
	vm4 =	vmor vm4, vm0;
	v35 =	vperm.xlane v35, v17  }
0x130: {  	v39 =	vld [tilespmem:s12+$0x0];
	v34 =	vperm.xlane v34, v12;
	vm7 =	vmand vm2, vm4;
	vm2 =	vmor vm8, vm0  }
0x131: {  	vm9 =	vmand vm6, vm2;
	v42 =	vshll.u32 v14, $0x4;
	[tilespmem:v24+s18+$0x0] =	vst.idx.msk vm1, v35;
	v24 =	vadd.s32 v41, v56  }
0x132: {  	[tilespmem:v27+s18+$0x0] =	vst.idx.msk vm11, v34;
	v18 =	vxor.u32 v2, v42;
	v27 =	vshll.u32 v15, $0x4;
	v24 =	vor.u32 v40, v24  }
0x133: {  	v59 =	vld [tilespmem:s13+$0xFFFFFFB0];
	(xrf1) =	vsort.ascd.msk.u32 $0xffff, v18, v1;
	v58 =	vperm.xlane v20, v23;
	v60 =	vxor.u32 v2, v27;
	v20 =	vand.u32 $0x7, v28  }
0x134: {  	v21 =	vand.u32 $0xFFFFFFF8, v4;
	v25 =	vadd.s32 v29, v36;
	v62 =	vld [tilespmem:s13+$0x30];
	v27 =	vor.u32 v20, v26;
	(xrf1) =	vsort.ascd.msk.u32 $0xffff, v60, v1  }
0x135: {  	v61 =	vperm.xlane v39, v25;
	vm8 =	vmmov vm1;
	vm6 =	vmmov vm11  }
0x136: {  	vm2 =	vmmov vm7;
	vm4 =	vmmov vm9;
	v26 =	vshll.u32 v57, $0x7  }
0x137: {  	vm5 =	vmmov vm9;
	v18 =	vld.idx.msk [tilespmem:v31+s15+$0x0], $0xffff;
	v29 =	vadd.s32 v26, v22;
	v22 =	vshll.u32 v31, $0x7  }
0x138: {  	v36 =	vperm.xlane v59, v12;
	v21 =	vadd.s32 v22, v21;
	v22 =	vld.idx.msk [tilespmem:v57+s15+$0x0], $0xffff;
	[tilespmem:v24+s18+$0x0] =	vst.idx.msk vm9, v61  }
0x139: {  	vm12 =	vne.s32 v15, $0x80;
	v28 =	vor.u32 v40, v56;
	v31 =	vperm.xlane v62, v17;
	v37 =	vld [tilespmem:s12+$0x10];
	[tilespmem:v27+s18+$0x0] =	vst.idx.msk vm7, v58  }
0x13a: {  	s5 =	smov.u32 s29;
	s26 =	sshll.u32 s30, $0x6;
	v20 =	vor.u32 v20, v38;
	v26 =	vadd.s32 $0x200, v24;
	v35 =	vadd.s32 $0x80, v27;
	[tilespmem:v32+s18+$0x0] =	vst.idx.msk vm11, v36;
	v33 =	vld [tilespmem:s12+$0xFFFFFF90]  }
0x13b: {  	s29 =	simm.s32 $0x4;
	s14 =	simm.s32 $0x180;
	s1 =	simm.s32 $0x6;
	vm9 =	vne.s32 v7, $0x80;
	v36 =	vadd.s32 $0x80, v24;
	[tilespmem:v63+s18+$0x0] =	vst.idx.msk vm1, v31;
	v31 =	vand.u32 $0x7, v7;
	v32 =	vld [tilespmem:s13+$0xFFFFFFC0]  }
0x13c: {  	s4 =	sor.u32 s8, s26;
	s26 =	simm.s32 $0x14300;
	vm1 =	vmmov vm12;
	v34 =	vld [tilespmem:s13+$0x40];
	v30 =	vor.u32 v31, v30;
	v31 =	vand.u32 $0x7, v6;
	s13 =	simm.s32 $0x14300  }
.LBB2_26:
0x13d: {  	p0 =	slt.u32 s1, $0x26;
	v38 =	vand.u32 $0xFFFFFFF8, v15  }
0x13e: {  	v39 =	vor.u32 v31, v16;
	v40 =	vadd.s32 $0x80, v11;
	s26 =	sadd.s32 $0x100, s26;
	v16 =	vmovc v29;
	v11 =	vmovc v28;
	vm11 =	vmmov vm7;
	s2 =	smov.u32 s1;
	s1 =	sadd.s32 $0x2, s1  }
0x13f: {  	v29 =	vadd.s32 $0x100, v24;
	v28 =	vperm.xlane v33, v23;
	v33 =	vadd.s32 $0x200, v10;
	v10 =	vmovc v27  }
0x140: {  	v41 =	vmov s29;
	v31 =	vadd.s32 $0x180, v10;
	v27 =	vperm.xlane v37, v25  }
0x141: {  	v37 =	vmul.u32 $0x280, v41;
	v42, v43, _ =	vpop (xrf1);
	[tilespmem:v35+s18+$0x0] =	vst.idx.msk vm2, v28;
	v28 =	vadd.s32 $0x100, v10;
	v47 =	vperm.xlane v34, v17  }
0x142: {  	v34 =	vshrl.u32 v42, $0x4;
	v35 =	vshrl.u32 v43, $0x1B;
	v42, v44, _ =	vpop (xrf1);
	v45 =	vld [tilespmem:s12+$0xFFFFFFA0];
	[tilespmem:v36+s18+$0x0] =	vst.idx.msk vm4, v27;
	v27 =	vperm.xlane v32, v12  }
0x143: {  	v17 =	vmovc v25;
	v12 =	vmovc v23;
	v32 =	vxor.u32 $0x8000000, v34;
	v36 =	vshrl.u32 v42, $0x4;
	v42 =	vshrl.u32 v44, $0x1B;
	v46 =	vld [tilespmem:s12+$0x20];
	[tilespmem:v19+s18+$0x0] =	vst.idx.msk vm8, v47  }
0x144: {  	s12 =	sadd.s32 $0x100, s12;
	v19 =	vmovc v26;
	v23 =	vperm.xlane v32, v3;
	v25 =	vxor.u32 $0x8000000, v36;
	v42 =	vand.u32 $0x10, v42;
	[tilespmem:v39+s19+$0x0] =	vst.idx.msk vm10, v9  }
0x145: {  	s3 =	sadd.s32 $0x1, s29;
	s28 =	sadd.s32 $0x100, s28;
	s29 =	smov.u32 s2;
	vm7 =	vne.s32 v34, $0x8000080;
	v39 =	vand.u32 $0xFFFFFF8, v32;
	v26 =	vld [tilespmem:s12+$0xFFFFFF80];
	v47 =	vperm.xlane v25, v3;
	[tilespmem:v33+s18+$0x0] =	vst.idx.msk vm6, v27  }
0x146: {  	vm12 =	vne.s32 v36, $0x8000080;
	v33 =	vld [tilespmem:s28+$0xFFFFFF80];
	vm10 =	vne.s32 v32, v23;
	v32 =	vand.u32 $0xFFFFFF8, v25;
	[tilespmem:v30+s19+$0x0] =	vst.idx.msk vm9, v13  }
0x147: {  	v30 =	vld [tilespmem:s28+$0x0];
	vm9 =	vmor vm10, vm0;
	vm10 =	vne.s32 v25, v47;
	v47 =	vmov s3;
	[tilespmem:s13+$0xFFFFFF80] =	vst v7;
	v7 =	vmovc v4;
	v4 =	vmovc v14  }
0x148: {  	v27 =	vperm.xlane v45, v12;
	vm7 =	vmand vm7, vm9;
	vm9 =	vmor vm10, vm0;
	v14 =	vld [tilespmem:s12+$0x0];
	[tilespmem:s13+$0x0] =	vst v6;
	v6 =	vmovc v5;
	v5 =	vmovc v15;
	s13 =	smov.u32 s26  }
0x149: {  	v36 =	vand.u32 $0x7, v36;
	v15 =	vadd.s32 v37, v39;
	vm9 =	vmand vm12, vm9;
	[tilespmem:v40+s20+$0x0] =	vst.idx.add.f32.msk vm8, v9;
	v9 =	vmovc v22  }
0x14a: {  	v37 =	vperm.xlane v46, v17;
	v22 =	vand.u32 $0x10, v35;
	v35 =	vmul.u32 $0x280, v47;
	[tilespmem:v8+s20+$0x0] =	vst.idx.add.f32.msk vm6, v13;
	v8 =	vmovc v20  }
0x14b: {  	v25 =	vadd.s32 v44, v42;
	v23 =	vadd.s32 v43, v22;
	v13 =	vshll.u32 v33, $0x4;
	[tilespmem:v28+s18+$0x0] =	vst.idx.msk vm2, v27  }
0x14c: {  	v22 =	vperm.xlane v26, v23;
	v13 =	vxor.u32 v2, v13;
	v20 =	vshll.u32 v30, $0x4;
	v40 =	vld [tilespmem:s14+$0xFFFFFFB0];
	[tilespmem:v29+s18+$0x0] =	vst.idx.msk vm4, v37  }
0x14d: {  	v20 =	vxor.u32 v2, v20;
	(xrf1) =	vsort.ascd.msk.u32 $0xffff, v13, v1;
	v13 =	vand.u32 $0x7, v34;
	v34 =	vperm.xlane v14, v25;
	v37 =	vld [tilespmem:s14+$0x30]  }
0x14e: {  	v42 =	vshll.u32 v47, $0x7;
	v26 =	vadd.s32 v35, v32;
	(xrf1) =	vsort.ascd.msk.u32 $0xffff, v20, v1;
	v27 =	vor.u32 v13, v15  }
0x14f: {  	v35 =	vor.u32 v36, v26;
	v29 =	vadd.s32 v42, v38;
	v14 =	vmovc v33;
	v20 =	vor.u32 v13, v39  }
0x150: {  	v28 =	vor.u32 v36, v32;
	v32 =	vadd.s32 $0x180, v24;
	v26 =	vadd.s32 $0x200, v35;
	v24 =	vmovc v35;
	v15 =	vmovc v30  }
0x151: {  	v33 =	vshll.u32 v41, $0x7;
	v30 =	vand.u32 $0xFFFFFFF8, v4;
	v13 =	vmovc v18;
	v36 =	vperm.xlane v40, v12  }
0x152: {  	vm12 =	vne.s32 v15, $0x80;
	v38 =	vadd.s32 v33, v30;
	v18 =	vld.idx.msk [tilespmem:v41+s15+$0x0], $0xffff;
	v30 =	vperm.xlane v37, v17  }
.Ltmp16:
0x153: {  	vm8 =	vmmov vm4;
	vm6 =	vmmov vm2;
	vm2 =	vmmov vm7;
	[tilespmem:v27+s18+$0x0] =	vst.idx.msk vm7, v22;
	v22 =	vld.idx.msk [tilespmem:v47+s15+$0x0], $0xffff;
	(pc) =	sbr.rel @p0 .LBB2_26-.Ltmp16, $4  }
0x154: {  	vm10 =	vmmov vm3;
	vm3 =	vmmov vm1;
	vm4 =	vmmov vm9;
	v33 =	vld [tilespmem:s12+$0xFFFFFF90];
	[tilespmem:v35+s18+$0x0] =	vst.idx.msk vm9, v34  }
0x155: {  	vm1 =	vmmov vm12;
	v37 =	vld [tilespmem:s12+$0x10];
	[tilespmem:v32+s18+$0x0] =	vst.idx.msk vm5, v30;
	vm5 =	vmmov vm9  }
0x156: {  	v35 =	vadd.s32 $0x80, v27;
	vm9 =	vne.s32 v7, $0x80;
	v30 =	vand.u32 $0x7, v7;
	[tilespmem:v31+s18+$0x0] =	vst.idx.msk vm11, v36;
	v34 =	vld [tilespmem:s14+$0x40]  }
0x157: {  	v36 =	vadd.s32 $0x80, v24;
	v30 =	vor.u32 v30, v21;
	v31 =	vand.u32 $0x7, v6;
	v21 =	vmovc v38;
	v32 =	vld [tilespmem:s14+$0xFFFFFFC0];
	s14 =	smov.u32 s12  }
0x158: {  	_ =	sdelay $0x2  }
0x159: {  	v38, v39, _ =	vpop (xrf1)  }
0x15a: {  	v38 =	vshrl.u32 v38, $0x4;
	v40, v41, _ =	vpop (xrf1)  }
0x15b: {  	v42 =	vxor.u32 $0x8000000, v38;
	v40 =	vshrl.u32 v40, $0x4  }
0x15c: {  	v37 =	vperm.xlane v37, v25;
	v43 =	vperm.xlane v42, v3;
	v44 =	vxor.u32 $0x8000000, v40  }
0x15d: {  	v51 =	vshrl.u32 v39, $0x1B;
	vm12 =	vne.s32 v38, $0x8000080;
	v45 =	vperm.xlane v44, v3  }
0x15e: {  	v38 =	vand.u32 $0x7, v38;
	vm11 =	vne.s32 v42, v43;
	v43 =	vmov s29  }
0x15f: {  	s1 =	sadd.s32 $0x1, s29;
	v42 =	vand.u32 $0xFFFFFF8, v42;
	vm11 =	vmor vm11, vm0;
	vm13 =	vne.s32 v44, v45  }
0x160: {  	s3 =	sadd.s32 $0x100, s12;
	v45 =	vmov s1;
	v44 =	vand.u32 $0xFFFFFF8, v44;
	v48 =	vmul.u32 $0x280, v43  }
0x161: {  	v50 =	vld [tilespmem:s3+$0xFFFFFF80];
	vm11 =	vmand vm12, vm11;
	vm12 =	vne.s32 v40, $0x8000080;
	v46 =	vmul.u32 $0x280, v45  }
0x162: {  	v47 =	vld [tilespmem:s3+$0x0];
	vm13 =	vmor vm13, vm0;
	v40 =	vand.u32 $0x7, v40;
	v48 =	vadd.s32 v48, v42  }
0x163: {  	[tilespmem:v36+s18+$0x0] =	vst.idx.msk vm4, v37;
	vm12 =	vmand vm12, vm13;
	v46 =	vadd.s32 v46, v44;
	v37 =	vor.u32 v38, v48  }
0x164: {  	v49 =	vshrl.u32 v41, $0x1B;
	v58 =	vand.u32 $0x10, v51;
	v46 =	vor.u32 v40, v46  }
0x165: {  	v49 =	vand.u32 $0x10, v49;
	v39 =	vadd.s32 v39, v58  }
0x166: {  	v57 =	vld [tilespmem:s12+$0x20];
	v36 =	vadd.s32 v41, v49;
	v59 =	vperm.xlane v50, v39  }
0x167: {  	v47 =	vperm.xlane v47, v36;
	v50 =	vld.idx.msk [tilespmem:v43+s15+$0x0], $0xffff  }
0x168: {  	v48 =	vld.idx.msk [tilespmem:v45+s15+$0x0], $0xffff;
	[tilespmem:v37+s18+$0x0] =	vst.idx.msk vm11, v59  }
0x169: {  	v60 =	vadd.s32 $0x100, v24;
	v33 =	vperm.xlane v33, v23;
	[tilespmem:v46+s18+$0x0] =	vst.idx.msk vm12, v47;
	v49 =	vld [tilespmem:s3+$0xFFFFFF90]  }
0x16a: {  	v16 =	vor.u32 v31, v16;
	vm11 =	vmmov vm11;
	v61 =	vld [tilespmem:s3+$0x10]  }
0x16b: {  	[tilespmem:v35+s18+$0x0] =	vst.idx.msk vm2, v33;
	v17 =	vperm.xlane v34, v17;
	v63 =	vadd.s32 $0x80, v37;
	vm12 =	vmmov vm12  }
0x16c: {  	v35 =	vld [tilespmem:s12+$0xFFFFFFA0];
	v41 =	vperm.xlane v57, v25;
	v62 =	vadd.s32 $0x80, v46  }
0x16d: {  	v10 =	vadd.s32 $0x200, v10;
	[tilespmem:v19+s18+$0x0] =	vst.idx.msk vm8, v17  }
0x16e: {  	v52 =	vadd.s32 $0x100, v27;
	[tilespmem:v60+s18+$0x0] =	vst.idx.msk vm4, v41;
	v54 =	vperm.xlane v49, v39  }
0x16f: {  	[tilespmem:v16+s19+$0x0] =	vst.idx.msk vm10, v9;
	v53 =	vld [tilespmem:s14+$0x30];
	v41 =	vperm.xlane v61, v36  }
0x170: {  	v11 =	vadd.s32 $0x80, v11;
	v12 =	vperm.xlane v32, v12;
	[tilespmem:v63+s18+$0x0] =	vst.idx.msk vm11, v54  }
0x171: {  	v55 =	vadd.s32 $0x180, v24;
	v47 =	vperm.xlane v35, v23;
	[tilespmem:v62+s18+$0x0] =	vst.idx.msk vm12, v41;
	v31 =	vld [tilespmem:s3+$0xFFFFFFA0]  }
0x172: {  	[tilespmem:v10+s18+$0x0] =	vst.idx.msk vm6, v12;
	v56 =	vld [tilespmem:s3+$0x20]  }
0x173: {  	[tilespmem:v52+s18+$0x0] =	vst.idx.msk vm2, v47;
	v61 =	vadd.s32 $0x100, v37  }
0x174: {  	[tilespmem:s13+$0x0] =	vst v6;
	v58 =	vadd.s32 $0x100, v46;
	v60 =	vperm.xlane v53, v25;
	v57 =	vld [tilespmem:s14+$0xFFFFFFB0]  }
0x175: {  	vm7 =	vmmov vm7;
	[tilespmem:v11+s20+$0x0] =	vst.idx.add.f32.msk vm8, v9  }
0x176: {  	v59 =	vadd.s32 $0x180, v27;
	[tilespmem:v55+s18+$0x0] =	vst.idx.msk vm5, v60;
	v24 =	vperm.xlane v31, v39  }
0x177: {  	[tilespmem:v30+s19+$0x0] =	vst.idx.msk vm9, v13;
	v17 =	vld [tilespmem:s14+$0x40];
	v62 =	vperm.xlane v56, v36  }
0x178: {  	vm10 =	vmmov vm4;
	[tilespmem:v61+s18+$0x0] =	vst.idx.msk vm11, v24  }
0x179: {  	vm3 =	vmmov vm3;
	v30 =	vand.u32 $0x7, v5;
	v63 =	vperm.xlane v57, v23;
	[tilespmem:v58+s18+$0x0] =	vst.idx.msk vm12, v62;
	v32 =	vld [tilespmem:s3+$0xFFFFFFB0]  }
0x17a: {  	[tilespmem:s13+$0xFFFFFF80] =	vst v7;
	v7 =	vor.u32 v30, v29;
	v10 =	vld [tilespmem:s3+$0x30]  }
0x17b: {  	v47 =	vadd.s32 $0x180, v37;
	[tilespmem:v59+s18+$0x0] =	vst.idx.msk vm7, v63  }
0x17c: {  	v33 =	vadd.s32 $0x180, v46;
	v35 =	vperm.xlane v17, v25;
	v31 =	vld [tilespmem:s14+$0xFFFFFFC0]  }
0x17d: {  	v34 =	vadd.s32 $0x200, v27;
	[tilespmem:v8+s20+$0x0] =	vst.idx.add.f32.msk vm6, v13;
	vm2 =	vmmov vm2  }
0x17e: {  	vm13 =	vne.s32 v4, $0x80;
	v41 =	vand.u32 $0x7, v4;
	[tilespmem:v26+s18+$0x0] =	vst.idx.msk vm10, v35;
	v6 =	vperm.xlane v32, v39  }
0x17f: {  	v8 =	vor.u32 v41, v21;
	[tilespmem:v7+s19+$0x0] =	vst.idx.msk vm3, v22;
	v10 =	vperm.xlane v10, v36  }
0x180: {  	vm1 =	vmmov vm1;
	[tilespmem:v47+s18+$0x0] =	vst.idx.msk vm11, v6  }
0x181: {  	s2 =	sadd.s32 $0x100, s26;
	vm15 =	vne.s32 v14, $0x80;
	v54 =	vadd.s32 $0x80, v28;
	v49 =	vperm.xlane v31, v23;
	[tilespmem:v33+s18+$0x0] =	vst.idx.msk vm12, v10;
	v58 =	vld [tilespmem:s3+$0xFFFFFFC0]  }
0x182: {  	vm1 =	vmmov vm1;
	v51 =	vand.u32 $0xFFFFFFF8, v15;
	v53 =	vadd.s32 $0x200, v46;
	[tilespmem:s2+$0x0] =	vst v5;
	v55 =	vld [tilespmem:s3+$0x40]  }
0x183: {  	v52 =	vshll.u32 v45, $0x7;
	v60 =	vadd.s32 $0x200, v37;
	v57 =	vshll.u32 v43, $0x7;
	[tilespmem:v34+s18+$0x0] =	vst.idx.msk vm2, v49  }
0x184: {  	v59 =	vand.u32 $0x7, v15;
	v7 =	vadd.s32 v52, v51;
	v56 =	vand.u32 $0xFFFFFFF8, v14;
	[tilespmem:v8+s19+$0x0] =	vst.idx.msk vm13, v18  }
0x185: {  	v5 =	vand.u32 $0x7, v14;
	[tilespmem:s2+$0xFFFFFF80] =	vst v4;
	v4 =	vor.u32 v59, v7;
	v6 =	vadd.s32 v57, v56  }
0x186: {  	[tilespmem:v54+s20+$0x0] =	vst.idx.add.f32.msk vm10, v22;
	v5 =	vor.u32 v5, v6;
	v8 =	vperm.xlane v58, v39  }
0x187: {  	[tilespmem:v20+s20+$0x0] =	vst.idx.add.f32.msk vm2, v18;
	v61 =	vperm.xlane v55, v36  }
0x188: {  	v62 =	vor.u32 v40, v44;
	[tilespmem:v60+s18+$0x0] =	vst.idx.msk vm11, v8  }
0x189: {  	v63 =	vadd.s32 $0x80, v62;
	[tilespmem:v53+s18+$0x0] =	vst.idx.msk vm12, v61  }
0x18a: {  	[tilespmem:v4+s19+$0x0] =	vst.idx.msk vm1, v48;
	v4 =	vor.u32 v38, v42  }
0x18b: {  	s13 =	sadd.s32 $0x100, s2;
	[tilespmem:v5+s19+$0x0] =	vst.idx.msk vm15, v50  }
0x18c: {  	[tilespmem:s13+$0xFFFFFF80] =	vst v14  }
0x18d: {  	s14 =	smul.u32 $0xC80, s4;
	[tilespmem:s13+$0x0] =	vst v15  }
0x18e: {  	[tilespmem:v63+s20+$0x0] =	vst.idx.add.f32.msk vm12, v48  }
0x18f: {  	s26 =	smul.u32 $0x280, s4;
	s28 =	rddreg [dreg:$0x4];
	s1 =	sadd.s32 s5, s14;
	[tilespmem:v4+s20+$0x0] =	vst.idx.add.f32.msk vm11, v50  }
0x190: {  	[hbm4b:s1+s6] =	stream.linear.scatter [tilespmem:s18], [sflag:$0x1], $0x6400, $0x38;
	[tilespmem:$0x16A80] =	vst v63  }
0x191: {  	s29 =	smov.u32 s5;
	s1 =	sadd.s32 s28, s26  }
0x192: {  	vm14 =	vmmov vm11;
	vm3 =	vmmov vm12;
	[hbm4b:s1+s6] =	stream.linear.scatter [tilespmem:s19], [sflag:$0x1], $0x1400, $0x38;
	[tilespmem:$0x16A80] =	vst v63  }
.LBB2_28:
0x193: {  	p0 =	sge.u32 s31, s9  }
.Ltmp17:
0x194: {  	_ = 	snop;
	(pc) =	sbr.rel @p0 .LBB2_42-.Ltmp17, $1  }
0x195: {  	_ =	sdelay $0x3  }
0x196: {  	s0 =	sadd.s32 $0x2, s0  }
0x197: {  	p0 =	sge.u32 s0, s9  }
.Ltmp18:
0x198: {  	_ = 	snop;
	(pc) =	sbr.rel @p0 .LBB2_35-.Ltmp18, $1  }
0x199: {  	_ =	sdelay $0x3  }
0x19a: {  	s0 =	sshll.u32 s0, $0x5  }
0x19b: {  	s0 =	sor.u32 s8, s0  }
0x19c: {  	s1 =	smul.u32 $0x190, s0  }
0x19d: {  	s2 =	rddreg [dreg:$0x0]  }
0x19e: {  	s4 =	simm.s32 $0x0;
	s1 =	sadd.s32 s2, s1  }
0x19f: {  	s12 =	simm.s32 $0xA;
	s13 =	simm.s32 $0x80;
	s14 =	sadd.s32 $0x0, s1  }
.LBB2_31:
0x1a0: {  	[tilespmem:s4], [sflag:$0x3] =	stream.linear.gather [hbm4b:s14+s6], $0x50, $0x38;
	[tilespmem:$0x16A80] =	vst v63  }
0x1a1: {  	s2 =	smov.u32 s12;
	s4 =	smov.u32 s13;
	p0 =	sne.s32 s12, $0x186  }
.Ltmp19:
0x1a2: {  	s12 =	sadd.s32 $0xA, s12;
	(pc) =	sbr.rel @p0 .LBB2_31-.Ltmp19, $2  }
0x1a3: {  	_ =	sdelay $0x2  }
0x1a4: {  	s13 =	sadd.s32 $0x80, s13;
	s14 =	sadd.s32 s2, s1  }
0x1a5: {  	s1 =	smul.u32 $0x50, s0  }
0x1a6: {  	[tilespmem:s4], [sflag:$0x3] =	stream.linear.gather [hbm4b:s14+s6], $0x50, $0x38;
	[tilespmem:$0x16A80] =	vst v63  }
0x1a7: {  	s4 =	simm.s32 $0x2800;
	s1 =	sadd.s32 s7, s1  }
0x1a8: {  	s12 =	simm.s32 $0x2;
	s13 =	simm.s32 $0x2880;
	s14 =	sadd.s32 $0x0, s1  }
.LBB2_33:
0x1a9: {  	[tilespmem:s4], [sflag:$0x3] =	stream.linear.gather [hbm4b:s14+s6], $0x10, $0x38;
	[tilespmem:$0x16A80] =	vst v63  }
0x1aa: {  	s2 =	smov.u32 s12;
	s4 =	smov.u32 s13;
	p0 =	sne.s32 s12, $0x4E  }
.Ltmp20:
0x1ab: {  	s12 =	sadd.s32 $0x2, s12;
	(pc) =	sbr.rel @p0 .LBB2_33-.Ltmp20, $2  }
0x1ac: {  	_ =	sdelay $0x2  }
0x1ad: {  	s13 =	sadd.s32 $0x80, s13;
	s14 =	sadd.s32 s2, s1  }
0x1ae: {  	s0 =	smul.u32 $0x5, s0  }
0x1af: {  	[tilespmem:s4], [sflag:$0x3] =	stream.linear.gather [hbm4b:s14+s6], $0x10, $0x38;
	[tilespmem:$0x16A80] =	vst v63  }
0x1b0: {  	s1 =	rddreg [dreg:$0x2]  }
0x1b1: {  	s0 =	sadd.s32 s1, s0  }
0x1b2: {  	[tilespmem:s15], [sflag:$0x3] =	stream.linear.gather [hbm4b:s0+s6], $0x28, $0x38;
	[tilespmem:$0x16A80] =	vst v63  }
.LBB2_35:
0x1b3: {  	p0 =	seq.s32 s30, $0x0  }
.Ltmp21:
0x1b4: {  	_ = 	snop;
	(pc) =	sbr.rel @p0 .LBB2_39-.Ltmp21, $1  }
0x1b5: {  	_ =	sdelay $0x3  }
0x1b6: {  	_ =	swait.ge [sflag:s25], $0x6400  }
0x1b7: {  	[sflag:s25] =	ssyncset.done $0x0  }
0x1b8: {  	[sflag:s25] =	ssyncadd.s32 $0xFFFF9C00  }
0x1b9: {  	_ =	swait.ge [sflag:s25], $0x1400  }
0x1ba: {  	[sflag:s25] =	ssyncset.done $0x0  }
0x1bb: {  	s0 =	simm.s32 $0x15700;
	[sflag:s25] =	ssyncadd.s32 $0xFFFFEC00  }
0x1bc: {  	v4 =	vld [tilespmem:s0+$0x0]  }
0x1bd: {  	v5 =	vld [tilespmem:s0+$0xFFFFFF80];
	_ =	sdelay $0x1  }
0x1be: {  	s26 =	simm.s32 $0x0;
	s1 =	simm.s32 $0x1  }
0x1bf: {  	v6 =	vmov s1;
	v7 =	vmov s26  }
0x1c0: {  	v8 =	vmul.u32 $0x280, v6;
	v9 =	vmul.u32 $0x280, v7  }
0x1c1: {  	vm4 =	vne.s32 v4, $0x80;
	v10 =	vand.u32 $0xFFFFFFF8, v4;
	v11 =	vand.u32 $0xFFFFFFF8, v5  }
0x1c2: {  	v4 =	vand.u32 $0x7, v4;
	vm3 =	vne.s32 v5, $0x80;
	v8 =	vadd.s32 v8, v10  }
0x1c3: {  	v5 =	vand.u32 $0x7, v5;
	v9 =	vadd.s32 v9, v11;
	v8 =	vor.u32 v4, v8  }
0x1c4: {  	v12 =	vor.u32 v5, v9  }
0x1c5: {  	v6 =	vshll.u32 v6, $0x7;
	vm2 =	vmmov vm4;
	v13 =	vadd.s32 $0x80, v12  }
0x1c6: {  	s0 =	simm.s32 $0x15800;
	v6 =	vadd.s32 v6, v10;
	v16 =	vadd.s32 $0x80, v8  }
0x1c7: {  	s28 =	simm.s32 $0x3;
	v17 =	vld [tilespmem:s0+$0x0];
	v4 =	vor.u32 v4, v6;
	v6 =	vshll.u32 v7, $0x7;
	v14 =	vadd.s32 $0x100, v12  }
0x1c8: {  	v15 =	vmov s28;
	v9 =	vld [tilespmem:s0+$0xFFFFFF80];
	v6 =	vadd.s32 v6, v11;
	v11 =	vadd.s32 $0x100, v8;
	[tilespmem:v8+s23+$0x0] =	vst.idx.msk vm4, v0  }
0x1c9: {  	s2 =	simm.s32 $0x2;
	v19 =	vmul.u32 $0x280, v15;
	vm1 =	vmmov vm3;
	v18 =	vadd.s32 $0x180, v8;
	[tilespmem:v12+s23+$0x0] =	vst.idx.msk vm3, v0  }
0x1ca: {  	v5 =	vor.u32 v5, v6;
	v6 =	vmov s2;
	[tilespmem:v13+s23+$0x0] =	vst.idx.msk vm3, v0;
	v13 =	vadd.s32 $0x200, v8  }
0x1cb: {  	v7 =	vadd.s32 $0x180, v12;
	v10 =	vadd.s32 $0x200, v12;
	v20 =	vmul.u32 $0x280, v6;
	[tilespmem:v16+s23+$0x0] =	vst.idx.msk vm2, v0  }
0x1cc: {  	v12 =	vshll.u32 v15, $0x7;
	vm4 =	vne.s32 v17, $0x80;
	v15 =	vand.u32 $0xFFFFFFF8, v17;
	[tilespmem:v14+s23+$0x0] =	vst.idx.msk vm3, v0  }
0x1cd: {  	v8 =	vand.u32 $0xFFFFFFF8, v9;
	v14 =	vand.u32 $0x7, v17;
	v17 =	vadd.s32 v19, v15;
	[tilespmem:v11+s23+$0x0] =	vst.idx.msk vm2, v0  }
0x1ce: {  	s1 =	simm.s32 $0x4;
	vm3 =	vne.s32 v9, $0x80;
	v16 =	vadd.s32 v20, v8;
	v11 =	vor.u32 v14, v17;
	[tilespmem:v18+s23+$0x0] =	vst.idx.msk vm2, v0  }
.LBB2_37:
0x1cf: {  	p0 =	slt.u32 s1, $0x26;
	v17 =	vand.u32 $0x7, v9;
	v9 =	vadd.s32 v12, v15;
	[tilespmem:v13+s23+$0x0] =	vst.idx.msk vm2, v0;
	s2 =	smov.u32 s1;
	s1 =	sadd.s32 $0x2, s1  }
0x1d0: {  	v12 =	vor.u32 v17, v16;
	[tilespmem:v4+s24+$0x0] =	vst.idx.msk vm2, v0;
	v4 =	vor.u32 v14, v9;
	vm2 =	vmmov vm4  }
0x1d1: {  	v13 =	vadd.s32 $0x80, v12;
	[tilespmem:v7+s23+$0x0] =	vst.idx.msk vm1, v0  }
0x1d2: {  	s0 =	sadd.s32 $0x100, s0;
	v16 =	vadd.s32 $0x80, v11;
	v14 =	vadd.s32 $0x100, v12;
	[tilespmem:v10+s23+$0x0] =	vst.idx.msk vm1, v0  }
0x1d3: {  	v6 =	vshll.u32 v6, $0x7;
	v18 =	vld [tilespmem:s0+$0x0];
	[tilespmem:v5+s24+$0x0] =	vst.idx.msk vm1, v0;
	vm1 =	vmmov vm3  }
0x1d4: {  	v19 =	vadd.s32 $0x100, v11;
	v20 =	vadd.s32 $0x180, v11;
	v5 =	vadd.s32 v6, v8;
	v9 =	vld [tilespmem:s0+$0xFFFFFF80];
	[tilespmem:v11+s23+$0x0] =	vst.idx.msk vm4, v0  }
0x1d5: {  	s3 =	sadd.s32 $0x1, s2;
	v7 =	vadd.s32 $0x180, v12;
	v5 =	vor.u32 v17, v5;
	[tilespmem:v12+s23+$0x0] =	vst.idx.msk vm3, v0  }
.Ltmp22:
0x1d6: {  	v10 =	vadd.s32 $0x200, v12;
	v8 =	vmov s3;
	[tilespmem:v13+s23+$0x0] =	vst.idx.msk vm3, v0;
	v13 =	vadd.s32 $0x200, v11;
	(pc) =	sbr.rel @p0 .LBB2_37-.Ltmp22, $4  }
0x1d7: {  	v6 =	vmov s2;
	v12 =	vshll.u32 v8, $0x7;
	v11 =	vmul.u32 $0x280, v8;
	[tilespmem:v14+s23+$0x0] =	vst.idx.msk vm3, v0  }
0x1d8: {  	v17 =	vmul.u32 $0x280, v6;
	vm4 =	vne.s32 v18, $0x80;
	v15 =	vand.u32 $0xFFFFFFF8, v18;
	[tilespmem:v16+s23+$0x0] =	vst.idx.msk vm2, v0  }
0x1d9: {  	v14 =	vand.u32 $0x7, v18;
	v8 =	vand.u32 $0xFFFFFFF8, v9;
	v11 =	vadd.s32 v11, v15;
	[tilespmem:v19+s23+$0x0] =	vst.idx.msk vm2, v0  }
0x1da: {  	vm3 =	vne.s32 v9, $0x80;
	v16 =	vadd.s32 v17, v8;
	v11 =	vor.u32 v14, v11;
	[tilespmem:v20+s23+$0x0] =	vst.idx.msk vm2, v0  }
0x1db: {  	_ =	sdelay $0x4  }
0x1dc: {  	[tilespmem:v13+s23+$0x0] =	vst.idx.msk vm2, v0  }
0x1dd: {  	v9 =	vand.u32 $0x7, v9;
	[tilespmem:v7+s23+$0x0] =	vst.idx.msk vm1, v0;
	v59 =	vadd.s32 $0x80, v11  }
0x1de: {  	v57 =	vor.u32 v9, v16;
	[tilespmem:v4+s24+$0x0] =	vst.idx.msk vm2, v0  }
0x1df: {  	[tilespmem:v10+s23+$0x0] =	vst.idx.msk vm1, v0;
	v4 =	vadd.s32 $0x80, v57  }
0x1e0: {  	[tilespmem:v5+s24+$0x0] =	vst.idx.msk vm1, v0;
	v5 =	vadd.s32 $0x100, v11  }
0x1e1: {  	[tilespmem:v11+s23+$0x0] =	vst.idx.msk vm4, v0;
	v58 =	vadd.s32 $0x100, v57  }
0x1e2: {  	v60 =	vadd.s32 $0x180, v11;
	[tilespmem:v59+s23+$0x0] =	vst.idx.msk vm4, v0  }
0x1e3: {  	v62 =	vadd.s32 $0x180, v57;
	[tilespmem:v57+s23+$0x0] =	vst.idx.msk vm3, v0  }
0x1e4: {  	v6 =	vshll.u32 v6, $0x7;
	v63 =	vadd.s32 $0x200, v57;
	[tilespmem:v4+s23+$0x0] =	vst.idx.msk vm3, v0  }
0x1e5: {  	v6 =	vadd.s32 v6, v8;
	v4 =	vadd.s32 $0x200, v11;
	[tilespmem:v5+s23+$0x0] =	vst.idx.msk vm4, v0  }
0x1e6: {  	v12 =	vadd.s32 v12, v15;
	v5 =	vor.u32 v9, v6;
	[tilespmem:v58+s23+$0x0] =	vst.idx.msk vm3, v0  }
0x1e7: {  	v61 =	vor.u32 v14, v12;
	[tilespmem:v60+s23+$0x0] =	vst.idx.msk vm4, v0  }
0x1e8: {  	[tilespmem:v62+s23+$0x0] =	vst.idx.msk vm3, v0  }
0x1e9: {  	[tilespmem:v63+s23+$0x0] =	vst.idx.msk vm3, v0  }
0x1ea: {  	[tilespmem:v4+s23+$0x0] =	vst.idx.msk vm4, v0  }
0x1eb: {  	[tilespmem:v5+s24+$0x0] =	vst.idx.msk vm3, v0  }
0x1ec: {  	vm2 =	vmmov vm4;
	vm1 =	vmmov vm3;
	[tilespmem:v61+s24+$0x0] =	vst.idx.msk vm4, v0  }
.LBB2_39:
0x1ed: {  	_ =	swait.ge [sflag:s22], $0xC80  }
0x1ee: {  	[sflag:s22] =	ssyncset.done $0x0  }
0x1ef: {  	[sflag:s22] =	ssyncadd.s32 $0xFFFFF380  }
0x1f0: {  	_ =	swait.ge [sflag:s22], $0x280  }
0x1f1: {  	[sflag:s22] =	ssyncset.done $0x0  }
0x1f2: {  	[sflag:s22] =	ssyncadd.s32 $0xFFFFFD80  }
0x1f3: {  	_ =	swait.ge [sflag:s22], $0x28  }
0x1f4: {  	[sflag:s22] =	ssyncset.done $0x0  }
0x1f5: {  	s0 =	simm.s32 $0x3C80;
	[sflag:s22] =	ssyncadd.s32 $0xFFFFFFD8  }
0x1f6: {  	v7 =	vld [tilespmem:s0+$0xFFFFFF80]  }
0x1f7: {  	v6 =	vld [tilespmem:s0+$0x0];
	_ =	sdelay $0x3  }
0x1f8: {  	v4 =	vshll.u32 v7, $0x4  }
0x1f9: {  	v5 =	vshll.u32 v6, $0x4;
	v4 =	vxor.u32 v2, v4  }
0x1fa: {  	(xrf1) =	vsort.ascd.msk.u32 $0xffff, v4, v1;
	v4 =	vxor.u32 v2, v5  }
0x1fb: {  	(xrf1) =	vsort.ascd.msk.u32 $0xffff, v4, v1;
	_ =	sdelay $0xb  }
0x1fc: {  	s4 =	simm.s32 $0x0  }
0x1fd: {  	s1 =	simm.s32 $0x3D80;
	v14 =	vmov s4;
	v4, v8, _ =	vpop (xrf1)  }
0x1fe: {  	v12 =	vmul.u32 $0x280, v14;
	v9 =	vshrl.u32 v4, $0x4;
	v5, v11, _ =	vpop (xrf1);
	v4 =	vld [tilespmem:s1+$0xFFFFFF80]  }
0x1ff: {  	v16 =	vshrl.u32 v8, $0x1B;
	v10 =	vxor.u32 $0x8000000, v9;
	v13 =	vshrl.u32 v5, $0x4  }
0x200: {  	v5 =	vld [tilespmem:s1+$0x0];
	vm1 =	vne.s32 v9, $0x8000080;
	v23 =	vand.u32 $0x7, v9;
	v15 =	vperm.xlane v10, v3  }
0x201: {  	v17 =	vxor.u32 $0x8000000, v13;
	v18 =	vand.u32 $0xFFFFFF8, v10;
	vm3 =	vne.s32 v13, $0x8000080  }
0x202: {  	v24 =	vand.u32 $0x7, v13;
	v19 =	vperm.xlane v17, v3;
	vm2 =	vne.s32 v10, v15  }
0x203: {  	s5 =	simm.s32 $0x1;
	v15 =	vand.u32 $0xFFFFFF8, v17;
	vm2 =	vmor vm2, vm0;
	v10 =	vshll.u32 v4, $0x4  }
0x204: {  	s13 =	simm.s32 $0x1480;
	vm4 =	vne.s32 v17, v19;
	v19 =	vmov s5;
	v10 =	vxor.u32 v2, v10  }
0x205: {  	v20 =	vld [tilespmem:s13+$0xFFFFFF80];
	vm1 =	vmand vm1, vm2;
	v17 =	vshll.u32 v5, $0x4;
	v21 =	vmul.u32 $0x280, v19;
	(xrf1) =	vsort.ascd.msk.u32 $0xffff, v10, v1  }
0x206: {  	v22 =	vld [tilespmem:s13+$0x0];
	vm2 =	vmor vm4, vm0;
	v17 =	vxor.u32 v2, v17;
	v10 =	vadd.s32 v12, v18  }
0x207: {  	vm2 =	vmand vm3, vm2;
	(xrf1) =	vsort.ascd.msk.u32 $0xffff, v17, v1;
	v10 =	vor.u32 v23, v10;
	v9 =	vadd.s32 v21, v15  }
0x208: {  	s12 =	simm.s32 $0x2;
	v13 =	vand.u32 $0x10, v16;
	v12 =	vshrl.u32 v11, $0x1B;
	v21 =	vor.u32 v24, v9  }
0x209: {  	s14 =	simm.s32 $0x3;
	v31 =	vmov s12;
	v9 =	vand.u32 $0x10, v12;
	v12 =	vadd.s32 v8, v13  }
0x20a: {  	v57 =	vmov s14;
	v17 =	vadd.s32 v11, v9;
	v8 =	vperm.xlane v20, v12  }
0x20b: {  	v26 =	vmul.u32 $0x280, v31;
	v41 =	vmul.u32 $0x280, v57;
	v13 =	vld.idx.msk [tilespmem:v14+s16+$0x0], $0xffff;
	v11 =	vperm.xlane v22, v17  }
0x20c: {  	v16 =	vand.u32 $0xFFFFFFF8, v6;
	vm3 =	vne.s32 v6, $0x80;
	vm11 =	vmmov vm1;
	v9 =	vld.idx.msk [tilespmem:v19+s16+$0x0], $0xffff;
	[tilespmem:v10+s23+$0x0] =	vst.idx.msk vm1, v8  }
0x20d: {  	v14 =	vshll.u32 v14, $0x7;
	v20 =	vshll.u32 v19, $0x7;
	v8 =	vor.u32 v23, v18;
	v18 =	vld [tilespmem:s13+$0xFFFFFF90];
	[tilespmem:v21+s23+$0x0] =	vst.idx.msk vm2, v11  }
0x20e: {  	v16 =	vadd.s32 v20, v16;
	v11 =	vor.u32 v24, v15;
	v15 =	vand.u32 $0xFFFFFFF8, v7;
	v20 =	vld [tilespmem:s13+$0x10]  }
0x20f: {  	vm3 =	vmmov vm3;
	v30 =	vadd.s32 v14, v15;
	v14 =	vadd.s32 $0x80, v10  }
0x210: {  	vm4 =	vne.s32 v5, $0x80;
	vm5 =	vmmov vm3;
	v15 =	vadd.s32 $0x80, v21  }
0x211: {  	vm3 =	vmmov vm4;
	v32 =	vadd.s32 $0x180, v10;
	v27 =	vadd.s32 $0x100, v10  }
0x212: {  	v19 =	vadd.s32 $0x200, v21;
	v63 =	vadd.s32 $0x180, v21;
	v18 =	vperm.xlane v18, v12  }
0x213: {  	vm10 =	vmmov vm5;
	vm3 =	vmmov vm3;
	v20 =	vperm.xlane v20, v17;
	v23, v25, _ =	vpop (xrf1)  }
0x214: {  	v22 =	vand.u32 $0xFFFFFFF8, v5;
	vm1 =	vmmov vm2;
	[tilespmem:v14+s23+$0x0] =	vst.idx.msk vm11, v18;
	v28 =	vshrl.u32 v23, $0x4  }
0x215: {  	v24 =	vadd.s32 $0x100, v21;
	v23, v29, _ =	vpop (xrf1);
	v18 =	vshrl.u32 v25, $0x1B;
	[tilespmem:v15+s23+$0x0] =	vst.idx.msk vm2, v20;
	v33 =	vxor.u32 $0x8000000, v28  }
0x216: {  	v23 =	vshrl.u32 v23, $0x4;
	v14 =	vshrl.u32 v29, $0x1B;
	v35 =	vld [tilespmem:s13+$0x20];
	vm2 =	vne.s32 v28, $0x8000080  }
0x217: {  	s26 =	simm.s32 $0x3E80;
	v34 =	vld [tilespmem:s13+$0xFFFFFFA0];
	v18 =	vand.u32 $0x10, v18;
	v15 =	vperm.xlane v33, v3;
	v20 =	vxor.u32 $0x8000000, v23  }
0x218: {  	v36 =	vand.u32 $0x10, v14;
	v38 =	vand.u32 $0xFFFFFF8, v33;
	v14 =	vld [tilespmem:s26+$0xFFFFFF80];
	v37 =	vperm.xlane v20, v3  }
0x219: {  	s12 =	simm.s32 $0x1580;
	vm6 =	vne.s32 v23, $0x8000080;
	v40 =	vand.u32 $0x7, v23;
	vm4 =	vne.s32 v33, v15;
	v15 =	vld [tilespmem:s26+$0x0]  }
0x21a: {  	v23 =	vadd.s32 v25, v18;
	v56 =	vand.u32 $0xFFFFFF8, v20;
	vm8 =	vne.s32 v20, v37;
	v20 =	vld [tilespmem:s12+$0xFFFFFF80]  }
0x21b: {  	v26 =	vadd.s32 v26, v38;
	vm4 =	vmor vm4, vm0;
	v35 =	vperm.xlane v35, v17  }
0x21c: {  	v39 =	vld [tilespmem:s12+$0x0];
	v34 =	vperm.xlane v34, v12;
	vm7 =	vmand vm2, vm4;
	vm2 =	vmor vm8, vm0  }
0x21d: {  	vm9 =	vmand vm6, vm2;
	v42 =	vshll.u32 v14, $0x4;
	[tilespmem:v24+s23+$0x0] =	vst.idx.msk vm1, v35;
	v24 =	vadd.s32 v41, v56  }
0x21e: {  	[tilespmem:v27+s23+$0x0] =	vst.idx.msk vm11, v34;
	v18 =	vxor.u32 v2, v42;
	v27 =	vshll.u32 v15, $0x4;
	v24 =	vor.u32 v40, v24  }
0x21f: {  	v59 =	vld [tilespmem:s13+$0xFFFFFFB0];
	(xrf1) =	vsort.ascd.msk.u32 $0xffff, v18, v1;
	v58 =	vperm.xlane v20, v23;
	v60 =	vxor.u32 v2, v27;
	v20 =	vand.u32 $0x7, v28  }
0x220: {  	v21 =	vand.u32 $0xFFFFFFF8, v4;
	v25 =	vadd.s32 v29, v36;
	v62 =	vld [tilespmem:s13+$0x30];
	v27 =	vor.u32 v20, v26;
	(xrf1) =	vsort.ascd.msk.u32 $0xffff, v60, v1  }
0x221: {  	v61 =	vperm.xlane v39, v25;
	vm8 =	vmmov vm1;
	vm6 =	vmmov vm11  }
0x222: {  	vm2 =	vmmov vm7;
	vm4 =	vmmov vm9;
	v26 =	vshll.u32 v57, $0x7  }
0x223: {  	vm5 =	vmmov vm9;
	v18 =	vld.idx.msk [tilespmem:v31+s16+$0x0], $0xffff;
	v29 =	vadd.s32 v26, v22;
	v22 =	vshll.u32 v31, $0x7  }
0x224: {  	v36 =	vperm.xlane v59, v12;
	v21 =	vadd.s32 v22, v21;
	v22 =	vld.idx.msk [tilespmem:v57+s16+$0x0], $0xffff;
	[tilespmem:v24+s23+$0x0] =	vst.idx.msk vm9, v61  }
0x225: {  	vm12 =	vne.s32 v15, $0x80;
	v28 =	vor.u32 v40, v56;
	v31 =	vperm.xlane v62, v17;
	v37 =	vld [tilespmem:s12+$0x10];
	[tilespmem:v27+s23+$0x0] =	vst.idx.msk vm7, v58  }
0x226: {  	s31 =	sshll.u32 s31, $0x5;
	v20 =	vor.u32 v20, v38;
	v26 =	vadd.s32 $0x200, v24;
	v35 =	vadd.s32 $0x80, v27;
	[tilespmem:v32+s23+$0x0] =	vst.idx.msk vm11, v36;
	v33 =	vld [tilespmem:s12+$0xFFFFFF90]  }
0x227: {  	s28 =	simm.s32 $0x4;
	s4 =	simm.s32 $0x15700;
	s14 =	simm.s32 $0x1580;
	vm9 =	vne.s32 v7, $0x80;
	v36 =	vadd.s32 $0x80, v24;
	[tilespmem:v63+s23+$0x0] =	vst.idx.msk vm1, v31;
	v31 =	vand.u32 $0x7, v7;
	v32 =	vld [tilespmem:s13+$0xFFFFFFC0]  }
0x228: {  	s0 =	sor.u32 s8, s31;
	s1 =	simm.s32 $0x6;
	vm1 =	vmmov vm12;
	v34 =	vld [tilespmem:s13+$0x40];
	v30 =	vor.u32 v31, v30;
	v31 =	vand.u32 $0x7, v6;
	s13 =	simm.s32 $0x15700  }
.LBB2_40:
0x229: {  	p0 =	slt.u32 s1, $0x26;
	v38 =	vand.u32 $0xFFFFFFF8, v15  }
0x22a: {  	v39 =	vor.u32 v31, v16;
	v40 =	vadd.s32 $0x80, v11;
	s4 =	sadd.s32 $0x100, s4;
	v16 =	vmovc v29;
	v11 =	vmovc v28;
	vm11 =	vmmov vm7;
	s2 =	smov.u32 s1;
	s1 =	sadd.s32 $0x2, s1  }
0x22b: {  	v29 =	vadd.s32 $0x100, v24;
	v28 =	vperm.xlane v33, v23;
	v33 =	vadd.s32 $0x200, v10;
	v10 =	vmovc v27  }
0x22c: {  	v41 =	vmov s28;
	v31 =	vadd.s32 $0x180, v10;
	v27 =	vperm.xlane v37, v25  }
0x22d: {  	v37 =	vmul.u32 $0x280, v41;
	v42, v43, _ =	vpop (xrf1);
	[tilespmem:v35+s23+$0x0] =	vst.idx.msk vm2, v28;
	v28 =	vadd.s32 $0x100, v10;
	v47 =	vperm.xlane v34, v17  }
0x22e: {  	v34 =	vshrl.u32 v42, $0x4;
	v35 =	vshrl.u32 v43, $0x1B;
	v42, v44, _ =	vpop (xrf1);
	v45 =	vld [tilespmem:s12+$0xFFFFFFA0];
	[tilespmem:v36+s23+$0x0] =	vst.idx.msk vm4, v27;
	v27 =	vperm.xlane v32, v12  }
0x22f: {  	v17 =	vmovc v25;
	v12 =	vmovc v23;
	v32 =	vxor.u32 $0x8000000, v34;
	v36 =	vshrl.u32 v42, $0x4;
	v42 =	vshrl.u32 v44, $0x1B;
	v46 =	vld [tilespmem:s12+$0x20];
	[tilespmem:v19+s23+$0x0] =	vst.idx.msk vm8, v47  }
0x230: {  	s12 =	sadd.s32 $0x100, s12;
	v19 =	vmovc v26;
	v23 =	vperm.xlane v32, v3;
	v25 =	vxor.u32 $0x8000000, v36;
	v42 =	vand.u32 $0x10, v42;
	[tilespmem:v39+s24+$0x0] =	vst.idx.msk vm10, v9  }
0x231: {  	s3 =	sadd.s32 $0x1, s28;
	s26 =	sadd.s32 $0x100, s26;
	s28 =	smov.u32 s2;
	vm7 =	vne.s32 v34, $0x8000080;
	v39 =	vand.u32 $0xFFFFFF8, v32;
	v26 =	vld [tilespmem:s12+$0xFFFFFF80];
	v47 =	vperm.xlane v25, v3;
	[tilespmem:v33+s23+$0x0] =	vst.idx.msk vm6, v27  }
0x232: {  	vm12 =	vne.s32 v36, $0x8000080;
	v33 =	vld [tilespmem:s26+$0xFFFFFF80];
	vm10 =	vne.s32 v32, v23;
	v32 =	vand.u32 $0xFFFFFF8, v25;
	[tilespmem:v30+s24+$0x0] =	vst.idx.msk vm9, v13  }
0x233: {  	v30 =	vld [tilespmem:s26+$0x0];
	vm9 =	vmor vm10, vm0;
	vm10 =	vne.s32 v25, v47;
	v47 =	vmov s3;
	[tilespmem:s13+$0xFFFFFF80] =	vst v7;
	v7 =	vmovc v4;
	v4 =	vmovc v14  }
0x234: {  	v27 =	vperm.xlane v45, v12;
	vm7 =	vmand vm7, vm9;
	vm9 =	vmor vm10, vm0;
	v14 =	vld [tilespmem:s12+$0x0];
	[tilespmem:s13+$0x0] =	vst v6;
	v6 =	vmovc v5;
	v5 =	vmovc v15;
	s13 =	smov.u32 s4  }
0x235: {  	v36 =	vand.u32 $0x7, v36;
	v15 =	vadd.s32 v37, v39;
	vm9 =	vmand vm12, vm9;
	[tilespmem:v40+s20+$0x0] =	vst.idx.add.f32.msk vm8, v9;
	v9 =	vmovc v22  }
0x236: {  	v37 =	vperm.xlane v46, v17;
	v22 =	vand.u32 $0x10, v35;
	v35 =	vmul.u32 $0x280, v47;
	[tilespmem:v8+s20+$0x0] =	vst.idx.add.f32.msk vm6, v13;
	v8 =	vmovc v20  }
0x237: {  	v25 =	vadd.s32 v44, v42;
	v23 =	vadd.s32 v43, v22;
	v13 =	vshll.u32 v33, $0x4;
	[tilespmem:v28+s23+$0x0] =	vst.idx.msk vm2, v27  }
0x238: {  	v22 =	vperm.xlane v26, v23;
	v13 =	vxor.u32 v2, v13;
	v20 =	vshll.u32 v30, $0x4;
	v40 =	vld [tilespmem:s14+$0xFFFFFFB0];
	[tilespmem:v29+s23+$0x0] =	vst.idx.msk vm4, v37  }
0x239: {  	v20 =	vxor.u32 v2, v20;
	(xrf1) =	vsort.ascd.msk.u32 $0xffff, v13, v1;
	v13 =	vand.u32 $0x7, v34;
	v34 =	vperm.xlane v14, v25;
	v37 =	vld [tilespmem:s14+$0x30]  }
0x23a: {  	v42 =	vshll.u32 v47, $0x7;
	v26 =	vadd.s32 v35, v32;
	(xrf1) =	vsort.ascd.msk.u32 $0xffff, v20, v1;
	v27 =	vor.u32 v13, v15  }
0x23b: {  	v35 =	vor.u32 v36, v26;
	v29 =	vadd.s32 v42, v38;
	v14 =	vmovc v33;
	v20 =	vor.u32 v13, v39  }
0x23c: {  	v28 =	vor.u32 v36, v32;
	v32 =	vadd.s32 $0x180, v24;
	v26 =	vadd.s32 $0x200, v35;
	v24 =	vmovc v35;
	v15 =	vmovc v30  }
0x23d: {  	v33 =	vshll.u32 v41, $0x7;
	v30 =	vand.u32 $0xFFFFFFF8, v4;
	v13 =	vmovc v18;
	v36 =	vperm.xlane v40, v12  }
0x23e: {  	vm12 =	vne.s32 v15, $0x80;
	v38 =	vadd.s32 v33, v30;
	v18 =	vld.idx.msk [tilespmem:v41+s16+$0x0], $0xffff;
	v30 =	vperm.xlane v37, v17  }
.Ltmp23:
0x23f: {  	vm8 =	vmmov vm4;
	vm6 =	vmmov vm2;
	vm2 =	vmmov vm7;
	[tilespmem:v27+s23+$0x0] =	vst.idx.msk vm7, v22;
	v22 =	vld.idx.msk [tilespmem:v47+s16+$0x0], $0xffff;
	(pc) =	sbr.rel @p0 .LBB2_40-.Ltmp23, $4  }
0x240: {  	vm10 =	vmmov vm3;
	vm3 =	vmmov vm1;
	vm4 =	vmmov vm9;
	v33 =	vld [tilespmem:s12+$0xFFFFFF90];
	[tilespmem:v35+s23+$0x0] =	vst.idx.msk vm9, v34  }
0x241: {  	vm1 =	vmmov vm12;
	v37 =	vld [tilespmem:s12+$0x10];
	[tilespmem:v32+s23+$0x0] =	vst.idx.msk vm5, v30;
	vm5 =	vmmov vm9  }
0x242: {  	v35 =	vadd.s32 $0x80, v27;
	vm9 =	vne.s32 v7, $0x80;
	v30 =	vand.u32 $0x7, v7;
	[tilespmem:v31+s23+$0x0] =	vst.idx.msk vm11, v36;
	v34 =	vld [tilespmem:s14+$0x40]  }
0x243: {  	v36 =	vadd.s32 $0x80, v24;
	v30 =	vor.u32 v30, v21;
	v31 =	vand.u32 $0x7, v6;
	v21 =	vmovc v38;
	v32 =	vld [tilespmem:s14+$0xFFFFFFC0];
	s14 =	smov.u32 s12  }
0x244: {  	_ =	sdelay $0x2  }
0x245: {  	v38, v39, _ =	vpop (xrf1)  }
0x246: {  	v38 =	vshrl.u32 v38, $0x4;
	v40, v41, _ =	vpop (xrf1)  }
0x247: {  	v42 =	vxor.u32 $0x8000000, v38;
	v40 =	vshrl.u32 v40, $0x4  }
0x248: {  	v37 =	vperm.xlane v37, v25;
	v43 =	vperm.xlane v42, v3;
	v44 =	vxor.u32 $0x8000000, v40  }
0x249: {  	v51 =	vshrl.u32 v39, $0x1B;
	vm12 =	vne.s32 v38, $0x8000080;
	v45 =	vperm.xlane v44, v3  }
0x24a: {  	v38 =	vand.u32 $0x7, v38;
	vm11 =	vne.s32 v42, v43;
	v43 =	vmov s28  }
0x24b: {  	s1 =	sadd.s32 $0x1, s28;
	v42 =	vand.u32 $0xFFFFFF8, v42;
	vm11 =	vmor vm11, vm0;
	vm13 =	vne.s32 v44, v45  }
0x24c: {  	s5 =	sadd.s32 $0x100, s12;
	v45 =	vmov s1;
	v44 =	vand.u32 $0xFFFFFF8, v44;
	v48 =	vmul.u32 $0x280, v43  }
0x24d: {  	v50 =	vld [tilespmem:s5+$0xFFFFFF80];
	vm11 =	vmand vm12, vm11;
	vm12 =	vne.s32 v40, $0x8000080;
	v46 =	vmul.u32 $0x280, v45  }
0x24e: {  	v47 =	vld [tilespmem:s5+$0x0];
	vm13 =	vmor vm13, vm0;
	v40 =	vand.u32 $0x7, v40;
	v48 =	vadd.s32 v48, v42  }
0x24f: {  	[tilespmem:v36+s23+$0x0] =	vst.idx.msk vm4, v37;
	vm12 =	vmand vm12, vm13;
	v46 =	vadd.s32 v46, v44;
	v37 =	vor.u32 v38, v48  }
0x250: {  	v49 =	vshrl.u32 v41, $0x1B;
	v58 =	vand.u32 $0x10, v51;
	v46 =	vor.u32 v40, v46  }
0x251: {  	v49 =	vand.u32 $0x10, v49;
	v39 =	vadd.s32 v39, v58  }
0x252: {  	v57 =	vld [tilespmem:s12+$0x20];
	v36 =	vadd.s32 v41, v49;
	v59 =	vperm.xlane v50, v39  }
0x253: {  	v47 =	vperm.xlane v47, v36;
	v50 =	vld.idx.msk [tilespmem:v43+s16+$0x0], $0xffff  }
0x254: {  	v48 =	vld.idx.msk [tilespmem:v45+s16+$0x0], $0xffff;
	[tilespmem:v37+s23+$0x0] =	vst.idx.msk vm11, v59  }
0x255: {  	v60 =	vadd.s32 $0x100, v24;
	v33 =	vperm.xlane v33, v23;
	[tilespmem:v46+s23+$0x0] =	vst.idx.msk vm12, v47;
	v49 =	vld [tilespmem:s5+$0xFFFFFF90]  }
0x256: {  	v16 =	vor.u32 v31, v16;
	vm11 =	vmmov vm11;
	v61 =	vld [tilespmem:s5+$0x10]  }
0x257: {  	[tilespmem:v35+s23+$0x0] =	vst.idx.msk vm2, v33;
	v17 =	vperm.xlane v34, v17;
	v63 =	vadd.s32 $0x80, v37;
	vm12 =	vmmov vm12  }
0x258: {  	v35 =	vld [tilespmem:s12+$0xFFFFFFA0];
	v41 =	vperm.xlane v57, v25;
	v62 =	vadd.s32 $0x80, v46  }
0x259: {  	v10 =	vadd.s32 $0x200, v10;
	[tilespmem:v19+s23+$0x0] =	vst.idx.msk vm8, v17  }
0x25a: {  	v52 =	vadd.s32 $0x100, v27;
	[tilespmem:v60+s23+$0x0] =	vst.idx.msk vm4, v41;
	v54 =	vperm.xlane v49, v39  }
0x25b: {  	[tilespmem:v16+s24+$0x0] =	vst.idx.msk vm10, v9;
	v53 =	vld [tilespmem:s14+$0x30];
	v41 =	vperm.xlane v61, v36  }
0x25c: {  	v11 =	vadd.s32 $0x80, v11;
	v12 =	vperm.xlane v32, v12;
	[tilespmem:v63+s23+$0x0] =	vst.idx.msk vm11, v54  }
0x25d: {  	v55 =	vadd.s32 $0x180, v24;
	v47 =	vperm.xlane v35, v23;
	[tilespmem:v62+s23+$0x0] =	vst.idx.msk vm12, v41;
	v31 =	vld [tilespmem:s5+$0xFFFFFFA0]  }
0x25e: {  	[tilespmem:v10+s23+$0x0] =	vst.idx.msk vm6, v12;
	v56 =	vld [tilespmem:s5+$0x20]  }
0x25f: {  	[tilespmem:v52+s23+$0x0] =	vst.idx.msk vm2, v47;
	v61 =	vadd.s32 $0x100, v37  }
0x260: {  	[tilespmem:s13+$0x0] =	vst v6;
	v58 =	vadd.s32 $0x100, v46;
	v60 =	vperm.xlane v53, v25;
	v57 =	vld [tilespmem:s14+$0xFFFFFFB0]  }
0x261: {  	vm7 =	vmmov vm7;
	[tilespmem:v11+s20+$0x0] =	vst.idx.add.f32.msk vm8, v9  }
0x262: {  	v59 =	vadd.s32 $0x180, v27;
	[tilespmem:v55+s23+$0x0] =	vst.idx.msk vm5, v60;
	v24 =	vperm.xlane v31, v39  }
0x263: {  	[tilespmem:v30+s24+$0x0] =	vst.idx.msk vm9, v13;
	v17 =	vld [tilespmem:s14+$0x40];
	v62 =	vperm.xlane v56, v36  }
0x264: {  	vm10 =	vmmov vm4;
	[tilespmem:v61+s23+$0x0] =	vst.idx.msk vm11, v24  }
0x265: {  	vm3 =	vmmov vm3;
	v30 =	vand.u32 $0x7, v5;
	v63 =	vperm.xlane v57, v23;
	[tilespmem:v58+s23+$0x0] =	vst.idx.msk vm12, v62;
	v32 =	vld [tilespmem:s5+$0xFFFFFFB0]  }
0x266: {  	[tilespmem:s13+$0xFFFFFF80] =	vst v7;
	v7 =	vor.u32 v30, v29;
	v10 =	vld [tilespmem:s5+$0x30]  }
0x267: {  	v47 =	vadd.s32 $0x180, v37;
	[tilespmem:v59+s23+$0x0] =	vst.idx.msk vm7, v63  }
0x268: {  	v33 =	vadd.s32 $0x180, v46;
	v35 =	vperm.xlane v17, v25;
	v31 =	vld [tilespmem:s14+$0xFFFFFFC0]  }
0x269: {  	v34 =	vadd.s32 $0x200, v27;
	[tilespmem:v8+s20+$0x0] =	vst.idx.add.f32.msk vm6, v13;
	vm2 =	vmmov vm2  }
0x26a: {  	vm13 =	vne.s32 v4, $0x80;
	v41 =	vand.u32 $0x7, v4;
	[tilespmem:v26+s23+$0x0] =	vst.idx.msk vm10, v35;
	v6 =	vperm.xlane v32, v39  }
0x26b: {  	v8 =	vor.u32 v41, v21;
	[tilespmem:v7+s24+$0x0] =	vst.idx.msk vm3, v22;
	v10 =	vperm.xlane v10, v36  }
0x26c: {  	vm1 =	vmmov vm1;
	[tilespmem:v47+s23+$0x0] =	vst.idx.msk vm11, v6  }
0x26d: {  	s2 =	sadd.s32 $0x100, s4;
	vm15 =	vne.s32 v14, $0x80;
	v54 =	vadd.s32 $0x80, v28;
	v49 =	vperm.xlane v31, v23;
	[tilespmem:v33+s23+$0x0] =	vst.idx.msk vm12, v10;
	v58 =	vld [tilespmem:s5+$0xFFFFFFC0]  }
0x26e: {  	vm1 =	vmmov vm1;
	v51 =	vand.u32 $0xFFFFFFF8, v15;
	v53 =	vadd.s32 $0x200, v46;
	[tilespmem:s2+$0x0] =	vst v5;
	v55 =	vld [tilespmem:s5+$0x40]  }
0x26f: {  	v52 =	vshll.u32 v45, $0x7;
	v60 =	vadd.s32 $0x200, v37;
	v57 =	vshll.u32 v43, $0x7;
	[tilespmem:v34+s23+$0x0] =	vst.idx.msk vm2, v49  }
0x270: {  	v59 =	vand.u32 $0x7, v15;
	v7 =	vadd.s32 v52, v51;
	v56 =	vand.u32 $0xFFFFFFF8, v14;
	[tilespmem:v8+s24+$0x0] =	vst.idx.msk vm13, v18  }
0x271: {  	v5 =	vand.u32 $0x7, v14;
	[tilespmem:s2+$0xFFFFFF80] =	vst v4;
	v4 =	vor.u32 v59, v7;
	v6 =	vadd.s32 v57, v56  }
0x272: {  	[tilespmem:v54+s20+$0x0] =	vst.idx.add.f32.msk vm10, v22;
	v5 =	vor.u32 v5, v6;
	v8 =	vperm.xlane v58, v39  }
0x273: {  	[tilespmem:v20+s20+$0x0] =	vst.idx.add.f32.msk vm2, v18;
	v61 =	vperm.xlane v55, v36  }
0x274: {  	v62 =	vor.u32 v40, v44;
	[tilespmem:v60+s23+$0x0] =	vst.idx.msk vm11, v8  }
0x275: {  	v63 =	vadd.s32 $0x80, v62;
	[tilespmem:v53+s23+$0x0] =	vst.idx.msk vm12, v61  }
0x276: {  	[tilespmem:v4+s24+$0x0] =	vst.idx.msk vm1, v48;
	v4 =	vor.u32 v38, v42  }
0x277: {  	s14 =	sadd.s32 $0x100, s2;
	[tilespmem:v5+s24+$0x0] =	vst.idx.msk vm15, v50  }
0x278: {  	[tilespmem:s14+$0xFFFFFF80] =	vst v14  }
0x279: {  	s26 =	smul.u32 $0xC80, s0;
	[tilespmem:s14+$0x0] =	vst v15  }
.Ltmp24:
0x27a: {  	[tilespmem:v63+s20+$0x0] =	vst.idx.add.f32.msk vm12, v48;
	(pc) =	sbr.rel .LBB2_42-.Ltmp24, $4  }
0x27b: {  	s31 =	rddreg [dreg:$0x4];
	s28 =	smul.u32 $0x280, s0;
	s1 =	sadd.s32 s29, s26;
	[tilespmem:v4+s20+$0x0] =	vst.idx.add.f32.msk vm11, v50  }
0x27c: {  	[hbm4b:s1+s6] =	stream.linear.scatter [tilespmem:s23], [sflag:$0x2], $0x6400, $0x38;
	[tilespmem:$0x16A80] =	vst v63  }
0x27d: {  	s0 =	sadd.s32 s31, s28  }
0x27e: {  	vm14 =	vmmov vm11;
	vm3 =	vmmov vm12;
	[hbm4b:s0+s6] =	stream.linear.scatter [tilespmem:s24], [sflag:$0x2], $0x1400, $0x38;
	[tilespmem:$0x16A80] =	vst v63  }
.LBB2_44:
0x27f: {  	_ =	sfence.sel $0x180000  }
0x280: {  	[bflag:$0x0] =	sbarrier.arrive $0xFFFF  }
0x281: {  	_ =	strace $0x90000047  }
0x282: {  	s0 =	stileid.u32;
	[bflag:$0x2] =	sbarrier.arrive $0xFFFF  }
0x283: {  	p0 =	sne.s32 s0, $0x0;
	s0 =	rddreg [dreg:$0x5]  }
0x284: {  	s0 =	sadd.s32 @!p0 $0x100000, s0  }
0x285: {  	[sflag:s0] =	ssyncadd.tile.s32 @!p0 $0x1;
	_ =	shalt  }
.Lfunc_end2:
_tile_overlayer_lowered:
.L_overlay_start_2:
0x286: {  	(tag) =	ssettag $0x2  }
0x287: {  	s0 =	rddreg [dreg:$0x0];
	s2 =	stileid.u32  }
0x288: {  	s1 =	rddreg [dreg:$0x1];
	p0 =	sne.s32 s2, $0x0  }
0x289: {  	s3 =	rddreg [dreg:$0x2];
	[bflag:$0x3] =	sbarrier.arrive $0xFFFF;
	s2 =	simm.s32 @!p0 $0x1C05  }
0x28a: {  	[timem:s3], [sflag:s2] =	dma.local @!p0 [hbm:s0], s1  }
0x28b: {  	s0 =	simm.s32 @!p0 $0x5  }
0x28c: {  	_ =	swait.ge @!p0 [sflag:s0], s1  }
0x28d: {  	s1 =	ssub.s32 @!p0 $0x0, s1;
	[sflag:s0] =	ssyncset.done @!p0 $0x0  }
0x28e: {  	[sflag:s0] =	ssyncadd.s32 @!p0 s1  }
0x28f: {  	[bflag:$0x3] =	sbarrier.arrive $0xFFFF  }
0x290: {  	_ =	shalt  }

// kernel: kernel.7.cloned.1.call-start
scs
__scs_entry_jumppad:
0x0: {  	(pc) =	sbr.rel $0x88, $3  }
0x1: {  	(tag) =	ssettag $0x0;
	lr =	simm.s32 $0x1  }
0x2: {  	[smem:$0x3F9E] =	sst lr;
	_ =	strace $0xD0000000  }
0x3: {  	_ = 	snop  }
0x4: {  	_ = 	snop  }
0x5: {  	_ = 	snop  }
0x6: {  	_ = 	snop  }
0x7: {  	_ = 	snop  }
__scs_overlays_trampoline_lowered:
0x8: {  	[smem:$0x3FAD] =	sst s0  }
0x9: {  	[smem:$0x3FAE] =	sst s1  }
0xa: {  	[smem:$0x3FAF] =	sst s2  }
0xb: {  	[smem:$0x3FB0] =	sst s3  }
0xc: {  	[smem:$0x3FB1] =	sst s4  }
0xd: {  	[smem:$0x3FB2] =	sst s5  }
0xe: {  	[smem:$0x3FB3] =	sst s6  }
0xf: {  	[smem:$0x3FB4] =	sst s7  }
0x10: {  	[smem:$0x3FB5] =	sst s8  }
0x11: {  	[smem:$0x3FB6] =	sst s9;
	s0 =	simm.s32 @!p0 $0x0  }
0x12: {  	s1 =	sld [smem:$0x3F9C];
	s0 =	simm.s32 @p0 $0x1  }
0x13: {  	[smem:$0x3FB7] =	sst s0;
	s0 =	simm.s32 @!p1 $0x0  }
0x14: {  	s2 =	sld [smem:$0x3F9B];
	s0 =	simm.s32 @p1 $0x1  }
0x15: {  	[smem:$0x3FB8] =	sst s0;
	s0 =	simm.s32 @!p2 $0x0  }
0x16: {  	s3 =	sld [smem:$0x3FDB];
	s0 =	simm.s32 @p2 $0x1  }
0x17: {  	s4 =	simm.s32 $0x1BF5;
	[smem:$0x3FBA] =	sst s0  }
0x18: {  	s0 =	sld [smem:$0x3F9D];
	_ =	swait.ge [sflag:s4], $0x0  }
0x19: {  	s7 =	sld [smem:$0x3F9E]  }
0x1a: {  	s8 =	sadd.s32 $0xFFFFE003, lr  }
0x1b: {  	s9 =	sadd.s32 $0xFFFFFEF7, lr;
	s5 =	simm.s32 $0xFFFFFFFF;
	p2 =	slt.u32 s8, $0xFFFFF086  }
0x1c: {  	p1 =	slt.u32 s9, $0xF7A;
	s5 =	simm.s32 @!p2 $0x0  }
0x1d: {  	s5 =	simm.s32 @p1 $0x1;
	p0 =	seq.s32 s7, s2  }
0x1e: {  	s7 =	smul.u32 @!p0 $0xF7A, s2;
	p2 =	seq.s32 @!p0 s5, $0x0  }
0x1f: {  	s9 =	smul.u32 $0xF7A, s1;
	s8 =	simm.s32 @!p0 $0x1BF5;
	p2 =	por !p2, p0  }
0x20: {  	[sflag:s8] =	ssyncset.s32 @!p0 $0xFFFFF086;
	s6 =	sadd.s32 @!p0 s3, s7;
	s7 =	simm.s32 @!p0 $0x108  }
0x21: {  	s3 =	sadd.s32 s3, s9;
	s6 =	sadd.s32 @!p0 $0x88, s6;
	s7 =	simm.s32 @p2 $0x1082  }
0x22: {  	[simem:s7], [sflag:s8] =	dma.local @!p0 [hbm:s6], $0xF7A  }
0x23: {  	s9 =	sor.u32 $0xD0000000, s2;
	s6 =	simm.s32 $0x108;
	_ =	swait.ge @!p0 [sflag:s8], $0x0  }
0x24: {  	s3 =	sadd.s32 $0x88, s3;
	s6 =	simm.s32 @!p1 $0x1082;
	[sflag:s4] =	ssyncset.s32 $0xFFFFF086  }
0x25: {  	[simem:s6], [sflag:s4] =	dma.local [hbm:s3], $0xF7A  }
0x26: {  	[smem:$0x3F9E] =	sst s1;
	(tag) =	ssettag s2;
	_ =	strace s9  }
0x27: {  	s1 =	sld [smem:$0x3FAE]  }
0x28: {  	s2 =	sld [smem:$0x3FAF]  }
0x29: {  	s4 =	sld [smem:$0x3FB1]  }
0x2a: {  	p0 =	seq.s32 s5, $0x0;
	s5 =	sld [smem:$0x3FB2]  }
0x2b: {  	s6 =	sld [smem:$0x3FB3]  }
0x2c: {  	s7 =	sld [smem:$0x3FB4]  }
0x2d: {  	s3 =	simm.s32 $0x108;
	s8 =	sld [smem:$0x3FB5]  }
0x2e: {  	s3 =	simm.s32 @!p0 $0x1082;
	s9 =	sld [smem:$0x3FB6]  }
0x2f: {  	lr =	sadd.s32 s0, s3;
	s0 =	sld [smem:$0x3FAD]  }
0x30: {  	s3 =	sld [smem:$0x3FB0]  }
0x31: {  	[smem:$0x3FB9] =	sst s10  }
0x32: {  	s10 =	sld [smem:$0x3FB7];
	_ =	sdelay $0x3  }
0x33: {  	p0 =	seq.s32 s10, $0x1;
	s10 =	sld [smem:$0x3FB9];
	_ =	sdelay $0x3  }
0x34: {  	[smem:$0x3FB9] =	sst s10  }
0x35: {  	s10 =	sld [smem:$0x3FB8];
	_ =	sdelay $0x3  }
0x36: {  	p1 =	seq.s32 s10, $0x1;
	s10 =	sld [smem:$0x3FB9];
	_ =	sdelay $0x3  }
0x37: {  	[smem:$0x3FB9] =	sst s10  }
0x38: {  	s10 =	sld [smem:$0x3FBA]  }
0x39: {  	_ = 	snop;
	(pc) =	sbr.ind lr, $3  }
0x3a: {  	_ = 	snop  }
0x3b: {  	_ = 	snop  }
0x3c: {  	p2 =	seq.s32 s10, $0x1;
	s10 =	sld [smem:$0x3FB9]  }
0x3d: {  	_ =	shalt  }
0x3e: {  	_ =	shalt  }
0x3f: {  	_ =	shalt  }
0x40: {  	_ =	shalt  }
0x41: {  	_ =	shalt  }
0x42: {  	_ =	shalt  }
0x43: {  	_ =	shalt  }
0x44: {  	_ =	shalt  }
0x45: {  	_ =	shalt  }
0x46: {  	_ =	shalt  }
0x47: {  	_ =	shalt  }
0x48: {  	_ =	shalt  }
0x49: {  	_ =	shalt  }
0x4a: {  	_ =	shalt  }
0x4b: {  	_ =	shalt  }
0x4c: {  	_ =	shalt  }
0x4d: {  	_ =	shalt  }
0x4e: {  	_ =	shalt  }
0x4f: {  	_ =	shalt  }
0x50: {  	_ =	shalt  }
0x51: {  	_ =	shalt  }
0x52: {  	_ =	shalt  }
0x53: {  	_ =	shalt  }
0x54: {  	_ =	shalt  }
0x55: {  	_ =	shalt  }
0x56: {  	_ =	shalt  }
0x57: {  	_ =	shalt  }
0x58: {  	_ =	shalt  }
0x59: {  	_ =	shalt  }
0x5a: {  	_ =	shalt  }
0x5b: {  	_ =	shalt  }
0x5c: {  	_ =	shalt  }
0x5d: {  	_ =	shalt  }
0x5e: {  	_ =	shalt  }
0x5f: {  	_ =	shalt  }
0x60: {  	_ =	shalt  }
0x61: {  	_ =	shalt  }
0x62: {  	_ =	shalt  }
0x63: {  	_ =	shalt  }
0x64: {  	_ =	shalt  }
0x65: {  	_ =	shalt  }
0x66: {  	_ =	shalt  }
0x67: {  	_ =	shalt  }
0x68: {  	_ =	shalt  }
0x69: {  	_ =	shalt  }
0x6a: {  	_ =	shalt  }
0x6b: {  	_ =	shalt  }
0x6c: {  	_ =	shalt  }
0x6d: {  	_ =	shalt  }
0x6e: {  	_ =	shalt  }
0x6f: {  	_ =	shalt  }
0x70: {  	_ =	shalt  }
0x71: {  	_ =	shalt  }
0x72: {  	_ =	shalt  }
0x73: {  	_ =	shalt  }
0x74: {  	_ =	shalt  }
0x75: {  	_ =	shalt  }
0x76: {  	_ =	shalt  }
0x77: {  	_ =	shalt  }
0x78: {  	_ =	shalt  }
0x79: {  	_ =	shalt  }
0x7a: {  	_ =	shalt  }
0x7b: {  	_ =	shalt  }
0x7c: {  	_ =	shalt  }
0x7d: {  	_ =	shalt  }
0x7e: {  	_ =	shalt  }
0x7f: {  	_ =	shalt  }
0x80: {  	_ =	shalt  }
0x81: {  	_ =	shalt  }
0x82: {  	_ =	shalt  }
0x83: {  	_ =	shalt  }
0x84: {  	_ =	shalt  }
0x85: {  	_ =	shalt  }
0x86: {  	_ =	shalt  }
0x87: {  	_ =	shalt  }
.Lfunc_end0:
.L_simem_size_0:
called_computation.2_lowered:
.L_overlay_start_0:
0x88: {  	s2 =	sld [smem:$0x3FD9]  }
0x89: {  	s3 =	sld [smem:$0x3FFE];
	_ =	sdelay $0x1  }
0x8a: {  	s1 =	srdreg.scid  }
0x8b: {  	s0 =	sand.u32 $0x1, s1  }
0x8c: {  	s15 =	sshll.u32 s0, $0xA;
	s2 =	sadd.s32 s3, s2  }
0x8d: {  	s2 =	sadd.s32 s2, s15  }
0x8e: {  	[smem:$0x3FC5] =	sst s2  }
0x8f: {  	_ = 	snop  }
0x90: {  	s16 =	sld [smem:$0x3FD0];
	_ =	sdelay $0x2  }
0x91: {  	s5 =	simm.s32 $0xB;
	s4 =	simm.s32 $0x10;
	s2 =	sld [smem:$0x3FC7]  }
0x92: {  	[smem:s4], [sflag:s5] =	dma.local [hbm:s16], $0x1  }
0x93: {  	_ =	swait.eq [sflag:s5], $0x1  }
0x94: {  	[sflag:s5] =	ssyncset.done $0x0  }
0x95: {  	s17 =	sld [smem:$0x12];
	[sflag:s5] =	ssyncadd.s32 $0xFFFFFFFF  }
0x96: {  	s18 =	sld [smem:$0x13];
	(tm) =	ssettm $0x1  }
0x97: {  	s19 =	sld [smem:$0x3FFB];
	_ =	sdelay $0x3  }
0x98: {  	_ =	strace s19  }
0x99: {  	s3 =	sld [smem:$0x3FFC];
	_ =	sdelay $0x3  }
0x9a: {  	_ =	strace s3  }
0x9b: {  	s3 =	sld [smem:$0x3FFD];
	_ =	sdelay $0x3  }
0x9c: {  	_ =	strace s3  }
0x9d: {  	_ =	strace $0x8FFFFFFF  }
0x9e: {  	s20 =	sld [smem:$0x3FDB];
	_ =	sdelay $0x1  }
0x9f: {  	s6 =	simm.s32 $_scs_section_size  }
0xa0: {  	s7 =	simm.s32 $_size__tile_overlayer_lowered;
	s8 =	simm.s32 $_tile_overlayer_lowered  }
0xa1: {  	s9 =	simm.s32 $0x1BFF;
	s21 =	sshll.u32 s8, $0x1;
	s6 =	sadd.s32 s6, s20  }
0xa2: {  	s22 =	simm.s32 $0x0;
	s7 =	sshll.u32 s7, $0x1;
	s8 =	sadd.s32 s21, s6  }
0xa3: {  	[timem:s22], [sflag:s9] =	dma.local [hbm:s8], s7  }
0xa4: {  	_ =	swait.ge [sflag:s9], s7  }
0xa5: {  	s7 =	ssub.s32 $0x0, s7;
	[sflag:s9] =	ssyncset.done $0x0  }
0xa6: {  	[sflag:s9] =	ssyncadd.s32 s7;
	_ =	sdelay $0x1  }
0xa7: {  	s23 =	simm.s32 $0x1B8B  }
0xa8: {  	_ =	swait.ge [sflag:s23], $0x1  }
0xa9: {  	[sflag:s23] =	ssyncset.done $0x0  }
0xaa: {  	[sflag:s23] =	ssyncadd.s32 $0xFFFFFFFF  }
0xab: {  	s7 =	sld [smem:$0x0]  }
0xac: {  	s8 =	sand.u32 $0xFFFFFFFE, s1  }
0xad: {  	p0 =	sne.s32 s1, s8  }
0xae: {  	s8 =	sshll.u32 @p0 s8, $0xE  }
0xaf: {  	s8 =	sadd.s32 @p0 $0x11B8D, s8;
	s9 =	sshll.u32 @p0 s7, $0x11  }
0xb0: {  	s8 =	sor.u32 @p0 s9, s8  }
0xb1: {  	[sflag:s8] =	ssyncadd.remote.s32 @p0 $0x1;
	_ =	sdelay $0x1  }
0xb2: {  	s8 =	simm.s32 @p0 $0x1B8D  }
0xb3: {  	_ =	swait.eq @p0 [sflag:s8], $0x1  }
0xb4: {  	[sflag:s8] =	ssyncadd.s32 @p0 $0xFFFFFFFF  }
0xb5: {  	s9 =	sshll.u32 @!p0 s1, $0xE  }
0xb6: {  	s9 =	sor.u32 @!p0 $0x4000, s9;
	s8 =	simm.s32 @!p0 $0x1B8D  }
0xb7: {  	s7 =	sshll.u32 @!p0 s7, $0x11;
	s9 =	sadd.s32 @!p0 $0x11B8D, s9;
	_ =	swait.eq @!p0 [sflag:s8], $0x1  }
0xb8: {  	s7 =	sor.u32 @!p0 s7, s9;
	[sflag:s8] =	ssyncadd.s32 @!p0 $0xFFFFFFFF  }
0xb9: {  	s25 =	simm.s32 $0x1B8E;
	s24 =	sld [smem:$0x3FFE];
	[sflag:s7] =	ssyncadd.remote.s32 @!p0 $0x1  }
0xba: {  	s26 =	simm.s32 $execute0_lowered;
	[smem:$0x3FD2] =	sst s25  }
0xbb: {  	s8 =	sshll.u32 s26, $0x1;
	_ =	strace $0x8000004C;
	[dreg:$0x1] =	wrdreg $0xFFFFFFFF  }
0xbc: {  	s28 =	simm.s32 $_size_execute0_lowered;
	s6 =	sadd.s32 s6, s8;
	[dreg:$0x0] =	wrdreg $0x0  }
0xbd: {  	s8 =	sshll.u32 s28, $0x1;
	[dreg:$0x2] =	wrdreg s6  }
0xbe: {  	[dreg:$0x3] =	wrdreg s8  }
0xbf: {  	[dreg:$0x4] =	wrdreg $0xC0  }
0xc0: {  	_ =	task [dreg:s22], $0x5FFFF  }
0xc1: {  	[dreg:$0x1] =	wrdreg $0xFFFFFFFF  }
0xc2: {  	[dreg:$0x0] =	wrdreg $0x60  }
0xc3: {  	[dreg:$0x2] =	wrdreg s24  }
0xc4: {  	[dreg:$0x3] =	wrdreg s2  }
0xc5: {  	[dreg:$0x4] =	wrdreg s17  }
0xc6: {  	[dreg:$0x5] =	wrdreg s18  }
0xc7: {  	[dreg:$0x6] =	wrdreg $0xA  }
0xc8: {  	_ =	task.clear_ibuf [dreg:s22], $0x7FFFF;
	_ =	strace $0x9000004C  }
0xc9: {  	s29 =	simm.s32 $0xA;
	_ =	strace $0x8000004E  }
0xca: {  	_ =	swait.ge [sflag:s29], $0x1  }
0xcb: {  	[sflag:s29] =	ssyncadd.s32 $0xFFFFFFFF  }
0xcc: {  	_ =	strace $0x9000004E  }
0xcd: {  	_ =	sfence  }
0xce: {  	s30 =	sld [smem:$0x0];
	_ =	sdelay $0x2  }
0xcf: {  	s31 =	sshll.u32 s1, $0xD;
	s1 =	sshrl.u32 s1, $0x2  }
0xd0: {  	s4 =	sand.u32 $0x4000, s31;
	s1 =	sadd.s32 s1, s30  }
0xd1: {  	s0 =	sor.u32 s4, s0;
	s1 =	sshll.u32 s1, $0x11  }
0xd2: {  	s0 =	sor.u32 s1, s0  }
0xd3: {  	s0 =	sadd.s32 $0x8F2B, s0  }
0xd4: {  	[sflag:s0] =	ssyncadd.remote.s32 $0x1  }
0xd5: {  	_ =	sfence.sel $0xFFFF  }
0xd6: {  	[dreg:$0x0] =	wrdreg $0xFFFFFFFF;
	(pc) =	sbr.abs _section_cstart, $3  }
0xd7: {  	[dreg:$0x1] =	wrdreg $0xFFFFFFFF  }
0xd8: {  	_ =	task.clear_ibuf [dreg:s22], $0x2FFFF;
	_ =	strace $0x9FFFFFFF  }
0xd9: {  	(tm) =	ssettm $0x7FFFFFFF  }
tec
execute0_lowered:
.L_overlay_start_1:
0x0: {  	(tag) =	ssettag $0x1  }
0x1: {  	s0 =	rddreg [dreg:$0x0]  }
0x2: {  	s1 =	rddreg [dreg:$0x1]  }
0x3: {  	s3 =	rddreg [dreg:$0x3];
	s5 =	simm.s32 $0x0;
	s2 =	srdreg.scid  }
0x4: {  	s9 =	stileid.u32;
	s13 =	simm.s32 $0x2900;
	s14 =	simm.s32 $0x5  }
0x5: {  	s15 =	simm.s32 $0x2800;
	s16 =	simm.s32 $0x2880;
	s17 =	simm.s32 $0x3  }
0x6: {  	s18 =	simm.s32 $0x3900;
	s19 =	simm.s32 $0x3A00;
	s20 =	simm.s32 $0x1  }
0x7: {  	s21 =	simm.s32 $0x4;
	s22 =	simm.s32 $0x4E00;
	s23 =	simm.s32 $0x2  }
0x8: {  	s24 =	simm.s32 $0x0;
	[smem:$0x7FF] =	sst s5;
	s2 =	sand.u32 $0x1, s2  }
0x9: {  	s4 =	sshll.u32 s9, $0x1;
	s6 =	sadd.s32 $0x1600, s0;
	s8 =	sadd.s32 $0x32400, s0  }
.Ltmp0:
0xa: {  	p0 =	slt.u32 s9, $0x2;
	s7 =	sor.u32 s2, s4;
	(pc) =	sbr.rel .LBB2_1-.Ltmp0, $4  }
0xb: {  	s9 =	simm.s32 $0x4F;
	s10 =	ssub.s32 $0x2, s2;
	s2 =	smul.u32 $0x50, s7  }
0xc: {  	_ =	strace $0x8000004D;
	s31 =	sshrl.u32 s10, $0x1;
	s4 =	smul.u32 $0x5, s7  }
0xd: {  	s9 =	simm.s32 @!p0 $0x4E;
	p0 =	sne.s32 s7, $0x0;
	s0 =	ssub.s32 s10, s31  }
0xe: {  	v0 =	vimm.f32 $0.0e+00;
	s10 =	sadd.s32 s6, s2;
	s11 =	sadd.s32 s1, s4;
	s12 =	smax.u32 s0, $0x1  }
.LBB2_33:
0xf: {  	s24 =	sadd.s32 $0x1, s24  }
0x10: {  	_ =	swait.ge [sflag:s20], $0x1400;
	p1 =	sne.s32 s24, s12  }
.Ltmp1:
0x11: {  	[sflag:s20] =	ssyncset.done $0x0;
	(pc) =	sbr.rel @!p1 .LBB2_34-.Ltmp1, $4  }
0x12: {  	[sflag:s20] =	ssyncadd.s32 $0xFFFFEC00  }
0x13: {  	_ =	swait.ge [sflag:s23], $0x1400  }
0x14: {  	[sflag:s23] =	ssyncset.done $0x0  }
0x15: {  	[sflag:s23] =	ssyncadd.s32 $0xFFFFEC00  }
.LBB2_1:
0x16: {  	[tilespmem:s13], [sflag:$0x5] =	stream.linear.gather [hbm4b:s8+s5], $0x1000, $0x38;
	[tilespmem:$0x8A00] =	vst v63  }
0x17: {  	_ =	swait.ge [sflag:s14], $0x1000  }
0x18: {  	[sflag:s14] =	ssyncset.done $0x0  }
0x19: {  	[sflag:s14] =	ssyncadd.s32 $0xFFFFF000  }
0x1a: {  	v1 =	vld [tilespmem:$0x2C80];
	_ =	sdelay $0x4  }
0x1b: {  	[tilespmem:$0x1FA60] =	vst v1;
	v1 =	vld [tilespmem:$0x2D00];
	_ =	sdelay $0x4  }
0x1c: {  	[tilespmem:$0x1FA70] =	vst v1;
	v1 =	vld [tilespmem:$0x2D80];
	_ =	sdelay $0x4  }
0x1d: {  	[tilespmem:$0x1FA80] =	vst v1;
	v1 =	vld [tilespmem:$0x2E00];
	_ =	sdelay $0x4  }
0x1e: {  	[tilespmem:$0x1FA90] =	vst v1;
	v1 =	vld [tilespmem:$0x2E80];
	_ =	sdelay $0x4  }
0x1f: {  	[tilespmem:$0x1FAA0] =	vst v1;
	v1 =	vld [tilespmem:$0x2F00];
	_ =	sdelay $0x4  }
0x20: {  	[tilespmem:$0x1FAB0] =	vst v1;
	v1 =	vld [tilespmem:$0x2F80];
	_ =	sdelay $0x4  }
0x21: {  	[tilespmem:$0x1FAC0] =	vst v1;
	v1 =	vld [tilespmem:$0x3000];
	_ =	sdelay $0x4  }
0x22: {  	[tilespmem:$0x1FAE0] =	vst v1;
	v1 =	vld [tilespmem:$0x3080];
	_ =	sdelay $0x4  }
0x23: {  	[tilespmem:$0x1FB00] =	vst v1;
	v1 =	vld [tilespmem:$0x3100];
	_ =	sdelay $0x4  }
0x24: {  	[tilespmem:$0x1FB20] =	vst v1;
	v1 =	vld [tilespmem:$0x3180];
	_ =	sdelay $0x4  }
0x25: {  	[tilespmem:$0x1FB40] =	vst v1;
	v1 =	vld [tilespmem:$0x3200];
	_ =	sdelay $0x4  }
0x26: {  	[tilespmem:$0x1FB60] =	vst v1;
	v1 =	vld [tilespmem:$0x3280];
	_ =	sdelay $0x4  }
0x27: {  	[tilespmem:$0x1FB80] =	vst v1;
	v1 =	vld [tilespmem:$0x3300];
	_ =	sdelay $0x4  }
0x28: {  	[tilespmem:$0x1FBB0] =	vst v1;
	v1 =	vld [tilespmem:$0x3380];
	_ =	sdelay $0x4  }
0x29: {  	[tilespmem:$0x1FBE0] =	vst v1;
	v1 =	vld [tilespmem:$0x3400];
	_ =	sdelay $0x4  }
0x2a: {  	[tilespmem:$0x1FC10] =	vst v1;
	v1 =	vld [tilespmem:$0x3480];
	_ =	sdelay $0x4  }
0x2b: {  	[tilespmem:$0x1FC40] =	vst v1;
	v1 =	vld [tilespmem:$0x3500];
	_ =	sdelay $0x4  }
0x2c: {  	[tilespmem:$0x1FC70] =	vst v1;
	v1 =	vld [tilespmem:$0x3580];
	_ =	sdelay $0x4  }
0x2d: {  	[tilespmem:$0x1FCA0] =	vst v1;
	v1 =	vld [tilespmem:$0x3600];
	_ =	sdelay $0x4  }
0x2e: {  	[tilespmem:$0x1FCE0] =	vst v1;
	v1 =	vld [tilespmem:$0x3680];
	_ =	sdelay $0x4  }
0x2f: {  	[tilespmem:$0x1FD20] =	vst v1;
	v1 =	vld [tilespmem:$0x3700];
	_ =	sdelay $0x4  }
0x30: {  	[tilespmem:$0x1FD60] =	vst v1;
	v1 =	vld [tilespmem:$0x3780];
	_ =	sdelay $0x4  }
0x31: {  	[tilespmem:$0x1FDA0] =	vst v1;
	v1 =	vld [tilespmem:$0x3800];
	_ =	sdelay $0x4  }
0x32: {  	[tilespmem:$0x1FDE0] =	vst v1;
	v1 =	vld [tilespmem:$0x3880];
	_ =	sdelay $0x4  }
0x33: {  	[tilespmem:$0x1FE20] =	vst v1;
	v1 =	vld [tilespmem:$0x2F90];
	_ =	sdelay $0x4  }
0x34: {  	[tilespmem:$0x1FAD0] =	vst v1;
	v1 =	vld [tilespmem:$0x3010];
	_ =	sdelay $0x4  }
0x35: {  	[tilespmem:$0x1FAF0] =	vst v1;
	v1 =	vld [tilespmem:$0x3090];
	_ =	sdelay $0x4  }
0x36: {  	[tilespmem:$0x1FB10] =	vst v1;
	v1 =	vld [tilespmem:$0x3110];
	_ =	sdelay $0x4  }
0x37: {  	[tilespmem:$0x1FB30] =	vst v1;
	v1 =	vld [tilespmem:$0x3190];
	_ =	sdelay $0x4  }
0x38: {  	[tilespmem:$0x1FB50] =	vst v1;
	v1 =	vld [tilespmem:$0x3210];
	_ =	sdelay $0x4  }
0x39: {  	[tilespmem:$0x1FB70] =	vst v1;
	v1 =	vld [tilespmem:$0x3290];
	_ =	sdelay $0x4  }
0x3a: {  	[tilespmem:$0x1FBA0] =	vst v1;
	v1 =	vld [tilespmem:$0x3310];
	_ =	sdelay $0x4  }
0x3b: {  	[tilespmem:$0x1FBD0] =	vst v1;
	v1 =	vld [tilespmem:$0x3390];
	_ =	sdelay $0x4  }
0x3c: {  	[tilespmem:$0x1FC00] =	vst v1;
	v1 =	vld [tilespmem:$0x3410];
	_ =	sdelay $0x4  }
0x3d: {  	[tilespmem:$0x1FC30] =	vst v1;
	v1 =	vld [tilespmem:$0x3490];
	_ =	sdelay $0x4  }
0x3e: {  	[tilespmem:$0x1FC60] =	vst v1;
	v1 =	vld [tilespmem:$0x3510];
	_ =	sdelay $0x4  }
0x3f: {  	[tilespmem:$0x1FC90] =	vst v1;
	v1 =	vld [tilespmem:$0x3590];
	_ =	sdelay $0x4  }
0x40: {  	[tilespmem:$0x1FCC0] =	vst v1;
	v1 =	vld [tilespmem:$0x3610];
	_ =	sdelay $0x4  }
0x41: {  	[tilespmem:$0x1FD00] =	vst v1;
	v1 =	vld [tilespmem:$0x3690];
	_ =	sdelay $0x4  }
0x42: {  	[tilespmem:$0x1FD40] =	vst v1;
	v1 =	vld [tilespmem:$0x3710];
	_ =	sdelay $0x4  }
0x43: {  	[tilespmem:$0x1FD80] =	vst v1;
	v1 =	vld [tilespmem:$0x3790];
	_ =	sdelay $0x4  }
0x44: {  	[tilespmem:$0x1FDC0] =	vst v1;
	v1 =	vld [tilespmem:$0x3810];
	_ =	sdelay $0x2  }
0x45: {  	v60 =	vld [tilespmem:$0x2900]  }
0x46: {  	v41 =	vld [tilespmem:$0x2980]  }
0x47: {  	[tilespmem:$0x1FE00] =	vst v1;
	v1 =	vld [tilespmem:$0x3890]  }
0x48: {  	v45 =	vld [tilespmem:$0x2A00]  }
0x49: {  	v49 =	vld [tilespmem:$0x2A80]  }
0x4a: {  	v53 =	vld [tilespmem:$0x2B00]  }
0x4b: {  	v57 =	vld [tilespmem:$0x2B80]  }
0x4c: {  	[tilespmem:$0x1FE40] =	vst v1;
	v1 =	vld [tilespmem:$0x3220]  }
0x4d: {  	v62 =	vld [tilespmem:$0x2C00]  }
0x4e: {  	v20 =	vld [tilespmem:$0x2910]  }
0x4f: {  	v23 =	vld [tilespmem:$0x2990]  }
0x50: {  	v26 =	vld [tilespmem:$0x2A10]  }
0x51: {  	[tilespmem:$0x1FB90] =	vst v1;
	v1 =	vld [tilespmem:$0x32A0]  }
0x52: {  	v29 =	vld [tilespmem:$0x2A90]  }
0x53: {  	v32 =	vld [tilespmem:$0x2B10]  }
0x54: {  	v35 =	vld [tilespmem:$0x2B90]  }
0x55: {  	v38 =	vld [tilespmem:$0x2C10]  }
0x56: {  	[tilespmem:$0x1FBC0] =	vst v1;
	v1 =	vld [tilespmem:$0x3320]  }
0x57: {  	v42 =	vld [tilespmem:$0x2C90]  }
0x58: {  	v46 =	vld [tilespmem:$0x2D10]  }
0x59: {  	v50 =	vld [tilespmem:$0x2D90]  }
0x5a: {  	v54 =	vld [tilespmem:$0x2E10]  }
0x5b: {  	[tilespmem:$0x1FBF0] =	vst v1;
	v1 =	vld [tilespmem:$0x33A0]  }
0x5c: {  	v58 =	vld [tilespmem:$0x2E90]  }
0x5d: {  	v63 =	vld [tilespmem:$0x2F10]  }
0x5e: {  	v8 =	vld [tilespmem:$0x2920]  }
0x5f: {  	v10 =	vld [tilespmem:$0x29A0]  }
0x60: {  	[tilespmem:$0x1FC20] =	vst v1;
	v1 =	vld [tilespmem:$0x3420]  }
0x61: {  	v12 =	vld [tilespmem:$0x2A20]  }
0x62: {  	v14 =	vld [tilespmem:$0x2AA0]  }
0x63: {  	v16 =	vld [tilespmem:$0x2B20]  }
0x64: {  	v18 =	vld [tilespmem:$0x2BA0]  }
0x65: {  	[tilespmem:$0x1FC50] =	vst v1;
	v1 =	vld [tilespmem:$0x34A0]  }
0x66: {  	v21 =	vld [tilespmem:$0x2C20]  }
0x67: {  	v24 =	vld [tilespmem:$0x2CA0]  }
0x68: {  	v27 =	vld [tilespmem:$0x2D20]  }
0x69: {  	v30 =	vld [tilespmem:$0x2DA0]  }
0x6a: {  	[tilespmem:$0x1FC80] =	vst v1;
	v1 =	vld [tilespmem:$0x3520]  }
0x6b: {  	v33 =	vld [tilespmem:$0x2E20]  }
0x6c: {  	v36 =	vld [tilespmem:$0x2EA0]  }
0x6d: {  	v39 =	vld [tilespmem:$0x2F20]  }
0x6e: {  	v43 =	vld [tilespmem:$0x2FA0]  }
0x6f: {  	[tilespmem:$0x1FCB0] =	vst v1;
	v1 =	vld [tilespmem:$0x35A0]  }
0x70: {  	v47 =	vld [tilespmem:$0x3020]  }
0x71: {  	v51 =	vld [tilespmem:$0x30A0]  }
0x72: {  	v55 =	vld [tilespmem:$0x3120]  }
0x73: {  	v59 =	vld [tilespmem:$0x31A0]  }
0x74: {  	[tilespmem:$0x1FCF0] =	vst v1;
	v1 =	vld [tilespmem:$0x3620]  }
0x75: {  	v2 =	vld [tilespmem:$0x2930]  }
0x76: {  	v3 =	vld [tilespmem:$0x29B0]  }
0x77: {  	v4 =	vld [tilespmem:$0x2A30]  }
0x78: {  	v5 =	vld [tilespmem:$0x2AB0]  }
0x79: {  	[tilespmem:$0x1FD30] =	vst v1;
	v1 =	vld [tilespmem:$0x36A0]  }
0x7a: {  	v6 =	vld [tilespmem:$0x2B30]  }
0x7b: {  	v7 =	vld [tilespmem:$0x2BB0]  }
0x7c: {  	v9 =	vld [tilespmem:$0x2C30]  }
0x7d: {  	v11 =	vld [tilespmem:$0x2CB0]  }
0x7e: {  	[tilespmem:$0x1FD70] =	vst v1;
	v1 =	vld [tilespmem:$0x3720]  }
0x7f: {  	v13 =	vld [tilespmem:$0x2D30]  }
0x80: {  	v15 =	vld [tilespmem:$0x2DB0]  }
0x81: {  	v17 =	vld [tilespmem:$0x2E30]  }
0x82: {  	v19 =	vld [tilespmem:$0x2EB0]  }
0x83: {  	[tilespmem:$0x1FDB0] =	vst v1;
	v1 =	vld [tilespmem:$0x37A0]  }
0x84: {  	v22 =	vld [tilespmem:$0x2F30];
	v2 =	vadd.f32 $0.0e+00, v2  }
0x85: {  	v25 =	vld [tilespmem:$0x2FB0]  }
0x86: {  	v28 =	vld [tilespmem:$0x3030];
	v2 =	vadd.f32 v3, v2  }
0x87: {  	v3 =	vld [tilespmem:$0x2D40]  }
0x88: {  	v2 =	vadd.f32 v4, v2;
	[tilespmem:$0x1FDF0] =	vst v1;
	v1 =	vld [tilespmem:$0x3820]  }
0x89: {  	v31 =	vld [tilespmem:$0x30B0];
	v8 =	vadd.f32 $0.0e+00, v8  }
0x8a: {  	v34 =	vld [tilespmem:$0x3130];
	v2 =	vadd.f32 v5, v2  }
0x8b: {  	v37 =	vld [tilespmem:$0x31B0];
	v8 =	vadd.f32 v10, v8  }
0x8c: {  	v40 =	vld [tilespmem:$0x3230];
	[tilespmem:$0x1FF00] =	vst v3;
	v2 =	vadd.f32 v6, v2  }
0x8d: {  	v3 =	vadd.f32 v12, v8;
	[tilespmem:$0x1FE30] =	vst v1;
	v1 =	vld [tilespmem:$0x38A0]  }
0x8e: {  	v44 =	vld [tilespmem:$0x32B0];
	v2 =	vadd.f32 v7, v2  }
0x8f: {  	v48 =	vld [tilespmem:$0x3330];
	v20 =	vadd.f32 $0.0e+00, v20;
	v3 =	vadd.f32 v14, v3  }
0x90: {  	v52 =	vld [tilespmem:$0x33B0];
	v2 =	vadd.f32 v9, v2  }
0x91: {  	v20 =	vadd.f32 v23, v20;
	v23 =	vld [tilespmem:$0x2CC0];
	v3 =	vadd.f32 v16, v3  }
0x92: {  	v2 =	vadd.f32 v11, v2;
	[tilespmem:$0x1FE60] =	vst v1;
	v1 =	vld [tilespmem:$0x3530]  }
0x93: {  	v56 =	vld [tilespmem:$0x3430];
	v3 =	vadd.f32 v18, v3  }
0x94: {  	v61 =	vld [tilespmem:$0x34B0];
	v2 =	vadd.f32 v13, v2  }
0x95: {  	v10 =	vld [tilespmem:$0x2EC0];
	v3 =	vadd.f32 v21, v3  }
0x96: {  	[tilespmem:$0x1FEF0] =	vst v23;
	v23 =	vld [tilespmem:$0x30C0];
	v2 =	vadd.f32 v15, v2  }
0x97: {  	v3 =	vadd.f32 v24, v3;
	[tilespmem:$0x1FCD0] =	vst v1;
	v1 =	vld [tilespmem:$0x35B0]  }
0x98: {  	v6 =	vld [tilespmem:$0x36D0];
	v2 =	vadd.f32 v17, v2  }
0x99: {  	v14 =	vld [tilespmem:$0x2F40];
	v3 =	vadd.f32 v27, v3  }
0x9a: {  	v16 =	vld [tilespmem:$0x2FC0];
	v2 =	vadd.f32 v19, v2  }
0x9b: {  	v27 =	vld [tilespmem:$0x2DD0];
	v3 =	vadd.f32 v30, v3  }
0x9c: {  	v2 =	vadd.f32 v22, v2;
	[tilespmem:$0x1FD10] =	vst v1;
	v1 =	vld [tilespmem:$0x3630]  }
0x9d: {  	v30 =	vld [tilespmem:$0x29D0];
	v3 =	vadd.f32 v33, v3  }
0x9e: {  	v33 =	vld [tilespmem:$0x2D50];
	v2 =	vadd.f32 v25, v2  }
0x9f: {  	v3 =	vadd.f32 v36, v3;
	v36 =	vld [tilespmem:$0x2CD0]  }
0xa0: {  	v2 =	vadd.f32 v28, v2;
	v28 =	vld [tilespmem:$0x2A50]  }
0xa1: {  	[tilespmem:$0x1FD50] =	vst v1;
	v1 =	vld [tilespmem:$0x36B0]  }
0xa2: {  	v2 =	vadd.f32 v31, v2;
	v31 =	vld [tilespmem:$0x2B50]  }
0xa3: {  	v8 =	vld [tilespmem:$0x1FAC0]  }
0xa4: {  	v2 =	vadd.f32 v34, v2;
	v34 =	vld [tilespmem:$0x2C50]  }
0xa5: {  	[tilespmem:$0x1FF30] =	vst v10;
	v10 =	vld [tilespmem:$0x1FAE0]  }
0xa6: {  	[tilespmem:$0x1FD90] =	vst v1;
	v1 =	vld [tilespmem:$0x3730]  }
0xa7: {  	[tilespmem:$0x1FF40] =	vst v14;
	v14 =	vld [tilespmem:$0x1FB20]  }
0xa8: {  	[tilespmem:$0x1FF50] =	vst v16;
	v16 =	vld [tilespmem:$0x1FB40]  }
0xa9: {  	v3 =	vadd.f32 v39, v3;
	v2 =	vadd.f32 v37, v2;
	v18 =	vld [tilespmem:$0x1FB60]  }
0xaa: {  	[tilespmem:$0x1FF70] =	vst v23;
	v23 =	vld [tilespmem:$0x1FBB0]  }
0xab: {  	v3 =	vadd.f32 v43, v3;
	v2 =	vadd.f32 v40, v2;
	[tilespmem:$0x1FDD0] =	vst v1;
	v1 =	vld [tilespmem:$0x37B0]  }
0xac: {  	v37 =	vld [tilespmem:$0x1FBE0]  }
0xad: {  	v3 =	vadd.f32 v47, v3;
	v2 =	vadd.f32 v44, v2;
	v40 =	vld [tilespmem:$0x1FC10]  }
0xae: {  	v43 =	vld [tilespmem:$0x1FC40]  }
0xaf: {  	v3 =	vadd.f32 v51, v3;
	v2 =	vadd.f32 v48, v2;
	v48 =	vld [tilespmem:$0x1FC70]  }
0xb0: {  	[tilespmem:$0x1FE10] =	vst v1;
	v1 =	vld [tilespmem:$0x3830]  }
0xb1: {  	v3 =	vadd.f32 v55, v3;
	v55 =	vld [tilespmem:$0x1FCA0]  }
0xb2: {  	v9 =	vld [tilespmem:$0x1FAD0]  }
0xb3: {  	v11 =	vld [tilespmem:$0x1FAF0]  }
0xb4: {  	v13 =	vld [tilespmem:$0x1FB10]  }
0xb5: {  	[tilespmem:$0x1FE50] =	vst v1;
	v1 =	vld [tilespmem:$0x38B0]  }
0xb6: {  	v15 =	vld [tilespmem:$0x1FB30]  }
0xb7: {  	v17 =	vld [tilespmem:$0x1FB50]  }
0xb8: {  	v19 =	vld [tilespmem:$0x1FB70]  }
0xb9: {  	v22 =	vld [tilespmem:$0x1FBA0]  }
0xba: {  	[tilespmem:$0x1FE80] =	vst v1;
	v1 =	vld [tilespmem:$0x2940]  }
0xbb: {  	v25 =	vld [tilespmem:$0x1FBD0]  }
0xbc: {  	v21 =	vld [tilespmem:$0x1FB90]  }
0xbd: {  	v39 =	vld [tilespmem:$0x1FC00]  }
0xbe: {  	v24 =	vld [tilespmem:$0x1FBC0]  }
0xbf: {  	v3 =	vadd.f32 v59, v3;
	[tilespmem:$0x1FE70] =	vst v1;
	v1 =	vld [tilespmem:$0x29C0]  }
0xc0: {  	v47 =	vld [tilespmem:$0x1FC60]  }
0xc1: {  	v2 =	vadd.f32 v52, v2;
	v52 =	vld [tilespmem:$0x1FC90];
	v3 =	vadd.f32 v21, v3  }
0xc2: {  	v21 =	vld [tilespmem:$0x2E50]  }
0xc3: {  	v3 =	vadd.f32 v24, v3;
	v24 =	vld [tilespmem:$0x31D0]  }
0xc4: {  	[tilespmem:$0x1FE90] =	vst v1;
	v1 =	vld [tilespmem:$0x2A40]  }
0xc5: {  	v44 =	vld [tilespmem:$0x1FC50]  }
0xc6: {  	v2 =	vadd.f32 v56, v2;
	v51 =	vld [tilespmem:$0x1FC80]  }
0xc7: {  	v56 =	vld [tilespmem:$0x1FCB0]  }
0xc8: {  	v2 =	vadd.f32 v61, v2;
	v61 =	vld [tilespmem:$0x1FCF0]  }
0xc9: {  	[tilespmem:$0x1FEA0] =	vst v1;
	v1 =	vadd.f32 $0.0e+00, v60;
	v60 =	vld [tilespmem:$0x2AC0]  }
0xca: {  	v59 =	vld [tilespmem:$0x1FCD0]  }
0xcb: {  	v1 =	vadd.f32 v41, v1;
	v41 =	vadd.f32 v26, v20;
	v20 =	vld [tilespmem:$0x3040]  }
0xcc: {  	v26 =	vld [tilespmem:$0x3140]  }
0xcd: {  	v1 =	vadd.f32 v45, v1;
	v45 =	vld [tilespmem:$0x2DC0]  }
0xce: {  	[tilespmem:$0x1FEB0] =	vst v60;
	v60 =	vld [tilespmem:$0x2B40]  }
0xcf: {  	v1 =	vadd.f32 v49, v1;
	v49 =	vadd.f32 v29, v41;
	v29 =	vld [tilespmem:$0x1FA60]  }
0xd0: {  	v41 =	vld [tilespmem:$0x32C0]  }
0xd1: {  	[tilespmem:$0x1FF60] =	vst v20;
	v20 =	vld [tilespmem:$0x1FB80]  }
0xd2: {  	[tilespmem:$0x1FF80] =	vst v26;
	v26 =	vld [tilespmem:$0x2ED0]  }
0xd3: {  	v12 =	vadd.f32 v32, v49;
	v32 =	vld [tilespmem:$0x31C0]  }
0xd4: {  	v49 =	vld [tilespmem:$0x3440]  }
0xd5: {  	v1 =	vadd.f32 v53, v1;
	v53 =	vld [tilespmem:$0x34C0]  }
0xd6: {  	[tilespmem:$0x1FF10] =	vst v45;
	v45 =	vld [tilespmem:$0x1FA80]  }
0xd7: {  	[tilespmem:$0x1FEC0] =	vst v60;
	v60 =	vld [tilespmem:$0x2BC0]  }
0xd8: {  	v4 =	vadd.f32 v35, v12;
	v35 =	vld [tilespmem:$0x3240]  }
0xd9: {  	v1 =	vadd.f32 v57, v1;
	v57 =	vld [tilespmem:$0x1FAA0]  }
0xda: {  	v12 =	vld [tilespmem:$0x1FB00]  }
0xdb: {  	[tilespmem:$0x1FFB0] =	vst v41;
	v41 =	vld [tilespmem:$0x1FC20]  }
0xdc: {  	v4 =	vadd.f32 v38, v4;
	v38 =	vld [tilespmem:$0x1FA70]  }
0xdd: {  	v1 =	vadd.f32 v62, v1;
	v62 =	vld [tilespmem:$0x3540]  }
0xde: {  	[tilespmem:$0x1FFF0] =	vst v53;
	v53 =	vld [tilespmem:$0x36C0]  }
0xdf: {  	[tilespmem:$0x1FFE0] =	vst v49;
	v49 =	vld [tilespmem:$0x37C0]  }
0xe0: {  	[tilespmem:$0x1FF90] =	vst v32;
	v32 =	vld [tilespmem:$0x2AD0]  }
0xe1: {  	v4 =	vadd.f32 v42, v4;
	v42 =	vld [tilespmem:$0x3340]  }
0xe2: {  	v1 =	vadd.f32 v29, v1;
	v29 =	vld [tilespmem:$0x2950]  }
0xe3: {  	[tilespmem:$0x1FED0] =	vst v60;
	v60 =	vld [tilespmem:$0x2C40]  }
0xe4: {  	[tilespmem:$0x1FFA0] =	vst v35;
	v35 =	vld [tilespmem:$0x2BD0]  }
0xe5: {  	v4 =	vadd.f32 v46, v4;
	v46 =	vld [tilespmem:$0x33C0]  }
0xe6: {  	v1 =	vadd.f32 v38, v1;
	v38 =	vld [tilespmem:$0x1FBF0]  }
0xe7: {  	v4 =	vadd.f32 v50, v4;
	v50 =	vld [tilespmem:$0x1FA90]  }
0xe8: {  	v1 =	vadd.f32 v45, v1;
	v45 =	vld [tilespmem:$0x38C0]  }
0xe9: {  	[tilespmem:$0x1FFC0] =	vst v42;
	v42 =	vld [tilespmem:$0x1FC30]  }
0xea: {  	[tilespmem:$0x1FEE0] =	vst v60;
	v60 =	vld [tilespmem:$0x2E40]  }
0xeb: {  	v4 =	vadd.f32 v54, v4;
	v54 =	vld [tilespmem:$0x3640]  }
0xec: {  	[tilespmem:$0x1FFD0] =	vst v46;
	v46 =	vld [tilespmem:$0x3840]  }
0xed: {  	v4 =	vadd.f32 v58, v4;
	v58 =	vld [tilespmem:$0x1FCC0]  }
0xee: {  	v29 =	vadd.f32 $0.0e+00, v29;
	v3 =	vadd.f32 v38, v3;
	v38 =	vld [tilespmem:$0x1FD60]  }
0xef: {  	v1 =	vadd.f32 v50, v1;
	v50 =	vld [tilespmem:$0x3740]  }
0xf0: {  	v29 =	vadd.f32 v30, v29;
	v4 =	vadd.f32 v63, v4;
	v63 =	vld [tilespmem:$0x1FD00]  }
0xf1: {  	v3 =	vadd.f32 v41, v3;
	v41 =	vld [tilespmem:$0x1FDB0]  }
0xf2: {  	v28 =	vadd.f32 v28, v29;
	v1 =	vadd.f32 v57, v1;
	v57 =	vld [tilespmem:$0x35C0]  }
0xf3: {  	[tilespmem:$0x1FF20] =	vst v60;
	v60 =	vld [tilespmem:$0x1FAB0]  }
0xf4: {  	v28 =	vadd.f32 v32, v28;
	v32 =	vld [tilespmem:$0x1FF90]  }
0xf5: {  	v4 =	vadd.f32 v9, v4;
	v9 =	vld [tilespmem:$0x1FD20]  }
0xf6: {  	v3 =	vadd.f32 v44, v3;
	v44 =	vld [tilespmem:$0x1FDE0]  }
0xf7: {  	v28 =	vadd.f32 v31, v28;
	v4 =	vadd.f32 v11, v4;
	v11 =	vld [tilespmem:$0x32D0]  }
0xf8: {  	v3 =	vadd.f32 v51, v3;
	v51 =	vld [tilespmem:$0x2960]  }
0xf9: {  	v28 =	vadd.f32 v35, v28;
	v35 =	vld [tilespmem:$0x1FFA0]  }
0xfa: {  	v4 =	vadd.f32 v13, v4;
	v13 =	vld [tilespmem:$0x33D0]  }
0xfb: {  	v1 =	vadd.f32 v60, v1;
	v60 =	vld [tilespmem:$0x1FCE0]  }
0xfc: {  	v3 =	vadd.f32 v56, v3;
	v56 =	vld [tilespmem:$0x1FE60]  }
0xfd: {  	v28 =	vadd.f32 v34, v28;
	v34 =	vld [tilespmem:$0x32E0]  }
0xfe: {  	v4 =	vadd.f32 v15, v4;
	v15 =	vld [tilespmem:$0x34D0]  }
0xff: {  	v1 =	vadd.f32 v8, v1;
	v8 =	vld [tilespmem:$0x1FD10]  }
0x100: {  	v3 =	vadd.f32 v61, v3;
	v61 =	vld [tilespmem:$0x1FE80]  }
0x101: {  	v28 =	vadd.f32 v36, v28;
	v36 =	vld [tilespmem:$0x2F70]  }
0x102: {  	v4 =	vadd.f32 v17, v4;
	v17 =	vld [tilespmem:$0x2F50]  }
0x103: {  	v1 =	vadd.f32 v10, v1;
	v10 =	vld [tilespmem:$0x1FD30]  }
0x104: {  	v2 =	vadd.f32 v59, v2;
	v4 =	vadd.f32 v19, v4;
	v19 =	vld [tilespmem:$0x3050]  }
0x105: {  	v1 =	vadd.f32 v12, v1;
	v12 =	vld [tilespmem:$0x1FD40]  }
0x106: {  	v2 =	vadd.f32 v8, v2;
	v8 =	vld [tilespmem:$0x35D0]  }
0x107: {  	v4 =	vadd.f32 v22, v4;
	v22 =	vld [tilespmem:$0x3250]  }
0x108: {  	v1 =	vadd.f32 v14, v1;
	v14 =	vld [tilespmem:$0x3450]  }
0x109: {  	v3 =	vadd.f32 v10, v3;
	v10 =	vld [tilespmem:$0x3650]  }
0x10a: {  	v1 =	vadd.f32 v16, v1;
	v4 =	vadd.f32 v25, v4;
	v25 =	vld [tilespmem:$0x2FD0]  }
0x10b: {  	v16 =	vld [tilespmem:$0x3350]  }
0x10c: {  	v28 =	vadd.f32 v33, v28;
	v1 =	vadd.f32 v18, v1;
	v18 =	vld [tilespmem:$0x3550]  }
0x10d: {  	v4 =	vadd.f32 v39, v4;
	v39 =	vld [tilespmem:$0x1FD70]  }
0x10e: {  	v27 =	vadd.f32 v27, v28;
	v1 =	vadd.f32 v20, v1;
	v20 =	vld [tilespmem:$0x3150]  }
0x10f: {  	v4 =	vadd.f32 v42, v4;
	v42 =	vld [tilespmem:$0x1FDC0]  }
0x110: {  	v21 =	vadd.f32 v21, v27;
	v1 =	vadd.f32 v23, v1;
	v23 =	vld [tilespmem:$0x30D0]  }
0x111: {  	v4 =	vadd.f32 v47, v4;
	v47 =	vld [tilespmem:$0x1FE00]  }
0x112: {  	v21 =	vadd.f32 v26, v21;
	v5 =	vadd.f32 v39, v3;
	v3 =	vld [tilespmem:$0x1FD80]  }
0x113: {  	v39 =	vld [tilespmem:$0x1FF40];
	v1 =	vadd.f32 v37, v1  }
0x114: {  	v17 =	vadd.f32 v17, v21;
	v37 =	vld [tilespmem:$0x1FD50]  }
0x115: {  	v4 =	vadd.f32 v52, v4;
	v52 =	vld [tilespmem:$0x1FE40];
	v1 =	vadd.f32 v40, v1  }
0x116: {  	v17 =	vadd.f32 v25, v17;
	v7 =	vadd.f32 v41, v5;
	v5 =	vld [tilespmem:$0x37D0]  }
0x117: {  	v4 =	vadd.f32 v58, v4;
	v58 =	vld [tilespmem:$0x1FE70];
	v1 =	vadd.f32 v43, v1  }
0x118: {  	v17 =	vadd.f32 v19, v17;
	v40 =	vld [tilespmem:$0x1FDA0]  }
0x119: {  	v4 =	vadd.f32 v63, v4;
	v43 =	vld [tilespmem:$0x1FDD0];
	v1 =	vadd.f32 v48, v1  }
0x11a: {  	v17 =	vadd.f32 v23, v17;
	v63 =	vld [tilespmem:$0x2A60]  }
0x11b: {  	v4 =	vadd.f32 v12, v4;
	v48 =	vld [tilespmem:$0x1FE10];
	v1 =	vadd.f32 v55, v1  }
0x11c: {  	v17 =	vadd.f32 v20, v17;
	v59 =	vadd.f32 $0.0e+00, v58;
	v58 =	vld [tilespmem:$0x2AF0]  }
0x11d: {  	v4 =	vadd.f32 v3, v4;
	v3 =	vld [tilespmem:$0x1FD90];
	v1 =	vadd.f32 v60, v1  }
0x11e: {  	v17 =	vadd.f32 v24, v17;
	v24 =	vld [tilespmem:$0x35F0]  }
0x11f: {  	v55 =	vld [tilespmem:$0x1FE50];
	v1 =	vadd.f32 v9, v1  }
0x120: {  	v2 =	vadd.f32 v37, v2;
	v4 =	vadd.f32 v42, v4;
	v60 =	vld [tilespmem:$0x29F0]  }
0x121: {  	v42 =	vld [tilespmem:$0x2D70];
	v1 =	vadd.f32 v38, v1  }
0x122: {  	v37 =	vadd.f32 v47, v4;
	v47 =	vld [tilespmem:$0x2970];
	v2 =	vadd.f32 v3, v2  }
0x123: {  	v3 =	vld [tilespmem:$0x3750];
	v1 =	vadd.f32 v40, v1  }
0x124: {  	v9 =	vadd.f32 v43, v2;
	v43 =	vld [tilespmem:$0x1FE20]  }
0x125: {  	v12 =	vadd.f32 v44, v1;
	v1 =	vld [tilespmem:$0x1FDF0]  }
0x126: {  	v9 =	vadd.f32 v48, v9;
	v48 =	vld [tilespmem:$0x1FE90]  }
0x127: {  	v44 =	vld [tilespmem:$0x1FE30]  }
0x128: {  	v38 =	vadd.f32 $0.0e+00, v51;
	v51 =	vld [tilespmem:$0x2A70]  }
0x129: {  	v2 =	vld [tilespmem:$0x3850]  }
0x12a: {  	v40 =	vld [tilespmem:$0x29E0];
	v7 =	vadd.f32 v1, v7  }
0x12b: {  	v4 =	vadd.f32 v43, v12;
	v43 =	vld [tilespmem:$0x2DE0]  }
0x12c: {  	v41 =	vadd.f32 v48, v59;
	v48 =	vld [tilespmem:$0x1FEC0];
	v12 =	vadd.f32 v44, v7  }
0x12d: {  	v7 =	vadd.f32 v52, v37;
	v37 =	vadd.f32 v55, v9;
	v55 =	vld [tilespmem:$0x2AE0]  }
0x12e: {  	v52 =	vadd.f32 $0.0e+00, v47;
	v47 =	vld [tilespmem:$0x2BE0]  }
0x12f: {  	v44 =	vld [tilespmem:$0x1FF00]  }
0x130: {  	v9 =	vadd.f32 v56, v12;
	v56 =	vld [tilespmem:$0x1FEA0]  }
0x131: {  	v38 =	vadd.f32 v40, v38;
	v59 =	vadd.f32 v60, v52;
	v60 =	vld [tilespmem:$0x2B60]  }
0x132: {  	v12 =	vadd.f32 v61, v37;
	v61 =	vld [tilespmem:$0x1FEB0]  }
0x133: {  	v37 =	vadd.f32 v63, v38;
	v63 =	vld [tilespmem:$0x2B70]  }
0x134: {  	v52 =	vld [tilespmem:$0x2C60]  }
0x135: {  	v29 =	vadd.f32 v51, v59;
	v51 =	vld [tilespmem:$0x2BF0]  }
0x136: {  	v59 =	vld [tilespmem:$0x1FEE0]  }
0x137: {  	v37 =	vadd.f32 v55, v37;
	v55 =	vld [tilespmem:$0x1FED0]  }
0x138: {  	v29 =	vadd.f32 v58, v29;
	v58 =	vld [tilespmem:$0x2CE0]  }
0x139: {  	v41 =	vadd.f32 v56, v41;
	v56 =	vld [tilespmem:$0x2C70]  }
0x13a: {  	v30 =	vadd.f32 v60, v37;
	v60 =	vld [tilespmem:$0x2CF0]  }
0x13b: {  	v29 =	vadd.f32 v63, v29;
	v63 =	vld [tilespmem:$0x1FEF0]  }
0x13c: {  	v41 =	vadd.f32 v61, v41;
	v61 =	vld [tilespmem:$0x2D60]  }
0x13d: {  	v30 =	vadd.f32 v47, v30;
	v47 =	vld [tilespmem:$0x2DF0]  }
0x13e: {  	v29 =	vadd.f32 v51, v29;
	v51 =	vld [tilespmem:$0x1FF10]  }
0x13f: {  	v41 =	vadd.f32 v48, v41;
	v48 =	vld [tilespmem:$0x2E60]  }
0x140: {  	v30 =	vadd.f32 v52, v30;
	v52 =	vld [tilespmem:$0x2E70]  }
0x141: {  	v29 =	vadd.f32 v56, v29;
	v56 =	vld [tilespmem:$0x2EE0];
	v40 =	vadd.f32 v55, v41  }
0x142: {  	v30 =	vadd.f32 v58, v30;
	v58 =	vld [tilespmem:$0x1FF20]  }
0x143: {  	v38 =	vadd.f32 v59, v40;
	v59 =	vld [tilespmem:$0x2EF0]  }
0x144: {  	v29 =	vadd.f32 v60, v29;
	v30 =	vadd.f32 v61, v30;
	v61 =	vld [tilespmem:$0x2F60]  }
0x145: {  	v40 =	vld [tilespmem:$0x2FF0];
	v38 =	vadd.f32 v63, v38  }
0x146: {  	v55 =	vadd.f32 v42, v29;
	v42 =	vld [tilespmem:$0x3060]  }
0x147: {  	v63 =	vld [tilespmem:$0x1FF30];
	v37 =	vadd.f32 v44, v38  }
0x148: {  	v30 =	vadd.f32 v43, v30;
	v43 =	vld [tilespmem:$0x1FF50]  }
0x149: {  	v60 =	vadd.f32 v47, v55;
	v47 =	vld [tilespmem:$0x30E0];
	v33 =	vadd.f32 v51, v37  }
0x14a: {  	v55 =	vld [tilespmem:$0x3160]  }
0x14b: {  	v38 =	vld [tilespmem:$0x2FE0];
	v31 =	vadd.f32 v58, v33  }
0x14c: {  	v44 =	vld [tilespmem:$0x3070]  }
0x14d: {  	v30 =	vadd.f32 v48, v30;
	v48 =	vld [tilespmem:$0x1FF60];
	v31 =	vadd.f32 v63, v31  }
0x14e: {  	v37 =	vadd.f32 v52, v60;
	v51 =	vld [tilespmem:$0x30F0]  }
0x14f: {  	v29 =	vadd.f32 v56, v30;
	v56 =	vld [tilespmem:$0x1FF70];
	v31 =	vadd.f32 v39, v31  }
0x150: {  	v60 =	vld [tilespmem:$0x1FF80];
	v41 =	vadd.f32 v59, v37  }
0x151: {  	v28 =	vadd.f32 v61, v29;
	v58 =	vld [tilespmem:$0x3170];
	v31 =	vadd.f32 v43, v31  }
0x152: {  	v59 =	vld [tilespmem:$0x31E0];
	v21 =	vadd.f32 v36, v41  }
0x153: {  	v61 =	vld [tilespmem:$0x31F0];
	v27 =	vadd.f32 v38, v28;
	v31 =	vadd.f32 v48, v31  }
0x154: {  	v33 =	vld [tilespmem:$0x3270];
	v52 =	vadd.f32 v40, v21  }
0x155: {  	v37 =	vld [tilespmem:$0x3360];
	v26 =	vadd.f32 v42, v27;
	v30 =	vadd.f32 v56, v31  }
0x156: {  	v63 =	vld [tilespmem:$0x3260];
	v19 =	vadd.f32 v44, v52  }
0x157: {  	v36 =	vld [tilespmem:$0x32F0];
	v25 =	vadd.f32 v47, v26;
	v29 =	vadd.f32 v60, v30  }
0x158: {  	v38 =	vld [tilespmem:$0x1FFB0];
	v19 =	vadd.f32 v51, v19  }
0x159: {  	v41 =	vld [tilespmem:$0x33E0];
	v21 =	vadd.f32 v55, v25;
	v28 =	vadd.f32 v32, v29  }
0x15a: {  	v42 =	vld [tilespmem:$0x1FFC0];
	v19 =	vadd.f32 v58, v19  }
0x15b: {  	v39 =	vld [tilespmem:$0x3370];
	v21 =	vadd.f32 v59, v21;
	v27 =	vadd.f32 v35, v28  }
0x15c: {  	v17 =	vadd.f32 v22, v17;
	v48 =	vld [tilespmem:$0x1FFD0];
	v19 =	vadd.f32 v61, v19  }
0x15d: {  	v43 =	vld [tilespmem:$0x33F0];
	v20 =	vadd.f32 v63, v21;
	v26 =	vadd.f32 v38, v27  }
0x15e: {  	v11 =	vadd.f32 v11, v17;
	v56 =	vld [tilespmem:$0x1FFE0];
	v40 =	vadd.f32 v33, v19  }
0x15f: {  	v47 =	vld [tilespmem:$0x3460];
	v20 =	vadd.f32 v34, v20;
	v25 =	vadd.f32 v42, v26  }
0x160: {  	v11 =	vadd.f32 v16, v11;
	v60 =	vld [tilespmem:$0x1FFF0];
	v44 =	vadd.f32 v36, v40  }
0x161: {  	v51 =	vld [tilespmem:$0x3470];
	v20 =	vadd.f32 v37, v20;
	v23 =	vadd.f32 v48, v25  }
0x162: {  	v11 =	vadd.f32 v13, v11;
	v55 =	vld [tilespmem:$0x34E0];
	v52 =	vadd.f32 v39, v44  }
0x163: {  	v58 =	vld [tilespmem:$0x34F0];
	v19 =	vadd.f32 v41, v20;
	v21 =	vadd.f32 v56, v23  }
0x164: {  	v11 =	vadd.f32 v14, v11;
	v59 =	vld [tilespmem:$0x3560];
	v13 =	vadd.f32 v43, v52  }
0x165: {  	v61 =	vld [tilespmem:$0x3570];
	v17 =	vadd.f32 v47, v19;
	v21 =	vadd.f32 v60, v21  }
0x166: {  	v11 =	vadd.f32 v15, v11;
	v63 =	vld [tilespmem:$0x35E0];
	v13 =	vadd.f32 v51, v13  }
0x167: {  	v1 =	vld [tilespmem:$0x38D0];
	v16 =	vadd.f32 v55, v17;
	v21 =	vadd.f32 v62, v21  }
0x168: {  	v11 =	vadd.f32 v18, v11;
	v25 =	vld [tilespmem:$0x3660];
	v13 =	vadd.f32 v58, v13  }
0x169: {  	v27 =	vld [tilespmem:$0x3670];
	v14 =	vadd.f32 v59, v16;
	v26 =	vadd.f32 v57, v21  }
0x16a: {  	v8 =	vadd.f32 v8, v11;
	v29 =	vld [tilespmem:$0x36E0];
	v28 =	vadd.f32 v61, v13  }
0x16b: {  	v31 =	vld [tilespmem:$0x36F0];
	v14 =	vadd.f32 v63, v14;
	v30 =	vadd.f32 v54, v26  }
0x16c: {  	v8 =	vadd.f32 v10, v8;
	v33 =	vld [tilespmem:$0x3760];
	v32 =	vadd.f32 v24, v28  }
0x16d: {  	v35 =	vld [tilespmem:$0x3770];
	v14 =	vadd.f32 v25, v14;
	v34 =	vadd.f32 v53, v30  }
0x16e: {  	v6 =	vadd.f32 v6, v8;
	v37 =	vld [tilespmem:$0x37E0];
	v36 =	vadd.f32 v27, v32  }
0x16f: {  	v39 =	vld [tilespmem:$0x37F0];
	v13 =	vadd.f32 v29, v14;
	v38 =	vadd.f32 v50, v34  }
0x170: {  	(erf) = vrcp.f32 v4;
	v3 =	vadd.f32 v3, v6;
	v41 =	vld [tilespmem:$0x3860];
	v40 =	vadd.f32 v31, v36  }
0x171: {  	v43 =	vld [tilespmem:$0x3870];
	v11 =	vadd.f32 v33, v13;
	v42 =	vadd.f32 v49, v38  }
0x172: {  	(erf) = vrcp.f32 v7;
	v3 =	vadd.f32 v5, v3;
	v47 =	vld [tilespmem:$0x38E0];
	v44 =	vadd.f32 v35, v40  }
0x173: {  	(erf) = vrcp.f32 v9;
	v48 =	vld [tilespmem:$0x38F0];
	v10 =	vadd.f32 v37, v11;
	v15 =	vadd.f32 v46, v42  }
0x174: {  	v2 =	vadd.f32 v2, v3;
	v3 =	vadd.f32 v39, v44  }
0x175: {  	(erf) = vrcp.f32 v12;
	v8 =	vadd.f32 v41, v10;
	v5 =	vadd.f32 v45, v15  }
0x176: {  	[tilespmem:$0x3980] =	vst @!p0 v4;
	v1 =	vadd.f32 v1, v2;
	v2 =	vadd.f32 v43, v3  }
0x177: {  	[tilespmem:$0x3990] =	vst @!p0 v7;
	v3 =	vadd.f32 v47, v8;
	(erf) = vrcp.f32 v5  }
0x178: {  	[tilespmem:$0x39A0] =	vst @!p0 v9;
	v2 =	vadd.f32 v48, v2;
	(erf) = vrcp.f32 v1  }
0x179: {  	vm0 =	vgt.f32 v4, $0.0e+00;
	[tilespmem:$0x39B0] =	vst @!p0 v12;
	v49 =	vpop (erf);
	(erf) = vrcp.f32 v3  }
0x17a: {  	[tilespmem:$0x39D0] =	vst @!p0 v1;
	v6 =	vnsel vm0, $0x0, v49;
	(erf) = vrcp.f32 v2  }
0x17b: {  	vm9 =	vgt.f32 v7, $0.0e+00;
	v50 =	vpop (erf);
	[tilespmem:$0x3900] =	vst v6  }
0x17c: {  	vm10 =	vgt.f32 v9, $0.0e+00;
	v51 =	vpop (erf);
	v52 =	vnsel vm9, $0x0, v50;
	[tilespmem:$0x39E0] =	vst @!p0 v3  }
0x17d: {  	[tilespmem:$0x3910] =	vst v52;
	v54 =	vnsel vm10, $0x0, v51  }
0x17e: {  	vm11 =	vgt.f32 v12, $0.0e+00;
	v53 =	vpop (erf);
	[tilespmem:$0x3920] =	vst v54  }
0x17f: {  	v56 =	vnsel vm11, $0x0, v53;
	[tilespmem:$0x39F0] =	vst @!p0 v2  }
0x180: {  	[tilespmem:$0x3930] =	vst v56;
	vm12 =	vgt.f32 v5, $0.0e+00;
	v55 =	vpop (erf)  }
0x181: {  	vm13 =	vgt.f32 v1, $0.0e+00;
	[tilespmem:$0x39C0] =	vst @!p0 v5;
	v57 =	vpop (erf);
	v58 =	vnsel vm12, $0x0, v55  }
0x182: {  	vm14 =	vgt.f32 v3, $0.0e+00;
	v59 =	vpop (erf);
	[tilespmem:$0x3940] =	vst v58;
	v60 =	vnsel vm13, $0x0, v57  }
0x183: {  	vm15 =	vgt.f32 v2, $0.0e+00;
	[tilespmem:$0x3950] =	vst v60;
	v61 =	vnsel vm14, $0x0, v59;
	v62 =	vpop (erf)  }
0x184: {  	[tilespmem:$0x3960] =	vst v61;
	v63 =	vnsel vm15, $0x0, v62  }
0x185: {  	s0 =	simm.s32 @!p0 $0x0;
	s2 =	simm.s32 @!p0 $0x3980;
	s4 =	rddreg [dreg:$0x2];
	[tilespmem:$0x3970] =	vst v63  }
0x186: {  	[hbm4b:s4+s0] =	stream.linear.scatter @!p0 [tilespmem:s2], [sflag:$0x5], $0x80, $0x38;
	[tilespmem:$0x8A00] =	vst v63  }
0x187: {  	s0 =	simm.s32 @!p0 $0x5  }
0x188: {  	_ =	swait.ge @!p0 [sflag:s0], $0x80  }
0x189: {  	[sflag:s0] =	ssyncset.done @!p0 $0x0  }
0x18a: {  	s4 =	simm.s32 $0x200;
	[sflag:s0] =	ssyncadd.s32 @!p0 $0xFFFFFF80;
	s0 =	simm.s32 $0x0  }
.LBB2_2:
0x18b: {  	p1 =	sne.s32 s4, $0x4E00;
	[tilespmem:s0+$0x3A70] =	vst v0  }
0x18c: {  	[tilespmem:s0+$0x3A00] =	vst v0  }
0x18d: {  	[tilespmem:s0+$0x3A10] =	vst v0  }
.Ltmp2:
0x18e: {  	[tilespmem:s0+$0x3A20] =	vst v0;
	(pc) =	sbr.rel @p1 .LBB2_2-.Ltmp2, $4  }
0x18f: {  	[tilespmem:s0+$0x3A30] =	vst v0  }
0x190: {  	[tilespmem:s0+$0x3A40] =	vst v0  }
0x191: {  	[tilespmem:s0+$0x3A50] =	vst v0  }
0x192: {  	[tilespmem:s0+$0x3A60] =	vst v0;
	s0 =	sshra.s32 s4, $0x2;
	s4 =	sadd.s32 $0x200, s4  }
0x193: {  	[tilespmem:s0+$0x3A70] =	vst v0  }
0x194: {  	[tilespmem:s0+$0x3A00] =	vst v0  }
0x195: {  	[tilespmem:s0+$0x3A10] =	vst v0  }
0x196: {  	[tilespmem:s0+$0x3A20] =	vst v0  }
0x197: {  	[tilespmem:s0+$0x3A30] =	vst v0  }
0x198: {  	[tilespmem:s0+$0x3A40] =	vst v0  }
0x199: {  	[tilespmem:s0+$0x3A50] =	vst v0  }
0x19a: {  	[tilespmem:s0+$0x3A60] =	vst v0;
	s0 =	simm.s32 $0x0;
	s4 =	simm.s32 $0x200  }
.LBB2_4:
0x19b: {  	p1 =	sne.s32 s4, $0x4E00;
	[tilespmem:s0+$0x4E70] =	vst v0  }
0x19c: {  	[tilespmem:s0+$0x4E00] =	vst v0  }
0x19d: {  	[tilespmem:s0+$0x4E10] =	vst v0  }
.Ltmp3:
0x19e: {  	[tilespmem:s0+$0x4E20] =	vst v0;
	(pc) =	sbr.rel @p1 .LBB2_4-.Ltmp3, $4  }
0x19f: {  	[tilespmem:s0+$0x4E30] =	vst v0  }
0x1a0: {  	[tilespmem:s0+$0x4E40] =	vst v0  }
0x1a1: {  	[tilespmem:s0+$0x4E50] =	vst v0  }
0x1a2: {  	[tilespmem:s0+$0x4E60] =	vst v0;
	s0 =	sshra.s32 s4, $0x2;
	s4 =	sadd.s32 $0x200, s4  }
0x1a3: {  	[tilespmem:s0+$0x4E70] =	vst v0  }
0x1a4: {  	[tilespmem:s0+$0x4E00] =	vst v0  }
0x1a5: {  	[tilespmem:s0+$0x4E10] =	vst v0  }
0x1a6: {  	[tilespmem:s0+$0x4E20] =	vst v0  }
0x1a7: {  	[tilespmem:s0+$0x4E30] =	vst v0  }
0x1a8: {  	[tilespmem:s0+$0x4E40] =	vst v0  }
0x1a9: {  	[tilespmem:s0+$0x4E50] =	vst v0;
	s4 =	simm.s32 $0x0  }
0x1aa: {  	[tilespmem:s0+$0x4E60] =	vst v0;
	s0 =	simm.s32 $0x2;
	s2 =	sadd.s32 $0x0, s10;
	s25 =	simm.s32 $0x80  }
.LBB2_6:
0x1ab: {  	[tilespmem:s4], [sflag:$0x3] =	stream.linear.gather [hbm4b:s2+s5], $0x10, $0x38;
	[tilespmem:$0x8A00] =	vst v63  }
0x1ac: {  	s2 =	smov.u32 s0;
	s4 =	smov.u32 s25;
	p1 =	sne.s32 s0, $0x4E  }
.Ltmp4:
0x1ad: {  	s0 =	sadd.s32 $0x2, s0;
	(pc) =	sbr.rel @p1 .LBB2_6-.Ltmp4, $2  }
0x1ae: {  	_ =	sdelay $0x2  }
0x1af: {  	s25 =	sadd.s32 $0x80, s25;
	s2 =	sadd.s32 s2, s10  }
.Ltmp5:
0x1b0: {  	(pc) =	sbr.rel .LBB2_8-.Ltmp5, $4  }
0x1b1: {  	_ = 	snop  }
0x1b2: {  	[tilespmem:s4], [sflag:$0x3] =	stream.linear.gather [hbm4b:s2+s5], $0x10, $0x38;
	[tilespmem:$0x8A00] =	vst v63  }
0x1b3: {  	s25 =	simm.s32 $0x0  }
0x1b4: {  	[tilespmem:s15], [sflag:$0x3] =	stream.linear.gather [hbm4b:s11+s25], $0x28, $0x38;
	[tilespmem:$0x8A00] =	vst v63  }
.LBB2_32:
0x1b5: {  	s25 =	sadd.s32 $0x1, s25  }
0x1b6: {  	p1 =	sne.s32 s25, $0x28  }
.Ltmp6:
0x1b7: {  	_ = 	snop;
	(pc) =	sbr.rel @!p1 .LBB2_33-.Ltmp6, $1  }
0x1b8: {  	_ =	sdelay $0x3  }
.LBB2_8:
0x1b9: {  	s28 =	sshll.u32 s25, $0x1  }
0x1ba: {  	p1 =	slt.u32 s28, s9  }
.Ltmp7:
0x1bb: {  	_ = 	snop;
	(pc) =	sbr.rel @!p1 .LBB2_20-.Ltmp7, $2  }
0x1bc: {  	_ =	sdelay $0x2  }
0x1bd: {  	s26 =	sor.u32 $0x1, s28  }
0x1be: {  	s26 =	sor.u32 $0x1, s28  }
0x1bf: {  	p1 =	sge.u32 s26, s9  }
.Ltmp8:
0x1c0: {  	_ = 	snop;
	(pc) =	sbr.rel @p1 .LBB2_13-.Ltmp8, $1  }
0x1c1: {  	_ =	sdelay $0x3  }
0x1c2: {  	s0 =	sshll.u32 s26, $0x5  }
0x1c3: {  	s0 =	sor.u32 s7, s0  }
0x1c4: {  	s2 =	smul.u32 $0x50, s0;
	_ =	sdelay $0x1  }
0x1c5: {  	s29 =	simm.s32 $0x1400;
	s4 =	sadd.s32 s6, s2  }
0x1c6: {  	s30 =	simm.s32 $0x2;
	s31 =	simm.s32 $0x1480;
	s2 =	sadd.s32 $0x0, s4  }
.LBB2_11:
0x1c7: {  	[tilespmem:s29], [sflag:$0x4] =	stream.linear.gather [hbm4b:s2+s5], $0x10, $0x38;
	[tilespmem:$0x8A00] =	vst v63  }
0x1c8: {  	s2 =	smov.u32 s30;
	s29 =	smov.u32 s31;
	p1 =	sne.s32 s30, $0x4E  }
.Ltmp9:
0x1c9: {  	s30 =	sadd.s32 $0x2, s30;
	(pc) =	sbr.rel @p1 .LBB2_11-.Ltmp9, $2  }
0x1ca: {  	_ =	sdelay $0x2  }
0x1cb: {  	s31 =	sadd.s32 $0x80, s31;
	s2 =	sadd.s32 s2, s4  }
0x1cc: {  	s0 =	smul.u32 $0x5, s0  }
0x1cd: {  	[tilespmem:s29], [sflag:$0x4] =	stream.linear.gather [hbm4b:s2+s5], $0x10, $0x38;
	[tilespmem:$0x8A00] =	vst v63  }
0x1ce: {  	s0 =	sadd.s32 s1, s0  }
0x1cf: {  	[tilespmem:s16], [sflag:$0x4] =	stream.linear.gather [hbm4b:s0+s5], $0x28, $0x38;
	[tilespmem:$0x8A00] =	vst v63  }
.LBB2_13:
0x1d0: {  	p1 =	seq.s32 s25, $0x0  }
.Ltmp10:
0x1d1: {  	_ = 	snop;
	(pc) =	sbr.rel @p1 .LBB2_17-.Ltmp10, $1  }
0x1d2: {  	_ =	sdelay $0x3  }
0x1d3: {  	_ =	swait.ge [sflag:s20], $0x1400  }
0x1d4: {  	[sflag:s20] =	ssyncset.done $0x0  }
0x1d5: {  	s0 =	simm.s32 $0x6280;
	[sflag:s20] =	ssyncadd.s32 $0xFFFFEC00  }
0x1d6: {  	v2 =	vld [tilespmem:s0+$0x0];
	_ =	sdelay $0x1  }
0x1d7: {  	v5 =	vld [tilespmem:s0+$0xFFFFFF80];
	_ =	sdelay $0x2  }
0x1d8: {  	s2 =	simm.s32 $0x6380;
	s31 =	simm.s32 $0x80;
	v3 =	vand.u32 $0xFFFFFFF8, v2  }
0x1d9: {  	v1 =	vld [tilespmem:s2+$0x0];
	vm0 =	vne.s32 v2, $0x80;
	v2 =	vand.u32 $0x7, v2;
	v3 =	vadd.s32 s31, v3  }
0x1da: {  	s4 =	simm.s32 $0x0;
	v6 =	vand.u32 $0xFFFFFFF8, v5;
	v4 =	vor.u32 v2, v3;
	v3 =	vld [tilespmem:s2+$0xFFFFFF80]  }
0x1db: {  	v7 =	vand.u32 $0x7, v5;
	vm1 =	vne.s32 v5, $0x80;
	v2 =	vadd.s32 s4, v6  }
0x1dc: {  	v2 =	vor.u32 v7, v2  }
0x1dd: {  	s30 =	simm.s32 $0x180  }
0x1de: {  	s29 =	simm.s32 $0x6480;
	s0 =	simm.s32 $0x4;
	v5 =	vand.u32 $0xFFFFFFF8, v1;
	s4 =	simm.s32 $0x100  }
.LBB2_15:
0x1df: {  	p1 =	slt.u32 s0, $0x26;
	v6 =	vand.u32 $0x7, v1;
	v5 =	vadd.s32 s30, v5;
	[tilespmem:v4+s19+$0x0] =	vst.idx.msk vm0, v0;
	vm0 =	vne.s32 v1, $0x80;
	v1 =	vld [tilespmem:s29+$0x0];
	v7 =	vmovc v3;
	s2 =	smov.u32 s0;
	s0 =	sadd.s32 $0x2, s0  }
.Ltmp11:
0x1e0: {  	v3 =	vld [tilespmem:s29+$0xFFFFFF80];
	v8 =	vand.u32 $0xFFFFFFF8, v7;
	v9 =	vand.u32 $0x7, v7;
	v4 =	vor.u32 v6, v5;
	(pc) =	sbr.rel @p1 .LBB2_15-.Ltmp11, $4  }
0x1e1: {  	v5 =	vadd.s32 s4, v8;
	[tilespmem:v2+s19+$0x0] =	vst.idx.msk vm1, v0;
	vm1 =	vne.s32 v7, $0x80  }
0x1e2: {  	v2 =	vor.u32 v9, v5  }
0x1e3: {  	s4 =	sshll.u32 s2, $0x7  }
0x1e4: {  	s29 =	sadd.s32 $0x100, s29;
	s30 =	sadd.s32 $0x80, s4;
	v5 =	vand.u32 $0xFFFFFFF8, v1  }
0x1e5: {  	vm2 =	vne.s32 v1, $0x80;
	v1 =	vand.u32 $0x7, v1  }
0x1e6: {  	v5 =	vadd.s32 s30, v5;
	v6 =	vand.u32 $0xFFFFFFF8, v3;
	v7 =	vand.u32 $0x7, v3  }
0x1e7: {  	vm3 =	vne.s32 v3, $0x80;
	v1 =	vor.u32 v1, v5;
	v3 =	vadd.s32 s4, v6  }
0x1e8: {  	v3 =	vor.u32 v7, v3;
	_ =	sdelay $0x1  }
0x1e9: {  	[tilespmem:v4+s19+$0x0] =	vst.idx.msk vm0, v0  }
0x1ea: {  	[tilespmem:v2+s19+$0x0] =	vst.idx.msk vm1, v0  }
0x1eb: {  	[tilespmem:v1+s19+$0x0] =	vst.idx.msk vm2, v0  }
0x1ec: {  	[tilespmem:v3+s19+$0x0] =	vst.idx.msk vm3, v0  }
.LBB2_17:
0x1ed: {  	_ =	swait.ge [sflag:s17], $0x280  }
0x1ee: {  	[sflag:s17] =	ssyncset.done $0x0  }
0x1ef: {  	[sflag:s17] =	ssyncadd.s32 $0xFFFFFD80  }
0x1f0: {  	_ =	swait.ge [sflag:s17], $0x28  }
0x1f1: {  	[sflag:s17] =	ssyncset.done $0x0  }
0x1f2: {  	s0 =	simm.s32 $0x80;
	[sflag:s17] =	ssyncadd.s32 $0xFFFFFFD8  }
0x1f3: {  	v2 =	vld [tilespmem:s0+$0x0];
	_ =	sdelay $0x3  }
0x1f4: {  	s2 =	simm.s32 $0x1;
	v1 =	vld [tilespmem:s0+$0xFFFFFF80]  }
0x1f5: {  	v5 =	vmov s2;
	vm0 =	vne.s32 v2, $0x80  }
0x1f6: {  	v4 =	vnsel vm0, $0x0, v2;
	_ =	sdelay $0x1  }
0x1f7: {  	s4 =	simm.s32 $0x0;
	s0 =	simm.s32 $0x180  }
0x1f8: {  	v6 =	vmov s4;
	v3 =	vld [tilespmem:s0+$0x0];
	vm1 =	vne.s32 v1, $0x80  }
0x1f9: {  	v7 =	vshll.u32 v6, $0x7;
	v10 =	vld.idx.msk [tilespmem:v5+s15+$0x0], $0xffff;
	v11 =	vnsel vm1, $0x0, v1  }
0x1fa: {  	v5 =	vshll.u32 v5, $0x7;
	v8 =	vand.u32 $0xFFFFFFF8, v1;
	v9 =	vand.u32 $0x7, v1;
	v12 =	vld.idx.msk [tilespmem:v4+s18+$0x0], $0xffff  }
0x1fb: {  	s4 =	simm.s32 $0x3;
	v13 =	vand.u32 $0xFFFFFFF8, v2;
	v14 =	vand.u32 $0x7, v2;
	vm0 =	vmmov vm0;
	v4 =	vld [tilespmem:s0+$0xFFFFFF80]  }
0x1fc: {  	v5 =	vadd.s32 v5, v13;
	v7 =	vadd.s32 v7, v8;
	v8 =	vmov s4  }
0x1fd: {  	s2 =	simm.s32 $0x2;
	vm3 =	vne.s32 v3, $0x80;
	v15 =	vor.u32 v14, v5;
	v5 =	vor.u32 v9, v7;
	v7 =	vld.idx.msk [tilespmem:v6+s15+$0x0], $0xffff  }
0x1fe: {  	v9 =	vmov s2;
	v14 =	vnsel vm3, $0x0, v3;
	v11 =	vld.idx.msk [tilespmem:v11+s18+$0x0], $0xffff  }
0x1ff: {  	vm1 =	vmmov vm1;
	v13 =	vshll.u32 v9, $0x7  }
0x200: {  	s31 =	simm.s32 $0x280;
	v16 =	vand.u32 $0xFFFFFFF8, v4;
	v17 =	vmul.f32 v12, v10;
	vm2 =	vne.s32 v4, $0x80  }
0x201: {  	s30 =	simm.s32 $0x6280;
	s4 =	sshll.u32 s25, $0x6;
	v6 =	vld [tilespmem:s31+$0x0];
	v10 =	vand.u32 $0x7, v4;
	v12 =	vadd.s32 v13, v16;
	v13 =	vnsel vm2, $0x0, v4  }
0x202: {  	s29 =	sor.u32 s7, s4;
	s4 =	simm.s32 $0x6;
	s0 =	simm.s32 $0x4;
	v10 =	vor.u32 v10, v12;
	v12 =	vld.idx.msk [tilespmem:v8+s15+$0x0], $0xffff;
	[tilespmem:v15+s19+$0x0] =	vst.idx.msk vm0, v17;
	vm0 =	vmmov vm3  }
.LBB2_18:
0x203: {  	p1 =	slt.u32 s4, $0x26;
	v15 =	vld.idx.msk [tilespmem:v14+s18+$0x0], $0xffff;
	v11 =	vmul.f32 v11, v7;
	[tilespmem:s30+$0x0] =	vst v2;
	v2 =	vmov v3  }
0x204: {  	v8 =	vshll.u32 v8, $0x7;
	v16 =	vld [tilespmem:s31+$0xFFFFFF80];
	v18 =	vand.u32 $0xFFFFFFF8, v2  }
0x205: {  	s2 =	sadd.s32 $0x1, s0;
	v7 =	vld.idx.msk [tilespmem:v9+s15+$0x0], $0xffff;
	v9 =	vand.u32 $0x7, v2;
	v14 =	vadd.s32 v8, v18;
	[tilespmem:v5+s19+$0x0] =	vst.idx.msk vm1, v11;
	v5 =	vmov v10  }
0x206: {  	v8 =	vmov s2;
	vm3 =	vne.s32 v6, $0x80;
	v11 =	vld.idx.msk [tilespmem:v13+s18+$0x0], $0xffff;
	v17 =	vor.u32 v9, v14;
	[tilespmem:s30+$0xFFFFFF80] =	vst v1;
	v1 =	vmovc v4;
	v3 =	vmovc v6  }
.Ltmp12:
0x207: {  	vm1 =	vmmov vm2;
	v9 =	vmov s0;
	s0 =	smov.u32 s4;
	v14 =	vnsel vm3, $0x0, v3;
	(pc) =	sbr.rel @p1 .LBB2_18-.Ltmp12, $4  }
0x208: {  	v10 =	vshll.u32 v9, $0x7  }
0x209: {  	s31 =	sadd.s32 $0x100, s31;
	v15 =	vmul.f32 v15, v12;
	vm2 =	vne.s32 v16, $0x80;
	v18 =	vand.u32 $0xFFFFFFF8, v16;
	v4 =	vmovc v16  }
0x20a: {  	v6 =	vld [tilespmem:s31+$0x0];
	v13 =	vnsel vm2, $0x0, v4;
	v12 =	vand.u32 $0x7, v4;
	v10 =	vadd.s32 v10, v18  }
0x20b: {  	s4 =	sadd.s32 $0x2, s4;
	s30 =	sadd.s32 $0x100, s30;
	v10 =	vor.u32 v12, v10;
	v12 =	vld.idx.msk [tilespmem:v8+s15+$0x0], $0xffff;
	[tilespmem:v17+s19+$0x0] =	vst.idx.msk vm0, v15;
	vm0 =	vmmov vm3  }
0x20c: {  	v15 =	vld [tilespmem:s31+$0xFFFFFF80];
	_ =	sdelay $0x1  }
0x20d: {  	s2 =	sadd.s32 $0x1, s0  }
0x20e: {  	v16 =	vmov s2;
	vm3 =	vne.s32 v6, $0x80  }
0x20f: {  	v14 =	vld.idx.msk [tilespmem:v14+s18+$0x0], $0xffff;
	v17 =	vand.u32 $0xFFFFFFF8, v3;
	v18 =	vnsel vm3, $0x0, v6  }
0x210: {  	v8 =	vshll.u32 v8, $0x7;
	v19 =	vmov s0;
	v9 =	vld.idx.msk [tilespmem:v9+s15+$0x0], $0xffff;
	vm4 =	vne.s32 v15, $0x80  }
0x211: {  	v20 =	vand.u32 $0x7, v3;
	v53 =	vld.idx.msk [tilespmem:v13+s18+$0x0], $0xffff;
	v8 =	vadd.s32 v8, v17;
	v52 =	vnsel vm4, $0x0, v15  }
0x212: {  	v7 =	vmul.f32 v11, v7;
	vm2 =	vmmov vm2;
	v8 =	vor.u32 v20, v8  }
0x213: {  	v21 =	vld.idx.msk [tilespmem:v16+s15+$0x0], $0xffff  }
0x214: {  	v54 =	vshll.u32 v19, $0x7;
	[tilespmem:v5+s19+$0x0] =	vst.idx.msk vm1, v7;
	v59 =	vshll.u32 v16, $0x7;
	v58 =	vand.u32 $0xFFFFFFF8, v6;
	v57 =	vld.idx.msk [tilespmem:v18+s18+$0x0], $0xffff  }
0x215: {  	[tilespmem:s30+$0x0] =	vst v2;
	v60 =	vand.u32 $0x7, v6;
	v56 =	vmul.f32 v14, v12;
	v2 =	vld.idx.msk [tilespmem:v19+s15+$0x0], $0xffff;
	v12 =	vadd.s32 v59, v58  }
0x216: {  	[tilespmem:s30+$0xFFFFFF80] =	vst v1;
	v55 =	vand.u32 $0xFFFFFFF8, v15;
	v63 =	vmul.f32 v53, v9;
	v12 =	vor.u32 v60, v12;
	v61 =	vld.idx.msk [tilespmem:v52+s18+$0x0], $0xffff  }
0x217: {  	v62 =	vand.u32 $0x7, v15;
	v1 =	vadd.s32 v54, v55;
	[tilespmem:v8+s19+$0x0] =	vst.idx.msk vm0, v56  }
0x218: {  	s4 =	sadd.s32 $0x100, s30;
	v1 =	vor.u32 v62, v1;
	[tilespmem:v10+s19+$0x0] =	vst.idx.msk vm2, v63  }
0x219: {  	[tilespmem:s4+$0x0] =	vst v3;
	v3 =	vmul.f32 v57, v21  }
0x21a: {  	[tilespmem:s4+$0xFFFFFF80] =	vst v4  }
0x21b: {  	s0 =	sadd.s32 $0x100, s4;
	[tilespmem:v12+s19+$0x0] =	vst.idx.msk vm3, v3;
	v2 =	vmul.f32 v61, v2  }
0x21c: {  	s30 =	smul.u32 $0x280, s29;
	[tilespmem:s0+$0x0] =	vst v6  }
0x21d: {  	[tilespmem:v1+s19+$0x0] =	vst.idx.msk vm4, v2  }
0x21e: {  	s31 =	sadd.s32 s3, s30;
	[tilespmem:s0+$0xFFFFFF80] =	vst v15  }
0x21f: {  	vm14 =	vmmov vm3;
	vm15 =	vmmov vm4;
	[hbm4b:s31+s5] =	stream.linear.scatter [tilespmem:s19], [sflag:$0x1], $0x1400, $0x38;
	[tilespmem:$0x8A00] =	vst v63  }
.LBB2_20:
0x220: {  	p1 =	sge.u32 s26, s9  }
.Ltmp13:
0x221: {  	_ = 	snop;
	(pc) =	sbr.rel @p1 .LBB2_32-.Ltmp13, $1  }
0x222: {  	_ =	sdelay $0x3  }
0x223: {  	s0 =	sadd.s32 $0x2, s28  }
0x224: {  	p1 =	sge.u32 s0, s9  }
.Ltmp14:
0x225: {  	_ = 	snop;
	(pc) =	sbr.rel @p1 .LBB2_25-.Ltmp14, $1  }
0x226: {  	_ =	sdelay $0x3  }
0x227: {  	s0 =	sshll.u32 s0, $0x5  }
0x228: {  	s0 =	sor.u32 s7, s0  }
0x229: {  	s2 =	smul.u32 $0x50, s0;
	_ =	sdelay $0x1  }
0x22a: {  	s28 =	simm.s32 $0x0;
	s4 =	sadd.s32 s6, s2  }
0x22b: {  	s29 =	simm.s32 $0x2;
	s30 =	simm.s32 $0x80;
	s2 =	sadd.s32 $0x0, s4  }
.LBB2_23:
0x22c: {  	[tilespmem:s28], [sflag:$0x3] =	stream.linear.gather [hbm4b:s2+s5], $0x10, $0x38;
	[tilespmem:$0x8A00] =	vst v63  }
0x22d: {  	s2 =	smov.u32 s29;
	s28 =	smov.u32 s30;
	p1 =	sne.s32 s29, $0x4E  }
.Ltmp15:
0x22e: {  	s29 =	sadd.s32 $0x2, s29;
	(pc) =	sbr.rel @p1 .LBB2_23-.Ltmp15, $2  }
0x22f: {  	_ =	sdelay $0x2  }
0x230: {  	s30 =	sadd.s32 $0x80, s30;
	s2 =	sadd.s32 s2, s4  }
0x231: {  	s0 =	smul.u32 $0x5, s0  }
0x232: {  	[tilespmem:s28], [sflag:$0x3] =	stream.linear.gather [hbm4b:s2+s5], $0x10, $0x38;
	[tilespmem:$0x8A00] =	vst v63  }
0x233: {  	s0 =	sadd.s32 s1, s0  }
0x234: {  	[tilespmem:s15], [sflag:$0x3] =	stream.linear.gather [hbm4b:s0+s5], $0x28, $0x38;
	[tilespmem:$0x8A00] =	vst v63  }
.LBB2_25:
0x235: {  	p1 =	seq.s32 s25, $0x0  }
.Ltmp16:
0x236: {  	_ = 	snop;
	(pc) =	sbr.rel @p1 .LBB2_29-.Ltmp16, $1  }
0x237: {  	_ =	sdelay $0x3  }
0x238: {  	_ =	swait.ge [sflag:s23], $0x1400  }
0x239: {  	[sflag:s23] =	ssyncset.done $0x0  }
0x23a: {  	s0 =	simm.s32 $0x7680;
	[sflag:s23] =	ssyncadd.s32 $0xFFFFEC00  }
0x23b: {  	v2 =	vld [tilespmem:s0+$0x0];
	_ =	sdelay $0x1  }
0x23c: {  	v5 =	vld [tilespmem:s0+$0xFFFFFF80];
	_ =	sdelay $0x2  }
0x23d: {  	s2 =	simm.s32 $0x7780;
	s31 =	simm.s32 $0x80;
	v3 =	vand.u32 $0xFFFFFFF8, v2  }
0x23e: {  	v1 =	vld [tilespmem:s2+$0x0];
	vm0 =	vne.s32 v2, $0x80;
	v2 =	vand.u32 $0x7, v2;
	v3 =	vadd.s32 s31, v3  }
0x23f: {  	s4 =	simm.s32 $0x0;
	v6 =	vand.u32 $0xFFFFFFF8, v5;
	v4 =	vor.u32 v2, v3;
	v3 =	vld [tilespmem:s2+$0xFFFFFF80]  }
0x240: {  	v7 =	vand.u32 $0x7, v5;
	vm1 =	vne.s32 v5, $0x80;
	v2 =	vadd.s32 s4, v6  }
0x241: {  	v2 =	vor.u32 v7, v2  }
0x242: {  	s29 =	simm.s32 $0x180  }
0x243: {  	s28 =	simm.s32 $0x7880;
	s0 =	simm.s32 $0x4;
	v5 =	vand.u32 $0xFFFFFFF8, v1;
	s4 =	simm.s32 $0x100  }
.LBB2_27:
0x244: {  	p1 =	slt.u32 s0, $0x26;
	v6 =	vand.u32 $0x7, v1;
	v5 =	vadd.s32 s29, v5;
	[tilespmem:v4+s22+$0x0] =	vst.idx.msk vm0, v0;
	vm0 =	vne.s32 v1, $0x80;
	v1 =	vld [tilespmem:s28+$0x0];
	v7 =	vmovc v3;
	s2 =	smov.u32 s0;
	s0 =	sadd.s32 $0x2, s0  }
.Ltmp17:
0x245: {  	v3 =	vld [tilespmem:s28+$0xFFFFFF80];
	v8 =	vand.u32 $0xFFFFFFF8, v7;
	v9 =	vand.u32 $0x7, v7;
	v4 =	vor.u32 v6, v5;
	(pc) =	sbr.rel @p1 .LBB2_27-.Ltmp17, $4  }
0x246: {  	v5 =	vadd.s32 s4, v8;
	[tilespmem:v2+s22+$0x0] =	vst.idx.msk vm1, v0;
	vm1 =	vne.s32 v7, $0x80  }
0x247: {  	v2 =	vor.u32 v9, v5  }
0x248: {  	s4 =	sshll.u32 s2, $0x7  }
0x249: {  	s28 =	sadd.s32 $0x100, s28;
	s29 =	sadd.s32 $0x80, s4;
	v5 =	vand.u32 $0xFFFFFFF8, v1  }
0x24a: {  	vm2 =	vne.s32 v1, $0x80;
	v1 =	vand.u32 $0x7, v1  }
0x24b: {  	v5 =	vadd.s32 s29, v5;
	v6 =	vand.u32 $0xFFFFFFF8, v3;
	v7 =	vand.u32 $0x7, v3  }
0x24c: {  	vm3 =	vne.s32 v3, $0x80;
	v1 =	vor.u32 v1, v5;
	v3 =	vadd.s32 s4, v6  }
0x24d: {  	v3 =	vor.u32 v7, v3;
	_ =	sdelay $0x1  }
0x24e: {  	[tilespmem:v4+s22+$0x0] =	vst.idx.msk vm0, v0  }
0x24f: {  	[tilespmem:v2+s22+$0x0] =	vst.idx.msk vm1, v0  }
0x250: {  	[tilespmem:v1+s22+$0x0] =	vst.idx.msk vm2, v0  }
0x251: {  	[tilespmem:v3+s22+$0x0] =	vst.idx.msk vm3, v0  }
.LBB2_29:
0x252: {  	_ =	swait.ge [sflag:s21], $0x280  }
0x253: {  	[sflag:s21] =	ssyncset.done $0x0  }
0x254: {  	[sflag:s21] =	ssyncadd.s32 $0xFFFFFD80  }
0x255: {  	_ =	swait.ge [sflag:s21], $0x28  }
0x256: {  	[sflag:s21] =	ssyncset.done $0x0  }
0x257: {  	s0 =	simm.s32 $0x1480;
	[sflag:s21] =	ssyncadd.s32 $0xFFFFFFD8  }
0x258: {  	v2 =	vld [tilespmem:s0+$0x0];
	_ =	sdelay $0x3  }
0x259: {  	s2 =	simm.s32 $0x1;
	v1 =	vld [tilespmem:s0+$0xFFFFFF80]  }
0x25a: {  	v5 =	vmov s2;
	vm0 =	vne.s32 v2, $0x80  }
0x25b: {  	s30 =	simm.s32 $0x1580;
	v4 =	vnsel vm0, $0x0, v2  }
0x25c: {  	v3 =	vld [tilespmem:s30+$0x0]  }
0x25d: {  	s31 =	simm.s32 $0x0  }
0x25e: {  	v6 =	vmov s31;
	vm1 =	vne.s32 v1, $0x80  }
0x25f: {  	v7 =	vshll.u32 v6, $0x7;
	v10 =	vld.idx.msk [tilespmem:v5+s16+$0x0], $0xffff;
	v11 =	vnsel vm1, $0x0, v1  }
0x260: {  	v5 =	vshll.u32 v5, $0x7;
	v8 =	vand.u32 $0xFFFFFFF8, v1;
	v9 =	vand.u32 $0x7, v1;
	v12 =	vld.idx.msk [tilespmem:v4+s18+$0x0], $0xffff  }
0x261: {  	v13 =	vand.u32 $0xFFFFFFF8, v2;
	v14 =	vand.u32 $0x7, v2;
	vm3 =	vne.s32 v3, $0x80;
	v4 =	vld [tilespmem:s30+$0xFFFFFF80]  }
0x262: {  	s4 =	simm.s32 $0x3;
	vm0 =	vmmov vm0;
	v5 =	vadd.s32 v5, v13;
	v7 =	vadd.s32 v7, v8  }
0x263: {  	v8 =	vmov s4;
	v15 =	vor.u32 v14, v5;
	v5 =	vor.u32 v9, v7;
	v7 =	vld.idx.msk [tilespmem:v6+s16+$0x0], $0xffff;
	s30 =	simm.s32 $0x2  }
0x264: {  	v14 =	vnsel vm3, $0x0, v3;
	v11 =	vld.idx.msk [tilespmem:v11+s18+$0x0], $0xffff;
	v9 =	vmov s30  }
0x265: {  	vm1 =	vmmov vm1;
	v13 =	vshll.u32 v9, $0x7  }
0x266: {  	s29 =	simm.s32 $0x1680;
	v16 =	vand.u32 $0xFFFFFFF8, v4;
	v17 =	vmul.f32 v12, v10;
	vm2 =	vne.s32 v4, $0x80  }
0x267: {  	s28 =	simm.s32 $0x7680;
	s31 =	sshll.u32 s26, $0x5;
	v6 =	vld [tilespmem:s29+$0x0];
	v10 =	vand.u32 $0x7, v4;
	v12 =	vadd.s32 v13, v16;
	v13 =	vnsel vm2, $0x0, v4  }
0x268: {  	s26 =	sor.u32 s7, s31;
	s0 =	simm.s32 $0x4;
	s4 =	simm.s32 $0x6;
	v10 =	vor.u32 v10, v12;
	v12 =	vld.idx.msk [tilespmem:v8+s16+$0x0], $0xffff;
	[tilespmem:v15+s22+$0x0] =	vst.idx.msk vm0, v17;
	vm0 =	vmmov vm3  }
.LBB2_30:
0x269: {  	p1 =	slt.u32 s4, $0x26;
	v15 =	vld.idx.msk [tilespmem:v14+s18+$0x0], $0xffff;
	v11 =	vmul.f32 v11, v7;
	[tilespmem:s28+$0x0] =	vst v2;
	v2 =	vmov v3  }
0x26a: {  	v8 =	vshll.u32 v8, $0x7;
	v16 =	vld [tilespmem:s29+$0xFFFFFF80];
	v18 =	vand.u32 $0xFFFFFFF8, v2  }
0x26b: {  	s2 =	sadd.s32 $0x1, s0;
	v7 =	vld.idx.msk [tilespmem:v9+s16+$0x0], $0xffff;
	v9 =	vand.u32 $0x7, v2;
	v14 =	vadd.s32 v8, v18;
	[tilespmem:v5+s22+$0x0] =	vst.idx.msk vm1, v11;
	v5 =	vmov v10  }
0x26c: {  	v8 =	vmov s2;
	vm3 =	vne.s32 v6, $0x80;
	v11 =	vld.idx.msk [tilespmem:v13+s18+$0x0], $0xffff;
	v17 =	vor.u32 v9, v14;
	[tilespmem:s28+$0xFFFFFF80] =	vst v1;
	v1 =	vmovc v4;
	v3 =	vmovc v6  }
.Ltmp18:
0x26d: {  	vm1 =	vmmov vm2;
	v9 =	vmov s0;
	s0 =	smov.u32 s4;
	v14 =	vnsel vm3, $0x0, v3;
	(pc) =	sbr.rel @p1 .LBB2_30-.Ltmp18, $4  }
0x26e: {  	v10 =	vshll.u32 v9, $0x7  }
0x26f: {  	s29 =	sadd.s32 $0x100, s29;
	v15 =	vmul.f32 v15, v12;
	vm2 =	vne.s32 v16, $0x80;
	v18 =	vand.u32 $0xFFFFFFF8, v16;
	v4 =	vmovc v16  }
0x270: {  	v6 =	vld [tilespmem:s29+$0x0];
	v13 =	vnsel vm2, $0x0, v4;
	v12 =	vand.u32 $0x7, v4;
	v10 =	vadd.s32 v10, v18  }
0x271: {  	s4 =	sadd.s32 $0x2, s4;
	s28 =	sadd.s32 $0x100, s28;
	v10 =	vor.u32 v12, v10;
	v12 =	vld.idx.msk [tilespmem:v8+s16+$0x0], $0xffff;
	[tilespmem:v17+s22+$0x0] =	vst.idx.msk vm0, v15;
	vm0 =	vmmov vm3  }
0x272: {  	v15 =	vld [tilespmem:s29+$0xFFFFFF80];
	_ =	sdelay $0x1  }
0x273: {  	s2 =	sadd.s32 $0x1, s0  }
0x274: {  	v16 =	vmov s2;
	vm3 =	vne.s32 v6, $0x80  }
0x275: {  	v14 =	vld.idx.msk [tilespmem:v14+s18+$0x0], $0xffff;
	v17 =	vand.u32 $0xFFFFFFF8, v3;
	v18 =	vnsel vm3, $0x0, v6  }
0x276: {  	v8 =	vshll.u32 v8, $0x7;
	v19 =	vmov s0;
	v9 =	vld.idx.msk [tilespmem:v9+s16+$0x0], $0xffff;
	vm4 =	vne.s32 v15, $0x80  }
0x277: {  	v20 =	vand.u32 $0x7, v3;
	v53 =	vld.idx.msk [tilespmem:v13+s18+$0x0], $0xffff;
	v8 =	vadd.s32 v8, v17;
	v52 =	vnsel vm4, $0x0, v15  }
0x278: {  	v7 =	vmul.f32 v11, v7;
	vm2 =	vmmov vm2;
	v8 =	vor.u32 v20, v8  }
0x279: {  	v21 =	vld.idx.msk [tilespmem:v16+s16+$0x0], $0xffff  }
0x27a: {  	v54 =	vshll.u32 v19, $0x7;
	[tilespmem:v5+s22+$0x0] =	vst.idx.msk vm1, v7;
	v59 =	vshll.u32 v16, $0x7;
	v58 =	vand.u32 $0xFFFFFFF8, v6;
	v57 =	vld.idx.msk [tilespmem:v18+s18+$0x0], $0xffff  }
0x27b: {  	[tilespmem:s28+$0x0] =	vst v2;
	v60 =	vand.u32 $0x7, v6;
	v56 =	vmul.f32 v14, v12;
	v2 =	vld.idx.msk [tilespmem:v19+s16+$0x0], $0xffff;
	v12 =	vadd.s32 v59, v58  }
0x27c: {  	[tilespmem:s28+$0xFFFFFF80] =	vst v1;
	v55 =	vand.u32 $0xFFFFFFF8, v15;
	v63 =	vmul.f32 v53, v9;
	v12 =	vor.u32 v60, v12;
	v61 =	vld.idx.msk [tilespmem:v52+s18+$0x0], $0xffff  }
0x27d: {  	v62 =	vand.u32 $0x7, v15;
	v1 =	vadd.s32 v54, v55;
	[tilespmem:v8+s22+$0x0] =	vst.idx.msk vm0, v56  }
0x27e: {  	s29 =	sadd.s32 $0x100, s28;
	v1 =	vor.u32 v62, v1;
	[tilespmem:v10+s22+$0x0] =	vst.idx.msk vm2, v63  }
0x27f: {  	[tilespmem:s29+$0x0] =	vst v3;
	v3 =	vmul.f32 v57, v21  }
0x280: {  	[tilespmem:s29+$0xFFFFFF80] =	vst v4  }
.Ltmp19:
0x281: {  	s0 =	sadd.s32 $0x100, s29;
	[tilespmem:v12+s22+$0x0] =	vst.idx.msk vm3, v3;
	v2 =	vmul.f32 v61, v2;
	(pc) =	sbr.rel .LBB2_32-.Ltmp19, $4  }
0x282: {  	s30 =	smul.u32 $0x280, s26;
	[tilespmem:s0+$0x0] =	vst v6  }
0x283: {  	[tilespmem:v1+s22+$0x0] =	vst.idx.msk vm4, v2  }
0x284: {  	s31 =	sadd.s32 s3, s30;
	[tilespmem:s0+$0xFFFFFF80] =	vst v15  }
0x285: {  	vm14 =	vmmov vm3;
	vm15 =	vmmov vm4;
	[hbm4b:s31+s5] =	stream.linear.scatter [tilespmem:s22], [sflag:$0x2], $0x1400, $0x38;
	[tilespmem:$0x8A00] =	vst v63  }
.LBB2_34:
0x286: {  	_ =	sfence.sel $0x180000  }
0x287: {  	[bflag:$0x0] =	sbarrier.arrive $0xFFFF  }
0x288: {  	_ =	strace $0x9000004D  }
0x289: {  	s0 =	stileid.u32;
	[bflag:$0x2] =	sbarrier.arrive $0xFFFF  }
0x28a: {  	p0 =	sne.s32 s0, $0x0;
	s0 =	rddreg [dreg:$0x4]  }
0x28b: {  	s0 =	sadd.s32 @!p0 $0x100000, s0  }
0x28c: {  	[sflag:s0] =	ssyncadd.tile.s32 @!p0 $0x1;
	_ =	shalt  }
.Lfunc_end2:
_tile_overlayer_lowered:
.L_overlay_start_2:
0x28d: {  	(tag) =	ssettag $0x2  }
0x28e: {  	s0 =	rddreg [dreg:$0x0];
	s2 =	stileid.u32  }
0x28f: {  	s1 =	rddreg [dreg:$0x1];
	p0 =	sne.s32 s2, $0x0  }
0x290: {  	s3 =	rddreg [dreg:$0x2];
	[bflag:$0x3] =	sbarrier.arrive $0xFFFF;
	s2 =	simm.s32 @!p0 $0x1C05  }
0x291: {  	[timem:s3], [sflag:s2] =	dma.local @!p0 [hbm:s0], s1  }
0x292: {  	s0 =	simm.s32 @!p0 $0x5  }
0x293: {  	_ =	swait.ge @!p0 [sflag:s0], s1  }
0x294: {  	s1 =	ssub.s32 @!p0 $0x0, s1;
	[sflag:s0] =	ssyncset.done @!p0 $0x0  }
0x295: {  	[sflag:s0] =	ssyncadd.s32 @!p0 s1  }
0x296: {  	[bflag:$0x3] =	sbarrier.arrive $0xFFFF  }
0x297: {  	_ =	shalt  }

// kernel: sparse-core-data-format-call.cloned.1.call-start
scs
called_computation_lowered:
.L_overlay_start_0:
0x0: {  	s2 =	sld [smem:$0x3FD9]  }
0x1: {  	s3 =	sld [smem:$0x3FFE];
	_ =	sdelay $0x1  }
0x2: {  	s1 =	srdreg.scid  }
0x3: {  	s0 =	sand.u32 $0x1, s1  }
0x4: {  	s15 =	sshll.u32 s0, $0xA;
	s2 =	sadd.s32 s3, s2  }
0x5: {  	s2 =	sadd.s32 s2, s15  }
0x6: {  	[smem:$0x3FC5] =	sst s2  }
0x7: {  	_ = 	snop  }
0x8: {  	s2 =	sld [smem:$0x3FD0];
	_ =	sdelay $0x2  }
0x9: {  	s16 =	simm.s32 $0xB;
	s4 =	simm.s32 $0x10  }
0xa: {  	[smem:s4], [sflag:s16] =	dma.local [hbm:s2], $0x1  }
0xb: {  	_ =	swait.eq [sflag:s16], $0x1  }
0xc: {  	[sflag:s16] =	ssyncset.done $0x0  }
0xd: {  	[sflag:s16] =	ssyncadd.s32 $0xFFFFFFFF  }
0xe: {  	s17 =	sld [smem:$0x10];
	(tm) =	ssettm $0x1  }
0xf: {  	s18 =	sld [smem:$0x3FFB];
	_ =	sdelay $0x3  }
0x10: {  	_ =	strace s18  }
0x11: {  	s3 =	sld [smem:$0x3FFC];
	_ =	sdelay $0x3  }
0x12: {  	_ =	strace s3  }
0x13: {  	s3 =	sld [smem:$0x3FFD];
	_ =	sdelay $0x3  }
0x14: {  	_ =	strace s3  }
0x15: {  	_ =	strace $0x8FFFFFFF  }
0x16: {  	s19 =	sld [smem:$0x3FDB];
	_ =	sdelay $0x1  }
0x17: {  	s20 =	simm.s32 $_scs_section_size  }
0x18: {  	s5 =	simm.s32 $_size__tile_overlayer_lowered;
	s6 =	simm.s32 $_tile_overlayer_lowered  }
0x19: {  	s23 =	simm.s32 $0x1BFF;
	s22 =	sshll.u32 s6, $0x1;
	s3 =	sadd.s32 s20, s19  }
0x1a: {  	s7 =	simm.s32 $0x0;
	s21 =	sshll.u32 s5, $0x1;
	s5 =	sadd.s32 s22, s3  }
0x1b: {  	[timem:s7], [sflag:s23] =	dma.local [hbm:s5], s21  }
0x1c: {  	_ =	swait.ge [sflag:s23], s21  }
0x1d: {  	s4 =	ssub.s32 $0x0, s21;
	[sflag:s23] =	ssyncset.done $0x0  }
0x1e: {  	[sflag:s23] =	ssyncadd.s32 s4;
	_ =	sdelay $0x1  }
0x1f: {  	s24 =	simm.s32 $0x1B8B  }
0x20: {  	_ =	swait.ge [sflag:s24], $0x1  }
0x21: {  	[sflag:s24] =	ssyncset.done $0x0  }
0x22: {  	s26 =	simm.s32 $0x1B8E;
	s25 =	sld [smem:$0x3FFE];
	[sflag:s24] =	ssyncadd.s32 $0xFFFFFFFF  }
0x23: {  	s27 =	simm.s32 $execute0_lowered;
	[smem:$0x3FD2] =	sst s26  }
0x24: {  	s5 =	sshll.u32 s27, $0x1;
	_ =	strace $0x80000049;
	[dreg:$0x1] =	wrdreg $0xFFFFFFFF  }
0x25: {  	s28 =	simm.s32 $_size_execute0_lowered;
	s3 =	sadd.s32 s3, s5;
	[dreg:$0x0] =	wrdreg $0x0  }
0x26: {  	s5 =	sshll.u32 s28, $0x1;
	[dreg:$0x2] =	wrdreg s3  }
0x27: {  	[dreg:$0x3] =	wrdreg s5  }
0x28: {  	[dreg:$0x4] =	wrdreg $0xC0  }
0x29: {  	_ =	task [dreg:s7], $0x5FFFF  }
0x2a: {  	[dreg:$0x1] =	wrdreg $0xFFFFFFFF  }
0x2b: {  	[dreg:$0x0] =	wrdreg $0x60  }
0x2c: {  	[dreg:$0x2] =	wrdreg s25  }
0x2d: {  	[dreg:$0x3] =	wrdreg s17  }
0x2e: {  	[dreg:$0x4] =	wrdreg $0x9  }
0x2f: {  	_ =	task.clear_ibuf [dreg:s7], $0x5FFFF;
	_ =	strace $0x90000049  }
0x30: {  	s29 =	simm.s32 $0x9;
	_ =	strace $0x8000004B  }
0x31: {  	_ =	swait.ge [sflag:s29], $0x1  }
0x32: {  	[sflag:s29] =	ssyncadd.s32 $0xFFFFFFFF  }
0x33: {  	_ =	strace $0x9000004B  }
0x34: {  	_ =	sfence  }
0x35: {  	s30 =	sld [smem:$0x0];
	_ =	sdelay $0x2  }
0x36: {  	s31 =	sshll.u32 s1, $0xD;
	s1 =	sshrl.u32 s1, $0x2  }
0x37: {  	s3 =	sand.u32 $0x4000, s31;
	s1 =	sadd.s32 s1, s30  }
0x38: {  	s0 =	sor.u32 s3, s0;
	s1 =	sshll.u32 s1, $0x11  }
0x39: {  	s0 =	sor.u32 s1, s0  }
0x3a: {  	s0 =	sadd.s32 $0x8F2B, s0  }
0x3b: {  	[sflag:s0] =	ssyncadd.remote.s32 $0x1  }
0x3c: {  	_ =	sfence.sel $0xFFFF  }
0x3d: {  	[dreg:$0x0] =	wrdreg $0xFFFFFFFF;
	(pc) =	sbr.abs _section_cstart, $3  }
0x3e: {  	[dreg:$0x1] =	wrdreg $0xFFFFFFFF  }
0x3f: {  	_ =	task.clear_ibuf [dreg:s7], $0x2FFFF;
	_ =	strace $0x9FFFFFFF  }
0x40: {  	(tm) =	ssettm $0x7FFFFFFF  }
0x41: {  	_ =	shalt  }
tec
execute0_lowered:
.L_overlay_start_1:
0x0: {  	(tag) =	ssettag $0x1  }
0x1: {  	s5 =	rddreg [dreg:$0x0]  }
0x2: {  	s0 =	srdreg.scid;
	s3 =	rddreg [dreg:$0x1];
	s31 =	simm.s32 $0x2  }
0x3: {  	s8 =	simm.s32 $0x0;
	s9 =	simm.s32 $0x0;
	s1 =	sshll.u32 s0, $0x4  }
0x4: {  	s16 =	simm.s32 $0x0;
	s0 =	stileid.u32;
	s1 =	sand.u32 $0x10, s1  }
0x5: {  	s15 =	simm.s32 $0x0;
	s10 =	simm.s32 $0x0;
	s1 =	sor.u32 s0, s1  }
0x6: {  	s11 =	simm.s32 $0x0;
	s12 =	simm.s32 $0x0;
	s2 =	sshll.u32 s1, $0x7  }
.Ltmp0:
0x7: {  	s14 =	simm.s32 $0x0;
	s4 =	ssub.s32 $0x18680, s2;
	(pc) =	sbr.rel .LBB1_1-.Ltmp0, $4  }
0x8: {  	s23 =	simm.s32 $0x0;
	s1 =	rddreg [dreg:$0x2];
	s6 =	sshrl.u32 s4, $0xC  }
0x9: {  	_ =	strace $0x8000004A;
	s4 =	simm.s32 $0x1;
	s7 =	smul.u32 $0x5, s6  }
0xa: {  	s5 =	sadd.s32 $0x32600, s5;
	s13 =	smov.u32 s2;
	[sflag:s4] =	ssyncpa.u1 $0x0  }
0xb: {  	[sflag:s31] =	ssyncpa.u1 $0x0;
	s6 =	sadd.s32 $0x5, s7;
	s7 =	sadd.s32 $0x6, s7  }
.LBB1_11:
0xc: {  	s20 =	sand.u32 $0x1FFFFFF, s11;
	p0 =	sgt.s32 s10, $0x4;
	s21 =	smov.u32 s10  }
0xd: {  	s22 =	smulhi.u32 $0x14F8B59, s20;
	s21 =	simm.s32 @!p0 $0x4  }
0xe: {  	s17 =	sadd.s32 s17, s21  }
0xf: {  	s27 =	sshrl.u32 s22, $0x9;
	s28 =	sadd.s32 $0xFFFFFFFC, s17  }
0x10: {  	s17 =	ssub.s32 $0x5, s17;
	s21 =	smul.u32 $0x186A0, s27;
	p0 =	sgt.s32 s28, $0x0  }
0x11: {  	s29 =	smul.u32 $0x186A00, s10;
	s17 =	simm.s32 @p0 $0x0  }
0x12: {  	s20 =	ssub.s32 s20, s21;
	s17 =	smul.u32 s17, s18  }
0x13: {  	s31 =	sadd.s32 s3, s29;
	s30 =	sshll.u32 s20, $0x4  }
0x14: {  	s19 =	sor.u32 $0x8000, s19;
	s17 =	sand.u32 $0x3FFFFF80, s17;
	s18 =	sadd.s32 s30, s31  }
0x15: {  	[hbm4b:s18+s8] =	stream.linear.scatter [tilespmem:s19], [sflag:$0x2], s17, $0x38;
	[tilespmem:$0x10000] =	vst v63  }
.LBB1_12:
0x16: {  	p0 =	slt.u32 s14, $0x2  }
0x17: {  	p1 =	sgt.s32 @!p0 s16, $0x4  }
0x18: {  	s17 =	smov.u32 s16;
	s18 =	sshra.s32 @!p0 s16, $0x1F;
	p1 =	por !p1, p0  }
0x19: {  	s19 =	sshra.s32 @!p0 s15, $0x1F;
	s17 =	simm.s32 @p1 $0x4;
	p1 =	sgt.s32 @!p0 s15, $0x18620  }
0x1a: {  	s16 =	sand.u32 @!p0 s18, s16;
	s18 =	smov.u32 s15;
	p1 =	por !p1, p0  }
0x1b: {  	s15 =	sand.u32 @!p0 s19, s15;
	s18 =	simm.s32 @p1 $0x18620  }
0x1c: {  	s19 =	smov.u32 s13;
	s16 =	ssub.s32 @!p0 s17, s16;
	s15 =	ssub.s32 @!p0 s18, s15  }
0x1d: {  	s17 =	sadd.s32 @!p0 $0xFFFFFFFC, s16;
	s16 =	ssub.s32 @!p0 $0x5, s16;
	s15 =	sadd.s32 @!p0 $0xFFFE79E0, s15  }
0x1e: {  	p1 =	sgt.s32 @!p0 s17, $0x0;
	p2 =	sgt.s32 @!p0 s15, $0x7F;
	s15 =	sshll.u32 @!p0 s15, $0x7  }
0x1f: {  	p1 =	por !p1, p0;
	s15 =	ssub.s32 @!p0 $0x4000, s15;
	p2 =	por !p2, p0  }
0x20: {  	s17 =	sadd.s32 $0x1, s12;
	s16 =	simm.s32 @!p1 $0x0;
	s15 =	simm.s32 @!p2 $0x0  }
0x21: {  	p1 =	sgt.s32 s17, $0x4;
	s15 =	smul.u32 @!p0 s16, s15;
	s16 =	sadd.s32 $0x1000, s13  }
0x22: {  	s19 =	smov.u32 @p1 s16  }
0x23: {  	s17 =	simm.s32 @p1 $0x0;
	p1 =	sgt.s32 s19, $0x1869F  }
0x24: {  	s19 =	smov.u32 @p1 s2;
	p1 =	sne.s32 s14, s7  }
.Ltmp1:
0x25: {  	s9 =	sadd.s32 $0x4000, s9;
	s18 =	simm.s32 @!p0 $0x2;
	(pc) =	sbr.rel @!p1 .LBB1_13-.Ltmp1, $4  }
0x26: {  	s16 =	smov.u32 s10;
	s10 =	smov.u32 s12;
	s15 =	sand.u32 @!p0 $0x3FFFFF80, s15  }
0x27: {  	s12 =	smov.u32 s17;
	_ =	swait.ge @!p0 [sflag:s18], s15;
	s20 =	ssub.s32 @!p0 $0x0, s15  }
0x28: {  	s15 =	smov.u32 s11;
	s14 =	sadd.s32 $0x1, s14;
	[sflag:s18] =	ssyncset.done @!p0 $0x0  }
0x29: {  	s11 =	smov.u32 s13;
	s13 =	smov.u32 s19;
	[sflag:s18] =	ssyncadd.s32 @!p0 s20  }
.LBB1_1:
0x2a: {  	p0 =	sge.u32 s14, s6  }
0x2b: {  	p1 =	sgt.s32 @!p0 s13, $0x18620  }
0x2c: {  	s17 =	smov.u32 s13;
	s19 =	smov.u32 s12;
	p1 =	por !p1, p0  }
0x2d: {  	s18 =	sshra.s32 @!p0 s13, $0x1F;
	s17 =	simm.s32 @p1 $0x18620;
	p1 =	sgt.s32 @!p0 s12, $0x7  }
0x2e: {  	s20 =	sshra.s32 @!p0 s12, $0x1F;
	s18 =	sand.u32 @!p0 s18, s13;
	p1 =	por !p1, p0  }
0x2f: {  	s17 =	ssub.s32 @!p0 s17, s18;
	s18 =	sand.u32 @!p0 s20, s12;
	s19 =	simm.s32 @p1 $0x7  }
0x30: {  	s20 =	sshll.u32 @!p0 s12, $0x4;
	s17 =	sadd.s32 @!p0 $0xFFFE79E0, s17;
	s18 =	ssub.s32 @!p0 s19, s18  }
0x31: {  	p1 =	sgt.s32 @!p0 s17, $0x7F;
	s17 =	sshll.u32 @!p0 s17, $0x7;
	s19 =	sadd.s32 @!p0 $0xFFFFFFF9, s18  }
0x32: {  	s18 =	ssub.s32 @!p0 $0x8, s18;
	s17 =	ssub.s32 @!p0 $0x4000, s17;
	p2 =	sgt.s32 @!p0 s19, $0x0  }
0x33: {  	p1 =	por !p1, p0;
	s19 =	sxor.u32 @!p0 $0xFFFFFFFF, s14;
	p2 =	por !p2, p0  }
0x34: {  	s17 =	simm.s32 @!p1 $0x0;
	s19 =	sshll.u32 @!p0 s19, $0xE;
	s18 =	simm.s32 @!p2 $0x0  }
0x35: {  	s17 =	smul.u32 @!p0 s18, s17;
	s18 =	sand.u32 @!p0 $0x4000, s19;
	s19 =	sshll.u32 @!p0 s13, $0x7  }
0x36: {  	s21 =	simm.s32 @!p0 $0x400;
	s20 =	sand.u32 @!p0 $0x70, s20;
	s19 =	sadd.s32 @!p0 s5, s19  }
0x37: {  	s17 =	sand.u32 @!p0 $0x3FFFFF80, s17;
	s19 =	sadd.s32 @!p0 s20, s19;
	s20 =	simm.s32 @!p0 $0x80  }
0x38: {  	[tilespmem:s18], [sflag:$0x1] =	stream.strided.gather @!p0 [hbm4b:s19+s20], s17, s21, s20, $0x38;
	[tilespmem:$0x10000] =	vst v63  }
0x39: {  	p0 =	seq.s32 s14, $0x0  }
0x3a: {  	p1 =	sge.u32 @!p0 s14, s7  }
0x3b: {  	p0 =	por p0, p1  }
.Ltmp2:
0x3c: {  	_ = 	snop;
	(pc) =	sbr.rel @p0 .LBB1_12-.Ltmp2, $1  }
0x3d: {  	_ =	sdelay $0x3  }
0x3e: {  	p0 =	sgt.s32 s11, $0x18620;
	s17 =	smov.u32 s11;
	s18 =	sshra.s32 s11, $0x1F  }
0x3f: {  	s19 =	ssub.s32 $0x0, s10;
	s17 =	simm.s32 @!p0 $0x18620;
	s18 =	sand.u32 s18, s11  }
0x40: {  	s20 =	sshra.s32 s10, $0x1F;
	s21 =	smov.u32 s10;
	s18 =	ssub.s32 s17, s18  }
0x41: {  	p0 =	sgt.s32 s10, $0x7;
	s17 =	sand.u32 s19, s20;
	s18 =	sadd.s32 $0xFFFE79E0, s18  }
0x42: {  	s21 =	simm.s32 @!p0 $0x7;
	p0 =	sgt.s32 s18, $0x7F;
	s18 =	sshll.u32 s18, $0x7  }
0x43: {  	s20 =	sadd.s32 $0x80, s11;
	s19 =	sadd.s32 s17, s21;
	s18 =	ssub.s32 $0x4000, s18  }
0x44: {  	s21 =	sadd.s32 $0x1, s10;
	s18 =	simm.s32 @p0 $0x0;
	p0 =	slt.s32 s20, $0x186A0  }
0x45: {  	s30 =	sadd.s32 $0xFFFFFFF9, s19;
	s20 =	simm.s32 @!p0 $0x186A0;
	p0 =	slt.s32 s21, $0x5  }
0x46: {  	s19 =	ssub.s32 $0x8, s19;
	s20 =	ssub.s32 s20, s11;
	s21 =	simm.s32 @!p0 $0x5  }
0x47: {  	p1 =	sgt.s32 s30, $0x0;
	s21 =	ssub.s32 s21, s10;
	p0 =	slt.s32 s20, $0x1  }
0x48: {  	s19 =	simm.s32 @p1 $0x0;
	p1 =	slt.s32 @!p0 s21, $0x1  }
0x49: {  	s19 =	smul.u32 s19, s18;
	p0 =	por p0, p1  }
.Ltmp3:
0x4a: {  	_ = 	snop;
	(pc) =	sbr.rel @p0 .LBB1_11-.Ltmp3, $4  }
0x4b: {  	s19 =	sand.u32 $0x3FFFFF80, s19  }
0x4c: {  	_ =	swait.ge [sflag:s4], s19  }
0x4d: {  	s31 =	sshll.u32 s14, $0xE;
	s22 =	ssub.s32 $0x0, s19;
	[sflag:s4] =	ssyncset.done $0x0  }
0x4e: {  	s19 =	sand.u32 $0x4000, s31;
	[sflag:s4] =	ssyncadd.s32 s22  }
0x4f: {  	s22 =	sshll.u32 s9, $0x2  }
0x50: {  	s22 =	sand.u32 $0x10000, s22  }
0x51: {  	s22 =	sshrl.u32 s22, $0x2  }
0x52: {  	s24 =	simm.s32 $0x0;
	s25 =	simm.s32 $0x0;
	s22 =	sadd.s32 $0x8040, s22  }
.LBB1_4:
0x53: {  	s27 =	sshll.u32 s25, $0x7  }
0x54: {  	p1 =	sne.s32 s21, $0x1;
	s27 =	sadd.s32 s27, s19  }
.Ltmp4:
0x55: {  	v0 =	vmov s27;
	(pc) =	sbr.rel @!p1 .LBB1_5-.Ltmp4, $3  }
0x56: {  	_ =	sdelay $0x1  }
0x57: {  	s26 =	sand.u32 $0x3F80, s24;
	s28 =	sand.u32 $0x380, s23  }
0x58: {  	p0 =	por $0x0, $0x0;
	s26 =	sadd.s32 s26, s22;
	s27 =	sadd.s32 $0xFFFFFFFF, s21  }
0x59: {  	_ =	sdelay $0x3  }
0x5a: {  	v6 =	vld.idx.msk [tilespmem:v0+s28+$0x70 ss:$0x1], $0xffff  }
0x5b: {  	v7 =	vld.idx.msk [tilespmem:v0+s28+$0x0 ss:$0x1], $0xffff  }
0x5c: {  	v1 =	vld.idx.msk [tilespmem:v0+s28+$0x10 ss:$0x1], $0xffff;
	p1 =	sne.s32 s27, $0x1  }
.Ltmp5:
0x5d: {  	v2 =	vld.idx.msk [tilespmem:v0+s28+$0x20 ss:$0x1], $0xffff;
	(pc) =	sbr.rel @!p1 .LBB1_7-.Ltmp5, $4  }
0x5e: {  	v3 =	vld.idx.msk [tilespmem:v0+s28+$0x30 ss:$0x1], $0xffff  }
0x5f: {  	v4 =	vld.idx.msk [tilespmem:v0+s28+$0x40 ss:$0x1], $0xffff  }
0x60: {  	v5 =	vld.idx.msk [tilespmem:v0+s28+$0x50 ss:$0x1], $0xffff;
	s30 =	simm.s32 $0x80;
	s31 =	sadd.s32 $0xFFFFFFFF, s27;
	[tilespmem:s26+$0x30] =	vst v6  }
0x61: {  	p0 =	por $0x1, $0x1;
	s27 =	smov.u32 s26;
	s29 =	sand.u32 $0x380, s30;
	[tilespmem:s26+$0xFFFFFFC0] =	vst v7;
	v6 =	vld.idx.msk [tilespmem:v0+s28+$0x60 ss:$0x1], $0xffff  }
.LBB1_8:
0x62: {  	p1 =	sne.s32 s31, $0x1;
	v7 =	vld.idx.msk [tilespmem:v0+s29+$0x70 ss:$0x1], $0xffff;
	[tilespmem:s27+$0xFFFFFFD0] =	vst v1  }
0x63: {  	v8 =	vld.idx.msk [tilespmem:v0+s29+$0x0 ss:$0x1], $0xffff;
	[tilespmem:s27+$0xFFFFFFE0] =	vst v2  }
0x64: {  	v1 =	vld.idx.msk [tilespmem:v0+s29+$0x10 ss:$0x1], $0xffff;
	[tilespmem:s27+$0xFFFFFFF0] =	vst v3  }
.Ltmp6:
0x65: {  	v2 =	vld.idx.msk [tilespmem:v0+s29+$0x20 ss:$0x1], $0xffff;
	[tilespmem:s27+$0x0] =	vst v4;
	(pc) =	sbr.rel @p1 .LBB1_8-.Ltmp6, $4  }
0x66: {  	v3 =	vld.idx.msk [tilespmem:v0+s29+$0x30 ss:$0x1], $0xffff;
	[tilespmem:s27+$0x10] =	vst v5  }
0x67: {  	v4 =	vld.idx.msk [tilespmem:v0+s29+$0x40 ss:$0x1], $0xffff;
	[tilespmem:s27+$0x20] =	vst v6;
	s27 =	sadd.s32 $0x4000, s27  }
0x68: {  	s30 =	sadd.s32 $0x80, s30;
	v5 =	vld.idx.msk [tilespmem:v0+s29+$0x50 ss:$0x1], $0xffff;
	[tilespmem:s27+$0x30] =	vst v7  }
0x69: {  	s31 =	sadd.s32 $0xFFFFFFFF, s31;
	[tilespmem:s27+$0xFFFFFFC0] =	vst v8;
	v6 =	vld.idx.msk [tilespmem:v0+s29+$0x60 ss:$0x1], $0xffff;
	s29 =	sand.u32 $0x380, s30  }
0x6a: {  	s28 =	smov.u32 s29  }
.LBB1_10:
0x6b: {  	_ =	sdelay $0x2  }
0x6c: {  	[tilespmem:s27+$0xFFFFFFD0] =	vst @p0 v1  }
0x6d: {  	v56 =	vld.idx.msk [tilespmem:v0+s28+$0x70 ss:$0x1], $0xffff;
	[tilespmem:s27+$0xFFFFFFE0] =	vst @p0 v2  }
0x6e: {  	v57 =	vld.idx.msk [tilespmem:v0+s28+$0x0 ss:$0x1], $0xffff;
	[tilespmem:s27+$0xFFFFFFF0] =	vst @p0 v3  }
0x6f: {  	v58 =	vld.idx.msk [tilespmem:v0+s28+$0x10 ss:$0x1], $0xffff;
	[tilespmem:s27+$0x0] =	vst @p0 v4  }
0x70: {  	v59 =	vld.idx.msk [tilespmem:v0+s28+$0x20 ss:$0x1], $0xffff;
	s29 =	sadd.s32 @p0 $0x4000, s27;
	[tilespmem:s27+$0x10] =	vst @p0 v5  }
0x71: {  	v60 =	vld.idx.msk [tilespmem:v0+s28+$0x30 ss:$0x1], $0xffff;
	s26 =	smov.u32 @p0 s29;
	[tilespmem:s27+$0x20] =	vst @p0 v6  }
0x72: {  	v61 =	vld.idx.msk [tilespmem:v0+s28+$0x40 ss:$0x1], $0xffff;
	[tilespmem:s26+$0x30] =	vst v56  }
0x73: {  	v62 =	vld.idx.msk [tilespmem:v0+s28+$0x50 ss:$0x1], $0xffff;
	s25 =	sadd.s32 $0x1, s25;
	[tilespmem:s26+$0xFFFFFFC0] =	vst v57  }
0x74: {  	v63 =	vld.idx.msk [tilespmem:v0+s28+$0x60 ss:$0x1], $0xffff;
	p0 =	sne.s32 s25, s20;
	[tilespmem:s26+$0xFFFFFFD0] =	vst v58  }
.Ltmp7:
0x75: {  	[tilespmem:s26+$0xFFFFFFE0] =	vst v59;
	(pc) =	sbr.rel @p0 .LBB1_4-.Ltmp7, $4  }
.Ltmp8:
0x76: {  	[tilespmem:s26+$0xFFFFFFF0] =	vst v60;
	(pc) =	sbr.rel @!p0 .LBB1_11-.Ltmp8, $4  }
0x77: {  	[tilespmem:s26+$0x0] =	vst v61  }
0x78: {  	[tilespmem:s26+$0x10] =	vst v62  }
0x79: {  	s24 =	sadd.s32 $0x80, s24;
	[tilespmem:s26+$0x20] =	vst v63  }
0x7a: {  	_ = 	snop  }
.LBB1_5:
.Ltmp9:
0x7b: {  	(pc) =	sbr.rel .LBB1_10-.Ltmp9, $2  }
0x7c: {  	_ =	sdelay $0x2  }
0x7d: {  	s27 =	smov.u32 s26  }
.LBB1_7:
.Ltmp10:
0x7e: {  	(pc) =	sbr.rel .LBB1_10-.Ltmp10, $2  }
0x7f: {  	_ =	sdelay $0x2  }
0x80: {  	s28 =	smov.u32 s29;
	s27 =	smov.u32 s26  }
.LBB1_13:
0x81: {  	_ =	sfence.sel $0x180000  }
0x82: {  	s2 =	simm.s32 $0x1;
	[bflag:$0x0] =	sbarrier.arrive $0xFFFF  }
0x83: {  	s31 =	simm.s32 $0x2;
	[sflag:s2] =	ssyncpa.u1 $0x1  }
0x84: {  	[sflag:s31] =	ssyncpa.u1 $0x1  }
0x85: {  	p0 =	sne.s32 s0, $0x0;
	_ =	strace $0x9000004A  }
0x86: {  	s0 =	sadd.s32 @!p0 $0x100000, s1;
	[bflag:$0x2] =	sbarrier.arrive $0xFFFF  }
0x87: {  	[sflag:s0] =	ssyncadd.tile.s32 @!p0 $0x1;
	_ =	shalt  }
.Lfunc_end1:
_tile_overlayer_lowered:
.L_overlay_start_2:
0x88: {  	(tag) =	ssettag $0x2  }
0x89: {  	s0 =	rddreg [dreg:$0x0];
	s2 =	stileid.u32  }
0x8a: {  	s1 =	rddreg [dreg:$0x1];
	p0 =	sne.s32 s2, $0x0  }
0x8b: {  	s3 =	rddreg [dreg:$0x2];
	[bflag:$0x3] =	sbarrier.arrive $0xFFFF;
	s2 =	simm.s32 @!p0 $0x1C01  }
0x8c: {  	[timem:s3], [sflag:s2] =	dma.local @!p0 [hbm:s0], s1  }
0x8d: {  	s0 =	simm.s32 @!p0 $0x1  }
0x8e: {  	_ =	swait.ge @!p0 [sflag:s0], s1  }
0x8f: {  	s1 =	ssub.s32 @!p0 $0x0, s1;
	[sflag:s0] =	ssyncset.done @!p0 $0x0  }
0x90: {  	[sflag:s0] =	ssyncadd.s32 @!p0 s1  }
0x91: {  	[bflag:$0x3] =	sbarrier.arrive $0xFFFF  }
0x92: {  	_ =	shalt  }

</sc_bundles>
